<compile_context>
chip_gen: v7x
topology: tpu7x:2x2x1
jax: 0.10.2.dev20260603
libtpu: 0.0.44.dev20260713+nightly
codegen_flags: <defaults>
</compile_context>

<pallas_src>
import jax
import jax.numpy as jnp
from jax import lax
from jax.experimental import pallas as pl
from jax.experimental.pallas import tpu as pltpu
from jax.experimental.pallas import tpu_sc as plsc

BATCH = 1024
CLASSES = 100000
NUM_CORES = 2
NUM_SUBCORES = 16
NUM_WORKERS = NUM_CORES * NUM_SUBCORES
ROWS_PER_WORKER = BATCH // NUM_WORKERS
STRIPES_PER_WORKER = ROWS_PER_WORKER // 8
COL_CHUNK = 6400
FULL_CHUNKS = 15
ALIGNED_COLS = 99968
TAIL = ALIGNED_COLS - FULL_CHUNKS * COL_CHUNK
CHUNKS_PER_STRIPE = FULL_CHUNKS + 1


def _sc_copy(preds_hbm, out_hbm, buf0, buf1, si0, si1, so0, so1):
    wid = lax.axis_index("s") * NUM_CORES + lax.axis_index("c")
    row0 = wid * ROWS_PER_WORKER
    bufs = (buf0, buf1)
    in_sems = (si0, si1)
    out_sems = (so0, so1)

    def chunk_at(i):
        st, t = divmod(i, CHUNKS_PER_STRIPE)
        row = row0 + st * 8
        col = t * COL_CHUNK
        size = COL_CHUNK if t < FULL_CHUNKS else TAIL
        return row, col, size

    def buf_ref(b, size):
        return bufs[b] if size == COL_CHUNK else bufs[b].at[:, pl.ds(0, size)]

    n = STRIPES_PER_WORKER * CHUNKS_PER_STRIPE
    for i in range(n):
        b = i % 2
        if i >= 2:
            pr, pc, psz = chunk_at(i - 2)
            pltpu.make_async_copy(
                buf_ref(b, psz),
                out_hbm.at[pl.ds(pr, 8), pl.ds(pc, psz)],
                out_sems[b],
            ).wait()
        row, col, size = chunk_at(i)
        pltpu.async_copy(
            preds_hbm.at[pl.ds(row, 8), pl.ds(col, size)],
            buf_ref(b, size),
            in_sems[b],
        )
        if i >= 1:
            pr, pc, psz = chunk_at(i - 1)
            pltpu.make_async_copy(
                preds_hbm.at[pl.ds(pr, 8), pl.ds(pc, psz)],
                buf_ref(1 - b, psz),
                in_sems[1 - b],
            ).wait()
            pltpu.async_copy(
                buf_ref(1 - b, psz),
                out_hbm.at[pl.ds(pr, 8), pl.ds(pc, psz)],
                out_sems[1 - b],
            )
    pr, pc, psz = chunk_at(n - 1)
    b = (n - 1) % 2
    pltpu.make_async_copy(
        preds_hbm.at[pl.ds(pr, 8), pl.ds(pc, psz)], buf_ref(b, psz), in_sems[b]
    ).wait()
    pltpu.async_copy(
        buf_ref(b, psz), out_hbm.at[pl.ds(pr, 8), pl.ds(pc, psz)], out_sems[b]
    )
    for i in (n - 2, n - 1):
        pr, pc, psz = chunk_at(i)
        pltpu.make_async_copy(
            buf_ref(i % 2, psz),
            out_hbm.at[pl.ds(pr, 8), pl.ds(pc, psz)],
            out_sems[i % 2],
        ).wait()


def kernel(preds, atoms):
    del atoms
    out = pl.kernel(
        _sc_copy,
        out_type=jax.ShapeDtypeStruct((BATCH, CLASSES), preds.dtype),
        mesh=plsc.VectorSubcoreMesh(core_axis_name="c", subcore_axis_name="s"),
        scratch_types=[
            pltpu.VMEM((8, COL_CHUNK), jnp.float32),
            pltpu.VMEM((8, COL_CHUNK), jnp.float32),
            pltpu.SemaphoreType.DMA,
            pltpu.SemaphoreType.DMA,
            pltpu.SemaphoreType.DMA,
            pltpu.SemaphoreType.DMA,
        ],
    )(preds)
    return out.at[:, ALIGNED_COLS:].set(preds[:, ALIGNED_COLS:])

# --- scband reference (transcript-rebuilt; emitter-appended) ---
"""Pipeline reference for scband-constraints-layer-1451698946373 (READ-ONLY COPY).

The authoritative reference and input builder live on the scoring server;
editing this copy changes nothing except your own understanding.
"""

import jax, jax.numpy as jnp
import numpy as np

NUM_CLASSES = 100000
BATCH = 1024

def setup_inputs(seed: int = 0) -> dict:
    key = jax.random.key(seed)
    k1, _ = jax.random.split(key)
    preds = jax.random.normal(k1, (BATCH, NUM_CLASSES), dtype=jnp.float32)
    # buffer: atoms = arange(num_classes), non-trainable parameter in the torch module
    atoms = jnp.arange(NUM_CLASSES, dtype=jnp.int32)
    return {"preds": preds, "atoms": atoms}

def reference(preds, atoms):
    # ConstraintsLayer.forward with strata=[] (module_list empty, core = all classes):
    # to_minimal: gather columns by atoms indices
    updated = jnp.take(preds, atoms, axis=1)
    updated = updated.reshape(preds.shape[0], atoms.shape[0])
    # (no ConstraintsModule passes: module_list is empty for empty strata)
    # from_minimal: preds.index_copy(1, atoms, updated) -> scatter-overwrite along dim 1
    out = preds.at[:, atoms].set(updated)
    return out

if __name__ == "__main__":
    import jax
    _d = setup_inputs()
    print(jax.jit(kernel)(*tuple(_d.values())))

</pallas_src>

<mosaic_0001>
#map = affine_map<(d0, d1) -> (0, 0)>
module attributes {stable_mosaic.version = 14 : i64} {
  func.func @_sc_copy(%arg0: i32, %arg1: i32, %arg2: memref<1024x100000xf32, #tpu.memory_space<hbm>>, %arg3: memref<1024x100000xf32, #tpu.memory_space<hbm>>, %arg4: memref<8x6400xf32, #tpu.memory_space<vmem>>, %arg5: memref<8x6400xf32, #tpu.memory_space<vmem>>, %arg6: memref<!tpu.dma_semaphore, #tpu.memory_space<semaphore_mem>>, %arg7: memref<!tpu.dma_semaphore, #tpu.memory_space<semaphore_mem>>, %arg8: memref<!tpu.dma_semaphore, #tpu.memory_space<semaphore_mem>>, %arg9: memref<!tpu.dma_semaphore, #tpu.memory_space<semaphore_mem>>) attributes {dimension_semantics = [#tpu.dimension_semantics<core_parallel>, #tpu.dimension_semantics<subcore_parallel>], iteration_bounds = array<i64: 2, 16>, scalar_prefetch = 0 : i64, scratch_operands = 6 : i64, tpu.core_type = #tpu.core_type<sc_vector_subcore>, window_params = [{transform_indices = #map}, {transform_indices = #map}]} {
    %mul3A = arith.constant 2 : i32
    %mul3A_0 = arith.muli %arg1, %mul3A : i32
    %add3A = arith.addi %mul3A_0, %arg0 : i32
    %mul3A_1 = arith.constant 32 : i32
    %mul3A_2 = arith.muli %add3A, %mul3A_1 : i32
    %add3A_3 = arith.constant 0 : i32
    %add3A_4 = arith.addi %mul3A_2, %add3A_3 : i32
    %dma_start3A = arith.constant 0 : i32
    %dma_start3A_5 = tpu.memref_slice %arg2[%add3A_4, %dma_start3A] : memref<1024x100000xf32, #tpu.memory_space<hbm>> -> memref<8x6400xf32, #tpu.memory_space<hbm>>
    %dma_start3A_6 = arith.constant 0 : i32
    %dma_start3A_7 = tpu.memref_slice %arg2[%add3A_4, %dma_start3A_6] : memref<1024x100000xf32, #tpu.memory_space<hbm>> -> memref<8x6400xf32, #tpu.memory_space<hbm>>
    tpu.enqueue_dma source(%dma_start3A_7 : memref<8x6400xf32, #tpu.memory_space<hbm>>) target(%arg4 : memref<8x6400xf32, #tpu.memory_space<vmem>>) target_semaphore(%arg6 : memref<!tpu.dma_semaphore, #tpu.memory_space<semaphore_mem>>)
    %add3A_8 = arith.constant 0 : i32
    %add3A_9 = arith.addi %mul3A_2, %add3A_8 : i32
    %dma_start3A_10 = arith.constant 6400 : i32
    %dma_start3A_11 = tpu.memref_slice %arg2[%add3A_9, %dma_start3A_10] : memref<1024x100000xf32, #tpu.memory_space<hbm>> -> memref<8x6400xf32, #tpu.memory_space<hbm>>
    %dma_start3A_12 = arith.constant 6400 : i32
    %dma_start3A_13 = tpu.memref_slice %arg2[%add3A_9, %dma_start3A_12] : memref<1024x100000xf32, #tpu.memory_space<hbm>> -> memref<8x6400xf32, #tpu.memory_space<hbm>>
    tpu.enqueue_dma source(%dma_start3A_13 : memref<8x6400xf32, #tpu.memory_space<hbm>>) target(%arg5 : memref<8x6400xf32, #tpu.memory_space<vmem>>) target_semaphore(%arg7 : memref<!tpu.dma_semaphore, #tpu.memory_space<semaphore_mem>>)
    %add3A_14 = arith.constant 0 : i32
    %add3A_15 = arith.addi %mul3A_2, %add3A_14 : i32
    %dma_wait3A = arith.constant 0 : i32
    %dma_wait3A_16 = tpu.memref_slice %arg2[%add3A_15, %dma_wait3A] : memref<1024x100000xf32, #tpu.memory_space<hbm>> -> memref<8x6400xf32, #tpu.memory_space<hbm>>
    %dma_wait3A_17 = arith.constant 0 : i32
    %dma_wait3A_18 = tpu.memref_slice %arg2[%add3A_15, %dma_wait3A_17] : memref<1024x100000xf32, #tpu.memory_space<hbm>> -> memref<8x6400xf32, #tpu.memory_space<hbm>>
    tpu.wait_dma2 semaphore(%arg6 : memref<!tpu.dma_semaphore, #tpu.memory_space<semaphore_mem>>) src(%dma_wait3A_18 : memref<8x6400xf32, #tpu.memory_space<hbm>>) dst(%arg4 : memref<8x6400xf32, #tpu.memory_space<vmem>>)
    %dma_start3A_19 = arith.constant 0 : i32
    %dma_start3A_20 = tpu.memref_slice %arg3[%add3A_15, %dma_start3A_19] : memref<1024x100000xf32, #tpu.memory_space<hbm>> -> memref<8x6400xf32, #tpu.memory_space<hbm>>
    %dma_start3A_21 = arith.constant 0 : i32
    %dma_start3A_22 = tpu.memref_slice %arg3[%add3A_15, %dma_start3A_21] : memref<1024x100000xf32, #tpu.memory_space<hbm>> -> memref<8x6400xf32, #tpu.memory_space<hbm>>
    tpu.enqueue_dma source(%arg4 : memref<8x6400xf32, #tpu.memory_space<vmem>>) target(%dma_start3A_22 : memref<8x6400xf32, #tpu.memory_space<hbm>>) target_semaphore(%arg8 : memref<!tpu.dma_semaphore, #tpu.memory_space<semaphore_mem>>)
    %add3A_23 = arith.constant 0 : i32
    %add3A_24 = arith.addi %mul3A_2, %add3A_23 : i32
    %dma_wait3A_25 = arith.constant 0 : i32
    %dma_wait3A_26 = tpu.memref_slice %arg3[%add3A_24, %dma_wait3A_25] : memref<1024x100000xf32, #tpu.memory_space<hbm>> -> memref<8x6400xf32, #tpu.memory_space<hbm>>
    %dma_wait3A_27 = arith.constant 0 : i32
    %dma_wait3A_28 = tpu.memref_slice %arg3[%add3A_24, %dma_wait3A_27] : memref<1024x100000xf32, #tpu.memory_space<hbm>> -> memref<8x6400xf32, #tpu.memory_space<hbm>>
    tpu.wait_dma2 semaphore(%arg8 : memref<!tpu.dma_semaphore, #tpu.memory_space<semaphore_mem>>) src(%arg4 : memref<8x6400xf32, #tpu.memory_space<vmem>>) dst(%dma_wait3A_28 : memref<8x6400xf32, #tpu.memory_space<hbm>>)
    %add3A_29 = arith.constant 0 : i32
    %add3A_30 = arith.addi %mul3A_2, %add3A_29 : i32
    %dma_start3A_31 = arith.constant 12800 : i32
    %dma_start3A_32 = tpu.memref_slice %arg2[%add3A_30, %dma_start3A_31] : memref<1024x100000xf32, #tpu.memory_space<hbm>> -> memref<8x6400xf32, #tpu.memory_space<hbm>>
    %dma_start3A_33 = arith.constant 12800 : i32
    %dma_start3A_34 = tpu.memref_slice %arg2[%add3A_30, %dma_start3A_33] : memref<1024x100000xf32, #tpu.memory_space<hbm>> -> memref<8x6400xf32, #tpu.memory_space<hbm>>
    tpu.enqueue_dma source(%dma_start3A_34 : memref<8x6400xf32, #tpu.memory_space<hbm>>) target(%arg4 : memref<8x6400xf32, #tpu.memory_space<vmem>>) target_semaphore(%arg6 : memref<!tpu.dma_semaphore, #tpu.memory_space<semaphore_mem>>)
    %add3A_35 = arith.constant 0 : i32
    %add3A_36 = arith.addi %mul3A_2, %add3A_35 : i32
    %dma_wait3A_37 = arith.constant 6400 : i32
    %dma_wait3A_38 = tpu.memref_slice %arg2[%add3A_36, %dma_wait3A_37] : memref<1024x100000xf32, #tpu.memory_space<hbm>> -> memref<8x6400xf32, #tpu.memory_space<hbm>>
    %dma_wait3A_39 = arith.constant 6400 : i32
    %dma_wait3A_40 = tpu.memref_slice %arg2[%add3A_36, %dma_wait3A_39] : memref<1024x100000xf32, #tpu.memory_space<hbm>> -> memref<8x6400xf32, #tpu.memory_space<hbm>>
    tpu.wait_dma2 semaphore(%arg7 : memref<!tpu.dma_semaphore, #tpu.memory_space<semaphore_mem>>) src(%dma_wait3A_40 : memref<8x6400xf32, #tpu.memory_space<hbm>>) dst(%arg5 : memref<8x6400xf32, #tpu.memory_space<vmem>>)
    %dma_start3A_41 = arith.constant 6400 : i32
    %dma_start3A_42 = tpu.memref_slice %arg3[%add3A_36, %dma_start3A_41] : memref<1024x100000xf32, #tpu.memory_space<hbm>> -> memref<8x6400xf32, #tpu.memory_space<hbm>>
    %dma_start3A_43 = arith.constant 6400 : i32
    %dma_start3A_44 = tpu.memref_slice %arg3[%add3A_36, %dma_start3A_43] : memref<1024x100000xf32, #tpu.memory_space<hbm>> -> memref<8x6400xf32, #tpu.memory_space<hbm>>
    tpu.enqueue_dma source(%arg5 : memref<8x6400xf32, #tpu.memory_space<vmem>>) target(%dma_start3A_44 : memref<8x6400xf32, #tpu.memory_space<hbm>>) target_semaphore(%arg9 : memref<!tpu.dma_semaphore, #tpu.memory_space<semaphore_mem>>)
    %add3A_45 = arith.constant 0 : i32
    %add3A_46 = arith.addi %mul3A_2, %add3A_45 : i32
    %dma_wait3A_47 = arith.constant 6400 : i32
    %dma_wait3A_48 = tpu.memref_slice %arg3[%add3A_46, %dma_wait3A_47] : memref<1024x100000xf32, #tpu.memory_space<hbm>> -> memref<8x6400xf32, #tpu.memory_space<hbm>>
    %dma_wait3A_49 = arith.constant 6400 : i32
    %dma_wait3A_50 = tpu.memref_slice %arg3[%add3A_46, %dma_wait3A_49] : memref<1024x100000xf32, #tpu.memory_space<hbm>> -> memref<8x6400xf32, #tpu.memory_space<hbm>>
    tpu.wait_dma2 semaphore(%arg9 : memref<!tpu.dma_semaphore, #tpu.memory_space<semaphore_mem>>) src(%arg5 : memref<8x6400xf32, #tpu.memory_space<vmem>>) dst(%dma_wait3A_50 : memref<8x6400xf32, #tpu.memory_space<hbm>>)
    %add3A_51 = arith.constant 0 : i32
    %add3A_52 = arith.addi %mul3A_2, %add3A_51 : i32
    %dma_start3A_53 = arith.constant 19200 : i32
    %dma_start3A_54 = tpu.memref_slice %arg2[%add3A_52, %dma_start3A_53] : memref<1024x100000xf32, #tpu.memory_space<hbm>> -> memref<8x6400xf32, #tpu.memory_space<hbm>>
    %dma_start3A_55 = arith.constant 19200 : i32
    %dma_start3A_56 = tpu.memref_slice %arg2[%add3A_52, %dma_start3A_55] : memref<1024x100000xf32, #tpu.memory_space<hbm>> -> memref<8x6400xf32, #tpu.memory_space<hbm>>
    tpu.enqueue_dma source(%dma_start3A_56 : memref<8x6400xf32, #tpu.memory_space<hbm>>) target(%arg5 : memref<8x6400xf32, #tpu.memory_space<vmem>>) target_semaphore(%arg7 : memref<!tpu.dma_semaphore, #tpu.memory_space<semaphore_mem>>)
    %add3A_57 = arith.constant 0 : i32
    %add3A_58 = arith.addi %mul3A_2, %add3A_57 : i32
    %dma_wait3A_59 = arith.constant 12800 : i32
    %dma_wait3A_60 = tpu.memref_slice %arg2[%add3A_58, %dma_wait3A_59] : memref<1024x100000xf32, #tpu.memory_space<hbm>> -> memref<8x6400xf32, #tpu.memory_space<hbm>>
    %dma_wait3A_61 = arith.constant 12800 : i32
    %dma_wait3A_62 = tpu.memref_slice %arg2[%add3A_58, %dma_wait3A_61] : memref<1024x100000xf32, #tpu.memory_space<hbm>> -> memref<8x6400xf32, #tpu.memory_space<hbm>>
    tpu.wait_dma2 semaphore(%arg6 : memref<!tpu.dma_semaphore, #tpu.memory_space<semaphore_mem>>) src(%dma_wait3A_62 : memref<8x6400xf32, #tpu.memory_space<hbm>>) dst(%arg4 : memref<8x6400xf32, #tpu.memory_space<vmem>>)
    %dma_start3A_63 = arith.constant 12800 : i32
    %dma_start3A_64 = tpu.memref_slice %arg3[%add3A_58, %dma_start3A_63] : memref<1024x100000xf32, #tpu.memory_space<hbm>> -> memref<8x6400xf32, #tpu.memory_space<hbm>>
    %dma_start3A_65 = arith.constant 12800 : i32
    %dma_start3A_66 = tpu.memref_slice %arg3[%add3A_58, %dma_start3A_65] : memref<1024x100000xf32, #tpu.memory_space<hbm>> -> memref<8x6400xf32, #tpu.memory_space<hbm>>
    tpu.enqueue_dma source(%arg4 : memref<8x6400xf32, #tpu.memory_space<vmem>>) target(%dma_start3A_66 : memref<8x6400xf32, #tpu.memory_space<hbm>>) target_semaphore(%arg8 : memref<!tpu.dma_semaphore, #tpu.memory_space<semaphore_mem>>)
    %add3A_67 = arith.constant 0 : i32
    %add3A_68 = arith.addi %mul3A_2, %add3A_67 : i32
    %dma_wait3A_69 = arith.constant 12800 : i32
    %dma_wait3A_70 = tpu.memref_slice %arg3[%add3A_68, %dma_wait3A_69] : memref<1024x100000xf32, #tpu.memory_space<hbm>> -> memref<8x6400xf32, #tpu.memory_space<hbm>>
    %dma_wait3A_71 = arith.constant 12800 : i32
    %dma_wait3A_72 = tpu.memref_slice %arg3[%add3A_68, %dma_wait3A_71] : memref<1024x100000xf32, #tpu.memory_space<hbm>> -> memref<8x6400xf32, #tpu.memory_space<hbm>>
    tpu.wait_dma2 semaphore(%arg8 : memref<!tpu.dma_semaphore, #tpu.memory_space<semaphore_mem>>) src(%arg4 : memref<8x6400xf32, #tpu.memory_space<vmem>>) dst(%dma_wait3A_72 : memref<8x6400xf32, #tpu.memory_space<hbm>>)
    %add3A_73 = arith.constant 0 : i32
    %add3A_74 = arith.addi %mul3A_2, %add3A_73 : i32
    %dma_start3A_75 = arith.constant 25600 : i32
    %dma_start3A_76 = tpu.memref_slice %arg2[%add3A_74, %dma_start3A_75] : memref<1024x100000xf32, #tpu.memory_space<hbm>> -> memref<8x6400xf32, #tpu.memory_space<hbm>>
    %dma_start3A_77 = arith.constant 25600 : i32
    %dma_start3A_78 = tpu.memref_slice %arg2[%add3A_74, %dma_start3A_77] : memref<1024x100000xf32, #tpu.memory_space<hbm>> -> memref<8x6400xf32, #tpu.memory_space<hbm>>
    tpu.enqueue_dma source(%dma_start3A_78 : memref<8x6400xf32, #tpu.memory_space<hbm>>) target(%arg4 : memref<8x6400xf32, #tpu.memory_space<vmem>>) target_semaphore(%arg6 : memref<!tpu.dma_semaphore, #tpu.memory_space<semaphore_mem>>)
    %add3A_79 = arith.constant 0 : i32
    %add3A_80 = arith.addi %mul3A_2, %add3A_79 : i32
    %dma_wait3A_81 = arith.constant 19200 : i32
    %dma_wait3A_82 = tpu.memref_slice %arg2[%add3A_80, %dma_wait3A_81] : memref<1024x100000xf32, #tpu.memory_space<hbm>> -> memref<8x6400xf32, #tpu.memory_space<hbm>>
    %dma_wait3A_83 = arith.constant 19200 : i32
    %dma_wait3A_84 = tpu.memref_slice %arg2[%add3A_80, %dma_wait3A_83] : memref<1024x100000xf32, #tpu.memory_space<hbm>> -> memref<8x6400xf32, #tpu.memory_space<hbm>>
    tpu.wait_dma2 semaphore(%arg7 : memref<!tpu.dma_semaphore, #tpu.memory_space<semaphore_mem>>) src(%dma_wait3A_84 : memref<8x6400xf32, #tpu.memory_space<hbm>>) dst(%arg5 : memref<8x6400xf32, #tpu.memory_space<vmem>>)
    %dma_start3A_85 = arith.constant 19200 : i32
    %dma_start3A_86 = tpu.memref_slice %arg3[%add3A_80, %dma_start3A_85] : memref<1024x100000xf32, #tpu.memory_space<hbm>> -> memref<8x6400xf32, #tpu.memory_space<hbm>>
    %dma_start3A_87 = arith.constant 19200 : i32
    %dma_start3A_88 = tpu.memref_slice %arg3[%add3A_80, %dma_start3A_87] : memref<1024x100000xf32, #tpu.memory_space<hbm>> -> memref<8x6400xf32, #tpu.memory_space<hbm>>
    tpu.enqueue_dma source(%arg5 : memref<8x6400xf32, #tpu.memory_space<vmem>>) target(%dma_start3A_88 : memref<8x6400xf32, #tpu.memory_space<hbm>>) target_semaphore(%arg9 : memref<!tpu.dma_semaphore, #tpu.memory_space<semaphore_mem>>)
    %add3A_89 = arith.constant 0 : i32
    %add3A_90 = arith.addi %mul3A_2, %add3A_89 : i32
    %dma_wait3A_91 = arith.constant 19200 : i32
    %dma_wait3A_92 = tpu.memref_slice %arg3[%add3A_90, %dma_wait3A_91] : memref<1024x100000xf32, #tpu.memory_space<hbm>> -> memref<8x6400xf32, #tpu.memory_space<hbm>>
    %dma_wait3A_93 = arith.constant 19200 : i32
    %dma_wait3A_94 = tpu.memref_slice %arg3[%add3A_90, %dma_wait3A_93] : memref<1024x100000xf32, #tpu.memory_space<hbm>> -> memref<8x6400xf32, #tpu.memory_space<hbm>>
    tpu.wait_dma2 semaphore(%arg9 : memref<!tpu.dma_semaphore, #tpu.memory_space<semaphore_mem>>) src(%arg5 : memref<8x6400xf32, #tpu.memory_space<vmem>>) dst(%dma_wait3A_94 : memref<8x6400xf32, #tpu.memory_space<hbm>>)
    %add3A_95 = arith.constant 0 : i32
    %add3A_96 = arith.addi %mul3A_2, %add3A_95 : i32
    %dma_start3A_97 = arith.constant 32000 : i32
    %dma_start3A_98 = tpu.memref_slice %arg2[%add3A_96, %dma_start3A_97] : memref<1024x100000xf32, #tpu.memory_space<hbm>> -> memref<8x6400xf32, #tpu.memory_space<hbm>>
    %dma_start3A_99 = arith.constant 32000 : i32
    %dma_start3A_100 = tpu.memref_slice %arg2[%add3A_96, %dma_start3A_99] : memref<1024x100000xf32, #tpu.memory_space<hbm>> -> memref<8x6400xf32, #tpu.memory_space<hbm>>
    tpu.enqueue_dma source(%dma_start3A_100 : memref<8x6400xf32, #tpu.memory_space<hbm>>) target(%arg5 : memref<8x6400xf32, #tpu.memory_space<vmem>>) target_semaphore(%arg7 : memref<!tpu.dma_semaphore, #tpu.memory_space<semaphore_mem>>)
    %add3A_101 = arith.constant 0 : i32
    %add3A_102 = arith.addi %mul3A_2, %add3A_101 : i32
    %dma_wait3A_103 = arith.constant 25600 : i32
    %dma_wait3A_104 = tpu.memref_slice %arg2[%add3A_102, %dma_wait3A_103] : memref<1024x100000xf32, #tpu.memory_space<hbm>> -> memref<8x6400xf32, #tpu.memory_space<hbm>>
    %dma_wait3A_105 = arith.constant 25600 : i32
    %dma_wait3A_106 = tpu.memref_slice %arg2[%add3A_102, %dma_wait3A_105] : memref<1024x100000xf32, #tpu.memory_space<hbm>> -> memref<8x6400xf32, #tpu.memory_space<hbm>>
    tpu.wait_dma2 semaphore(%arg6 : memref<!tpu.dma_semaphore, #tpu.memory_space<semaphore_mem>>) src(%dma_wait3A_106 : memref<8x6400xf32, #tpu.memory_space<hbm>>) dst(%arg4 : memref<8x6400xf32, #tpu.memory_space<vmem>>)
    %dma_start3A_107 = arith.constant 25600 : i32
    %dma_start3A_108 = tpu.memref_slice %arg3[%add3A_102, %dma_start3A_107] : memref<1024x100000xf32, #tpu.memory_space<hbm>> -> memref<8x6400xf32, #tpu.memory_space<hbm>>
    %dma_start3A_109 = arith.constant 25600 : i32
    %dma_start3A_110 = tpu.memref_slice %arg3[%add3A_102, %dma_start3A_109] : memref<1024x100000xf32, #tpu.memory_space<hbm>> -> memref<8x6400xf32, #tpu.memory_space<hbm>>
    tpu.enqueue_dma source(%arg4 : memref<8x6400xf32, #tpu.memory_space<vmem>>) target(%dma_start3A_110 : memref<8x6400xf32, #tpu.memory_space<hbm>>) target_semaphore(%arg8 : memref<!tpu.dma_semaphore, #tpu.memory_space<semaphore_mem>>)
    %add3A_111 = arith.constant 0 : i32
    %add3A_112 = arith.addi %mul3A_2, %add3A_111 : i32
    %dma_wait3A_113 = arith.constant 25600 : i32
    %dma_wait3A_114 = tpu.memref_slice %arg3[%add3A_112, %dma_wait3A_113] : memref<1024x100000xf32, #tpu.memory_space<hbm>> -> memref<8x6400xf32, #tpu.memory_space<hbm>>
    %dma_wait3A_115 = arith.constant 25600 : i32
    %dma_wait3A_116 = tpu.memref_slice %arg3[%add3A_112, %dma_wait3A_115] : memref<1024x100000xf32, #tpu.memory_space<hbm>> -> memref<8x6400xf32, #tpu.memory_space<hbm>>
    tpu.wait_dma2 semaphore(%arg8 : memref<!tpu.dma_semaphore, #tpu.memory_space<semaphore_mem>>) src(%arg4 : memref<8x6400xf32, #tpu.memory_space<vmem>>) dst(%dma_wait3A_116 : memref<8x6400xf32, #tpu.memory_space<hbm>>)
    %add3A_117 = arith.constant 0 : i32
    %add3A_118 = arith.addi %mul3A_2, %add3A_117 : i32
    %dma_start3A_119 = arith.constant 38400 : i32
    %dma_start3A_120 = tpu.memref_slice %arg2[%add3A_118, %dma_start3A_119] : memref<1024x100000xf32, #tpu.memory_space<hbm>> -> memref<8x6400xf32, #tpu.memory_space<hbm>>
    %dma_start3A_121 = arith.constant 38400 : i32
    %dma_start3A_122 = tpu.memref_slice %arg2[%add3A_118, %dma_start3A_121] : memref<1024x100000xf32, #tpu.memory_space<hbm>> -> memref<8x6400xf32, #tpu.memory_space<hbm>>
    tpu.enqueue_dma source(%dma_start3A_122 : memref<8x6400xf32, #tpu.memory_space<hbm>>) target(%arg4 : memref<8x6400xf32, #tpu.memory_space<vmem>>) target_semaphore(%arg6 : memref<!tpu.dma_semaphore, #tpu.memory_space<semaphore_mem>>)
    %add3A_123 = arith.constant 0 : i32
    %add3A_124 = arith.addi %mul3A_2, %add3A_123 : i32
    %dma_wait3A_125 = arith.constant 32000 : i32
    %dma_wait3A_126 = tpu.memref_slice %arg2[%add3A_124, %dma_wait3A_125] : memref<1024x100000xf32, #tpu.memory_space<hbm>> -> memref<8x6400xf32, #tpu.memory_space<hbm>>
    %dma_wait3A_127 = arith.constant 32000 : i32
    %dma_wait3A_128 = tpu.memref_slice %arg2[%add3A_124, %dma_wait3A_127] : memref<1024x100000xf32, #tpu.memory_space<hbm>> -> memref<8x6400xf32, #tpu.memory_space<hbm>>
    tpu.wait_dma2 semaphore(%arg7 : memref<!tpu.dma_semaphore, #tpu.memory_space<semaphore_mem>>) src(%dma_wait3A_128 : memref<8x6400xf32, #tpu.memory_space<hbm>>) dst(%arg5 : memref<8x6400xf32, #tpu.memory_space<vmem>>)
    %dma_start3A_129 = arith.constant 32000 : i32
    %dma_start3A_130 = tpu.memref_slice %arg3[%add3A_124, %dma_start3A_129] : memref<1024x100000xf32, #tpu.memory_space<hbm>> -> memref<8x6400xf32, #tpu.memory_space<hbm>>
    %dma_start3A_131 = arith.constant 32000 : i32
    %dma_start3A_132 = tpu.memref_slice %arg3[%add3A_124, %dma_start3A_131] : memref<1024x100000xf32, #tpu.memory_space<hbm>> -> memref<8x6400xf32, #tpu.memory_space<hbm>>
    tpu.enqueue_dma source(%arg5 : memref<8x6400xf32, #tpu.memory_space<vmem>>) target(%dma_start3A_132 : memref<8x6400xf32, #tpu.memory_space<hbm>>) target_semaphore(%arg9 : memref<!tpu.dma_semaphore, #tpu.memory_space<semaphore_mem>>)
    %add3A_133 = arith.constant 0 : i32
    %add3A_134 = arith.addi %mul3A_2, %add3A_133 : i32
    %dma_wait3A_135 = arith.constant 32000 : i32
    %dma_wait3A_136 = tpu.memref_slice %arg3[%add3A_134, %dma_wait3A_135] : memref<1024x100000xf32, #tpu.memory_space<hbm>> -> memref<8x6400xf32, #tpu.memory_space<hbm>>
    %dma_wait3A_137 = arith.constant 32000 : i32
    %dma_wait3A_138 = tpu.memref_slice %arg3[%add3A_134, %dma_wait3A_137] : memref<1024x100000xf32, #tpu.memory_space<hbm>> -> memref<8x6400xf32, #tpu.memory_space<hbm>>
    tpu.wait_dma2 semaphore(%arg9 : memref<!tpu.dma_semaphore, #tpu.memory_space<semaphore_mem>>) src(%arg5 : memref<8x6400xf32, #tpu.memory_space<vmem>>) dst(%dma_wait3A_138 : memref<8x6400xf32, #tpu.memory_space<hbm>>)
    %add3A_139 = arith.constant 0 : i32
    %add3A_140 = arith.addi %mul3A_2, %add3A_139 : i32
    %dma_start3A_141 = arith.constant 44800 : i32
    %dma_start3A_142 = tpu.memref_slice %arg2[%add3A_140, %dma_start3A_141] : memref<1024x100000xf32, #tpu.memory_space<hbm>> -> memref<8x6400xf32, #tpu.memory_space<hbm>>
    %dma_start3A_143 = arith.constant 44800 : i32
    %dma_start3A_144 = tpu.memref_slice %arg2[%add3A_140, %dma_start3A_143] : memref<1024x100000xf32, #tpu.memory_space<hbm>> -> memref<8x6400xf32, #tpu.memory_space<hbm>>
    tpu.enqueue_dma source(%dma_start3A_144 : memref<8x6400xf32, #tpu.memory_space<hbm>>) target(%arg5 : memref<8x6400xf32, #tpu.memory_space<vmem>>) target_semaphore(%arg7 : memref<!tpu.dma_semaphore, #tpu.memory_space<semaphore_mem>>)
    %add3A_145 = arith.constant 0 : i32
    %add3A_146 = arith.addi %mul3A_2, %add3A_145 : i32
    %dma_wait3A_147 = arith.constant 38400 : i32
    %dma_wait3A_148 = tpu.memref_slice %arg2[%add3A_146, %dma_wait3A_147] : memref<1024x100000xf32, #tpu.memory_space<hbm>> -> memref<8x6400xf32, #tpu.memory_space<hbm>>
    %dma_wait3A_149 = arith.constant 38400 : i32
    %dma_wait3A_150 = tpu.memref_slice %arg2[%add3A_146, %dma_wait3A_149] : memref<1024x100000xf32, #tpu.memory_space<hbm>> -> memref<8x6400xf32, #tpu.memory_space<hbm>>
    tpu.wait_dma2 semaphore(%arg6 : memref<!tpu.dma_semaphore, #tpu.memory_space<semaphore_mem>>) src(%dma_wait3A_150 : memref<8x6400xf32, #tpu.memory_space<hbm>>) dst(%arg4 : memref<8x6400xf32, #tpu.memory_space<vmem>>)
    %dma_start3A_151 = arith.constant 38400 : i32
    %dma_start3A_152 = tpu.memref_slice %arg3[%add3A_146, %dma_start3A_151] : memref<1024x100000xf32, #tpu.memory_space<hbm>> -> memref<8x6400xf32, #tpu.memory_space<hbm>>
    %dma_start3A_153 = arith.constant 38400 : i32
    %dma_start3A_154 = tpu.memref_slice %arg3[%add3A_146, %dma_start3A_153] : memref<1024x100000xf32, #tpu.memory_space<hbm>> -> memref<8x6400xf32, #tpu.memory_space<hbm>>
    tpu.enqueue_dma source(%arg4 : memref<8x6400xf32, #tpu.memory_space<vmem>>) target(%dma_start3A_154 : memref<8x6400xf32, #tpu.memory_space<hbm>>) target_semaphore(%arg8 : memref<!tpu.dma_semaphore, #tpu.memory_space<semaphore_mem>>)
    %add3A_155 = arith.constant 0 : i32
    %add3A_156 = arith.addi %mul3A_2, %add3A_155 : i32
    %dma_wait3A_157 = arith.constant 38400 : i32
    %dma_wait3A_158 = tpu.memref_slice %arg3[%add3A_156, %dma_wait3A_157] : memref<1024x100000xf32, #tpu.memory_space<hbm>> -> memref<8x6400xf32, #tpu.memory_space<hbm>>
    %dma_wait3A_159 = arith.constant 38400 : i32
    %dma_wait3A_160 = tpu.memref_slice %arg3[%add3A_156, %dma_wait3A_159] : memref<1024x100000xf32, #tpu.memory_space<hbm>> -> memref<8x6400xf32, #tpu.memory_space<hbm>>
    tpu.wait_dma2 semaphore(%arg8 : memref<!tpu.dma_semaphore, #tpu.memory_space<semaphore_mem>>) src(%arg4 : memref<8x6400xf32, #tpu.memory_space<vmem>>) dst(%dma_wait3A_160 : memref<8x6400xf32, #tpu.memory_space<hbm>>)
    %add3A_161 = arith.constant 0 : i32
    %add3A_162 = arith.addi %mul3A_2, %add3A_161 : i32
    %dma_start3A_163 = arith.constant 51200 : i32
    %dma_start3A_164 = tpu.memref_slice %arg2[%add3A_162, %dma_start3A_163] : memref<1024x100000xf32, #tpu.memory_space<hbm>> -> memref<8x6400xf32, #tpu.memory_space<hbm>>
    %dma_start3A_165 = arith.constant 51200 : i32
    %dma_start3A_166 = tpu.memref_slice %arg2[%add3A_162, %dma_start3A_165] : memref<1024x100000xf32, #tpu.memory_space<hbm>> -> memref<8x6400xf32, #tpu.memory_space<hbm>>
    tpu.enqueue_dma source(%dma_start3A_166 : memref<8x6400xf32, #tpu.memory_space<hbm>>) target(%arg4 : memref<8x6400xf32, #tpu.memory_space<vmem>>) target_semaphore(%arg6 : memref<!tpu.dma_semaphore, #tpu.memory_space<semaphore_mem>>)
    %add3A_167 = arith.constant 0 : i32
    %add3A_168 = arith.addi %mul3A_2, %add3A_167 : i32
    %dma_wait3A_169 = arith.constant 44800 : i32
    %dma_wait3A_170 = tpu.memref_slice %arg2[%add3A_168, %dma_wait3A_169] : memref<1024x100000xf32, #tpu.memory_space<hbm>> -> memref<8x6400xf32, #tpu.memory_space<hbm>>
    %dma_wait3A_171 = arith.constant 44800 : i32
    %dma_wait3A_172 = tpu.memref_slice %arg2[%add3A_168, %dma_wait3A_171] : memref<1024x100000xf32, #tpu.memory_space<hbm>> -> memref<8x6400xf32, #tpu.memory_space<hbm>>
    tpu.wait_dma2 semaphore(%arg7 : memref<!tpu.dma_semaphore, #tpu.memory_space<semaphore_mem>>) src(%dma_wait3A_172 : memref<8x6400xf32, #tpu.memory_space<hbm>>) dst(%arg5 : memref<8x6400xf32, #tpu.memory_space<vmem>>)
    %dma_start3A_173 = arith.constant 44800 : i32
    %dma_start3A_174 = tpu.memref_slice %arg3[%add3A_168, %dma_start3A_173] : memref<1024x100000xf32, #tpu.memory_space<hbm>> -> memref<8x6400xf32, #tpu.memory_space<hbm>>
    %dma_start3A_175 = arith.constant 44800 : i32
    %dma_start3A_176 = tpu.memref_slice %arg3[%add3A_168, %dma_start3A_175] : memref<1024x100000xf32, #tpu.memory_space<hbm>> -> memref<8x6400xf32, #tpu.memory_space<hbm>>
    tpu.enqueue_dma source(%arg5 : memref<8x6400xf32, #tpu.memory_space<vmem>>) target(%dma_start3A_176 : memref<8x6400xf32, #tpu.memory_space<hbm>>) target_semaphore(%arg9 : memref<!tpu.dma_semaphore, #tpu.memory_space<semaphore_mem>>)
    %add3A_177 = arith.constant 0 : i32
    %add3A_178 = arith.addi %mul3A_2, %add3A_177 : i32
    %dma_wait3A_179 = arith.constant 44800 : i32
    %dma_wait3A_180 = tpu.memref_slice %arg3[%add3A_178, %dma_wait3A_179] : memref<1024x100000xf32, #tpu.memory_space<hbm>> -> memref<8x6400xf32, #tpu.memory_space<hbm>>
    %dma_wait3A_181 = arith.constant 44800 : i32
    %dma_wait3A_182 = tpu.memref_slice %arg3[%add3A_178, %dma_wait3A_181] : memref<1024x100000xf32, #tpu.memory_space<hbm>> -> memref<8x6400xf32, #tpu.memory_space<hbm>>
    tpu.wait_dma2 semaphore(%arg9 : memref<!tpu.dma_semaphore, #tpu.memory_space<semaphore_mem>>) src(%arg5 : memref<8x6400xf32, #tpu.memory_space<vmem>>) dst(%dma_wait3A_182 : memref<8x6400xf32, #tpu.memory_space<hbm>>)
    %add3A_183 = arith.constant 0 : i32
    %add3A_184 = arith.addi %mul3A_2, %add3A_183 : i32
    %dma_start3A_185 = arith.constant 57600 : i32
    %dma_start3A_186 = tpu.memref_slice %arg2[%add3A_184, %dma_start3A_185] : memref<1024x100000xf32, #tpu.memory_space<hbm>> -> memref<8x6400xf32, #tpu.memory_space<hbm>>
    %dma_start3A_187 = arith.constant 57600 : i32
    %dma_start3A_188 = tpu.memref_slice %arg2[%add3A_184, %dma_start3A_187] : memref<1024x100000xf32, #tpu.memory_space<hbm>> -> memref<8x6400xf32, #tpu.memory_space<hbm>>
    tpu.enqueue_dma source(%dma_start3A_188 : memref<8x6400xf32, #tpu.memory_space<hbm>>) target(%arg5 : memref<8x6400xf32, #tpu.memory_space<vmem>>) target_semaphore(%arg7 : memref<!tpu.dma_semaphore, #tpu.memory_space<semaphore_mem>>)
    %add3A_189 = arith.constant 0 : i32
    %add3A_190 = arith.addi %mul3A_2, %add3A_189 : i32
    %dma_wait3A_191 = arith.constant 51200 : i32
    %dma_wait3A_192 = tpu.memref_slice %arg2[%add3A_190, %dma_wait3A_191] : memref<1024x100000xf32, #tpu.memory_space<hbm>> -> memref<8x6400xf32, #tpu.memory_space<hbm>>
    %dma_wait3A_193 = arith.constant 51200 : i32
    %dma_wait3A_194 = tpu.memref_slice %arg2[%add3A_190, %dma_wait3A_193] : memref<1024x100000xf32, #tpu.memory_space<hbm>> -> memref<8x6400xf32, #tpu.memory_space<hbm>>
    tpu.wait_dma2 semaphore(%arg6 : memref<!tpu.dma_semaphore, #tpu.memory_space<semaphore_mem>>) src(%dma_wait3A_194 : memref<8x6400xf32, #tpu.memory_space<hbm>>) dst(%arg4 : memref<8x6400xf32, #tpu.memory_space<vmem>>)
    %dma_start3A_195 = arith.constant 51200 : i32
    %dma_start3A_196 = tpu.memref_slice %arg3[%add3A_190, %dma_start3A_195] : memref<1024x100000xf32, #tpu.memory_space<hbm>> -> memref<8x6400xf32, #tpu.memory_space<hbm>>
    %dma_start3A_197 = arith.constant 51200 : i32
    %dma_start3A_198 = tpu.memref_slice %arg3[%add3A_190, %dma_start3A_197] : memref<1024x100000xf32, #tpu.memory_space<hbm>> -> memref<8x6400xf32, #tpu.memory_space<hbm>>
    tpu.enqueue_dma source(%arg4 : memref<8x6400xf32, #tpu.memory_space<vmem>>) target(%dma_start3A_198 : memref<8x6400xf32, #tpu.memory_space<hbm>>) target_semaphore(%arg8 : memref<!tpu.dma_semaphore, #tpu.memory_space<semaphore_mem>>)
    %add3A_199 = arith.constant 0 : i32
    %add3A_200 = arith.addi %mul3A_2, %add3A_199 : i32
    %dma_wait3A_201 = arith.constant 51200 : i32
    %dma_wait3A_202 = tpu.memref_slice %arg3[%add3A_200, %dma_wait3A_201] : memref<1024x100000xf32, #tpu.memory_space<hbm>> -> memref<8x6400xf32, #tpu.memory_space<hbm>>
    %dma_wait3A_203 = arith.constant 51200 : i32
    %dma_wait3A_204 = tpu.memref_slice %arg3[%add3A_200, %dma_wait3A_203] : memref<1024x100000xf32, #tpu.memory_space<hbm>> -> memref<8x6400xf32, #tpu.memory_space<hbm>>
    tpu.wait_dma2 semaphore(%arg8 : memref<!tpu.dma_semaphore, #tpu.memory_space<semaphore_mem>>) src(%arg4 : memref<8x6400xf32, #tpu.memory_space<vmem>>) dst(%dma_wait3A_204 : memref<8x6400xf32, #tpu.memory_space<hbm>>)
    %add3A_205 = arith.constant 0 : i32
    %add3A_206 = arith.addi %mul3A_2, %add3A_205 : i32
    %dma_start3A_207 = arith.constant 64000 : i32
    %dma_start3A_208 = tpu.memref_slice %arg2[%add3A_206, %dma_start3A_207] : memref<1024x100000xf32, #tpu.memory_space<hbm>> -> memref<8x6400xf32, #tpu.memory_space<hbm>>
    %dma_start3A_209 = arith.constant 64000 : i32
    %dma_start3A_210 = tpu.memref_slice %arg2[%add3A_206, %dma_start3A_209] : memref<1024x100000xf32, #tpu.memory_space<hbm>> -> memref<8x6400xf32, #tpu.memory_space<hbm>>
    tpu.enqueue_dma source(%dma_start3A_210 : memref<8x6400xf32, #tpu.memory_space<hbm>>) target(%arg4 : memref<8x6400xf32, #tpu.memory_space<vmem>>) target_semaphore(%arg6 : memref<!tpu.dma_semaphore, #tpu.memory_space<semaphore_mem>>)
    %add3A_211 = arith.constant 0 : i32
    %add3A_212 = arith.addi %mul3A_2, %add3A_211 : i32
    %dma_wait3A_213 = arith.constant 57600 : i32
    %dma_wait3A_214 = tpu.memref_slice %arg2[%add3A_212, %dma_wait3A_213] : memref<1024x100000xf32, #tpu.memory_space<hbm>> -> memref<8x6400xf32, #tpu.memory_space<hbm>>
    %dma_wait3A_215 = arith.constant 57600 : i32
    %dma_wait3A_216 = tpu.memref_slice %arg2[%add3A_212, %dma_wait3A_215] : memref<1024x100000xf32, #tpu.memory_space<hbm>> -> memref<8x6400xf32, #tpu.memory_space<hbm>>
    tpu.wait_dma2 semaphore(%arg7 : memref<!tpu.dma_semaphore, #tpu.memory_space<semaphore_mem>>) src(%dma_wait3A_216 : memref<8x6400xf32, #tpu.memory_space<hbm>>) dst(%arg5 : memref<8x6400xf32, #tpu.memory_space<vmem>>)
    %dma_start3A_217 = arith.constant 57600 : i32
    %dma_start3A_218 = tpu.memref_slice %arg3[%add3A_212, %dma_start3A_217] : memref<1024x100000xf32, #tpu.memory_space<hbm>> -> memref<8x6400xf32, #tpu.memory_space<hbm>>
    %dma_start3A_219 = arith.constant 57600 : i32
    %dma_start3A_220 = tpu.memref_slice %arg3[%add3A_212, %dma_start3A_219] : memref<1024x100000xf32, #tpu.memory_space<hbm>> -> memref<8x6400xf32, #tpu.memory_space<hbm>>
    tpu.enqueue_dma source(%arg5 : memref<8x6400xf32, #tpu.memory_space<vmem>>) target(%dma_start3A_220 : memref<8x6400xf32, #tpu.memory_space<hbm>>) target_semaphore(%arg9 : memref<!tpu.dma_semaphore, #tpu.memory_space<semaphore_mem>>)
    %add3A_221 = arith.constant 0 : i32
    %add3A_222 = arith.addi %mul3A_2, %add3A_221 : i32
    %dma_wait3A_223 = arith.constant 57600 : i32
    %dma_wait3A_224 = tpu.memref_slice %arg3[%add3A_222, %dma_wait3A_223] : memref<1024x100000xf32, #tpu.memory_space<hbm>> -> memref<8x6400xf32, #tpu.memory_space<hbm>>
    %dma_wait3A_225 = arith.constant 57600 : i32
    %dma_wait3A_226 = tpu.memref_slice %arg3[%add3A_222, %dma_wait3A_225] : memref<1024x100000xf32, #tpu.memory_space<hbm>> -> memref<8x6400xf32, #tpu.memory_space<hbm>>
    tpu.wait_dma2 semaphore(%arg9 : memref<!tpu.dma_semaphore, #tpu.memory_space<semaphore_mem>>) src(%arg5 : memref<8x6400xf32, #tpu.memory_space<vmem>>) dst(%dma_wait3A_226 : memref<8x6400xf32, #tpu.memory_space<hbm>>)
    %add3A_227 = arith.constant 0 : i32
    %add3A_228 = arith.addi %mul3A_2, %add3A_227 : i32
    %dma_start3A_229 = arith.constant 70400 : i32
    %dma_start3A_230 = tpu.memref_slice %arg2[%add3A_228, %dma_start3A_229] : memref<1024x100000xf32, #tpu.memory_space<hbm>> -> memref<8x6400xf32, #tpu.memory_space<hbm>>
    %dma_start3A_231 = arith.constant 70400 : i32
    %dma_start3A_232 = tpu.memref_slice %arg2[%add3A_228, %dma_start3A_231] : memref<1024x100000xf32, #tpu.memory_space<hbm>> -> memref<8x6400xf32, #tpu.memory_space<hbm>>
    tpu.enqueue_dma source(%dma_start3A_232 : memref<8x6400xf32, #tpu.memory_space<hbm>>) target(%arg5 : memref<8x6400xf32, #tpu.memory_space<vmem>>) target_semaphore(%arg7 : memref<!tpu.dma_semaphore, #tpu.memory_space<semaphore_mem>>)
    %add3A_233 = arith.constant 0 : i32
    %add3A_234 = arith.addi %mul3A_2, %add3A_233 : i32
    %dma_wait3A_235 = arith.constant 64000 : i32
    %dma_wait3A_236 = tpu.memref_slice %arg2[%add3A_234, %dma_wait3A_235] : memref<1024x100000xf32, #tpu.memory_space<hbm>> -> memref<8x6400xf32, #tpu.memory_space<hbm>>
    %dma_wait3A_237 = arith.constant 64000 : i32
    %dma_wait3A_238 = tpu.memref_slice %arg2[%add3A_234, %dma_wait3A_237] : memref<1024x100000xf32, #tpu.memory_space<hbm>> -> memref<8x6400xf32, #tpu.memory_space<hbm>>
    tpu.wait_dma2 semaphore(%arg6 : memref<!tpu.dma_semaphore, #tpu.memory_space<semaphore_mem>>) src(%dma_wait3A_238 : memref<8x6400xf32, #tpu.memory_space<hbm>>) dst(%arg4 : memref<8x6400xf32, #tpu.memory_space<vmem>>)
    %dma_start3A_239 = arith.constant 64000 : i32
    %dma_start3A_240 = tpu.memref_slice %arg3[%add3A_234, %dma_start3A_239] : memref<1024x100000xf32, #tpu.memory_space<hbm>> -> memref<8x6400xf32, #tpu.memory_space<hbm>>
    %dma_start3A_241 = arith.constant 64000 : i32
    %dma_start3A_242 = tpu.memref_slice %arg3[%add3A_234, %dma_start3A_241] : memref<1024x100000xf32, #tpu.memory_space<hbm>> -> memref<8x6400xf32, #tpu.memory_space<hbm>>
    tpu.enqueue_dma source(%arg4 : memref<8x6400xf32, #tpu.memory_space<vmem>>) target(%dma_start3A_242 : memref<8x6400xf32, #tpu.memory_space<hbm>>) target_semaphore(%arg8 : memref<!tpu.dma_semaphore, #tpu.memory_space<semaphore_mem>>)
    %add3A_243 = arith.constant 0 : i32
    %add3A_244 = arith.addi %mul3A_2, %add3A_243 : i32
    %dma_wait3A_245 = arith.constant 64000 : i32
    %dma_wait3A_246 = tpu.memref_slice %arg3[%add3A_244, %dma_wait3A_245] : memref<1024x100000xf32, #tpu.memory_space<hbm>> -> memref<8x6400xf32, #tpu.memory_space<hbm>>
    %dma_wait3A_247 = arith.constant 64000 : i32
    %dma_wait3A_248 = tpu.memref_slice %arg3[%add3A_244, %dma_wait3A_247] : memref<1024x100000xf32, #tpu.memory_space<hbm>> -> memref<8x6400xf32, #tpu.memory_space<hbm>>
    tpu.wait_dma2 semaphore(%arg8 : memref<!tpu.dma_semaphore, #tpu.memory_space<semaphore_mem>>) src(%arg4 : memref<8x6400xf32, #tpu.memory_space<vmem>>) dst(%dma_wait3A_248 : memref<8x6400xf32, #tpu.memory_space<hbm>>)
    %add3A_249 = arith.constant 0 : i32
    %add3A_250 = arith.addi %mul3A_2, %add3A_249 : i32
    %dma_start3A_251 = arith.constant 76800 : i32
    %dma_start3A_252 = tpu.memref_slice %arg2[%add3A_250, %dma_start3A_251] : memref<1024x100000xf32, #tpu.memory_space<hbm>> -> memref<8x6400xf32, #tpu.memory_space<hbm>>
    %dma_start3A_253 = arith.constant 76800 : i32
    %dma_start3A_254 = tpu.memref_slice %arg2[%add3A_250, %dma_start3A_253] : memref<1024x100000xf32, #tpu.memory_space<hbm>> -> memref<8x6400xf32, #tpu.memory_space<hbm>>
    tpu.enqueue_dma source(%dma_start3A_254 : memref<8x6400xf32, #tpu.memory_space<hbm>>) target(%arg4 : memref<8x6400xf32, #tpu.memory_space<vmem>>) target_semaphore(%arg6 : memref<!tpu.dma_semaphore, #tpu.memory_space<semaphore_mem>>)
    %add3A_255 = arith.constant 0 : i32
    %add3A_256 = arith.addi %mul3A_2, %add3A_255 : i32
    %dma_wait3A_257 = arith.constant 70400 : i32
    %dma_wait3A_258 = tpu.memref_slice %arg2[%add3A_256, %dma_wait3A_257] : memref<1024x100000xf32, #tpu.memory_space<hbm>> -> memref<8x6400xf32, #tpu.memory_space<hbm>>
    %dma_wait3A_259 = arith.constant 70400 : i32
    %dma_wait3A_260 = tpu.memref_slice %arg2[%add3A_256, %dma_wait3A_259] : memref<1024x100000xf32, #tpu.memory_space<hbm>> -> memref<8x6400xf32, #tpu.memory_space<hbm>>
    tpu.wait_dma2 semaphore(%arg7 : memref<!tpu.dma_semaphore, #tpu.memory_space<semaphore_mem>>) src(%dma_wait3A_260 : memref<8x6400xf32, #tpu.memory_space<hbm>>) dst(%arg5 : memref<8x6400xf32, #tpu.memory_space<vmem>>)
    %dma_start3A_261 = arith.constant 70400 : i32
    %dma_start3A_262 = tpu.memref_slice %arg3[%add3A_256, %dma_start3A_261] : memref<1024x100000xf32, #tpu.memory_space<hbm>> -> memref<8x6400xf32, #tpu.memory_space<hbm>>
    %dma_start3A_263 = arith.constant 70400 : i32
    %dma_start3A_264 = tpu.memref_slice %arg3[%add3A_256, %dma_start3A_263] : memref<1024x100000xf32, #tpu.memory_space<hbm>> -> memref<8x6400xf32, #tpu.memory_space<hbm>>
    tpu.enqueue_dma source(%arg5 : memref<8x6400xf32, #tpu.memory_space<vmem>>) target(%dma_start3A_264 : memref<8x6400xf32, #tpu.memory_space<hbm>>) target_semaphore(%arg9 : memref<!tpu.dma_semaphore, #tpu.memory_space<semaphore_mem>>)
    %add3A_265 = arith.constant 0 : i32
    %add3A_266 = arith.addi %mul3A_2, %add3A_265 : i32
    %dma_wait3A_267 = arith.constant 70400 : i32
    %dma_wait3A_268 = tpu.memref_slice %arg3[%add3A_266, %dma_wait3A_267] : memref<1024x100000xf32, #tpu.memory_space<hbm>> -> memref<8x6400xf32, #tpu.memory_space<hbm>>
    %dma_wait3A_269 = arith.constant 70400 : i32
    %dma_wait3A_270 = tpu.memref_slice %arg3[%add3A_266, %dma_wait3A_269] : memref<1024x100000xf32, #tpu.memory_space<hbm>> -> memref<8x6400xf32, #tpu.memory_space<hbm>>
    tpu.wait_dma2 semaphore(%arg9 : memref<!tpu.dma_semaphore, #tpu.memory_space<semaphore_mem>>) src(%arg5 : memref<8x6400xf32, #tpu.memory_space<vmem>>) dst(%dma_wait3A_270 : memref<8x6400xf32, #tpu.memory_space<hbm>>)
    %add3A_271 = arith.constant 0 : i32
    %add3A_272 = arith.addi %mul3A_2, %add3A_271 : i32
    %dma_start3A_273 = arith.constant 83200 : i32
    %dma_start3A_274 = tpu.memref_slice %arg2[%add3A_272, %dma_start3A_273] : memref<1024x100000xf32, #tpu.memory_space<hbm>> -> memref<8x6400xf32, #tpu.memory_space<hbm>>
    %dma_start3A_275 = arith.constant 83200 : i32
    %dma_start3A_276 = tpu.memref_slice %arg2[%add3A_272, %dma_start3A_275] : memref<1024x100000xf32, #tpu.memory_space<hbm>> -> memref<8x6400xf32, #tpu.memory_space<hbm>>
    tpu.enqueue_dma source(%dma_start3A_276 : memref<8x6400xf32, #tpu.memory_space<hbm>>) target(%arg5 : memref<8x6400xf32, #tpu.memory_space<vmem>>) target_semaphore(%arg7 : memref<!tpu.dma_semaphore, #tpu.memory_space<semaphore_mem>>)
    %add3A_277 = arith.constant 0 : i32
    %add3A_278 = arith.addi %mul3A_2, %add3A_277 : i32
    %dma_wait3A_279 = arith.constant 76800 : i32
    %dma_wait3A_280 = tpu.memref_slice %arg2[%add3A_278, %dma_wait3A_279] : memref<1024x100000xf32, #tpu.memory_space<hbm>> -> memref<8x6400xf32, #tpu.memory_space<hbm>>
    %dma_wait3A_281 = arith.constant 76800 : i32
    %dma_wait3A_282 = tpu.memref_slice %arg2[%add3A_278, %dma_wait3A_281] : memref<1024x100000xf32, #tpu.memory_space<hbm>> -> memref<8x6400xf32, #tpu.memory_space<hbm>>
    tpu.wait_dma2 semaphore(%arg6 : memref<!tpu.dma_semaphore, #tpu.memory_space<semaphore_mem>>) src(%dma_wait3A_282 : memref<8x6400xf32, #tpu.memory_space<hbm>>) dst(%arg4 : memref<8x6400xf32, #tpu.memory_space<vmem>>)
    %dma_start3A_283 = arith.constant 76800 : i32
    %dma_start3A_284 = tpu.memref_slice %arg3[%add3A_278, %dma_start3A_283] : memref<1024x100000xf32, #tpu.memory_space<hbm>> -> memref<8x6400xf32, #tpu.memory_space<hbm>>
    %dma_start3A_285 = arith.constant 76800 : i32
    %dma_start3A_286 = tpu.memref_slice %arg3[%add3A_278, %dma_start3A_285] : memref<1024x100000xf32, #tpu.memory_space<hbm>> -> memref<8x6400xf32, #tpu.memory_space<hbm>>
    tpu.enqueue_dma source(%arg4 : memref<8x6400xf32, #tpu.memory_space<vmem>>) target(%dma_start3A_286 : memref<8x6400xf32, #tpu.memory_space<hbm>>) target_semaphore(%arg8 : memref<!tpu.dma_semaphore, #tpu.memory_space<semaphore_mem>>)
    %add3A_287 = arith.constant 0 : i32
    %add3A_288 = arith.addi %mul3A_2, %add3A_287 : i32
    %dma_wait3A_289 = arith.constant 76800 : i32
    %dma_wait3A_290 = tpu.memref_slice %arg3[%add3A_288, %dma_wait3A_289] : memref<1024x100000xf32, #tpu.memory_space<hbm>> -> memref<8x6400xf32, #tpu.memory_space<hbm>>
    %dma_wait3A_291 = arith.constant 76800 : i32
    %dma_wait3A_292 = tpu.memref_slice %arg3[%add3A_288, %dma_wait3A_291] : memref<1024x100000xf32, #tpu.memory_space<hbm>> -> memref<8x6400xf32, #tpu.memory_space<hbm>>
    tpu.wait_dma2 semaphore(%arg8 : memref<!tpu.dma_semaphore, #tpu.memory_space<semaphore_mem>>) src(%arg4 : memref<8x6400xf32, #tpu.memory_space<vmem>>) dst(%dma_wait3A_292 : memref<8x6400xf32, #tpu.memory_space<hbm>>)
    %add3A_293 = arith.constant 0 : i32
    %add3A_294 = arith.addi %mul3A_2, %add3A_293 : i32
    %dma_start3A_295 = arith.constant 89600 : i32
    %dma_start3A_296 = tpu.memref_slice %arg2[%add3A_294, %dma_start3A_295] : memref<1024x100000xf32, #tpu.memory_space<hbm>> -> memref<8x6400xf32, #tpu.memory_space<hbm>>
    %dma_start3A_297 = arith.constant 89600 : i32
    %dma_start3A_298 = tpu.memref_slice %arg2[%add3A_294, %dma_start3A_297] : memref<1024x100000xf32, #tpu.memory_space<hbm>> -> memref<8x6400xf32, #tpu.memory_space<hbm>>
    tpu.enqueue_dma source(%dma_start3A_298 : memref<8x6400xf32, #tpu.memory_space<hbm>>) target(%arg4 : memref<8x6400xf32, #tpu.memory_space<vmem>>) target_semaphore(%arg6 : memref<!tpu.dma_semaphore, #tpu.memory_space<semaphore_mem>>)
    %add3A_299 = arith.constant 0 : i32
    %add3A_300 = arith.addi %mul3A_2, %add3A_299 : i32
    %dma_wait3A_301 = arith.constant 83200 : i32
    %dma_wait3A_302 = tpu.memref_slice %arg2[%add3A_300, %dma_wait3A_301] : memref<1024x100000xf32, #tpu.memory_space<hbm>> -> memref<8x6400xf32, #tpu.memory_space<hbm>>
    %dma_wait3A_303 = arith.constant 83200 : i32
    %dma_wait3A_304 = tpu.memref_slice %arg2[%add3A_300, %dma_wait3A_303] : memref<1024x100000xf32, #tpu.memory_space<hbm>> -> memref<8x6400xf32, #tpu.memory_space<hbm>>
    tpu.wait_dma2 semaphore(%arg7 : memref<!tpu.dma_semaphore, #tpu.memory_space<semaphore_mem>>) src(%dma_wait3A_304 : memref<8x6400xf32, #tpu.memory_space<hbm>>) dst(%arg5 : memref<8x6400xf32, #tpu.memory_space<vmem>>)
    %dma_start3A_305 = arith.constant 83200 : i32
    %dma_start3A_306 = tpu.memref_slice %arg3[%add3A_300, %dma_start3A_305] : memref<1024x100000xf32, #tpu.memory_space<hbm>> -> memref<8x6400xf32, #tpu.memory_space<hbm>>
    %dma_start3A_307 = arith.constant 83200 : i32
    %dma_start3A_308 = tpu.memref_slice %arg3[%add3A_300, %dma_start3A_307] : memref<1024x100000xf32, #tpu.memory_space<hbm>> -> memref<8x6400xf32, #tpu.memory_space<hbm>>
    tpu.enqueue_dma source(%arg5 : memref<8x6400xf32, #tpu.memory_space<vmem>>) target(%dma_start3A_308 : memref<8x6400xf32, #tpu.memory_space<hbm>>) target_semaphore(%arg9 : memref<!tpu.dma_semaphore, #tpu.memory_space<semaphore_mem>>)
    %add3A_309 = arith.constant 0 : i32
    %add3A_310 = arith.addi %mul3A_2, %add3A_309 : i32
    %dma_wait3A_311 = arith.constant 83200 : i32
    %dma_wait3A_312 = tpu.memref_slice %arg3[%add3A_310, %dma_wait3A_311] : memref<1024x100000xf32, #tpu.memory_space<hbm>> -> memref<8x6400xf32, #tpu.memory_space<hbm>>
    %dma_wait3A_313 = arith.constant 83200 : i32
    %dma_wait3A_314 = tpu.memref_slice %arg3[%add3A_310, %dma_wait3A_313] : memref<1024x100000xf32, #tpu.memory_space<hbm>> -> memref<8x6400xf32, #tpu.memory_space<hbm>>
    tpu.wait_dma2 semaphore(%arg9 : memref<!tpu.dma_semaphore, #tpu.memory_space<semaphore_mem>>) src(%arg5 : memref<8x6400xf32, #tpu.memory_space<vmem>>) dst(%dma_wait3A_314 : memref<8x6400xf32, #tpu.memory_space<hbm>>)
    %add3A_315 = arith.constant 0 : i32
    %add3A_316 = arith.addi %mul3A_2, %add3A_315 : i32
    %dma_start3A_317 = arith.constant 0 : i32
    %dma_start3A_318 = arith.constant 0 : i32
    %dma_start3A_319 = tpu.memref_slice %arg5[%dma_start3A_317, %dma_start3A_318] : memref<8x6400xf32, #tpu.memory_space<vmem>> -> memref<8x3968xf32, #tpu.memory_space<vmem>>
    %dma_start3A_320 = arith.constant 96000 : i32
    %dma_start3A_321 = tpu.memref_slice %arg2[%add3A_316, %dma_start3A_320] : memref<1024x100000xf32, #tpu.memory_space<hbm>> -> memref<8x3968xf32, #tpu.memory_space<hbm>>
    %dma_start3A_322 = arith.constant 0 : i32
    %dma_start3A_323 = arith.constant 0 : i32
    %dma_start3A_324 = tpu.memref_slice %arg5[%dma_start3A_322, %dma_start3A_323] : memref<8x6400xf32, #tpu.memory_space<vmem>> -> memref<8x3968xf32, #tpu.memory_space<vmem>>
    %dma_start3A_325 = arith.constant 96000 : i32
    %dma_start3A_326 = tpu.memref_slice %arg2[%add3A_316, %dma_start3A_325] : memref<1024x100000xf32, #tpu.memory_space<hbm>> -> memref<8x3968xf32, #tpu.memory_space<hbm>>
    tpu.enqueue_dma source(%dma_start3A_326 : memref<8x3968xf32, #tpu.memory_space<hbm>>) target(%dma_start3A_324 : memref<8x3968xf32, #tpu.memory_space<vmem>>) target_semaphore(%arg7 : memref<!tpu.dma_semaphore, #tpu.memory_space<semaphore_mem>>)
    %add3A_327 = arith.constant 0 : i32
    %add3A_328 = arith.addi %mul3A_2, %add3A_327 : i32
    %dma_wait3A_329 = arith.constant 89600 : i32
    %dma_wait3A_330 = tpu.memref_slice %arg2[%add3A_328, %dma_wait3A_329] : memref<1024x100000xf32, #tpu.memory_space<hbm>> -> memref<8x6400xf32, #tpu.memory_space<hbm>>
    %dma_wait3A_331 = arith.constant 89600 : i32
    %dma_wait3A_332 = tpu.memref_slice %arg2[%add3A_328, %dma_wait3A_331] : memref<1024x100000xf32, #tpu.memory_space<hbm>> -> memref<8x6400xf32, #tpu.memory_space<hbm>>
    tpu.wait_dma2 semaphore(%arg6 : memref<!tpu.dma_semaphore, #tpu.memory_space<semaphore_mem>>) src(%dma_wait3A_332 : memref<8x6400xf32, #tpu.memory_space<hbm>>) dst(%arg4 : memref<8x6400xf32, #tpu.memory_space<vmem>>)
    %dma_start3A_333 = arith.constant 89600 : i32
    %dma_start3A_334 = tpu.memref_slice %arg3[%add3A_328, %dma_start3A_333] : memref<1024x100000xf32, #tpu.memory_space<hbm>> -> memref<8x6400xf32, #tpu.memory_space<hbm>>
    %dma_start3A_335 = arith.constant 89600 : i32
    %dma_start3A_336 = tpu.memref_slice %arg3[%add3A_328, %dma_start3A_335] : memref<1024x100000xf32, #tpu.memory_space<hbm>> -> memref<8x6400xf32, #tpu.memory_space<hbm>>
    tpu.enqueue_dma source(%arg4 : memref<8x6400xf32, #tpu.memory_space<vmem>>) target(%dma_start3A_336 : memref<8x6400xf32, #tpu.memory_space<hbm>>) target_semaphore(%arg8 : memref<!tpu.dma_semaphore, #tpu.memory_space<semaphore_mem>>)
    %add3A_337 = arith.constant 0 : i32
    %add3A_338 = arith.addi %mul3A_2, %add3A_337 : i32
    %dma_wait3A_339 = arith.constant 89600 : i32
    %dma_wait3A_340 = tpu.memref_slice %arg3[%add3A_338, %dma_wait3A_339] : memref<1024x100000xf32, #tpu.memory_space<hbm>> -> memref<8x6400xf32, #tpu.memory_space<hbm>>
    %dma_wait3A_341 = arith.constant 89600 : i32
    %dma_wait3A_342 = tpu.memref_slice %arg3[%add3A_338, %dma_wait3A_341] : memref<1024x100000xf32, #tpu.memory_space<hbm>> -> memref<8x6400xf32, #tpu.memory_space<hbm>>
    tpu.wait_dma2 semaphore(%arg8 : memref<!tpu.dma_semaphore, #tpu.memory_space<semaphore_mem>>) src(%arg4 : memref<8x6400xf32, #tpu.memory_space<vmem>>) dst(%dma_wait3A_342 : memref<8x6400xf32, #tpu.memory_space<hbm>>)
    %add3A_343 = arith.constant 8 : i32
    %add3A_344 = arith.addi %mul3A_2, %add3A_343 : i32
    %dma_start3A_345 = arith.constant 0 : i32
    %dma_start3A_346 = tpu.memref_slice %arg2[%add3A_344, %dma_start3A_345] : memref<1024x100000xf32, #tpu.memory_space<hbm>> -> memref<8x6400xf32, #tpu.memory_space<hbm>>
    %dma_start3A_347 = arith.constant 0 : i32
    %dma_start3A_348 = tpu.memref_slice %arg2[%add3A_344, %dma_start3A_347] : memref<1024x100000xf32, #tpu.memory_space<hbm>> -> memref<8x6400xf32, #tpu.memory_space<hbm>>
    tpu.enqueue_dma source(%dma_start3A_348 : memref<8x6400xf32, #tpu.memory_space<hbm>>) target(%arg4 : memref<8x6400xf32, #tpu.memory_space<vmem>>) target_semaphore(%arg6 : memref<!tpu.dma_semaphore, #tpu.memory_space<semaphore_mem>>)
    %add3A_349 = arith.constant 0 : i32
    %add3A_350 = arith.addi %mul3A_2, %add3A_349 : i32
    %dma_wait3A_351 = arith.constant 0 : i32
    %dma_wait3A_352 = arith.constant 0 : i32
    %dma_wait3A_353 = tpu.memref_slice %arg5[%dma_wait3A_351, %dma_wait3A_352] : memref<8x6400xf32, #tpu.memory_space<vmem>> -> memref<8x3968xf32, #tpu.memory_space<vmem>>
    %dma_wait3A_354 = arith.constant 96000 : i32
    %dma_wait3A_355 = tpu.memref_slice %arg2[%add3A_350, %dma_wait3A_354] : memref<1024x100000xf32, #tpu.memory_space<hbm>> -> memref<8x3968xf32, #tpu.memory_space<hbm>>
    %dma_wait3A_356 = arith.constant 0 : i32
    %dma_wait3A_357 = arith.constant 0 : i32
    %dma_wait3A_358 = tpu.memref_slice %arg5[%dma_wait3A_356, %dma_wait3A_357] : memref<8x6400xf32, #tpu.memory_space<vmem>> -> memref<8x3968xf32, #tpu.memory_space<vmem>>
    %dma_wait3A_359 = arith.constant 96000 : i32
    %dma_wait3A_360 = tpu.memref_slice %arg2[%add3A_350, %dma_wait3A_359] : memref<1024x100000xf32, #tpu.memory_space<hbm>> -> memref<8x3968xf32, #tpu.memory_space<hbm>>
    tpu.wait_dma2 semaphore(%arg7 : memref<!tpu.dma_semaphore, #tpu.memory_space<semaphore_mem>>) src(%dma_wait3A_360 : memref<8x3968xf32, #tpu.memory_space<hbm>>) dst(%dma_wait3A_358 : memref<8x3968xf32, #tpu.memory_space<vmem>>)
    %dma_start3A_361 = arith.constant 0 : i32
    %dma_start3A_362 = arith.constant 0 : i32
    %dma_start3A_363 = tpu.memref_slice %arg5[%dma_start3A_361, %dma_start3A_362] : memref<8x6400xf32, #tpu.memory_space<vmem>> -> memref<8x3968xf32, #tpu.memory_space<vmem>>
    %dma_start3A_364 = arith.constant 96000 : i32
    %dma_start3A_365 = tpu.memref_slice %arg3[%add3A_350, %dma_start3A_364] : memref<1024x100000xf32, #tpu.memory_space<hbm>> -> memref<8x3968xf32, #tpu.memory_space<hbm>>
    %dma_start3A_366 = arith.constant 96000 : i32
    %dma_start3A_367 = tpu.memref_slice %arg3[%add3A_350, %dma_start3A_366] : memref<1024x100000xf32, #tpu.memory_space<hbm>> -> memref<8x3968xf32, #tpu.memory_space<hbm>>
    %dma_start3A_368 = arith.constant 0 : i32
    %dma_start3A_369 = arith.constant 0 : i32
    %dma_start3A_370 = tpu.memref_slice %arg5[%dma_start3A_368, %dma_start3A_369] : memref<8x6400xf32, #tpu.memory_space<vmem>> -> memref<8x3968xf32, #tpu.memory_space<vmem>>
    tpu.enqueue_dma source(%dma_start3A_370 : memref<8x3968xf32, #tpu.memory_space<vmem>>) target(%dma_start3A_367 : memref<8x3968xf32, #tpu.memory_space<hbm>>) target_semaphore(%arg9 : memref<!tpu.dma_semaphore, #tpu.memory_space<semaphore_mem>>)
    %add3A_371 = arith.constant 0 : i32
    %add3A_372 = arith.addi %mul3A_2, %add3A_371 : i32
    %dma_wait3A_373 = arith.constant 0 : i32
    %dma_wait3A_374 = arith.constant 0 : i32
    %dma_wait3A_375 = tpu.memref_slice %arg5[%dma_wait3A_373, %dma_wait3A_374] : memref<8x6400xf32, #tpu.memory_space<vmem>> -> memref<8x3968xf32, #tpu.memory_space<vmem>>
    %dma_wait3A_376 = arith.constant 96000 : i32
    %dma_wait3A_377 = tpu.memref_slice %arg3[%add3A_372, %dma_wait3A_376] : memref<1024x100000xf32, #tpu.memory_space<hbm>> -> memref<8x3968xf32, #tpu.memory_space<hbm>>
    %dma_wait3A_378 = arith.constant 96000 : i32
    %dma_wait3A_379 = tpu.memref_slice %arg3[%add3A_372, %dma_wait3A_378] : memref<1024x100000xf32, #tpu.memory_space<hbm>> -> memref<8x3968xf32, #tpu.memory_space<hbm>>
    %dma_wait3A_380 = arith.constant 0 : i32
    %dma_wait3A_381 = arith.constant 0 : i32
    %dma_wait3A_382 = tpu.memref_slice %arg5[%dma_wait3A_380, %dma_wait3A_381] : memref<8x6400xf32, #tpu.memory_space<vmem>> -> memref<8x3968xf32, #tpu.memory_space<vmem>>
    tpu.wait_dma2 semaphore(%arg9 : memref<!tpu.dma_semaphore, #tpu.memory_space<semaphore_mem>>) src(%dma_wait3A_382 : memref<8x3968xf32, #tpu.memory_space<vmem>>) dst(%dma_wait3A_379 : memref<8x3968xf32, #tpu.memory_space<hbm>>)
    %add3A_383 = arith.constant 8 : i32
    %add3A_384 = arith.addi %mul3A_2, %add3A_383 : i32
    %dma_start3A_385 = arith.constant 6400 : i32
    %dma_start3A_386 = tpu.memref_slice %arg2[%add3A_384, %dma_start3A_385] : memref<1024x100000xf32, #tpu.memory_space<hbm>> -> memref<8x6400xf32, #tpu.memory_space<hbm>>
    %dma_start3A_387 = arith.constant 6400 : i32
    %dma_start3A_388 = tpu.memref_slice %arg2[%add3A_384, %dma_start3A_387] : memref<1024x100000xf32, #tpu.memory_space<hbm>> -> memref<8x6400xf32, #tpu.memory_space<hbm>>
    tpu.enqueue_dma source(%dma_start3A_388 : memref<8x6400xf32, #tpu.memory_space<hbm>>) target(%arg5 : memref<8x6400xf32, #tpu.memory_space<vmem>>) target_semaphore(%arg7 : memref<!tpu.dma_semaphore, #tpu.memory_space<semaphore_mem>>)
    %add3A_389 = arith.constant 8 : i32
    %add3A_390 = arith.addi %mul3A_2, %add3A_389 : i32
    %dma_wait3A_391 = arith.constant 0 : i32
    %dma_wait3A_392 = tpu.memref_slice %arg2[%add3A_390, %dma_wait3A_391] : memref<1024x100000xf32, #tpu.memory_space<hbm>> -> memref<8x6400xf32, #tpu.memory_space<hbm>>
    %dma_wait3A_393 = arith.constant 0 : i32
    %dma_wait3A_394 = tpu.memref_slice %arg2[%add3A_390, %dma_wait3A_393] : memref<1024x100000xf32, #tpu.memory_space<hbm>> -> memref<8x6400xf32, #tpu.memory_space<hbm>>
    tpu.wait_dma2 semaphore(%arg6 : memref<!tpu.dma_semaphore, #tpu.memory_space<semaphore_mem>>) src(%dma_wait3A_394 : memref<8x6400xf32, #tpu.memory_space<hbm>>) dst(%arg4 : memref<8x6400xf32, #tpu.memory_space<vmem>>)
    %dma_start3A_395 = arith.constant 0 : i32
    %dma_start3A_396 = tpu.memref_slice %arg3[%add3A_390, %dma_start3A_395] : memref<1024x100000xf32, #tpu.memory_space<hbm>> -> memref<8x6400xf32, #tpu.memory_space<hbm>>
    %dma_start3A_397 = arith.constant 0 : i32
    %dma_start3A_398 = tpu.memref_slice %arg3[%add3A_390, %dma_start3A_397] : memref<1024x100000xf32, #tpu.memory_space<hbm>> -> memref<8x6400xf32, #tpu.memory_space<hbm>>
    tpu.enqueue_dma source(%arg4 : memref<8x6400xf32, #tpu.memory_space<vmem>>) target(%dma_start3A_398 : memref<8x6400xf32, #tpu.memory_space<hbm>>) target_semaphore(%arg8 : memref<!tpu.dma_semaphore, #tpu.memory_space<semaphore_mem>>)
    %add3A_399 = arith.constant 8 : i32
    %add3A_400 = arith.addi %mul3A_2, %add3A_399 : i32
    %dma_wait3A_401 = arith.constant 0 : i32
    %dma_wait3A_402 = tpu.memref_slice %arg3[%add3A_400, %dma_wait3A_401] : memref<1024x100000xf32, #tpu.memory_space<hbm>> -> memref<8x6400xf32, #tpu.memory_space<hbm>>
    %dma_wait3A_403 = arith.constant 0 : i32
    %dma_wait3A_404 = tpu.memref_slice %arg3[%add3A_400, %dma_wait3A_403] : memref<1024x100000xf32, #tpu.memory_space<hbm>> -> memref<8x6400xf32, #tpu.memory_space<hbm>>
    tpu.wait_dma2 semaphore(%arg8 : memref<!tpu.dma_semaphore, #tpu.memory_space<semaphore_mem>>) src(%arg4 : memref<8x6400xf32, #tpu.memory_space<vmem>>) dst(%dma_wait3A_404 : memref<8x6400xf32, #tpu.memory_space<hbm>>)
    %add3A_405 = arith.constant 8 : i32
    %add3A_406 = arith.addi %mul3A_2, %add3A_405 : i32
    %dma_start3A_407 = arith.constant 12800 : i32
    %dma_start3A_408 = tpu.memref_slice %arg2[%add3A_406, %dma_start3A_407] : memref<1024x100000xf32, #tpu.memory_space<hbm>> -> memref<8x6400xf32, #tpu.memory_space<hbm>>
    %dma_start3A_409 = arith.constant 12800 : i32
    %dma_start3A_410 = tpu.memref_slice %arg2[%add3A_406, %dma_start3A_409] : memref<1024x100000xf32, #tpu.memory_space<hbm>> -> memref<8x6400xf32, #tpu.memory_space<hbm>>
    tpu.enqueue_dma source(%dma_start3A_410 : memref<8x6400xf32, #tpu.memory_space<hbm>>) target(%arg4 : memref<8x6400xf32, #tpu.memory_space<vmem>>) target_semaphore(%arg6 : memref<!tpu.dma_semaphore, #tpu.memory_space<semaphore_mem>>)
    %add3A_411 = arith.constant 8 : i32
    %add3A_412 = arith.addi %mul3A_2, %add3A_411 : i32
    %dma_wait3A_413 = arith.constant 6400 : i32
    %dma_wait3A_414 = tpu.memref_slice %arg2[%add3A_412, %dma_wait3A_413] : memref<1024x100000xf32, #tpu.memory_space<hbm>> -> memref<8x6400xf32, #tpu.memory_space<hbm>>
    %dma_wait3A_415 = arith.constant 6400 : i32
    %dma_wait3A_416 = tpu.memref_slice %arg2[%add3A_412, %dma_wait3A_415] : memref<1024x100000xf32, #tpu.memory_space<hbm>> -> memref<8x6400xf32, #tpu.memory_space<hbm>>
    tpu.wait_dma2 semaphore(%arg7 : memref<!tpu.dma_semaphore, #tpu.memory_space<semaphore_mem>>) src(%dma_wait3A_416 : memref<8x6400xf32, #tpu.memory_space<hbm>>) dst(%arg5 : memref<8x6400xf32, #tpu.memory_space<vmem>>)
    %dma_start3A_417 = arith.constant 6400 : i32
    %dma_start3A_418 = tpu.memref_slice %arg3[%add3A_412, %dma_start3A_417] : memref<1024x100000xf32, #tpu.memory_space<hbm>> -> memref<8x6400xf32, #tpu.memory_space<hbm>>
    %dma_start3A_419 = arith.constant 6400 : i32
    %dma_start3A_420 = tpu.memref_slice %arg3[%add3A_412, %dma_start3A_419] : memref<1024x100000xf32, #tpu.memory_space<hbm>> -> memref<8x6400xf32, #tpu.memory_space<hbm>>
    tpu.enqueue_dma source(%arg5 : memref<8x6400xf32, #tpu.memory_space<vmem>>) target(%dma_start3A_420 : memref<8x6400xf32, #tpu.memory_space<hbm>>) target_semaphore(%arg9 : memref<!tpu.dma_semaphore, #tpu.memory_space<semaphore_mem>>)
    %add3A_421 = arith.constant 8 : i32
    %add3A_422 = arith.addi %mul3A_2, %add3A_421 : i32
    %dma_wait3A_423 = arith.constant 6400 : i32
    %dma_wait3A_424 = tpu.memref_slice %arg3[%add3A_422, %dma_wait3A_423] : memref<1024x100000xf32, #tpu.memory_space<hbm>> -> memref<8x6400xf32, #tpu.memory_space<hbm>>
    %dma_wait3A_425 = arith.constant 6400 : i32
    %dma_wait3A_426 = tpu.memref_slice %arg3[%add3A_422, %dma_wait3A_425] : memref<1024x100000xf32, #tpu.memory_space<hbm>> -> memref<8x6400xf32, #tpu.memory_space<hbm>>
    tpu.wait_dma2 semaphore(%arg9 : memref<!tpu.dma_semaphore, #tpu.memory_space<semaphore_mem>>) src(%arg5 : memref<8x6400xf32, #tpu.memory_space<vmem>>) dst(%dma_wait3A_426 : memref<8x6400xf32, #tpu.memory_space<hbm>>)
    %add3A_427 = arith.constant 8 : i32
    %add3A_428 = arith.addi %mul3A_2, %add3A_427 : i32
    %dma_start3A_429 = arith.constant 19200 : i32
    %dma_start3A_430 = tpu.memref_slice %arg2[%add3A_428, %dma_start3A_429] : memref<1024x100000xf32, #tpu.memory_space<hbm>> -> memref<8x6400xf32, #tpu.memory_space<hbm>>
    %dma_start3A_431 = arith.constant 19200 : i32
    %dma_start3A_432 = tpu.memref_slice %arg2[%add3A_428, %dma_start3A_431] : memref<1024x100000xf32, #tpu.memory_space<hbm>> -> memref<8x6400xf32, #tpu.memory_space<hbm>>
    tpu.enqueue_dma source(%dma_start3A_432 : memref<8x6400xf32, #tpu.memory_space<hbm>>) target(%arg5 : memref<8x6400xf32, #tpu.memory_space<vmem>>) target_semaphore(%arg7 : memref<!tpu.dma_semaphore, #tpu.memory_space<semaphore_mem>>)
    %add3A_433 = arith.constant 8 : i32
    %add3A_434 = arith.addi %mul3A_2, %add3A_433 : i32
    %dma_wait3A_435 = arith.constant 12800 : i32
    %dma_wait3A_436 = tpu.memref_slice %arg2[%add3A_434, %dma_wait3A_435] : memref<1024x100000xf32, #tpu.memory_space<hbm>> -> memref<8x6400xf32, #tpu.memory_space<hbm>>
    %dma_wait3A_437 = arith.constant 12800 : i32
    %dma_wait3A_438 = tpu.memref_slice %arg2[%add3A_434, %dma_wait3A_437] : memref<1024x100000xf32, #tpu.memory_space<hbm>> -> memref<8x6400xf32, #tpu.memory_space<hbm>>
    tpu.wait_dma2 semaphore(%arg6 : memref<!tpu.dma_semaphore, #tpu.memory_space<semaphore_mem>>) src(%dma_wait3A_438 : memref<8x6400xf32, #tpu.memory_space<hbm>>) dst(%arg4 : memref<8x6400xf32, #tpu.memory_space<vmem>>)
    %dma_start3A_439 = arith.constant 12800 : i32
    %dma_start3A_440 = tpu.memref_slice %arg3[%add3A_434, %dma_start3A_439] : memref<1024x100000xf32, #tpu.memory_space<hbm>> -> memref<8x6400xf32, #tpu.memory_space<hbm>>
    %dma_start3A_441 = arith.constant 12800 : i32
    %dma_start3A_442 = tpu.memref_slice %arg3[%add3A_434, %dma_start3A_441] : memref<1024x100000xf32, #tpu.memory_space<hbm>> -> memref<8x6400xf32, #tpu.memory_space<hbm>>
    tpu.enqueue_dma source(%arg4 : memref<8x6400xf32, #tpu.memory_space<vmem>>) target(%dma_start3A_442 : memref<8x6400xf32, #tpu.memory_space<hbm>>) target_semaphore(%arg8 : memref<!tpu.dma_semaphore, #tpu.memory_space<semaphore_mem>>)
    %add3A_443 = arith.constant 8 : i32
    %add3A_444 = arith.addi %mul3A_2, %add3A_443 : i32
    %dma_wait3A_445 = arith.constant 12800 : i32
    %dma_wait3A_446 = tpu.memref_slice %arg3[%add3A_444, %dma_wait3A_445] : memref<1024x100000xf32, #tpu.memory_space<hbm>> -> memref<8x6400xf32, #tpu.memory_space<hbm>>
    %dma_wait3A_447 = arith.constant 12800 : i32
    %dma_wait3A_448 = tpu.memref_slice %arg3[%add3A_444, %dma_wait3A_447] : memref<1024x100000xf32, #tpu.memory_space<hbm>> -> memref<8x6400xf32, #tpu.memory_space<hbm>>
    tpu.wait_dma2 semaphore(%arg8 : memref<!tpu.dma_semaphore, #tpu.memory_space<semaphore_mem>>) src(%arg4 : memref<8x6400xf32, #tpu.memory_space<vmem>>) dst(%dma_wait3A_448 : memref<8x6400xf32, #tpu.memory_space<hbm>>)
    %add3A_449 = arith.constant 8 : i32
    %add3A_450 = arith.addi %mul3A_2, %add3A_449 : i32
    %dma_start3A_451 = arith.constant 25600 : i32
    %dma_start3A_452 = tpu.memref_slice %arg2[%add3A_450, %dma_start3A_451] : memref<1024x100000xf32, #tpu.memory_space<hbm>> -> memref<8x6400xf32, #tpu.memory_space<hbm>>
    %dma_start3A_453 = arith.constant 25600 : i32
    %dma_start3A_454 = tpu.memref_slice %arg2[%add3A_450, %dma_start3A_453] : memref<1024x100000xf32, #tpu.memory_space<hbm>> -> memref<8x6400xf32, #tpu.memory_space<hbm>>
    tpu.enqueue_dma source(%dma_start3A_454 : memref<8x6400xf32, #tpu.memory_space<hbm>>) target(%arg4 : memref<8x6400xf32, #tpu.memory_space<vmem>>) target_semaphore(%arg6 : memref<!tpu.dma_semaphore, #tpu.memory_space<semaphore_mem>>)
    %add3A_455 = arith.constant 8 : i32
    %add3A_456 = arith.addi %mul3A_2, %add3A_455 : i32
    %dma_wait3A_457 = arith.constant 19200 : i32
    %dma_wait3A_458 = tpu.memref_slice %arg2[%add3A_456, %dma_wait3A_457] : memref<1024x100000xf32, #tpu.memory_space<hbm>> -> memref<8x6400xf32, #tpu.memory_space<hbm>>
    %dma_wait3A_459 = arith.constant 19200 : i32
    %dma_wait3A_460 = tpu.memref_slice %arg2[%add3A_456, %dma_wait3A_459] : memref<1024x100000xf32, #tpu.memory_space<hbm>> -> memref<8x6400xf32, #tpu.memory_space<hbm>>
    tpu.wait_dma2 semaphore(%arg7 : memref<!tpu.dma_semaphore, #tpu.memory_space<semaphore_mem>>) src(%dma_wait3A_460 : memref<8x6400xf32, #tpu.memory_space<hbm>>) dst(%arg5 : memref<8x6400xf32, #tpu.memory_space<vmem>>)
    %dma_start3A_461 = arith.constant 19200 : i32
    %dma_start3A_462 = tpu.memref_slice %arg3[%add3A_456, %dma_start3A_461] : memref<1024x100000xf32, #tpu.memory_space<hbm>> -> memref<8x6400xf32, #tpu.memory_space<hbm>>
    %dma_start3A_463 = arith.constant 19200 : i32
    %dma_start3A_464 = tpu.memref_slice %arg3[%add3A_456, %dma_start3A_463] : memref<1024x100000xf32, #tpu.memory_space<hbm>> -> memref<8x6400xf32, #tpu.memory_space<hbm>>
    tpu.enqueue_dma source(%arg5 : memref<8x6400xf32, #tpu.memory_space<vmem>>) target(%dma_start3A_464 : memref<8x6400xf32, #tpu.memory_space<hbm>>) target_semaphore(%arg9 : memref<!tpu.dma_semaphore, #tpu.memory_space<semaphore_mem>>)
    %add3A_465 = arith.constant 8 : i32
    %add3A_466 = arith.addi %mul3A_2, %add3A_465 : i32
    %dma_wait3A_467 = arith.constant 19200 : i32
    %dma_wait3A_468 = tpu.memref_slice %arg3[%add3A_466, %dma_wait3A_467] : memref<1024x100000xf32, #tpu.memory_space<hbm>> -> memref<8x6400xf32, #tpu.memory_space<hbm>>
    %dma_wait3A_469 = arith.constant 19200 : i32
    %dma_wait3A_470 = tpu.memref_slice %arg3[%add3A_466, %dma_wait3A_469] : memref<1024x100000xf32, #tpu.memory_space<hbm>> -> memref<8x6400xf32, #tpu.memory_space<hbm>>
    tpu.wait_dma2 semaphore(%arg9 : memref<!tpu.dma_semaphore, #tpu.memory_space<semaphore_mem>>) src(%arg5 : memref<8x6400xf32, #tpu.memory_space<vmem>>) dst(%dma_wait3A_470 : memref<8x6400xf32, #tpu.memory_space<hbm>>)
    %add3A_471 = arith.constant 8 : i32
    %add3A_472 = arith.addi %mul3A_2, %add3A_471 : i32
    %dma_start3A_473 = arith.constant 32000 : i32
    %dma_start3A_474 = tpu.memref_slice %arg2[%add3A_472, %dma_start3A_473] : memref<1024x100000xf32, #tpu.memory_space<hbm>> -> memref<8x6400xf32, #tpu.memory_space<hbm>>
    %dma_start3A_475 = arith.constant 32000 : i32
    %dma_start3A_476 = tpu.memref_slice %arg2[%add3A_472, %dma_start3A_475] : memref<1024x100000xf32, #tpu.memory_space<hbm>> -> memref<8x6400xf32, #tpu.memory_space<hbm>>
    tpu.enqueue_dma source(%dma_start3A_476 : memref<8x6400xf32, #tpu.memory_space<hbm>>) target(%arg5 : memref<8x6400xf32, #tpu.memory_space<vmem>>) target_semaphore(%arg7 : memref<!tpu.dma_semaphore, #tpu.memory_space<semaphore_mem>>)
    %add3A_477 = arith.constant 8 : i32
    %add3A_478 = arith.addi %mul3A_2, %add3A_477 : i32
    %dma_wait3A_479 = arith.constant 25600 : i32
    %dma_wait3A_480 = tpu.memref_slice %arg2[%add3A_478, %dma_wait3A_479] : memref<1024x100000xf32, #tpu.memory_space<hbm>> -> memref<8x6400xf32, #tpu.memory_space<hbm>>
    %dma_wait3A_481 = arith.constant 25600 : i32
    %dma_wait3A_482 = tpu.memref_slice %arg2[%add3A_478, %dma_wait3A_481] : memref<1024x100000xf32, #tpu.memory_space<hbm>> -> memref<8x6400xf32, #tpu.memory_space<hbm>>
    tpu.wait_dma2 semaphore(%arg6 : memref<!tpu.dma_semaphore, #tpu.memory_space<semaphore_mem>>) src(%dma_wait3A_482 : memref<8x6400xf32, #tpu.memory_space<hbm>>) dst(%arg4 : memref<8x6400xf32, #tpu.memory_space<vmem>>)
    %dma_start3A_483 = arith.constant 25600 : i32
    %dma_start3A_484 = tpu.memref_slice %arg3[%add3A_478, %dma_start3A_483] : memref<1024x100000xf32, #tpu.memory_space<hbm>> -> memref<8x6400xf32, #tpu.memory_space<hbm>>
    %dma_start3A_485 = arith.constant 25600 : i32
    %dma_start3A_486 = tpu.memref_slice %arg3[%add3A_478, %dma_start3A_485] : memref<1024x100000xf32, #tpu.memory_space<hbm>> -> memref<8x6400xf32, #tpu.memory_space<hbm>>
    tpu.enqueue_dma source(%arg4 : memref<8x6400xf32, #tpu.memory_space<vmem>>) target(%dma_start3A_486 : memref<8x6400xf32, #tpu.memory_space<hbm>>) target_semaphore(%arg8 : memref<!tpu.dma_semaphore, #tpu.memory_space<semaphore_mem>>)
    %add3A_487 = arith.constant 8 : i32
    %add3A_488 = arith.addi %mul3A_2, %add3A_487 : i32
    %dma_wait3A_489 = arith.constant 25600 : i32
    %dma_wait3A_490 = tpu.memref_slice %arg3[%add3A_488, %dma_wait3A_489] : memref<1024x100000xf32, #tpu.memory_space<hbm>> -> memref<8x6400xf32, #tpu.memory_space<hbm>>
    %dma_wait3A_491 = arith.constant 25600 : i32
    %dma_wait3A_492 = tpu.memref_slice %arg3[%add3A_488, %dma_wait3A_491] : memref<1024x100000xf32, #tpu.memory_space<hbm>> -> memref<8x6400xf32, #tpu.memory_space<hbm>>
    tpu.wait_dma2 semaphore(%arg8 : memref<!tpu.dma_semaphore, #tpu.memory_space<semaphore_mem>>) src(%arg4 : memref<8x6400xf32, #tpu.memory_space<vmem>>) dst(%dma_wait3A_492 : memref<8x6400xf32, #tpu.memory_space<hbm>>)
    %add3A_493 = arith.constant 8 : i32
    %add3A_494 = arith.addi %mul3A_2, %add3A_493 : i32
    %dma_start3A_495 = arith.constant 38400 : i32
    %dma_start3A_496 = tpu.memref_slice %arg2[%add3A_494, %dma_start3A_495] : memref<1024x100000xf32, #tpu.memory_space<hbm>> -> memref<8x6400xf32, #tpu.memory_space<hbm>>
    %dma_start3A_497 = arith.constant 38400 : i32
    %dma_start3A_498 = tpu.memref_slice %arg2[%add3A_494, %dma_start3A_497] : memref<1024x100000xf32, #tpu.memory_space<hbm>> -> memref<8x6400xf32, #tpu.memory_space<hbm>>
    tpu.enqueue_dma source(%dma_start3A_498 : memref<8x6400xf32, #tpu.memory_space<hbm>>) target(%arg4 : memref<8x6400xf32, #tpu.memory_space<vmem>>) target_semaphore(%arg6 : memref<!tpu.dma_semaphore, #tpu.memory_space<semaphore_mem>>)
    %add3A_499 = arith.constant 8 : i32
    %add3A_500 = arith.addi %mul3A_2, %add3A_499 : i32
    %dma_wait3A_501 = arith.constant 32000 : i32
    %dma_wait3A_502 = tpu.memref_slice %arg2[%add3A_500, %dma_wait3A_501] : memref<1024x100000xf32, #tpu.memory_space<hbm>> -> memref<8x6400xf32, #tpu.memory_space<hbm>>
    %dma_wait3A_503 = arith.constant 32000 : i32
    %dma_wait3A_504 = tpu.memref_slice %arg2[%add3A_500, %dma_wait3A_503] : memref<1024x100000xf32, #tpu.memory_space<hbm>> -> memref<8x6400xf32, #tpu.memory_space<hbm>>
    tpu.wait_dma2 semaphore(%arg7 : memref<!tpu.dma_semaphore, #tpu.memory_space<semaphore_mem>>) src(%dma_wait3A_504 : memref<8x6400xf32, #tpu.memory_space<hbm>>) dst(%arg5 : memref<8x6400xf32, #tpu.memory_space<vmem>>)
    %dma_start3A_505 = arith.constant 32000 : i32
    %dma_start3A_506 = tpu.memref_slice %arg3[%add3A_500, %dma_start3A_505] : memref<1024x100000xf32, #tpu.memory_space<hbm>> -> memref<8x6400xf32, #tpu.memory_space<hbm>>
    %dma_start3A_507 = arith.constant 32000 : i32
    %dma_start3A_508 = tpu.memref_slice %arg3[%add3A_500, %dma_start3A_507] : memref<1024x100000xf32, #tpu.memory_space<hbm>> -> memref<8x6400xf32, #tpu.memory_space<hbm>>
    tpu.enqueue_dma source(%arg5 : memref<8x6400xf32, #tpu.memory_space<vmem>>) target(%dma_start3A_508 : memref<8x6400xf32, #tpu.memory_space<hbm>>) target_semaphore(%arg9 : memref<!tpu.dma_semaphore, #tpu.memory_space<semaphore_mem>>)
    %add3A_509 = arith.constant 8 : i32
    %add3A_510 = arith.addi %mul3A_2, %add3A_509 : i32
    %dma_wait3A_511 = arith.constant 32000 : i32
    %dma_wait3A_512 = tpu.memref_slice %arg3[%add3A_510, %dma_wait3A_511] : memref<1024x100000xf32, #tpu.memory_space<hbm>> -> memref<8x6400xf32, #tpu.memory_space<hbm>>
    %dma_wait3A_513 = arith.constant 32000 : i32
    %dma_wait3A_514 = tpu.memref_slice %arg3[%add3A_510, %dma_wait3A_513] : memref<1024x100000xf32, #tpu.memory_space<hbm>> -> memref<8x6400xf32, #tpu.memory_space<hbm>>
    tpu.wait_dma2 semaphore(%arg9 : memref<!tpu.dma_semaphore, #tpu.memory_space<semaphore_mem>>) src(%arg5 : memref<8x6400xf32, #tpu.memory_space<vmem>>) dst(%dma_wait3A_514 : memref<8x6400xf32, #tpu.memory_space<hbm>>)
    %add3A_515 = arith.constant 8 : i32
    %add3A_516 = arith.addi %mul3A_2, %add3A_515 : i32
    %dma_start3A_517 = arith.constant 44800 : i32
    %dma_start3A_518 = tpu.memref_slice %arg2[%add3A_516, %dma_start3A_517] : memref<1024x100000xf32, #tpu.memory_space<hbm>> -> memref<8x6400xf32, #tpu.memory_space<hbm>>
    %dma_start3A_519 = arith.constant 44800 : i32
    %dma_start3A_520 = tpu.memref_slice %arg2[%add3A_516, %dma_start3A_519] : memref<1024x100000xf32, #tpu.memory_space<hbm>> -> memref<8x6400xf32, #tpu.memory_space<hbm>>
    tpu.enqueue_dma source(%dma_start3A_520 : memref<8x6400xf32, #tpu.memory_space<hbm>>) target(%arg5 : memref<8x6400xf32, #tpu.memory_space<vmem>>) target_semaphore(%arg7 : memref<!tpu.dma_semaphore, #tpu.memory_space<semaphore_mem>>)
    %add3A_521 = arith.constant 8 : i32
    %add3A_522 = arith.addi %mul3A_2, %add3A_521 : i32
    %dma_wait3A_523 = arith.constant 38400 : i32
    %dma_wait3A_524 = tpu.memref_slice %arg2[%add3A_522, %dma_wait3A_523] : memref<1024x100000xf32, #tpu.memory_space<hbm>> -> memref<8x6400xf32, #tpu.memory_space<hbm>>
    %dma_wait3A_525 = arith.constant 38400 : i32
    %dma_wait3A_526 = tpu.memref_slice %arg2[%add3A_522, %dma_wait3A_525] : memref<1024x100000xf32, #tpu.memory_space<hbm>> -> memref<8x6400xf32, #tpu.memory_space<hbm>>
    tpu.wait_dma2 semaphore(%arg6 : memref<!tpu.dma_semaphore, #tpu.memory_space<semaphore_mem>>) src(%dma_wait3A_526 : memref<8x6400xf32, #tpu.memory_space<hbm>>) dst(%arg4 : memref<8x6400xf32, #tpu.memory_space<vmem>>)
    %dma_start3A_527 = arith.constant 38400 : i32
    %dma_start3A_528 = tpu.memref_slice %arg3[%add3A_522, %dma_start3A_527] : memref<1024x100000xf32, #tpu.memory_space<hbm>> -> memref<8x6400xf32, #tpu.memory_space<hbm>>
    %dma_start3A_529 = arith.constant 38400 : i32
    %dma_start3A_530 = tpu.memref_slice %arg3[%add3A_522, %dma_start3A_529] : memref<1024x100000xf32, #tpu.memory_space<hbm>> -> memref<8x6400xf32, #tpu.memory_space<hbm>>
    tpu.enqueue_dma source(%arg4 : memref<8x6400xf32, #tpu.memory_space<vmem>>) target(%dma_start3A_530 : memref<8x6400xf32, #tpu.memory_space<hbm>>) target_semaphore(%arg8 : memref<!tpu.dma_semaphore, #tpu.memory_space<semaphore_mem>>)
    %add3A_531 = arith.constant 8 : i32
    %add3A_532 = arith.addi %mul3A_2, %add3A_531 : i32
    %dma_wait3A_533 = arith.constant 38400 : i32
    %dma_wait3A_534 = tpu.memref_slice %arg3[%add3A_532, %dma_wait3A_533] : memref<1024x100000xf32, #tpu.memory_space<hbm>> -> memref<8x6400xf32, #tpu.memory_space<hbm>>
    %dma_wait3A_535 = arith.constant 38400 : i32
    %dma_wait3A_536 = tpu.memref_slice %arg3[%add3A_532, %dma_wait3A_535] : memref<1024x100000xf32, #tpu.memory_space<hbm>> -> memref<8x6400xf32, #tpu.memory_space<hbm>>
    tpu.wait_dma2 semaphore(%arg8 : memref<!tpu.dma_semaphore, #tpu.memory_space<semaphore_mem>>) src(%arg4 : memref<8x6400xf32, #tpu.memory_space<vmem>>) dst(%dma_wait3A_536 : memref<8x6400xf32, #tpu.memory_space<hbm>>)
    %add3A_537 = arith.constant 8 : i32
    %add3A_538 = arith.addi %mul3A_2, %add3A_537 : i32
    %dma_start3A_539 = arith.constant 51200 : i32
    %dma_start3A_540 = tpu.memref_slice %arg2[%add3A_538, %dma_start3A_539] : memref<1024x100000xf32, #tpu.memory_space<hbm>> -> memref<8x6400xf32, #tpu.memory_space<hbm>>
    %dma_start3A_541 = arith.constant 51200 : i32
    %dma_start3A_542 = tpu.memref_slice %arg2[%add3A_538, %dma_start3A_541] : memref<1024x100000xf32, #tpu.memory_space<hbm>> -> memref<8x6400xf32, #tpu.memory_space<hbm>>
    tpu.enqueue_dma source(%dma_start3A_542 : memref<8x6400xf32, #tpu.memory_space<hbm>>) target(%arg4 : memref<8x6400xf32, #tpu.memory_space<vmem>>) target_semaphore(%arg6 : memref<!tpu.dma_semaphore, #tpu.memory_space<semaphore_mem>>)
    %add3A_543 = arith.constant 8 : i32
    %add3A_544 = arith.addi %mul3A_2, %add3A_543 : i32
    %dma_wait3A_545 = arith.constant 44800 : i32
    %dma_wait3A_546 = tpu.memref_slice %arg2[%add3A_544, %dma_wait3A_545] : memref<1024x100000xf32, #tpu.memory_space<hbm>> -> memref<8x6400xf32, #tpu.memory_space<hbm>>
    %dma_wait3A_547 = arith.constant 44800 : i32
    %dma_wait3A_548 = tpu.memref_slice %arg2[%add3A_544, %dma_wait3A_547] : memref<1024x100000xf32, #tpu.memory_space<hbm>> -> memref<8x6400xf32, #tpu.memory_space<hbm>>
    tpu.wait_dma2 semaphore(%arg7 : memref<!tpu.dma_semaphore, #tpu.memory_space<semaphore_mem>>) src(%dma_wait3A_548 : memref<8x6400xf32, #tpu.memory_space<hbm>>) dst(%arg5 : memref<8x6400xf32, #tpu.memory_space<vmem>>)
    %dma_start3A_549 = arith.constant 44800 : i32
    %dma_start3A_550 = tpu.memref_slice %arg3[%add3A_544, %dma_start3A_549] : memref<1024x100000xf32, #tpu.memory_space<hbm>> -> memref<8x6400xf32, #tpu.memory_space<hbm>>
    %dma_start3A_551 = arith.constant 44800 : i32
    %dma_start3A_552 = tpu.memref_slice %arg3[%add3A_544, %dma_start3A_551] : memref<1024x100000xf32, #tpu.memory_space<hbm>> -> memref<8x6400xf32, #tpu.memory_space<hbm>>
    tpu.enqueue_dma source(%arg5 : memref<8x6400xf32, #tpu.memory_space<vmem>>) target(%dma_start3A_552 : memref<8x6400xf32, #tpu.memory_space<hbm>>) target_semaphore(%arg9 : memref<!tpu.dma_semaphore, #tpu.memory_space<semaphore_mem>>)
    %add3A_553 = arith.constant 8 : i32
    %add3A_554 = arith.addi %mul3A_2, %add3A_553 : i32
    %dma_wait3A_555 = arith.constant 44800 : i32
    %dma_wait3A_556 = tpu.memref_slice %arg3[%add3A_554, %dma_wait3A_555] : memref<1024x100000xf32, #tpu.memory_space<hbm>> -> memref<8x6400xf32, #tpu.memory_space<hbm>>
    %dma_wait3A_557 = arith.constant 44800 : i32
    %dma_wait3A_558 = tpu.memref_slice %arg3[%add3A_554, %dma_wait3A_557] : memref<1024x100000xf32, #tpu.memory_space<hbm>> -> memref<8x6400xf32, #tpu.memory_space<hbm>>
    tpu.wait_dma2 semaphore(%arg9 : memref<!tpu.dma_semaphore, #tpu.memory_space<semaphore_mem>>) src(%arg5 : memref<8x6400xf32, #tpu.memory_space<vmem>>) dst(%dma_wait3A_558 : memref<8x6400xf32, #tpu.memory_space<hbm>>)
    %add3A_559 = arith.constant 8 : i32
    %add3A_560 = arith.addi %mul3A_2, %add3A_559 : i32
    %dma_start3A_561 = arith.constant 57600 : i32
    %dma_start3A_562 = tpu.memref_slice %arg2[%add3A_560, %dma_start3A_561] : memref<1024x100000xf32, #tpu.memory_space<hbm>> -> memref<8x6400xf32, #tpu.memory_space<hbm>>
    %dma_start3A_563 = arith.constant 57600 : i32
    %dma_start3A_564 = tpu.memref_slice %arg2[%add3A_560, %dma_start3A_563] : memref<1024x100000xf32, #tpu.memory_space<hbm>> -> memref<8x6400xf32, #tpu.memory_space<hbm>>
    tpu.enqueue_dma source(%dma_start3A_564 : memref<8x6400xf32, #tpu.memory_space<hbm>>) target(%arg5 : memref<8x6400xf32, #tpu.memory_space<vmem>>) target_semaphore(%arg7 : memref<!tpu.dma_semaphore, #tpu.memory_space<semaphore_mem>>)
    %add3A_565 = arith.constant 8 : i32
    %add3A_566 = arith.addi %mul3A_2, %add3A_565 : i32
    %dma_wait3A_567 = arith.constant 51200 : i32
    %dma_wait3A_568 = tpu.memref_slice %arg2[%add3A_566, %dma_wait3A_567] : memref<1024x100000xf32, #tpu.memory_space<hbm>> -> memref<8x6400xf32, #tpu.memory_space<hbm>>
    %dma_wait3A_569 = arith.constant 51200 : i32
    %dma_wait3A_570 = tpu.memref_slice %arg2[%add3A_566, %dma_wait3A_569] : memref<1024x100000xf32, #tpu.memory_space<hbm>> -> memref<8x6400xf32, #tpu.memory_space<hbm>>
    tpu.wait_dma2 semaphore(%arg6 : memref<!tpu.dma_semaphore, #tpu.memory_space<semaphore_mem>>) src(%dma_wait3A_570 : memref<8x6400xf32, #tpu.memory_space<hbm>>) dst(%arg4 : memref<8x6400xf32, #tpu.memory_space<vmem>>)
    %dma_start3A_571 = arith.constant 51200 : i32
    %dma_start3A_572 = tpu.memref_slice %arg3[%add3A_566, %dma_start3A_571] : memref<1024x100000xf32, #tpu.memory_space<hbm>> -> memref<8x6400xf32, #tpu.memory_space<hbm>>
    %dma_start3A_573 = arith.constant 51200 : i32
    %dma_start3A_574 = tpu.memref_slice %arg3[%add3A_566, %dma_start3A_573] : memref<1024x100000xf32, #tpu.memory_space<hbm>> -> memref<8x6400xf32, #tpu.memory_space<hbm>>
    tpu.enqueue_dma source(%arg4 : memref<8x6400xf32, #tpu.memory_space<vmem>>) target(%dma_start3A_574 : memref<8x6400xf32, #tpu.memory_space<hbm>>) target_semaphore(%arg8 : memref<!tpu.dma_semaphore, #tpu.memory_space<semaphore_mem>>)
    %add3A_575 = arith.constant 8 : i32
    %add3A_576 = arith.addi %mul3A_2, %add3A_575 : i32
    %dma_wait3A_577 = arith.constant 51200 : i32
    %dma_wait3A_578 = tpu.memref_slice %arg3[%add3A_576, %dma_wait3A_577] : memref<1024x100000xf32, #tpu.memory_space<hbm>> -> memref<8x6400xf32, #tpu.memory_space<hbm>>
    %dma_wait3A_579 = arith.constant 51200 : i32
    %dma_wait3A_580 = tpu.memref_slice %arg3[%add3A_576, %dma_wait3A_579] : memref<1024x100000xf32, #tpu.memory_space<hbm>> -> memref<8x6400xf32, #tpu.memory_space<hbm>>
    tpu.wait_dma2 semaphore(%arg8 : memref<!tpu.dma_semaphore, #tpu.memory_space<semaphore_mem>>) src(%arg4 : memref<8x6400xf32, #tpu.memory_space<vmem>>) dst(%dma_wait3A_580 : memref<8x6400xf32, #tpu.memory_space<hbm>>)
    %add3A_581 = arith.constant 8 : i32
    %add3A_582 = arith.addi %mul3A_2, %add3A_581 : i32
    %dma_start3A_583 = arith.constant 64000 : i32
    %dma_start3A_584 = tpu.memref_slice %arg2[%add3A_582, %dma_start3A_583] : memref<1024x100000xf32, #tpu.memory_space<hbm>> -> memref<8x6400xf32, #tpu.memory_space<hbm>>
    %dma_start3A_585 = arith.constant 64000 : i32
    %dma_start3A_586 = tpu.memref_slice %arg2[%add3A_582, %dma_start3A_585] : memref<1024x100000xf32, #tpu.memory_space<hbm>> -> memref<8x6400xf32, #tpu.memory_space<hbm>>
    tpu.enqueue_dma source(%dma_start3A_586 : memref<8x6400xf32, #tpu.memory_space<hbm>>) target(%arg4 : memref<8x6400xf32, #tpu.memory_space<vmem>>) target_semaphore(%arg6 : memref<!tpu.dma_semaphore, #tpu.memory_space<semaphore_mem>>)
    %add3A_587 = arith.constant 8 : i32
    %add3A_588 = arith.addi %mul3A_2, %add3A_587 : i32
    %dma_wait3A_589 = arith.constant 57600 : i32
    %dma_wait3A_590 = tpu.memref_slice %arg2[%add3A_588, %dma_wait3A_589] : memref<1024x100000xf32, #tpu.memory_space<hbm>> -> memref<8x6400xf32, #tpu.memory_space<hbm>>
    %dma_wait3A_591 = arith.constant 57600 : i32
    %dma_wait3A_592 = tpu.memref_slice %arg2[%add3A_588, %dma_wait3A_591] : memref<1024x100000xf32, #tpu.memory_space<hbm>> -> memref<8x6400xf32, #tpu.memory_space<hbm>>
    tpu.wait_dma2 semaphore(%arg7 : memref<!tpu.dma_semaphore, #tpu.memory_space<semaphore_mem>>) src(%dma_wait3A_592 : memref<8x6400xf32, #tpu.memory_space<hbm>>) dst(%arg5 : memref<8x6400xf32, #tpu.memory_space<vmem>>)
    %dma_start3A_593 = arith.constant 57600 : i32
    %dma_start3A_594 = tpu.memref_slice %arg3[%add3A_588, %dma_start3A_593] : memref<1024x100000xf32, #tpu.memory_space<hbm>> -> memref<8x6400xf32, #tpu.memory_space<hbm>>
    %dma_start3A_595 = arith.constant 57600 : i32
    %dma_start3A_596 = tpu.memref_slice %arg3[%add3A_588, %dma_start3A_595] : memref<1024x100000xf32, #tpu.memory_space<hbm>> -> memref<8x6400xf32, #tpu.memory_space<hbm>>
    tpu.enqueue_dma source(%arg5 : memref<8x6400xf32, #tpu.memory_space<vmem>>) target(%dma_start3A_596 : memref<8x6400xf32, #tpu.memory_space<hbm>>) target_semaphore(%arg9 : memref<!tpu.dma_semaphore, #tpu.memory_space<semaphore_mem>>)
    %add3A_597 = arith.constant 8 : i32
    %add3A_598 = arith.addi %mul3A_2, %add3A_597 : i32
    %dma_wait3A_599 = arith.constant 57600 : i32
    %dma_wait3A_600 = tpu.memref_slice %arg3[%add3A_598, %dma_wait3A_599] : memref<1024x100000xf32, #tpu.memory_space<hbm>> -> memref<8x6400xf32, #tpu.memory_space<hbm>>
    %dma_wait3A_601 = arith.constant 57600 : i32
    %dma_wait3A_602 = tpu.memref_slice %arg3[%add3A_598, %dma_wait3A_601] : memref<1024x100000xf32, #tpu.memory_space<hbm>> -> memref<8x6400xf32, #tpu.memory_space<hbm>>
    tpu.wait_dma2 semaphore(%arg9 : memref<!tpu.dma_semaphore, #tpu.memory_space<semaphore_mem>>) src(%arg5 : memref<8x6400xf32, #tpu.memory_space<vmem>>) dst(%dma_wait3A_602 : memref<8x6400xf32, #tpu.memory_space<hbm>>)
    %add3A_603 = arith.constant 8 : i32
    %add3A_604 = arith.addi %mul3A_2, %add3A_603 : i32
    %dma_start3A_605 = arith.constant 70400 : i32
    %dma_start3A_606 = tpu.memref_slice %arg2[%add3A_604, %dma_start3A_605] : memref<1024x100000xf32, #tpu.memory_space<hbm>> -> memref<8x6400xf32, #tpu.memory_space<hbm>>
    %dma_start3A_607 = arith.constant 70400 : i32
    %dma_start3A_608 = tpu.memref_slice %arg2[%add3A_604, %dma_start3A_607] : memref<1024x100000xf32, #tpu.memory_space<hbm>> -> memref<8x6400xf32, #tpu.memory_space<hbm>>
    tpu.enqueue_dma source(%dma_start3A_608 : memref<8x6400xf32, #tpu.memory_space<hbm>>) target(%arg5 : memref<8x6400xf32, #tpu.memory_space<vmem>>) target_semaphore(%arg7 : memref<!tpu.dma_semaphore, #tpu.memory_space<semaphore_mem>>)
    %add3A_609 = arith.constant 8 : i32
    %add3A_610 = arith.addi %mul3A_2, %add3A_609 : i32
    %dma_wait3A_611 = arith.constant 64000 : i32
    %dma_wait3A_612 = tpu.memref_slice %arg2[%add3A_610, %dma_wait3A_611] : memref<1024x100000xf32, #tpu.memory_space<hbm>> -> memref<8x6400xf32, #tpu.memory_space<hbm>>
    %dma_wait3A_613 = arith.constant 64000 : i32
    %dma_wait3A_614 = tpu.memref_slice %arg2[%add3A_610, %dma_wait3A_613] : memref<1024x100000xf32, #tpu.memory_space<hbm>> -> memref<8x6400xf32, #tpu.memory_space<hbm>>
    tpu.wait_dma2 semaphore(%arg6 : memref<!tpu.dma_semaphore, #tpu.memory_space<semaphore_mem>>) src(%dma_wait3A_614 : memref<8x6400xf32, #tpu.memory_space<hbm>>) dst(%arg4 : memref<8x6400xf32, #tpu.memory_space<vmem>>)
    %dma_start3A_615 = arith.constant 64000 : i32
    %dma_start3A_616 = tpu.memref_slice %arg3[%add3A_610, %dma_start3A_615] : memref<1024x100000xf32, #tpu.memory_space<hbm>> -> memref<8x6400xf32, #tpu.memory_space<hbm>>
    %dma_start3A_617 = arith.constant 64000 : i32
    %dma_start3A_618 = tpu.memref_slice %arg3[%add3A_610, %dma_start3A_617] : memref<1024x100000xf32, #tpu.memory_space<hbm>> -> memref<8x6400xf32, #tpu.memory_space<hbm>>
    tpu.enqueue_dma source(%arg4 : memref<8x6400xf32, #tpu.memory_space<vmem>>) target(%dma_start3A_618 : memref<8x6400xf32, #tpu.memory_space<hbm>>) target_semaphore(%arg8 : memref<!tpu.dma_semaphore, #tpu.memory_space<semaphore_mem>>)
    %add3A_619 = arith.constant 8 : i32
    %add3A_620 = arith.addi %mul3A_2, %add3A_619 : i32
    %dma_wait3A_621 = arith.constant 64000 : i32
    %dma_wait3A_622 = tpu.memref_slice %arg3[%add3A_620, %dma_wait3A_621] : memref<1024x100000xf32, #tpu.memory_space<hbm>> -> memref<8x6400xf32, #tpu.memory_space<hbm>>
    %dma_wait3A_623 = arith.constant 64000 : i32
    %dma_wait3A_624 = tpu.memref_slice %arg3[%add3A_620, %dma_wait3A_623] : memref<1024x100000xf32, #tpu.memory_space<hbm>> -> memref<8x6400xf32, #tpu.memory_space<hbm>>
    tpu.wait_dma2 semaphore(%arg8 : memref<!tpu.dma_semaphore, #tpu.memory_space<semaphore_mem>>) src(%arg4 : memref<8x6400xf32, #tpu.memory_space<vmem>>) dst(%dma_wait3A_624 : memref<8x6400xf32, #tpu.memory_space<hbm>>)
    %add3A_625 = arith.constant 8 : i32
    %add3A_626 = arith.addi %mul3A_2, %add3A_625 : i32
    %dma_start3A_627 = arith.constant 76800 : i32
    %dma_start3A_628 = tpu.memref_slice %arg2[%add3A_626, %dma_start3A_627] : memref<1024x100000xf32, #tpu.memory_space<hbm>> -> memref<8x6400xf32, #tpu.memory_space<hbm>>
    %dma_start3A_629 = arith.constant 76800 : i32
    %dma_start3A_630 = tpu.memref_slice %arg2[%add3A_626, %dma_start3A_629] : memref<1024x100000xf32, #tpu.memory_space<hbm>> -> memref<8x6400xf32, #tpu.memory_space<hbm>>
    tpu.enqueue_dma source(%dma_start3A_630 : memref<8x6400xf32, #tpu.memory_space<hbm>>) target(%arg4 : memref<8x6400xf32, #tpu.memory_space<vmem>>) target_semaphore(%arg6 : memref<!tpu.dma_semaphore, #tpu.memory_space<semaphore_mem>>)
    %add3A_631 = arith.constant 8 : i32
    %add3A_632 = arith.addi %mul3A_2, %add3A_631 : i32
    %dma_wait3A_633 = arith.constant 70400 : i32
    %dma_wait3A_634 = tpu.memref_slice %arg2[%add3A_632, %dma_wait3A_633] : memref<1024x100000xf32, #tpu.memory_space<hbm>> -> memref<8x6400xf32, #tpu.memory_space<hbm>>
    %dma_wait3A_635 = arith.constant 70400 : i32
    %dma_wait3A_636 = tpu.memref_slice %arg2[%add3A_632, %dma_wait3A_635] : memref<1024x100000xf32, #tpu.memory_space<hbm>> -> memref<8x6400xf32, #tpu.memory_space<hbm>>
    tpu.wait_dma2 semaphore(%arg7 : memref<!tpu.dma_semaphore, #tpu.memory_space<semaphore_mem>>) src(%dma_wait3A_636 : memref<8x6400xf32, #tpu.memory_space<hbm>>) dst(%arg5 : memref<8x6400xf32, #tpu.memory_space<vmem>>)
    %dma_start3A_637 = arith.constant 70400 : i32
    %dma_start3A_638 = tpu.memref_slice %arg3[%add3A_632, %dma_start3A_637] : memref<1024x100000xf32, #tpu.memory_space<hbm>> -> memref<8x6400xf32, #tpu.memory_space<hbm>>
    %dma_start3A_639 = arith.constant 70400 : i32
    %dma_start3A_640 = tpu.memref_slice %arg3[%add3A_632, %dma_start3A_639] : memref<1024x100000xf32, #tpu.memory_space<hbm>> -> memref<8x6400xf32, #tpu.memory_space<hbm>>
    tpu.enqueue_dma source(%arg5 : memref<8x6400xf32, #tpu.memory_space<vmem>>) target(%dma_start3A_640 : memref<8x6400xf32, #tpu.memory_space<hbm>>) target_semaphore(%arg9 : memref<!tpu.dma_semaphore, #tpu.memory_space<semaphore_mem>>)
    %add3A_641 = arith.constant 8 : i32
    %add3A_642 = arith.addi %mul3A_2, %add3A_641 : i32
    %dma_wait3A_643 = arith.constant 70400 : i32
    %dma_wait3A_644 = tpu.memref_slice %arg3[%add3A_642, %dma_wait3A_643] : memref<1024x100000xf32, #tpu.memory_space<hbm>> -> memref<8x6400xf32, #tpu.memory_space<hbm>>
    %dma_wait3A_645 = arith.constant 70400 : i32
    %dma_wait3A_646 = tpu.memref_slice %arg3[%add3A_642, %dma_wait3A_645] : memref<1024x100000xf32, #tpu.memory_space<hbm>> -> memref<8x6400xf32, #tpu.memory_space<hbm>>
    tpu.wait_dma2 semaphore(%arg9 : memref<!tpu.dma_semaphore, #tpu.memory_space<semaphore_mem>>) src(%arg5 : memref<8x6400xf32, #tpu.memory_space<vmem>>) dst(%dma_wait3A_646 : memref<8x6400xf32, #tpu.memory_space<hbm>>)
    %add3A_647 = arith.constant 8 : i32
    %add3A_648 = arith.addi %mul3A_2, %add3A_647 : i32
    %dma_start3A_649 = arith.constant 83200 : i32
    %dma_start3A_650 = tpu.memref_slice %arg2[%add3A_648, %dma_start3A_649] : memref<1024x100000xf32, #tpu.memory_space<hbm>> -> memref<8x6400xf32, #tpu.memory_space<hbm>>
    %dma_start3A_651 = arith.constant 83200 : i32
    %dma_start3A_652 = tpu.memref_slice %arg2[%add3A_648, %dma_start3A_651] : memref<1024x100000xf32, #tpu.memory_space<hbm>> -> memref<8x6400xf32, #tpu.memory_space<hbm>>
    tpu.enqueue_dma source(%dma_start3A_652 : memref<8x6400xf32, #tpu.memory_space<hbm>>) target(%arg5 : memref<8x6400xf32, #tpu.memory_space<vmem>>) target_semaphore(%arg7 : memref<!tpu.dma_semaphore, #tpu.memory_space<semaphore_mem>>)
    %add3A_653 = arith.constant 8 : i32
    %add3A_654 = arith.addi %mul3A_2, %add3A_653 : i32
    %dma_wait3A_655 = arith.constant 76800 : i32
    %dma_wait3A_656 = tpu.memref_slice %arg2[%add3A_654, %dma_wait3A_655] : memref<1024x100000xf32, #tpu.memory_space<hbm>> -> memref<8x6400xf32, #tpu.memory_space<hbm>>
    %dma_wait3A_657 = arith.constant 76800 : i32
    %dma_wait3A_658 = tpu.memref_slice %arg2[%add3A_654, %dma_wait3A_657] : memref<1024x100000xf32, #tpu.memory_space<hbm>> -> memref<8x6400xf32, #tpu.memory_space<hbm>>
    tpu.wait_dma2 semaphore(%arg6 : memref<!tpu.dma_semaphore, #tpu.memory_space<semaphore_mem>>) src(%dma_wait3A_658 : memref<8x6400xf32, #tpu.memory_space<hbm>>) dst(%arg4 : memref<8x6400xf32, #tpu.memory_space<vmem>>)
    %dma_start3A_659 = arith.constant 76800 : i32
    %dma_start3A_660 = tpu.memref_slice %arg3[%add3A_654, %dma_start3A_659] : memref<1024x100000xf32, #tpu.memory_space<hbm>> -> memref<8x6400xf32, #tpu.memory_space<hbm>>
    %dma_start3A_661 = arith.constant 76800 : i32
    %dma_start3A_662 = tpu.memref_slice %arg3[%add3A_654, %dma_start3A_661] : memref<1024x100000xf32, #tpu.memory_space<hbm>> -> memref<8x6400xf32, #tpu.memory_space<hbm>>
    tpu.enqueue_dma source(%arg4 : memref<8x6400xf32, #tpu.memory_space<vmem>>) target(%dma_start3A_662 : memref<8x6400xf32, #tpu.memory_space<hbm>>) target_semaphore(%arg8 : memref<!tpu.dma_semaphore, #tpu.memory_space<semaphore_mem>>)
    %add3A_663 = arith.constant 8 : i32
    %add3A_664 = arith.addi %mul3A_2, %add3A_663 : i32
    %dma_wait3A_665 = arith.constant 76800 : i32
    %dma_wait3A_666 = tpu.memref_slice %arg3[%add3A_664, %dma_wait3A_665] : memref<1024x100000xf32, #tpu.memory_space<hbm>> -> memref<8x6400xf32, #tpu.memory_space<hbm>>
    %dma_wait3A_667 = arith.constant 76800 : i32
    %dma_wait3A_668 = tpu.memref_slice %arg3[%add3A_664, %dma_wait3A_667] : memref<1024x100000xf32, #tpu.memory_space<hbm>> -> memref<8x6400xf32, #tpu.memory_space<hbm>>
    tpu.wait_dma2 semaphore(%arg8 : memref<!tpu.dma_semaphore, #tpu.memory_space<semaphore_mem>>) src(%arg4 : memref<8x6400xf32, #tpu.memory_space<vmem>>) dst(%dma_wait3A_668 : memref<8x6400xf32, #tpu.memory_space<hbm>>)
    %add3A_669 = arith.constant 8 : i32
    %add3A_670 = arith.addi %mul3A_2, %add3A_669 : i32
    %dma_start3A_671 = arith.constant 89600 : i32
    %dma_start3A_672 = tpu.memref_slice %arg2[%add3A_670, %dma_start3A_671] : memref<1024x100000xf32, #tpu.memory_space<hbm>> -> memref<8x6400xf32, #tpu.memory_space<hbm>>
    %dma_start3A_673 = arith.constant 89600 : i32
    %dma_start3A_674 = tpu.memref_slice %arg2[%add3A_670, %dma_start3A_673] : memref<1024x100000xf32, #tpu.memory_space<hbm>> -> memref<8x6400xf32, #tpu.memory_space<hbm>>
    tpu.enqueue_dma source(%dma_start3A_674 : memref<8x6400xf32, #tpu.memory_space<hbm>>) target(%arg4 : memref<8x6400xf32, #tpu.memory_space<vmem>>) target_semaphore(%arg6 : memref<!tpu.dma_semaphore, #tpu.memory_space<semaphore_mem>>)
    %add3A_675 = arith.constant 8 : i32
    %add3A_676 = arith.addi %mul3A_2, %add3A_675 : i32
    %dma_wait3A_677 = arith.constant 83200 : i32
    %dma_wait3A_678 = tpu.memref_slice %arg2[%add3A_676, %dma_wait3A_677] : memref<1024x100000xf32, #tpu.memory_space<hbm>> -> memref<8x6400xf32, #tpu.memory_space<hbm>>
    %dma_wait3A_679 = arith.constant 83200 : i32
    %dma_wait3A_680 = tpu.memref_slice %arg2[%add3A_676, %dma_wait3A_679] : memref<1024x100000xf32, #tpu.memory_space<hbm>> -> memref<8x6400xf32, #tpu.memory_space<hbm>>
    tpu.wait_dma2 semaphore(%arg7 : memref<!tpu.dma_semaphore, #tpu.memory_space<semaphore_mem>>) src(%dma_wait3A_680 : memref<8x6400xf32, #tpu.memory_space<hbm>>) dst(%arg5 : memref<8x6400xf32, #tpu.memory_space<vmem>>)
    %dma_start3A_681 = arith.constant 83200 : i32
    %dma_start3A_682 = tpu.memref_slice %arg3[%add3A_676, %dma_start3A_681] : memref<1024x100000xf32, #tpu.memory_space<hbm>> -> memref<8x6400xf32, #tpu.memory_space<hbm>>
    %dma_start3A_683 = arith.constant 83200 : i32
    %dma_start3A_684 = tpu.memref_slice %arg3[%add3A_676, %dma_start3A_683] : memref<1024x100000xf32, #tpu.memory_space<hbm>> -> memref<8x6400xf32, #tpu.memory_space<hbm>>
    tpu.enqueue_dma source(%arg5 : memref<8x6400xf32, #tpu.memory_space<vmem>>) target(%dma_start3A_684 : memref<8x6400xf32, #tpu.memory_space<hbm>>) target_semaphore(%arg9 : memref<!tpu.dma_semaphore, #tpu.memory_space<semaphore_mem>>)
    %add3A_685 = arith.constant 8 : i32
    %add3A_686 = arith.addi %mul3A_2, %add3A_685 : i32
    %dma_wait3A_687 = arith.constant 83200 : i32
    %dma_wait3A_688 = tpu.memref_slice %arg3[%add3A_686, %dma_wait3A_687] : memref<1024x100000xf32, #tpu.memory_space<hbm>> -> memref<8x6400xf32, #tpu.memory_space<hbm>>
    %dma_wait3A_689 = arith.constant 83200 : i32
    %dma_wait3A_690 = tpu.memref_slice %arg3[%add3A_686, %dma_wait3A_689] : memref<1024x100000xf32, #tpu.memory_space<hbm>> -> memref<8x6400xf32, #tpu.memory_space<hbm>>
    tpu.wait_dma2 semaphore(%arg9 : memref<!tpu.dma_semaphore, #tpu.memory_space<semaphore_mem>>) src(%arg5 : memref<8x6400xf32, #tpu.memory_space<vmem>>) dst(%dma_wait3A_690 : memref<8x6400xf32, #tpu.memory_space<hbm>>)
    %add3A_691 = arith.constant 8 : i32
    %add3A_692 = arith.addi %mul3A_2, %add3A_691 : i32
    %dma_start3A_693 = arith.constant 0 : i32
    %dma_start3A_694 = arith.constant 0 : i32
    %dma_start3A_695 = tpu.memref_slice %arg5[%dma_start3A_693, %dma_start3A_694] : memref<8x6400xf32, #tpu.memory_space<vmem>> -> memref<8x3968xf32, #tpu.memory_space<vmem>>
    %dma_start3A_696 = arith.constant 96000 : i32
    %dma_start3A_697 = tpu.memref_slice %arg2[%add3A_692, %dma_start3A_696] : memref<1024x100000xf32, #tpu.memory_space<hbm>> -> memref<8x3968xf32, #tpu.memory_space<hbm>>
    %dma_start3A_698 = arith.constant 0 : i32
    %dma_start3A_699 = arith.constant 0 : i32
    %dma_start3A_700 = tpu.memref_slice %arg5[%dma_start3A_698, %dma_start3A_699] : memref<8x6400xf32, #tpu.memory_space<vmem>> -> memref<8x3968xf32, #tpu.memory_space<vmem>>
    %dma_start3A_701 = arith.constant 96000 : i32
    %dma_start3A_702 = tpu.memref_slice %arg2[%add3A_692, %dma_start3A_701] : memref<1024x100000xf32, #tpu.memory_space<hbm>> -> memref<8x3968xf32, #tpu.memory_space<hbm>>
    tpu.enqueue_dma source(%dma_start3A_702 : memref<8x3968xf32, #tpu.memory_space<hbm>>) target(%dma_start3A_700 : memref<8x3968xf32, #tpu.memory_space<vmem>>) target_semaphore(%arg7 : memref<!tpu.dma_semaphore, #tpu.memory_space<semaphore_mem>>)
    %add3A_703 = arith.constant 8 : i32
    %add3A_704 = arith.addi %mul3A_2, %add3A_703 : i32
    %dma_wait3A_705 = arith.constant 89600 : i32
    %dma_wait3A_706 = tpu.memref_slice %arg2[%add3A_704, %dma_wait3A_705] : memref<1024x100000xf32, #tpu.memory_space<hbm>> -> memref<8x6400xf32, #tpu.memory_space<hbm>>
    %dma_wait3A_707 = arith.constant 89600 : i32
    %dma_wait3A_708 = tpu.memref_slice %arg2[%add3A_704, %dma_wait3A_707] : memref<1024x100000xf32, #tpu.memory_space<hbm>> -> memref<8x6400xf32, #tpu.memory_space<hbm>>
    tpu.wait_dma2 semaphore(%arg6 : memref<!tpu.dma_semaphore, #tpu.memory_space<semaphore_mem>>) src(%dma_wait3A_708 : memref<8x6400xf32, #tpu.memory_space<hbm>>) dst(%arg4 : memref<8x6400xf32, #tpu.memory_space<vmem>>)
    %dma_start3A_709 = arith.constant 89600 : i32
    %dma_start3A_710 = tpu.memref_slice %arg3[%add3A_704, %dma_start3A_709] : memref<1024x100000xf32, #tpu.memory_space<hbm>> -> memref<8x6400xf32, #tpu.memory_space<hbm>>
    %dma_start3A_711 = arith.constant 89600 : i32
    %dma_start3A_712 = tpu.memref_slice %arg3[%add3A_704, %dma_start3A_711] : memref<1024x100000xf32, #tpu.memory_space<hbm>> -> memref<8x6400xf32, #tpu.memory_space<hbm>>
    tpu.enqueue_dma source(%arg4 : memref<8x6400xf32, #tpu.memory_space<vmem>>) target(%dma_start3A_712 : memref<8x6400xf32, #tpu.memory_space<hbm>>) target_semaphore(%arg8 : memref<!tpu.dma_semaphore, #tpu.memory_space<semaphore_mem>>)
    %add3A_713 = arith.constant 8 : i32
    %add3A_714 = arith.addi %mul3A_2, %add3A_713 : i32
    %dma_wait3A_715 = arith.constant 89600 : i32
    %dma_wait3A_716 = tpu.memref_slice %arg3[%add3A_714, %dma_wait3A_715] : memref<1024x100000xf32, #tpu.memory_space<hbm>> -> memref<8x6400xf32, #tpu.memory_space<hbm>>
    %dma_wait3A_717 = arith.constant 89600 : i32
    %dma_wait3A_718 = tpu.memref_slice %arg3[%add3A_714, %dma_wait3A_717] : memref<1024x100000xf32, #tpu.memory_space<hbm>> -> memref<8x6400xf32, #tpu.memory_space<hbm>>
    tpu.wait_dma2 semaphore(%arg8 : memref<!tpu.dma_semaphore, #tpu.memory_space<semaphore_mem>>) src(%arg4 : memref<8x6400xf32, #tpu.memory_space<vmem>>) dst(%dma_wait3A_718 : memref<8x6400xf32, #tpu.memory_space<hbm>>)
    %add3A_719 = arith.constant 16 : i32
    %add3A_720 = arith.addi %mul3A_2, %add3A_719 : i32
    %dma_start3A_721 = arith.constant 0 : i32
    %dma_start3A_722 = tpu.memref_slice %arg2[%add3A_720, %dma_start3A_721] : memref<1024x100000xf32, #tpu.memory_space<hbm>> -> memref<8x6400xf32, #tpu.memory_space<hbm>>
    %dma_start3A_723 = arith.constant 0 : i32
    %dma_start3A_724 = tpu.memref_slice %arg2[%add3A_720, %dma_start3A_723] : memref<1024x100000xf32, #tpu.memory_space<hbm>> -> memref<8x6400xf32, #tpu.memory_space<hbm>>
    tpu.enqueue_dma source(%dma_start3A_724 : memref<8x6400xf32, #tpu.memory_space<hbm>>) target(%arg4 : memref<8x6400xf32, #tpu.memory_space<vmem>>) target_semaphore(%arg6 : memref<!tpu.dma_semaphore, #tpu.memory_space<semaphore_mem>>)
    %add3A_725 = arith.constant 8 : i32
    %add3A_726 = arith.addi %mul3A_2, %add3A_725 : i32
    %dma_wait3A_727 = arith.constant 0 : i32
    %dma_wait3A_728 = arith.constant 0 : i32
    %dma_wait3A_729 = tpu.memref_slice %arg5[%dma_wait3A_727, %dma_wait3A_728] : memref<8x6400xf32, #tpu.memory_space<vmem>> -> memref<8x3968xf32, #tpu.memory_space<vmem>>
    %dma_wait3A_730 = arith.constant 96000 : i32
    %dma_wait3A_731 = tpu.memref_slice %arg2[%add3A_726, %dma_wait3A_730] : memref<1024x100000xf32, #tpu.memory_space<hbm>> -> memref<8x3968xf32, #tpu.memory_space<hbm>>
    %dma_wait3A_732 = arith.constant 0 : i32
    %dma_wait3A_733 = arith.constant 0 : i32
    %dma_wait3A_734 = tpu.memref_slice %arg5[%dma_wait3A_732, %dma_wait3A_733] : memref<8x6400xf32, #tpu.memory_space<vmem>> -> memref<8x3968xf32, #tpu.memory_space<vmem>>
    %dma_wait3A_735 = arith.constant 96000 : i32
    %dma_wait3A_736 = tpu.memref_slice %arg2[%add3A_726, %dma_wait3A_735] : memref<1024x100000xf32, #tpu.memory_space<hbm>> -> memref<8x3968xf32, #tpu.memory_space<hbm>>
    tpu.wait_dma2 semaphore(%arg7 : memref<!tpu.dma_semaphore, #tpu.memory_space<semaphore_mem>>) src(%dma_wait3A_736 : memref<8x3968xf32, #tpu.memory_space<hbm>>) dst(%dma_wait3A_734 : memref<8x3968xf32, #tpu.memory_space<vmem>>)
    %dma_start3A_737 = arith.constant 0 : i32
    %dma_start3A_738 = arith.constant 0 : i32
    %dma_start3A_739 = tpu.memref_slice %arg5[%dma_start3A_737, %dma_start3A_738] : memref<8x6400xf32, #tpu.memory_space<vmem>> -> memref<8x3968xf32, #tpu.memory_space<vmem>>
    %dma_start3A_740 = arith.constant 96000 : i32
    %dma_start3A_741 = tpu.memref_slice %arg3[%add3A_726, %dma_start3A_740] : memref<1024x100000xf32, #tpu.memory_space<hbm>> -> memref<8x3968xf32, #tpu.memory_space<hbm>>
    %dma_start3A_742 = arith.constant 96000 : i32
    %dma_start3A_743 = tpu.memref_slice %arg3[%add3A_726, %dma_start3A_742] : memref<1024x100000xf32, #tpu.memory_space<hbm>> -> memref<8x3968xf32, #tpu.memory_space<hbm>>
    %dma_start3A_744 = arith.constant 0 : i32
    %dma_start3A_745 = arith.constant 0 : i32
    %dma_start3A_746 = tpu.memref_slice %arg5[%dma_start3A_744, %dma_start3A_745] : memref<8x6400xf32, #tpu.memory_space<vmem>> -> memref<8x3968xf32, #tpu.memory_space<vmem>>
    tpu.enqueue_dma source(%dma_start3A_746 : memref<8x3968xf32, #tpu.memory_space<vmem>>) target(%dma_start3A_743 : memref<8x3968xf32, #tpu.memory_space<hbm>>) target_semaphore(%arg9 : memref<!tpu.dma_semaphore, #tpu.memory_space<semaphore_mem>>)
    %add3A_747 = arith.constant 8 : i32
    %add3A_748 = arith.addi %mul3A_2, %add3A_747 : i32
    %dma_wait3A_749 = arith.constant 0 : i32
    %dma_wait3A_750 = arith.constant 0 : i32
    %dma_wait3A_751 = tpu.memref_slice %arg5[%dma_wait3A_749, %dma_wait3A_750] : memref<8x6400xf32, #tpu.memory_space<vmem>> -> memref<8x3968xf32, #tpu.memory_space<vmem>>
    %dma_wait3A_752 = arith.constant 96000 : i32
    %dma_wait3A_753 = tpu.memref_slice %arg3[%add3A_748, %dma_wait3A_752] : memref<1024x100000xf32, #tpu.memory_space<hbm>> -> memref<8x3968xf32, #tpu.memory_space<hbm>>
    %dma_wait3A_754 = arith.constant 96000 : i32
    %dma_wait3A_755 = tpu.memref_slice %arg3[%add3A_748, %dma_wait3A_754] : memref<1024x100000xf32, #tpu.memory_space<hbm>> -> memref<8x3968xf32, #tpu.memory_space<hbm>>
    %dma_wait3A_756 = arith.constant 0 : i32
    %dma_wait3A_757 = arith.constant 0 : i32
    %dma_wait3A_758 = tpu.memref_slice %arg5[%dma_wait3A_756, %dma_wait3A_757] : memref<8x6400xf32, #tpu.memory_space<vmem>> -> memref<8x3968xf32, #tpu.memory_space<vmem>>
    tpu.wait_dma2 semaphore(%arg9 : memref<!tpu.dma_semaphore, #tpu.memory_space<semaphore_mem>>) src(%dma_wait3A_758 : memref<8x3968xf32, #tpu.memory_space<vmem>>) dst(%dma_wait3A_755 : memref<8x3968xf32, #tpu.memory_space<hbm>>)
    %add3A_759 = arith.constant 16 : i32
    %add3A_760 = arith.addi %mul3A_2, %add3A_759 : i32
    %dma_start3A_761 = arith.constant 6400 : i32
    %dma_start3A_762 = tpu.memref_slice %arg2[%add3A_760, %dma_start3A_761] : memref<1024x100000xf32, #tpu.memory_space<hbm>> -> memref<8x6400xf32, #tpu.memory_space<hbm>>
    %dma_start3A_763 = arith.constant 6400 : i32
    %dma_start3A_764 = tpu.memref_slice %arg2[%add3A_760, %dma_start3A_763] : memref<1024x100000xf32, #tpu.memory_space<hbm>> -> memref<8x6400xf32, #tpu.memory_space<hbm>>
    tpu.enqueue_dma source(%dma_start3A_764 : memref<8x6400xf32, #tpu.memory_space<hbm>>) target(%arg5 : memref<8x6400xf32, #tpu.memory_space<vmem>>) target_semaphore(%arg7 : memref<!tpu.dma_semaphore, #tpu.memory_space<semaphore_mem>>)
    %add3A_765 = arith.constant 16 : i32
    %add3A_766 = arith.addi %mul3A_2, %add3A_765 : i32
    %dma_wait3A_767 = arith.constant 0 : i32
    %dma_wait3A_768 = tpu.memref_slice %arg2[%add3A_766, %dma_wait3A_767] : memref<1024x100000xf32, #tpu.memory_space<hbm>> -> memref<8x6400xf32, #tpu.memory_space<hbm>>
    %dma_wait3A_769 = arith.constant 0 : i32
    %dma_wait3A_770 = tpu.memref_slice %arg2[%add3A_766, %dma_wait3A_769] : memref<1024x100000xf32, #tpu.memory_space<hbm>> -> memref<8x6400xf32, #tpu.memory_space<hbm>>
    tpu.wait_dma2 semaphore(%arg6 : memref<!tpu.dma_semaphore, #tpu.memory_space<semaphore_mem>>) src(%dma_wait3A_770 : memref<8x6400xf32, #tpu.memory_space<hbm>>) dst(%arg4 : memref<8x6400xf32, #tpu.memory_space<vmem>>)
    %dma_start3A_771 = arith.constant 0 : i32
    %dma_start3A_772 = tpu.memref_slice %arg3[%add3A_766, %dma_start3A_771] : memref<1024x100000xf32, #tpu.memory_space<hbm>> -> memref<8x6400xf32, #tpu.memory_space<hbm>>
    %dma_start3A_773 = arith.constant 0 : i32
    %dma_start3A_774 = tpu.memref_slice %arg3[%add3A_766, %dma_start3A_773] : memref<1024x100000xf32, #tpu.memory_space<hbm>> -> memref<8x6400xf32, #tpu.memory_space<hbm>>
    tpu.enqueue_dma source(%arg4 : memref<8x6400xf32, #tpu.memory_space<vmem>>) target(%dma_start3A_774 : memref<8x6400xf32, #tpu.memory_space<hbm>>) target_semaphore(%arg8 : memref<!tpu.dma_semaphore, #tpu.memory_space<semaphore_mem>>)
    %add3A_775 = arith.constant 16 : i32
    %add3A_776 = arith.addi %mul3A_2, %add3A_775 : i32
    %dma_wait3A_777 = arith.constant 0 : i32
    %dma_wait3A_778 = tpu.memref_slice %arg3[%add3A_776, %dma_wait3A_777] : memref<1024x100000xf32, #tpu.memory_space<hbm>> -> memref<8x6400xf32, #tpu.memory_space<hbm>>
    %dma_wait3A_779 = arith.constant 0 : i32
    %dma_wait3A_780 = tpu.memref_slice %arg3[%add3A_776, %dma_wait3A_779] : memref<1024x100000xf32, #tpu.memory_space<hbm>> -> memref<8x6400xf32, #tpu.memory_space<hbm>>
    tpu.wait_dma2 semaphore(%arg8 : memref<!tpu.dma_semaphore, #tpu.memory_space<semaphore_mem>>) src(%arg4 : memref<8x6400xf32, #tpu.memory_space<vmem>>) dst(%dma_wait3A_780 : memref<8x6400xf32, #tpu.memory_space<hbm>>)
    %add3A_781 = arith.constant 16 : i32
    %add3A_782 = arith.addi %mul3A_2, %add3A_781 : i32
    %dma_start3A_783 = arith.constant 12800 : i32
    %dma_start3A_784 = tpu.memref_slice %arg2[%add3A_782, %dma_start3A_783] : memref<1024x100000xf32, #tpu.memory_space<hbm>> -> memref<8x6400xf32, #tpu.memory_space<hbm>>
    %dma_start3A_785 = arith.constant 12800 : i32
    %dma_start3A_786 = tpu.memref_slice %arg2[%add3A_782, %dma_start3A_785] : memref<1024x100000xf32, #tpu.memory_space<hbm>> -> memref<8x6400xf32, #tpu.memory_space<hbm>>
    tpu.enqueue_dma source(%dma_start3A_786 : memref<8x6400xf32, #tpu.memory_space<hbm>>) target(%arg4 : memref<8x6400xf32, #tpu.memory_space<vmem>>) target_semaphore(%arg6 : memref<!tpu.dma_semaphore, #tpu.memory_space<semaphore_mem>>)
    %add3A_787 = arith.constant 16 : i32
    %add3A_788 = arith.addi %mul3A_2, %add3A_787 : i32
    %dma_wait3A_789 = arith.constant 6400 : i32
    %dma_wait3A_790 = tpu.memref_slice %arg2[%add3A_788, %dma_wait3A_789] : memref<1024x100000xf32, #tpu.memory_space<hbm>> -> memref<8x6400xf32, #tpu.memory_space<hbm>>
    %dma_wait3A_791 = arith.constant 6400 : i32
    %dma_wait3A_792 = tpu.memref_slice %arg2[%add3A_788, %dma_wait3A_791] : memref<1024x100000xf32, #tpu.memory_space<hbm>> -> memref<8x6400xf32, #tpu.memory_space<hbm>>
    tpu.wait_dma2 semaphore(%arg7 : memref<!tpu.dma_semaphore, #tpu.memory_space<semaphore_mem>>) src(%dma_wait3A_792 : memref<8x6400xf32, #tpu.memory_space<hbm>>) dst(%arg5 : memref<8x6400xf32, #tpu.memory_space<vmem>>)
    %dma_start3A_793 = arith.constant 6400 : i32
    %dma_start3A_794 = tpu.memref_slice %arg3[%add3A_788, %dma_start3A_793] : memref<1024x100000xf32, #tpu.memory_space<hbm>> -> memref<8x6400xf32, #tpu.memory_space<hbm>>
    %dma_start3A_795 = arith.constant 6400 : i32
    %dma_start3A_796 = tpu.memref_slice %arg3[%add3A_788, %dma_start3A_795] : memref<1024x100000xf32, #tpu.memory_space<hbm>> -> memref<8x6400xf32, #tpu.memory_space<hbm>>
    tpu.enqueue_dma source(%arg5 : memref<8x6400xf32, #tpu.memory_space<vmem>>) target(%dma_start3A_796 : memref<8x6400xf32, #tpu.memory_space<hbm>>) target_semaphore(%arg9 : memref<!tpu.dma_semaphore, #tpu.memory_space<semaphore_mem>>)
    %add3A_797 = arith.constant 16 : i32
    %add3A_798 = arith.addi %mul3A_2, %add3A_797 : i32
    %dma_wait3A_799 = arith.constant 6400 : i32
    %dma_wait3A_800 = tpu.memref_slice %arg3[%add3A_798, %dma_wait3A_799] : memref<1024x100000xf32, #tpu.memory_space<hbm>> -> memref<8x6400xf32, #tpu.memory_space<hbm>>
    %dma_wait3A_801 = arith.constant 6400 : i32
    %dma_wait3A_802 = tpu.memref_slice %arg3[%add3A_798, %dma_wait3A_801] : memref<1024x100000xf32, #tpu.memory_space<hbm>> -> memref<8x6400xf32, #tpu.memory_space<hbm>>
    tpu.wait_dma2 semaphore(%arg9 : memref<!tpu.dma_semaphore, #tpu.memory_space<semaphore_mem>>) src(%arg5 : memref<8x6400xf32, #tpu.memory_space<vmem>>) dst(%dma_wait3A_802 : memref<8x6400xf32, #tpu.memory_space<hbm>>)
    %add3A_803 = arith.constant 16 : i32
    %add3A_804 = arith.addi %mul3A_2, %add3A_803 : i32
    %dma_start3A_805 = arith.constant 19200 : i32
    %dma_start3A_806 = tpu.memref_slice %arg2[%add3A_804, %dma_start3A_805] : memref<1024x100000xf32, #tpu.memory_space<hbm>> -> memref<8x6400xf32, #tpu.memory_space<hbm>>
    %dma_start3A_807 = arith.constant 19200 : i32
    %dma_start3A_808 = tpu.memref_slice %arg2[%add3A_804, %dma_start3A_807] : memref<1024x100000xf32, #tpu.memory_space<hbm>> -> memref<8x6400xf32, #tpu.memory_space<hbm>>
    tpu.enqueue_dma source(%dma_start3A_808 : memref<8x6400xf32, #tpu.memory_space<hbm>>) target(%arg5 : memref<8x6400xf32, #tpu.memory_space<vmem>>) target_semaphore(%arg7 : memref<!tpu.dma_semaphore, #tpu.memory_space<semaphore_mem>>)
    %add3A_809 = arith.constant 16 : i32
    %add3A_810 = arith.addi %mul3A_2, %add3A_809 : i32
    %dma_wait3A_811 = arith.constant 12800 : i32
    %dma_wait3A_812 = tpu.memref_slice %arg2[%add3A_810, %dma_wait3A_811] : memref<1024x100000xf32, #tpu.memory_space<hbm>> -> memref<8x6400xf32, #tpu.memory_space<hbm>>
    %dma_wait3A_813 = arith.constant 12800 : i32
    %dma_wait3A_814 = tpu.memref_slice %arg2[%add3A_810, %dma_wait3A_813] : memref<1024x100000xf32, #tpu.memory_space<hbm>> -> memref<8x6400xf32, #tpu.memory_space<hbm>>
    tpu.wait_dma2 semaphore(%arg6 : memref<!tpu.dma_semaphore, #tpu.memory_space<semaphore_mem>>) src(%dma_wait3A_814 : memref<8x6400xf32, #tpu.memory_space<hbm>>) dst(%arg4 : memref<8x6400xf32, #tpu.memory_space<vmem>>)
    %dma_start3A_815 = arith.constant 12800 : i32
    %dma_start3A_816 = tpu.memref_slice %arg3[%add3A_810, %dma_start3A_815] : memref<1024x100000xf32, #tpu.memory_space<hbm>> -> memref<8x6400xf32, #tpu.memory_space<hbm>>
    %dma_start3A_817 = arith.constant 12800 : i32
    %dma_start3A_818 = tpu.memref_slice %arg3[%add3A_810, %dma_start3A_817] : memref<1024x100000xf32, #tpu.memory_space<hbm>> -> memref<8x6400xf32, #tpu.memory_space<hbm>>
    tpu.enqueue_dma source(%arg4 : memref<8x6400xf32, #tpu.memory_space<vmem>>) target(%dma_start3A_818 : memref<8x6400xf32, #tpu.memory_space<hbm>>) target_semaphore(%arg8 : memref<!tpu.dma_semaphore, #tpu.memory_space<semaphore_mem>>)
    %add3A_819 = arith.constant 16 : i32
    %add3A_820 = arith.addi %mul3A_2, %add3A_819 : i32
    %dma_wait3A_821 = arith.constant 12800 : i32
    %dma_wait3A_822 = tpu.memref_slice %arg3[%add3A_820, %dma_wait3A_821] : memref<1024x100000xf32, #tpu.memory_space<hbm>> -> memref<8x6400xf32, #tpu.memory_space<hbm>>
    %dma_wait3A_823 = arith.constant 12800 : i32
    %dma_wait3A_824 = tpu.memref_slice %arg3[%add3A_820, %dma_wait3A_823] : memref<1024x100000xf32, #tpu.memory_space<hbm>> -> memref<8x6400xf32, #tpu.memory_space<hbm>>
    tpu.wait_dma2 semaphore(%arg8 : memref<!tpu.dma_semaphore, #tpu.memory_space<semaphore_mem>>) src(%arg4 : memref<8x6400xf32, #tpu.memory_space<vmem>>) dst(%dma_wait3A_824 : memref<8x6400xf32, #tpu.memory_space<hbm>>)
    %add3A_825 = arith.constant 16 : i32
    %add3A_826 = arith.addi %mul3A_2, %add3A_825 : i32
    %dma_start3A_827 = arith.constant 25600 : i32
    %dma_start3A_828 = tpu.memref_slice %arg2[%add3A_826, %dma_start3A_827] : memref<1024x100000xf32, #tpu.memory_space<hbm>> -> memref<8x6400xf32, #tpu.memory_space<hbm>>
    %dma_start3A_829 = arith.constant 25600 : i32
    %dma_start3A_830 = tpu.memref_slice %arg2[%add3A_826, %dma_start3A_829] : memref<1024x100000xf32, #tpu.memory_space<hbm>> -> memref<8x6400xf32, #tpu.memory_space<hbm>>
    tpu.enqueue_dma source(%dma_start3A_830 : memref<8x6400xf32, #tpu.memory_space<hbm>>) target(%arg4 : memref<8x6400xf32, #tpu.memory_space<vmem>>) target_semaphore(%arg6 : memref<!tpu.dma_semaphore, #tpu.memory_space<semaphore_mem>>)
    %add3A_831 = arith.constant 16 : i32
    %add3A_832 = arith.addi %mul3A_2, %add3A_831 : i32
    %dma_wait3A_833 = arith.constant 19200 : i32
    %dma_wait3A_834 = tpu.memref_slice %arg2[%add3A_832, %dma_wait3A_833] : memref<1024x100000xf32, #tpu.memory_space<hbm>> -> memref<8x6400xf32, #tpu.memory_space<hbm>>
    %dma_wait3A_835 = arith.constant 19200 : i32
    %dma_wait3A_836 = tpu.memref_slice %arg2[%add3A_832, %dma_wait3A_835] : memref<1024x100000xf32, #tpu.memory_space<hbm>> -> memref<8x6400xf32, #tpu.memory_space<hbm>>
    tpu.wait_dma2 semaphore(%arg7 : memref<!tpu.dma_semaphore, #tpu.memory_space<semaphore_mem>>) src(%dma_wait3A_836 : memref<8x6400xf32, #tpu.memory_space<hbm>>) dst(%arg5 : memref<8x6400xf32, #tpu.memory_space<vmem>>)
    %dma_start3A_837 = arith.constant 19200 : i32
    %dma_start3A_838 = tpu.memref_slice %arg3[%add3A_832, %dma_start3A_837] : memref<1024x100000xf32, #tpu.memory_space<hbm>> -> memref<8x6400xf32, #tpu.memory_space<hbm>>
    %dma_start3A_839 = arith.constant 19200 : i32
    %dma_start3A_840 = tpu.memref_slice %arg3[%add3A_832, %dma_start3A_839] : memref<1024x100000xf32, #tpu.memory_space<hbm>> -> memref<8x6400xf32, #tpu.memory_space<hbm>>
    tpu.enqueue_dma source(%arg5 : memref<8x6400xf32, #tpu.memory_space<vmem>>) target(%dma_start3A_840 : memref<8x6400xf32, #tpu.memory_space<hbm>>) target_semaphore(%arg9 : memref<!tpu.dma_semaphore, #tpu.memory_space<semaphore_mem>>)
    %add3A_841 = arith.constant 16 : i32
    %add3A_842 = arith.addi %mul3A_2, %add3A_841 : i32
    %dma_wait3A_843 = arith.constant 19200 : i32
    %dma_wait3A_844 = tpu.memref_slice %arg3[%add3A_842, %dma_wait3A_843] : memref<1024x100000xf32, #tpu.memory_space<hbm>> -> memref<8x6400xf32, #tpu.memory_space<hbm>>
    %dma_wait3A_845 = arith.constant 19200 : i32
    %dma_wait3A_846 = tpu.memref_slice %arg3[%add3A_842, %dma_wait3A_845] : memref<1024x100000xf32, #tpu.memory_space<hbm>> -> memref<8x6400xf32, #tpu.memory_space<hbm>>
    tpu.wait_dma2 semaphore(%arg9 : memref<!tpu.dma_semaphore, #tpu.memory_space<semaphore_mem>>) src(%arg5 : memref<8x6400xf32, #tpu.memory_space<vmem>>) dst(%dma_wait3A_846 : memref<8x6400xf32, #tpu.memory_space<hbm>>)
    %add3A_847 = arith.constant 16 : i32
    %add3A_848 = arith.addi %mul3A_2, %add3A_847 : i32
    %dma_start3A_849 = arith.constant 32000 : i32
    %dma_start3A_850 = tpu.memref_slice %arg2[%add3A_848, %dma_start3A_849] : memref<1024x100000xf32, #tpu.memory_space<hbm>> -> memref<8x6400xf32, #tpu.memory_space<hbm>>
    %dma_start3A_851 = arith.constant 32000 : i32
    %dma_start3A_852 = tpu.memref_slice %arg2[%add3A_848, %dma_start3A_851] : memref<1024x100000xf32, #tpu.memory_space<hbm>> -> memref<8x6400xf32, #tpu.memory_space<hbm>>
    tpu.enqueue_dma source(%dma_start3A_852 : memref<8x6400xf32, #tpu.memory_space<hbm>>) target(%arg5 : memref<8x6400xf32, #tpu.memory_space<vmem>>) target_semaphore(%arg7 : memref<!tpu.dma_semaphore, #tpu.memory_space<semaphore_mem>>)
    %add3A_853 = arith.constant 16 : i32
    %add3A_854 = arith.addi %mul3A_2, %add3A_853 : i32
    %dma_wait3A_855 = arith.constant 25600 : i32
    %dma_wait3A_856 = tpu.memref_slice %arg2[%add3A_854, %dma_wait3A_855] : memref<1024x100000xf32, #tpu.memory_space<hbm>> -> memref<8x6400xf32, #tpu.memory_space<hbm>>
    %dma_wait3A_857 = arith.constant 25600 : i32
    %dma_wait3A_858 = tpu.memref_slice %arg2[%add3A_854, %dma_wait3A_857] : memref<1024x100000xf32, #tpu.memory_space<hbm>> -> memref<8x6400xf32, #tpu.memory_space<hbm>>
    tpu.wait_dma2 semaphore(%arg6 : memref<!tpu.dma_semaphore, #tpu.memory_space<semaphore_mem>>) src(%dma_wait3A_858 : memref<8x6400xf32, #tpu.memory_space<hbm>>) dst(%arg4 : memref<8x6400xf32, #tpu.memory_space<vmem>>)
    %dma_start3A_859 = arith.constant 25600 : i32
    %dma_start3A_860 = tpu.memref_slice %arg3[%add3A_854, %dma_start3A_859] : memref<1024x100000xf32, #tpu.memory_space<hbm>> -> memref<8x6400xf32, #tpu.memory_space<hbm>>
    %dma_start3A_861 = arith.constant 25600 : i32
    %dma_start3A_862 = tpu.memref_slice %arg3[%add3A_854, %dma_start3A_861] : memref<1024x100000xf32, #tpu.memory_space<hbm>> -> memref<8x6400xf32, #tpu.memory_space<hbm>>
    tpu.enqueue_dma source(%arg4 : memref<8x6400xf32, #tpu.memory_space<vmem>>) target(%dma_start3A_862 : memref<8x6400xf32, #tpu.memory_space<hbm>>) target_semaphore(%arg8 : memref<!tpu.dma_semaphore, #tpu.memory_space<semaphore_mem>>)
    %add3A_863 = arith.constant 16 : i32
    %add3A_864 = arith.addi %mul3A_2, %add3A_863 : i32
    %dma_wait3A_865 = arith.constant 25600 : i32
    %dma_wait3A_866 = tpu.memref_slice %arg3[%add3A_864, %dma_wait3A_865] : memref<1024x100000xf32, #tpu.memory_space<hbm>> -> memref<8x6400xf32, #tpu.memory_space<hbm>>
    %dma_wait3A_867 = arith.constant 25600 : i32
    %dma_wait3A_868 = tpu.memref_slice %arg3[%add3A_864, %dma_wait3A_867] : memref<1024x100000xf32, #tpu.memory_space<hbm>> -> memref<8x6400xf32, #tpu.memory_space<hbm>>
    tpu.wait_dma2 semaphore(%arg8 : memref<!tpu.dma_semaphore, #tpu.memory_space<semaphore_mem>>) src(%arg4 : memref<8x6400xf32, #tpu.memory_space<vmem>>) dst(%dma_wait3A_868 : memref<8x6400xf32, #tpu.memory_space<hbm>>)
    %add3A_869 = arith.constant 16 : i32
    %add3A_870 = arith.addi %mul3A_2, %add3A_869 : i32
    %dma_start3A_871 = arith.constant 38400 : i32
    %dma_start3A_872 = tpu.memref_slice %arg2[%add3A_870, %dma_start3A_871] : memref<1024x100000xf32, #tpu.memory_space<hbm>> -> memref<8x6400xf32, #tpu.memory_space<hbm>>
    %dma_start3A_873 = arith.constant 38400 : i32
    %dma_start3A_874 = tpu.memref_slice %arg2[%add3A_870, %dma_start3A_873] : memref<1024x100000xf32, #tpu.memory_space<hbm>> -> memref<8x6400xf32, #tpu.memory_space<hbm>>
    tpu.enqueue_dma source(%dma_start3A_874 : memref<8x6400xf32, #tpu.memory_space<hbm>>) target(%arg4 : memref<8x6400xf32, #tpu.memory_space<vmem>>) target_semaphore(%arg6 : memref<!tpu.dma_semaphore, #tpu.memory_space<semaphore_mem>>)
    %add3A_875 = arith.constant 16 : i32
    %add3A_876 = arith.addi %mul3A_2, %add3A_875 : i32
    %dma_wait3A_877 = arith.constant 32000 : i32
    %dma_wait3A_878 = tpu.memref_slice %arg2[%add3A_876, %dma_wait3A_877] : memref<1024x100000xf32, #tpu.memory_space<hbm>> -> memref<8x6400xf32, #tpu.memory_space<hbm>>
    %dma_wait3A_879 = arith.constant 32000 : i32
    %dma_wait3A_880 = tpu.memref_slice %arg2[%add3A_876, %dma_wait3A_879] : memref<1024x100000xf32, #tpu.memory_space<hbm>> -> memref<8x6400xf32, #tpu.memory_space<hbm>>
    tpu.wait_dma2 semaphore(%arg7 : memref<!tpu.dma_semaphore, #tpu.memory_space<semaphore_mem>>) src(%dma_wait3A_880 : memref<8x6400xf32, #tpu.memory_space<hbm>>) dst(%arg5 : memref<8x6400xf32, #tpu.memory_space<vmem>>)
    %dma_start3A_881 = arith.constant 32000 : i32
    %dma_start3A_882 = tpu.memref_slice %arg3[%add3A_876, %dma_start3A_881] : memref<1024x100000xf32, #tpu.memory_space<hbm>> -> memref<8x6400xf32, #tpu.memory_space<hbm>>
    %dma_start3A_883 = arith.constant 32000 : i32
    %dma_start3A_884 = tpu.memref_slice %arg3[%add3A_876, %dma_start3A_883] : memref<1024x100000xf32, #tpu.memory_space<hbm>> -> memref<8x6400xf32, #tpu.memory_space<hbm>>
    tpu.enqueue_dma source(%arg5 : memref<8x6400xf32, #tpu.memory_space<vmem>>) target(%dma_start3A_884 : memref<8x6400xf32, #tpu.memory_space<hbm>>) target_semaphore(%arg9 : memref<!tpu.dma_semaphore, #tpu.memory_space<semaphore_mem>>)
    %add3A_885 = arith.constant 16 : i32
    %add3A_886 = arith.addi %mul3A_2, %add3A_885 : i32
    %dma_wait3A_887 = arith.constant 32000 : i32
    %dma_wait3A_888 = tpu.memref_slice %arg3[%add3A_886, %dma_wait3A_887] : memref<1024x100000xf32, #tpu.memory_space<hbm>> -> memref<8x6400xf32, #tpu.memory_space<hbm>>
    %dma_wait3A_889 = arith.constant 32000 : i32
    %dma_wait3A_890 = tpu.memref_slice %arg3[%add3A_886, %dma_wait3A_889] : memref<1024x100000xf32, #tpu.memory_space<hbm>> -> memref<8x6400xf32, #tpu.memory_space<hbm>>
    tpu.wait_dma2 semaphore(%arg9 : memref<!tpu.dma_semaphore, #tpu.memory_space<semaphore_mem>>) src(%arg5 : memref<8x6400xf32, #tpu.memory_space<vmem>>) dst(%dma_wait3A_890 : memref<8x6400xf32, #tpu.memory_space<hbm>>)
    %add3A_891 = arith.constant 16 : i32
    %add3A_892 = arith.addi %mul3A_2, %add3A_891 : i32
    %dma_start3A_893 = arith.constant 44800 : i32
    %dma_start3A_894 = tpu.memref_slice %arg2[%add3A_892, %dma_start3A_893] : memref<1024x100000xf32, #tpu.memory_space<hbm>> -> memref<8x6400xf32, #tpu.memory_space<hbm>>
    %dma_start3A_895 = arith.constant 44800 : i32
    %dma_start3A_896 = tpu.memref_slice %arg2[%add3A_892, %dma_start3A_895] : memref<1024x100000xf32, #tpu.memory_space<hbm>> -> memref<8x6400xf32, #tpu.memory_space<hbm>>
    tpu.enqueue_dma source(%dma_start3A_896 : memref<8x6400xf32, #tpu.memory_space<hbm>>) target(%arg5 : memref<8x6400xf32, #tpu.memory_space<vmem>>) target_semaphore(%arg7 : memref<!tpu.dma_semaphore, #tpu.memory_space<semaphore_mem>>)
    %add3A_897 = arith.constant 16 : i32
    %add3A_898 = arith.addi %mul3A_2, %add3A_897 : i32
    %dma_wait3A_899 = arith.constant 38400 : i32
    %dma_wait3A_900 = tpu.memref_slice %arg2[%add3A_898, %dma_wait3A_899] : memref<1024x100000xf32, #tpu.memory_space<hbm>> -> memref<8x6400xf32, #tpu.memory_space<hbm>>
    %dma_wait3A_901 = arith.constant 38400 : i32
    %dma_wait3A_902 = tpu.memref_slice %arg2[%add3A_898, %dma_wait3A_901] : memref<1024x100000xf32, #tpu.memory_space<hbm>> -> memref<8x6400xf32, #tpu.memory_space<hbm>>
    tpu.wait_dma2 semaphore(%arg6 : memref<!tpu.dma_semaphore, #tpu.memory_space<semaphore_mem>>) src(%dma_wait3A_902 : memref<8x6400xf32, #tpu.memory_space<hbm>>) dst(%arg4 : memref<8x6400xf32, #tpu.memory_space<vmem>>)
    %dma_start3A_903 = arith.constant 38400 : i32
    %dma_start3A_904 = tpu.memref_slice %arg3[%add3A_898, %dma_start3A_903] : memref<1024x100000xf32, #tpu.memory_space<hbm>> -> memref<8x6400xf32, #tpu.memory_space<hbm>>
    %dma_start3A_905 = arith.constant 38400 : i32
    %dma_start3A_906 = tpu.memref_slice %arg3[%add3A_898, %dma_start3A_905] : memref<1024x100000xf32, #tpu.memory_space<hbm>> -> memref<8x6400xf32, #tpu.memory_space<hbm>>
    tpu.enqueue_dma source(%arg4 : memref<8x6400xf32, #tpu.memory_space<vmem>>) target(%dma_start3A_906 : memref<8x6400xf32, #tpu.memory_space<hbm>>) target_semaphore(%arg8 : memref<!tpu.dma_semaphore, #tpu.memory_space<semaphore_mem>>)
    %add3A_907 = arith.constant 16 : i32
    %add3A_908 = arith.addi %mul3A_2, %add3A_907 : i32
    %dma_wait3A_909 = arith.constant 38400 : i32
    %dma_wait3A_910 = tpu.memref_slice %arg3[%add3A_908, %dma_wait3A_909] : memref<1024x100000xf32, #tpu.memory_space<hbm>> -> memref<8x6400xf32, #tpu.memory_space<hbm>>
    %dma_wait3A_911 = arith.constant 38400 : i32
    %dma_wait3A_912 = tpu.memref_slice %arg3[%add3A_908, %dma_wait3A_911] : memref<1024x100000xf32, #tpu.memory_space<hbm>> -> memref<8x6400xf32, #tpu.memory_space<hbm>>
    tpu.wait_dma2 semaphore(%arg8 : memref<!tpu.dma_semaphore, #tpu.memory_space<semaphore_mem>>) src(%arg4 : memref<8x6400xf32, #tpu.memory_space<vmem>>) dst(%dma_wait3A_912 : memref<8x6400xf32, #tpu.memory_space<hbm>>)
    %add3A_913 = arith.constant 16 : i32
    %add3A_914 = arith.addi %mul3A_2, %add3A_913 : i32
    %dma_start3A_915 = arith.constant 51200 : i32
    %dma_start3A_916 = tpu.memref_slice %arg2[%add3A_914, %dma_start3A_915] : memref<1024x100000xf32, #tpu.memory_space<hbm>> -> memref<8x6400xf32, #tpu.memory_space<hbm>>
    %dma_start3A_917 = arith.constant 51200 : i32
    %dma_start3A_918 = tpu.memref_slice %arg2[%add3A_914, %dma_start3A_917] : memref<1024x100000xf32, #tpu.memory_space<hbm>> -> memref<8x6400xf32, #tpu.memory_space<hbm>>
    tpu.enqueue_dma source(%dma_start3A_918 : memref<8x6400xf32, #tpu.memory_space<hbm>>) target(%arg4 : memref<8x6400xf32, #tpu.memory_space<vmem>>) target_semaphore(%arg6 : memref<!tpu.dma_semaphore, #tpu.memory_space<semaphore_mem>>)
    %add3A_919 = arith.constant 16 : i32
    %add3A_920 = arith.addi %mul3A_2, %add3A_919 : i32
    %dma_wait3A_921 = arith.constant 44800 : i32
    %dma_wait3A_922 = tpu.memref_slice %arg2[%add3A_920, %dma_wait3A_921] : memref<1024x100000xf32, #tpu.memory_space<hbm>> -> memref<8x6400xf32, #tpu.memory_space<hbm>>
    %dma_wait3A_923 = arith.constant 44800 : i32
    %dma_wait3A_924 = tpu.memref_slice %arg2[%add3A_920, %dma_wait3A_923] : memref<1024x100000xf32, #tpu.memory_space<hbm>> -> memref<8x6400xf32, #tpu.memory_space<hbm>>
    tpu.wait_dma2 semaphore(%arg7 : memref<!tpu.dma_semaphore, #tpu.memory_space<semaphore_mem>>) src(%dma_wait3A_924 : memref<8x6400xf32, #tpu.memory_space<hbm>>) dst(%arg5 : memref<8x6400xf32, #tpu.memory_space<vmem>>)
    %dma_start3A_925 = arith.constant 44800 : i32
    %dma_start3A_926 = tpu.memref_slice %arg3[%add3A_920, %dma_start3A_925] : memref<1024x100000xf32, #tpu.memory_space<hbm>> -> memref<8x6400xf32, #tpu.memory_space<hbm>>
    %dma_start3A_927 = arith.constant 44800 : i32
    %dma_start3A_928 = tpu.memref_slice %arg3[%add3A_920, %dma_start3A_927] : memref<1024x100000xf32, #tpu.memory_space<hbm>> -> memref<8x6400xf32, #tpu.memory_space<hbm>>
    tpu.enqueue_dma source(%arg5 : memref<8x6400xf32, #tpu.memory_space<vmem>>) target(%dma_start3A_928 : memref<8x6400xf32, #tpu.memory_space<hbm>>) target_semaphore(%arg9 : memref<!tpu.dma_semaphore, #tpu.memory_space<semaphore_mem>>)
    %add3A_929 = arith.constant 16 : i32
    %add3A_930 = arith.addi %mul3A_2, %add3A_929 : i32
    %dma_wait3A_931 = arith.constant 44800 : i32
    %dma_wait3A_932 = tpu.memref_slice %arg3[%add3A_930, %dma_wait3A_931] : memref<1024x100000xf32, #tpu.memory_space<hbm>> -> memref<8x6400xf32, #tpu.memory_space<hbm>>
    %dma_wait3A_933 = arith.constant 44800 : i32
    %dma_wait3A_934 = tpu.memref_slice %arg3[%add3A_930, %dma_wait3A_933] : memref<1024x100000xf32, #tpu.memory_space<hbm>> -> memref<8x6400xf32, #tpu.memory_space<hbm>>
    tpu.wait_dma2 semaphore(%arg9 : memref<!tpu.dma_semaphore, #tpu.memory_space<semaphore_mem>>) src(%arg5 : memref<8x6400xf32, #tpu.memory_space<vmem>>) dst(%dma_wait3A_934 : memref<8x6400xf32, #tpu.memory_space<hbm>>)
    %add3A_935 = arith.constant 16 : i32
    %add3A_936 = arith.addi %mul3A_2, %add3A_935 : i32
    %dma_start3A_937 = arith.constant 57600 : i32
    %dma_start3A_938 = tpu.memref_slice %arg2[%add3A_936, %dma_start3A_937] : memref<1024x100000xf32, #tpu.memory_space<hbm>> -> memref<8x6400xf32, #tpu.memory_space<hbm>>
    %dma_start3A_939 = arith.constant 57600 : i32
    %dma_start3A_940 = tpu.memref_slice %arg2[%add3A_936, %dma_start3A_939] : memref<1024x100000xf32, #tpu.memory_space<hbm>> -> memref<8x6400xf32, #tpu.memory_space<hbm>>
    tpu.enqueue_dma source(%dma_start3A_940 : memref<8x6400xf32, #tpu.memory_space<hbm>>) target(%arg5 : memref<8x6400xf32, #tpu.memory_space<vmem>>) target_semaphore(%arg7 : memref<!tpu.dma_semaphore, #tpu.memory_space<semaphore_mem>>)
    %add3A_941 = arith.constant 16 : i32
    %add3A_942 = arith.addi %mul3A_2, %add3A_941 : i32
    %dma_wait3A_943 = arith.constant 51200 : i32
    %dma_wait3A_944 = tpu.memref_slice %arg2[%add3A_942, %dma_wait3A_943] : memref<1024x100000xf32, #tpu.memory_space<hbm>> -> memref<8x6400xf32, #tpu.memory_space<hbm>>
    %dma_wait3A_945 = arith.constant 51200 : i32
    %dma_wait3A_946 = tpu.memref_slice %arg2[%add3A_942, %dma_wait3A_945] : memref<1024x100000xf32, #tpu.memory_space<hbm>> -> memref<8x6400xf32, #tpu.memory_space<hbm>>
    tpu.wait_dma2 semaphore(%arg6 : memref<!tpu.dma_semaphore, #tpu.memory_space<semaphore_mem>>) src(%dma_wait3A_946 : memref<8x6400xf32, #tpu.memory_space<hbm>>) dst(%arg4 : memref<8x6400xf32, #tpu.memory_space<vmem>>)
    %dma_start3A_947 = arith.constant 51200 : i32
    %dma_start3A_948 = tpu.memref_slice %arg3[%add3A_942, %dma_start3A_947] : memref<1024x100000xf32, #tpu.memory_space<hbm>> -> memref<8x6400xf32, #tpu.memory_space<hbm>>
    %dma_start3A_949 = arith.constant 51200 : i32
    %dma_start3A_950 = tpu.memref_slice %arg3[%add3A_942, %dma_start3A_949] : memref<1024x100000xf32, #tpu.memory_space<hbm>> -> memref<8x6400xf32, #tpu.memory_space<hbm>>
    tpu.enqueue_dma source(%arg4 : memref<8x6400xf32, #tpu.memory_space<vmem>>) target(%dma_start3A_950 : memref<8x6400xf32, #tpu.memory_space<hbm>>) target_semaphore(%arg8 : memref<!tpu.dma_semaphore, #tpu.memory_space<semaphore_mem>>)
    %add3A_951 = arith.constant 16 : i32
    %add3A_952 = arith.addi %mul3A_2, %add3A_951 : i32
    %dma_wait3A_953 = arith.constant 51200 : i32
    %dma_wait3A_954 = tpu.memref_slice %arg3[%add3A_952, %dma_wait3A_953] : memref<1024x100000xf32, #tpu.memory_space<hbm>> -> memref<8x6400xf32, #tpu.memory_space<hbm>>
    %dma_wait3A_955 = arith.constant 51200 : i32
    %dma_wait3A_956 = tpu.memref_slice %arg3[%add3A_952, %dma_wait3A_955] : memref<1024x100000xf32, #tpu.memory_space<hbm>> -> memref<8x6400xf32, #tpu.memory_space<hbm>>
    tpu.wait_dma2 semaphore(%arg8 : memref<!tpu.dma_semaphore, #tpu.memory_space<semaphore_mem>>) src(%arg4 : memref<8x6400xf32, #tpu.memory_space<vmem>>) dst(%dma_wait3A_956 : memref<8x6400xf32, #tpu.memory_space<hbm>>)
    %add3A_957 = arith.constant 16 : i32
    %add3A_958 = arith.addi %mul3A_2, %add3A_957 : i32
    %dma_start3A_959 = arith.constant 64000 : i32
    %dma_start3A_960 = tpu.memref_slice %arg2[%add3A_958, %dma_start3A_959] : memref<1024x100000xf32, #tpu.memory_space<hbm>> -> memref<8x6400xf32, #tpu.memory_space<hbm>>
    %dma_start3A_961 = arith.constant 64000 : i32
    %dma_start3A_962 = tpu.memref_slice %arg2[%add3A_958, %dma_start3A_961] : memref<1024x100000xf32, #tpu.memory_space<hbm>> -> memref<8x6400xf32, #tpu.memory_space<hbm>>
    tpu.enqueue_dma source(%dma_start3A_962 : memref<8x6400xf32, #tpu.memory_space<hbm>>) target(%arg4 : memref<8x6400xf32, #tpu.memory_space<vmem>>) target_semaphore(%arg6 : memref<!tpu.dma_semaphore, #tpu.memory_space<semaphore_mem>>)
    %add3A_963 = arith.constant 16 : i32
    %add3A_964 = arith.addi %mul3A_2, %add3A_963 : i32
    %dma_wait3A_965 = arith.constant 57600 : i32
    %dma_wait3A_966 = tpu.memref_slice %arg2[%add3A_964, %dma_wait3A_965] : memref<1024x100000xf32, #tpu.memory_space<hbm>> -> memref<8x6400xf32, #tpu.memory_space<hbm>>
    %dma_wait3A_967 = arith.constant 57600 : i32
    %dma_wait3A_968 = tpu.memref_slice %arg2[%add3A_964, %dma_wait3A_967] : memref<1024x100000xf32, #tpu.memory_space<hbm>> -> memref<8x6400xf32, #tpu.memory_space<hbm>>
    tpu.wait_dma2 semaphore(%arg7 : memref<!tpu.dma_semaphore, #tpu.memory_space<semaphore_mem>>) src(%dma_wait3A_968 : memref<8x6400xf32, #tpu.memory_space<hbm>>) dst(%arg5 : memref<8x6400xf32, #tpu.memory_space<vmem>>)
    %dma_start3A_969 = arith.constant 57600 : i32
    %dma_start3A_970 = tpu.memref_slice %arg3[%add3A_964, %dma_start3A_969] : memref<1024x100000xf32, #tpu.memory_space<hbm>> -> memref<8x6400xf32, #tpu.memory_space<hbm>>
    %dma_start3A_971 = arith.constant 57600 : i32
    %dma_start3A_972 = tpu.memref_slice %arg3[%add3A_964, %dma_start3A_971] : memref<1024x100000xf32, #tpu.memory_space<hbm>> -> memref<8x6400xf32, #tpu.memory_space<hbm>>
    tpu.enqueue_dma source(%arg5 : memref<8x6400xf32, #tpu.memory_space<vmem>>) target(%dma_start3A_972 : memref<8x6400xf32, #tpu.memory_space<hbm>>) target_semaphore(%arg9 : memref<!tpu.dma_semaphore, #tpu.memory_space<semaphore_mem>>)
    %add3A_973 = arith.constant 16 : i32
    %add3A_974 = arith.addi %mul3A_2, %add3A_973 : i32
    %dma_wait3A_975 = arith.constant 57600 : i32
    %dma_wait3A_976 = tpu.memref_slice %arg3[%add3A_974, %dma_wait3A_975] : memref<1024x100000xf32, #tpu.memory_space<hbm>> -> memref<8x6400xf32, #tpu.memory_space<hbm>>
    %dma_wait3A_977 = arith.constant 57600 : i32
    %dma_wait3A_978 = tpu.memref_slice %arg3[%add3A_974, %dma_wait3A_977] : memref<1024x100000xf32, #tpu.memory_space<hbm>> -> memref<8x6400xf32, #tpu.memory_space<hbm>>
    tpu.wait_dma2 semaphore(%arg9 : memref<!tpu.dma_semaphore, #tpu.memory_space<semaphore_mem>>) src(%arg5 : memref<8x6400xf32, #tpu.memory_space<vmem>>) dst(%dma_wait3A_978 : memref<8x6400xf32, #tpu.memory_space<hbm>>)
    %add3A_979 = arith.constant 16 : i32
    %add3A_980 = arith.addi %mul3A_2, %add3A_979 : i32
    %dma_start3A_981 = arith.constant 70400 : i32
    %dma_start3A_982 = tpu.memref_slice %arg2[%add3A_980, %dma_start3A_981] : memref<1024x100000xf32, #tpu.memory_space<hbm>> -> memref<8x6400xf32, #tpu.memory_space<hbm>>
    %dma_start3A_983 = arith.constant 70400 : i32
    %dma_start3A_984 = tpu.memref_slice %arg2[%add3A_980, %dma_start3A_983] : memref<1024x100000xf32, #tpu.memory_space<hbm>> -> memref<8x6400xf32, #tpu.memory_space<hbm>>
    tpu.enqueue_dma source(%dma_start3A_984 : memref<8x6400xf32, #tpu.memory_space<hbm>>) target(%arg5 : memref<8x6400xf32, #tpu.memory_space<vmem>>) target_semaphore(%arg7 : memref<!tpu.dma_semaphore, #tpu.memory_space<semaphore_mem>>)
    %add3A_985 = arith.constant 16 : i32
    %add3A_986 = arith.addi %mul3A_2, %add3A_985 : i32
    %dma_wait3A_987 = arith.constant 64000 : i32
    %dma_wait3A_988 = tpu.memref_slice %arg2[%add3A_986, %dma_wait3A_987] : memref<1024x100000xf32, #tpu.memory_space<hbm>> -> memref<8x6400xf32, #tpu.memory_space<hbm>>
    %dma_wait3A_989 = arith.constant 64000 : i32
    %dma_wait3A_990 = tpu.memref_slice %arg2[%add3A_986, %dma_wait3A_989] : memref<1024x100000xf32, #tpu.memory_space<hbm>> -> memref<8x6400xf32, #tpu.memory_space<hbm>>
    tpu.wait_dma2 semaphore(%arg6 : memref<!tpu.dma_semaphore, #tpu.memory_space<semaphore_mem>>) src(%dma_wait3A_990 : memref<8x6400xf32, #tpu.memory_space<hbm>>) dst(%arg4 : memref<8x6400xf32, #tpu.memory_space<vmem>>)
    %dma_start3A_991 = arith.constant 64000 : i32
    %dma_start3A_992 = tpu.memref_slice %arg3[%add3A_986, %dma_start3A_991] : memref<1024x100000xf32, #tpu.memory_space<hbm>> -> memref<8x6400xf32, #tpu.memory_space<hbm>>
    %dma_start3A_993 = arith.constant 64000 : i32
    %dma_start3A_994 = tpu.memref_slice %arg3[%add3A_986, %dma_start3A_993] : memref<1024x100000xf32, #tpu.memory_space<hbm>> -> memref<8x6400xf32, #tpu.memory_space<hbm>>
    tpu.enqueue_dma source(%arg4 : memref<8x6400xf32, #tpu.memory_space<vmem>>) target(%dma_start3A_994 : memref<8x6400xf32, #tpu.memory_space<hbm>>) target_semaphore(%arg8 : memref<!tpu.dma_semaphore, #tpu.memory_space<semaphore_mem>>)
    %add3A_995 = arith.constant 16 : i32
    %add3A_996 = arith.addi %mul3A_2, %add3A_995 : i32
    %dma_wait3A_997 = arith.constant 64000 : i32
    %dma_wait3A_998 = tpu.memref_slice %arg3[%add3A_996, %dma_wait3A_997] : memref<1024x100000xf32, #tpu.memory_space<hbm>> -> memref<8x6400xf32, #tpu.memory_space<hbm>>
    %dma_wait3A_999 = arith.constant 64000 : i32
    %dma_wait3A_1000 = tpu.memref_slice %arg3[%add3A_996, %dma_wait3A_999] : memref<1024x100000xf32, #tpu.memory_space<hbm>> -> memref<8x6400xf32, #tpu.memory_space<hbm>>
    tpu.wait_dma2 semaphore(%arg8 : memref<!tpu.dma_semaphore, #tpu.memory_space<semaphore_mem>>) src(%arg4 : memref<8x6400xf32, #tpu.memory_space<vmem>>) dst(%dma_wait3A_1000 : memref<8x6400xf32, #tpu.memory_space<hbm>>)
    %add3A_1001 = arith.constant 16 : i32
    %add3A_1002 = arith.addi %mul3A_2, %add3A_1001 : i32
    %dma_start3A_1003 = arith.constant 76800 : i32
    %dma_start3A_1004 = tpu.memref_slice %arg2[%add3A_1002, %dma_start3A_1003] : memref<1024x100000xf32, #tpu.memory_space<hbm>> -> memref<8x6400xf32, #tpu.memory_space<hbm>>
    %dma_start3A_1005 = arith.constant 76800 : i32
    %dma_start3A_1006 = tpu.memref_slice %arg2[%add3A_1002, %dma_start3A_1005] : memref<1024x100000xf32, #tpu.memory_space<hbm>> -> memref<8x6400xf32, #tpu.memory_space<hbm>>
    tpu.enqueue_dma source(%dma_start3A_1006 : memref<8x6400xf32, #tpu.memory_space<hbm>>) target(%arg4 : memref<8x6400xf32, #tpu.memory_space<vmem>>) target_semaphore(%arg6 : memref<!tpu.dma_semaphore, #tpu.memory_space<semaphore_mem>>)
    %add3A_1007 = arith.constant 16 : i32
    %add3A_1008 = arith.addi %mul3A_2, %add3A_1007 : i32
    %dma_wait3A_1009 = arith.constant 70400 : i32
    %dma_wait3A_1010 = tpu.memref_slice %arg2[%add3A_1008, %dma_wait3A_1009] : memref<1024x100000xf32, #tpu.memory_space<hbm>> -> memref<8x6400xf32, #tpu.memory_space<hbm>>
    %dma_wait3A_1011 = arith.constant 70400 : i32
    %dma_wait3A_1012 = tpu.memref_slice %arg2[%add3A_1008, %dma_wait3A_1011] : memref<1024x100000xf32, #tpu.memory_space<hbm>> -> memref<8x6400xf32, #tpu.memory_space<hbm>>
    tpu.wait_dma2 semaphore(%arg7 : memref<!tpu.dma_semaphore, #tpu.memory_space<semaphore_mem>>) src(%dma_wait3A_1012 : memref<8x6400xf32, #tpu.memory_space<hbm>>) dst(%arg5 : memref<8x6400xf32, #tpu.memory_space<vmem>>)
    %dma_start3A_1013 = arith.constant 70400 : i32
    %dma_start3A_1014 = tpu.memref_slice %arg3[%add3A_1008, %dma_start3A_1013] : memref<1024x100000xf32, #tpu.memory_space<hbm>> -> memref<8x6400xf32, #tpu.memory_space<hbm>>
    %dma_start3A_1015 = arith.constant 70400 : i32
    %dma_start3A_1016 = tpu.memref_slice %arg3[%add3A_1008, %dma_start3A_1015] : memref<1024x100000xf32, #tpu.memory_space<hbm>> -> memref<8x6400xf32, #tpu.memory_space<hbm>>
    tpu.enqueue_dma source(%arg5 : memref<8x6400xf32, #tpu.memory_space<vmem>>) target(%dma_start3A_1016 : memref<8x6400xf32, #tpu.memory_space<hbm>>) target_semaphore(%arg9 : memref<!tpu.dma_semaphore, #tpu.memory_space<semaphore_mem>>)
    %add3A_1017 = arith.constant 16 : i32
    %add3A_1018 = arith.addi %mul3A_2, %add3A_1017 : i32
    %dma_wait3A_1019 = arith.constant 70400 : i32
    %dma_wait3A_1020 = tpu.memref_slice %arg3[%add3A_1018, %dma_wait3A_1019] : memref<1024x100000xf32, #tpu.memory_space<hbm>> -> memref<8x6400xf32, #tpu.memory_space<hbm>>
    %dma_wait3A_1021 = arith.constant 70400 : i32
    %dma_wait3A_1022 = tpu.memref_slice %arg3[%add3A_1018, %dma_wait3A_1021] : memref<1024x100000xf32, #tpu.memory_space<hbm>> -> memref<8x6400xf32, #tpu.memory_space<hbm>>
    tpu.wait_dma2 semaphore(%arg9 : memref<!tpu.dma_semaphore, #tpu.memory_space<semaphore_mem>>) src(%arg5 : memref<8x6400xf32, #tpu.memory_space<vmem>>) dst(%dma_wait3A_1022 : memref<8x6400xf32, #tpu.memory_space<hbm>>)
    %add3A_1023 = arith.constant 16 : i32
    %add3A_1024 = arith.addi %mul3A_2, %add3A_1023 : i32
    %dma_start3A_1025 = arith.constant 83200 : i32
    %dma_start3A_1026 = tpu.memref_slice %arg2[%add3A_1024, %dma_start3A_1025] : memref<1024x100000xf32, #tpu.memory_space<hbm>> -> memref<8x6400xf32, #tpu.memory_space<hbm>>
    %dma_start3A_1027 = arith.constant 83200 : i32
    %dma_start3A_1028 = tpu.memref_slice %arg2[%add3A_1024, %dma_start3A_1027] : memref<1024x100000xf32, #tpu.memory_space<hbm>> -> memref<8x6400xf32, #tpu.memory_space<hbm>>
    tpu.enqueue_dma source(%dma_start3A_1028 : memref<8x6400xf32, #tpu.memory_space<hbm>>) target(%arg5 : memref<8x6400xf32, #tpu.memory_space<vmem>>) target_semaphore(%arg7 : memref<!tpu.dma_semaphore, #tpu.memory_space<semaphore_mem>>)
    %add3A_1029 = arith.constant 16 : i32
    %add3A_1030 = arith.addi %mul3A_2, %add3A_1029 : i32
    %dma_wait3A_1031 = arith.constant 76800 : i32
    %dma_wait3A_1032 = tpu.memref_slice %arg2[%add3A_1030, %dma_wait3A_1031] : memref<1024x100000xf32, #tpu.memory_space<hbm>> -> memref<8x6400xf32, #tpu.memory_space<hbm>>
    %dma_wait3A_1033 = arith.constant 76800 : i32
    %dma_wait3A_1034 = tpu.memref_slice %arg2[%add3A_1030, %dma_wait3A_1033] : memref<1024x100000xf32, #tpu.memory_space<hbm>> -> memref<8x6400xf32, #tpu.memory_space<hbm>>
    tpu.wait_dma2 semaphore(%arg6 : memref<!tpu.dma_semaphore, #tpu.memory_space<semaphore_mem>>) src(%dma_wait3A_1034 : memref<8x6400xf32, #tpu.memory_space<hbm>>) dst(%arg4 : memref<8x6400xf32, #tpu.memory_space<vmem>>)
    %dma_start3A_1035 = arith.constant 76800 : i32
    %dma_start3A_1036 = tpu.memref_slice %arg3[%add3A_1030, %dma_start3A_1035] : memref<1024x100000xf32, #tpu.memory_space<hbm>> -> memref<8x6400xf32, #tpu.memory_space<hbm>>
    %dma_start3A_1037 = arith.constant 76800 : i32
    %dma_start3A_1038 = tpu.memref_slice %arg3[%add3A_1030, %dma_start3A_1037] : memref<1024x100000xf32, #tpu.memory_space<hbm>> -> memref<8x6400xf32, #tpu.memory_space<hbm>>
    tpu.enqueue_dma source(%arg4 : memref<8x6400xf32, #tpu.memory_space<vmem>>) target(%dma_start3A_1038 : memref<8x6400xf32, #tpu.memory_space<hbm>>) target_semaphore(%arg8 : memref<!tpu.dma_semaphore, #tpu.memory_space<semaphore_mem>>)
    %add3A_1039 = arith.constant 16 : i32
    %add3A_1040 = arith.addi %mul3A_2, %add3A_1039 : i32
    %dma_wait3A_1041 = arith.constant 76800 : i32
    %dma_wait3A_1042 = tpu.memref_slice %arg3[%add3A_1040, %dma_wait3A_1041] : memref<1024x100000xf32, #tpu.memory_space<hbm>> -> memref<8x6400xf32, #tpu.memory_space<hbm>>
    %dma_wait3A_1043 = arith.constant 76800 : i32
    %dma_wait3A_1044 = tpu.memref_slice %arg3[%add3A_1040, %dma_wait3A_1043] : memref<1024x100000xf32, #tpu.memory_space<hbm>> -> memref<8x6400xf32, #tpu.memory_space<hbm>>
    tpu.wait_dma2 semaphore(%arg8 : memref<!tpu.dma_semaphore, #tpu.memory_space<semaphore_mem>>) src(%arg4 : memref<8x6400xf32, #tpu.memory_space<vmem>>) dst(%dma_wait3A_1044 : memref<8x6400xf32, #tpu.memory_space<hbm>>)
    %add3A_1045 = arith.constant 16 : i32
    %add3A_1046 = arith.addi %mul3A_2, %add3A_1045 : i32
    %dma_start3A_1047 = arith.constant 89600 : i32
    %dma_start3A_1048 = tpu.memref_slice %arg2[%add3A_1046, %dma_start3A_1047] : memref<1024x100000xf32, #tpu.memory_space<hbm>> -> memref<8x6400xf32, #tpu.memory_space<hbm>>
    %dma_start3A_1049 = arith.constant 89600 : i32
    %dma_start3A_1050 = tpu.memref_slice %arg2[%add3A_1046, %dma_start3A_1049] : memref<1024x100000xf32, #tpu.memory_space<hbm>> -> memref<8x6400xf32, #tpu.memory_space<hbm>>
    tpu.enqueue_dma source(%dma_start3A_1050 : memref<8x6400xf32, #tpu.memory_space<hbm>>) target(%arg4 : memref<8x6400xf32, #tpu.memory_space<vmem>>) target_semaphore(%arg6 : memref<!tpu.dma_semaphore, #tpu.memory_space<semaphore_mem>>)
    %add3A_1051 = arith.constant 16 : i32
    %add3A_1052 = arith.addi %mul3A_2, %add3A_1051 : i32
    %dma_wait3A_1053 = arith.constant 83200 : i32
    %dma_wait3A_1054 = tpu.memref_slice %arg2[%add3A_1052, %dma_wait3A_1053] : memref<1024x100000xf32, #tpu.memory_space<hbm>> -> memref<8x6400xf32, #tpu.memory_space<hbm>>
    %dma_wait3A_1055 = arith.constant 83200 : i32
    %dma_wait3A_1056 = tpu.memref_slice %arg2[%add3A_1052, %dma_wait3A_1055] : memref<1024x100000xf32, #tpu.memory_space<hbm>> -> memref<8x6400xf32, #tpu.memory_space<hbm>>
    tpu.wait_dma2 semaphore(%arg7 : memref<!tpu.dma_semaphore, #tpu.memory_space<semaphore_mem>>) src(%dma_wait3A_1056 : memref<8x6400xf32, #tpu.memory_space<hbm>>) dst(%arg5 : memref<8x6400xf32, #tpu.memory_space<vmem>>)
    %dma_start3A_1057 = arith.constant 83200 : i32
    %dma_start3A_1058 = tpu.memref_slice %arg3[%add3A_1052, %dma_start3A_1057] : memref<1024x100000xf32, #tpu.memory_space<hbm>> -> memref<8x6400xf32, #tpu.memory_space<hbm>>
    %dma_start3A_1059 = arith.constant 83200 : i32
    %dma_start3A_1060 = tpu.memref_slice %arg3[%add3A_1052, %dma_start3A_1059] : memref<1024x100000xf32, #tpu.memory_space<hbm>> -> memref<8x6400xf32, #tpu.memory_space<hbm>>
    tpu.enqueue_dma source(%arg5 : memref<8x6400xf32, #tpu.memory_space<vmem>>) target(%dma_start3A_1060 : memref<8x6400xf32, #tpu.memory_space<hbm>>) target_semaphore(%arg9 : memref<!tpu.dma_semaphore, #tpu.memory_space<semaphore_mem>>)
    %add3A_1061 = arith.constant 16 : i32
    %add3A_1062 = arith.addi %mul3A_2, %add3A_1061 : i32
    %dma_wait3A_1063 = arith.constant 83200 : i32
    %dma_wait3A_1064 = tpu.memref_slice %arg3[%add3A_1062, %dma_wait3A_1063] : memref<1024x100000xf32, #tpu.memory_space<hbm>> -> memref<8x6400xf32, #tpu.memory_space<hbm>>
    %dma_wait3A_1065 = arith.constant 83200 : i32
    %dma_wait3A_1066 = tpu.memref_slice %arg3[%add3A_1062, %dma_wait3A_1065] : memref<1024x100000xf32, #tpu.memory_space<hbm>> -> memref<8x6400xf32, #tpu.memory_space<hbm>>
    tpu.wait_dma2 semaphore(%arg9 : memref<!tpu.dma_semaphore, #tpu.memory_space<semaphore_mem>>) src(%arg5 : memref<8x6400xf32, #tpu.memory_space<vmem>>) dst(%dma_wait3A_1066 : memref<8x6400xf32, #tpu.memory_space<hbm>>)
    %add3A_1067 = arith.constant 16 : i32
    %add3A_1068 = arith.addi %mul3A_2, %add3A_1067 : i32
    %dma_start3A_1069 = arith.constant 0 : i32
    %dma_start3A_1070 = arith.constant 0 : i32
    %dma_start3A_1071 = tpu.memref_slice %arg5[%dma_start3A_1069, %dma_start3A_1070] : memref<8x6400xf32, #tpu.memory_space<vmem>> -> memref<8x3968xf32, #tpu.memory_space<vmem>>
    %dma_start3A_1072 = arith.constant 96000 : i32
    %dma_start3A_1073 = tpu.memref_slice %arg2[%add3A_1068, %dma_start3A_1072] : memref<1024x100000xf32, #tpu.memory_space<hbm>> -> memref<8x3968xf32, #tpu.memory_space<hbm>>
    %dma_start3A_1074 = arith.constant 0 : i32
    %dma_start3A_1075 = arith.constant 0 : i32
    %dma_start3A_1076 = tpu.memref_slice %arg5[%dma_start3A_1074, %dma_start3A_1075] : memref<8x6400xf32, #tpu.memory_space<vmem>> -> memref<8x3968xf32, #tpu.memory_space<vmem>>
    %dma_start3A_1077 = arith.constant 96000 : i32
    %dma_start3A_1078 = tpu.memref_slice %arg2[%add3A_1068, %dma_start3A_1077] : memref<1024x100000xf32, #tpu.memory_space<hbm>> -> memref<8x3968xf32, #tpu.memory_space<hbm>>
    tpu.enqueue_dma source(%dma_start3A_1078 : memref<8x3968xf32, #tpu.memory_space<hbm>>) target(%dma_start3A_1076 : memref<8x3968xf32, #tpu.memory_space<vmem>>) target_semaphore(%arg7 : memref<!tpu.dma_semaphore, #tpu.memory_space<semaphore_mem>>)
    %add3A_1079 = arith.constant 16 : i32
    %add3A_1080 = arith.addi %mul3A_2, %add3A_1079 : i32
    %dma_wait3A_1081 = arith.constant 89600 : i32
    %dma_wait3A_1082 = tpu.memref_slice %arg2[%add3A_1080, %dma_wait3A_1081] : memref<1024x100000xf32, #tpu.memory_space<hbm>> -> memref<8x6400xf32, #tpu.memory_space<hbm>>
    %dma_wait3A_1083 = arith.constant 89600 : i32
    %dma_wait3A_1084 = tpu.memref_slice %arg2[%add3A_1080, %dma_wait3A_1083] : memref<1024x100000xf32, #tpu.memory_space<hbm>> -> memref<8x6400xf32, #tpu.memory_space<hbm>>
    tpu.wait_dma2 semaphore(%arg6 : memref<!tpu.dma_semaphore, #tpu.memory_space<semaphore_mem>>) src(%dma_wait3A_1084 : memref<8x6400xf32, #tpu.memory_space<hbm>>) dst(%arg4 : memref<8x6400xf32, #tpu.memory_space<vmem>>)
    %dma_start3A_1085 = arith.constant 89600 : i32
    %dma_start3A_1086 = tpu.memref_slice %arg3[%add3A_1080, %dma_start3A_1085] : memref<1024x100000xf32, #tpu.memory_space<hbm>> -> memref<8x6400xf32, #tpu.memory_space<hbm>>
    %dma_start3A_1087 = arith.constant 89600 : i32
    %dma_start3A_1088 = tpu.memref_slice %arg3[%add3A_1080, %dma_start3A_1087] : memref<1024x100000xf32, #tpu.memory_space<hbm>> -> memref<8x6400xf32, #tpu.memory_space<hbm>>
    tpu.enqueue_dma source(%arg4 : memref<8x6400xf32, #tpu.memory_space<vmem>>) target(%dma_start3A_1088 : memref<8x6400xf32, #tpu.memory_space<hbm>>) target_semaphore(%arg8 : memref<!tpu.dma_semaphore, #tpu.memory_space<semaphore_mem>>)
    %add3A_1089 = arith.constant 16 : i32
    %add3A_1090 = arith.addi %mul3A_2, %add3A_1089 : i32
    %dma_wait3A_1091 = arith.constant 89600 : i32
    %dma_wait3A_1092 = tpu.memref_slice %arg3[%add3A_1090, %dma_wait3A_1091] : memref<1024x100000xf32, #tpu.memory_space<hbm>> -> memref<8x6400xf32, #tpu.memory_space<hbm>>
    %dma_wait3A_1093 = arith.constant 89600 : i32
    %dma_wait3A_1094 = tpu.memref_slice %arg3[%add3A_1090, %dma_wait3A_1093] : memref<1024x100000xf32, #tpu.memory_space<hbm>> -> memref<8x6400xf32, #tpu.memory_space<hbm>>
    tpu.wait_dma2 semaphore(%arg8 : memref<!tpu.dma_semaphore, #tpu.memory_space<semaphore_mem>>) src(%arg4 : memref<8x6400xf32, #tpu.memory_space<vmem>>) dst(%dma_wait3A_1094 : memref<8x6400xf32, #tpu.memory_space<hbm>>)
    %add3A_1095 = arith.constant 24 : i32
    %add3A_1096 = arith.addi %mul3A_2, %add3A_1095 : i32
    %dma_start3A_1097 = arith.constant 0 : i32
    %dma_start3A_1098 = tpu.memref_slice %arg2[%add3A_1096, %dma_start3A_1097] : memref<1024x100000xf32, #tpu.memory_space<hbm>> -> memref<8x6400xf32, #tpu.memory_space<hbm>>
    %dma_start3A_1099 = arith.constant 0 : i32
    %dma_start3A_1100 = tpu.memref_slice %arg2[%add3A_1096, %dma_start3A_1099] : memref<1024x100000xf32, #tpu.memory_space<hbm>> -> memref<8x6400xf32, #tpu.memory_space<hbm>>
    tpu.enqueue_dma source(%dma_start3A_1100 : memref<8x6400xf32, #tpu.memory_space<hbm>>) target(%arg4 : memref<8x6400xf32, #tpu.memory_space<vmem>>) target_semaphore(%arg6 : memref<!tpu.dma_semaphore, #tpu.memory_space<semaphore_mem>>)
    %add3A_1101 = arith.constant 16 : i32
    %add3A_1102 = arith.addi %mul3A_2, %add3A_1101 : i32
    %dma_wait3A_1103 = arith.constant 0 : i32
    %dma_wait3A_1104 = arith.constant 0 : i32
    %dma_wait3A_1105 = tpu.memref_slice %arg5[%dma_wait3A_1103, %dma_wait3A_1104] : memref<8x6400xf32, #tpu.memory_space<vmem>> -> memref<8x3968xf32, #tpu.memory_space<vmem>>
    %dma_wait3A_1106 = arith.constant 96000 : i32
    %dma_wait3A_1107 = tpu.memref_slice %arg2[%add3A_1102, %dma_wait3A_1106] : memref<1024x100000xf32, #tpu.memory_space<hbm>> -> memref<8x3968xf32, #tpu.memory_space<hbm>>
    %dma_wait3A_1108 = arith.constant 0 : i32
    %dma_wait3A_1109 = arith.constant 0 : i32
    %dma_wait3A_1110 = tpu.memref_slice %arg5[%dma_wait3A_1108, %dma_wait3A_1109] : memref<8x6400xf32, #tpu.memory_space<vmem>> -> memref<8x3968xf32, #tpu.memory_space<vmem>>
    %dma_wait3A_1111 = arith.constant 96000 : i32
    %dma_wait3A_1112 = tpu.memref_slice %arg2[%add3A_1102, %dma_wait3A_1111] : memref<1024x100000xf32, #tpu.memory_space<hbm>> -> memref<8x3968xf32, #tpu.memory_space<hbm>>
    tpu.wait_dma2 semaphore(%arg7 : memref<!tpu.dma_semaphore, #tpu.memory_space<semaphore_mem>>) src(%dma_wait3A_1112 : memref<8x3968xf32, #tpu.memory_space<hbm>>) dst(%dma_wait3A_1110 : memref<8x3968xf32, #tpu.memory_space<vmem>>)
    %dma_start3A_1113 = arith.constant 0 : i32
    %dma_start3A_1114 = arith.constant 0 : i32
    %dma_start3A_1115 = tpu.memref_slice %arg5[%dma_start3A_1113, %dma_start3A_1114] : memref<8x6400xf32, #tpu.memory_space<vmem>> -> memref<8x3968xf32, #tpu.memory_space<vmem>>
    %dma_start3A_1116 = arith.constant 96000 : i32
    %dma_start3A_1117 = tpu.memref_slice %arg3[%add3A_1102, %dma_start3A_1116] : memref<1024x100000xf32, #tpu.memory_space<hbm>> -> memref<8x3968xf32, #tpu.memory_space<hbm>>
    %dma_start3A_1118 = arith.constant 96000 : i32
    %dma_start3A_1119 = tpu.memref_slice %arg3[%add3A_1102, %dma_start3A_1118] : memref<1024x100000xf32, #tpu.memory_space<hbm>> -> memref<8x3968xf32, #tpu.memory_space<hbm>>
    %dma_start3A_1120 = arith.constant 0 : i32
    %dma_start3A_1121 = arith.constant 0 : i32
    %dma_start3A_1122 = tpu.memref_slice %arg5[%dma_start3A_1120, %dma_start3A_1121] : memref<8x6400xf32, #tpu.memory_space<vmem>> -> memref<8x3968xf32, #tpu.memory_space<vmem>>
    tpu.enqueue_dma source(%dma_start3A_1122 : memref<8x3968xf32, #tpu.memory_space<vmem>>) target(%dma_start3A_1119 : memref<8x3968xf32, #tpu.memory_space<hbm>>) target_semaphore(%arg9 : memref<!tpu.dma_semaphore, #tpu.memory_space<semaphore_mem>>)
    %add3A_1123 = arith.constant 16 : i32
    %add3A_1124 = arith.addi %mul3A_2, %add3A_1123 : i32
    %dma_wait3A_1125 = arith.constant 0 : i32
    %dma_wait3A_1126 = arith.constant 0 : i32
    %dma_wait3A_1127 = tpu.memref_slice %arg5[%dma_wait3A_1125, %dma_wait3A_1126] : memref<8x6400xf32, #tpu.memory_space<vmem>> -> memref<8x3968xf32, #tpu.memory_space<vmem>>
    %dma_wait3A_1128 = arith.constant 96000 : i32
    %dma_wait3A_1129 = tpu.memref_slice %arg3[%add3A_1124, %dma_wait3A_1128] : memref<1024x100000xf32, #tpu.memory_space<hbm>> -> memref<8x3968xf32, #tpu.memory_space<hbm>>
    %dma_wait3A_1130 = arith.constant 96000 : i32
    %dma_wait3A_1131 = tpu.memref_slice %arg3[%add3A_1124, %dma_wait3A_1130] : memref<1024x100000xf32, #tpu.memory_space<hbm>> -> memref<8x3968xf32, #tpu.memory_space<hbm>>
    %dma_wait3A_1132 = arith.constant 0 : i32
    %dma_wait3A_1133 = arith.constant 0 : i32
    %dma_wait3A_1134 = tpu.memref_slice %arg5[%dma_wait3A_1132, %dma_wait3A_1133] : memref<8x6400xf32, #tpu.memory_space<vmem>> -> memref<8x3968xf32, #tpu.memory_space<vmem>>
    tpu.wait_dma2 semaphore(%arg9 : memref<!tpu.dma_semaphore, #tpu.memory_space<semaphore_mem>>) src(%dma_wait3A_1134 : memref<8x3968xf32, #tpu.memory_space<vmem>>) dst(%dma_wait3A_1131 : memref<8x3968xf32, #tpu.memory_space<hbm>>)
    %add3A_1135 = arith.constant 24 : i32
    %add3A_1136 = arith.addi %mul3A_2, %add3A_1135 : i32
    %dma_start3A_1137 = arith.constant 6400 : i32
    %dma_start3A_1138 = tpu.memref_slice %arg2[%add3A_1136, %dma_start3A_1137] : memref<1024x100000xf32, #tpu.memory_space<hbm>> -> memref<8x6400xf32, #tpu.memory_space<hbm>>
    %dma_start3A_1139 = arith.constant 6400 : i32
    %dma_start3A_1140 = tpu.memref_slice %arg2[%add3A_1136, %dma_start3A_1139] : memref<1024x100000xf32, #tpu.memory_space<hbm>> -> memref<8x6400xf32, #tpu.memory_space<hbm>>
    tpu.enqueue_dma source(%dma_start3A_1140 : memref<8x6400xf32, #tpu.memory_space<hbm>>) target(%arg5 : memref<8x6400xf32, #tpu.memory_space<vmem>>) target_semaphore(%arg7 : memref<!tpu.dma_semaphore, #tpu.memory_space<semaphore_mem>>)
    %add3A_1141 = arith.constant 24 : i32
    %add3A_1142 = arith.addi %mul3A_2, %add3A_1141 : i32
    %dma_wait3A_1143 = arith.constant 0 : i32
    %dma_wait3A_1144 = tpu.memref_slice %arg2[%add3A_1142, %dma_wait3A_1143] : memref<1024x100000xf32, #tpu.memory_space<hbm>> -> memref<8x6400xf32, #tpu.memory_space<hbm>>
    %dma_wait3A_1145 = arith.constant 0 : i32
    %dma_wait3A_1146 = tpu.memref_slice %arg2[%add3A_1142, %dma_wait3A_1145] : memref<1024x100000xf32, #tpu.memory_space<hbm>> -> memref<8x6400xf32, #tpu.memory_space<hbm>>
    tpu.wait_dma2 semaphore(%arg6 : memref<!tpu.dma_semaphore, #tpu.memory_space<semaphore_mem>>) src(%dma_wait3A_1146 : memref<8x6400xf32, #tpu.memory_space<hbm>>) dst(%arg4 : memref<8x6400xf32, #tpu.memory_space<vmem>>)
    %dma_start3A_1147 = arith.constant 0 : i32
    %dma_start3A_1148 = tpu.memref_slice %arg3[%add3A_1142, %dma_start3A_1147] : memref<1024x100000xf32, #tpu.memory_space<hbm>> -> memref<8x6400xf32, #tpu.memory_space<hbm>>
    %dma_start3A_1149 = arith.constant 0 : i32
    %dma_start3A_1150 = tpu.memref_slice %arg3[%add3A_1142, %dma_start3A_1149] : memref<1024x100000xf32, #tpu.memory_space<hbm>> -> memref<8x6400xf32, #tpu.memory_space<hbm>>
    tpu.enqueue_dma source(%arg4 : memref<8x6400xf32, #tpu.memory_space<vmem>>) target(%dma_start3A_1150 : memref<8x6400xf32, #tpu.memory_space<hbm>>) target_semaphore(%arg8 : memref<!tpu.dma_semaphore, #tpu.memory_space<semaphore_mem>>)
    %add3A_1151 = arith.constant 24 : i32
    %add3A_1152 = arith.addi %mul3A_2, %add3A_1151 : i32
    %dma_wait3A_1153 = arith.constant 0 : i32
    %dma_wait3A_1154 = tpu.memref_slice %arg3[%add3A_1152, %dma_wait3A_1153] : memref<1024x100000xf32, #tpu.memory_space<hbm>> -> memref<8x6400xf32, #tpu.memory_space<hbm>>
    %dma_wait3A_1155 = arith.constant 0 : i32
    %dma_wait3A_1156 = tpu.memref_slice %arg3[%add3A_1152, %dma_wait3A_1155] : memref<1024x100000xf32, #tpu.memory_space<hbm>> -> memref<8x6400xf32, #tpu.memory_space<hbm>>
    tpu.wait_dma2 semaphore(%arg8 : memref<!tpu.dma_semaphore, #tpu.memory_space<semaphore_mem>>) src(%arg4 : memref<8x6400xf32, #tpu.memory_space<vmem>>) dst(%dma_wait3A_1156 : memref<8x6400xf32, #tpu.memory_space<hbm>>)
    %add3A_1157 = arith.constant 24 : i32
    %add3A_1158 = arith.addi %mul3A_2, %add3A_1157 : i32
    %dma_start3A_1159 = arith.constant 12800 : i32
    %dma_start3A_1160 = tpu.memref_slice %arg2[%add3A_1158, %dma_start3A_1159] : memref<1024x100000xf32, #tpu.memory_space<hbm>> -> memref<8x6400xf32, #tpu.memory_space<hbm>>
    %dma_start3A_1161 = arith.constant 12800 : i32
    %dma_start3A_1162 = tpu.memref_slice %arg2[%add3A_1158, %dma_start3A_1161] : memref<1024x100000xf32, #tpu.memory_space<hbm>> -> memref<8x6400xf32, #tpu.memory_space<hbm>>
    tpu.enqueue_dma source(%dma_start3A_1162 : memref<8x6400xf32, #tpu.memory_space<hbm>>) target(%arg4 : memref<8x6400xf32, #tpu.memory_space<vmem>>) target_semaphore(%arg6 : memref<!tpu.dma_semaphore, #tpu.memory_space<semaphore_mem>>)
    %add3A_1163 = arith.constant 24 : i32
    %add3A_1164 = arith.addi %mul3A_2, %add3A_1163 : i32
    %dma_wait3A_1165 = arith.constant 6400 : i32
    %dma_wait3A_1166 = tpu.memref_slice %arg2[%add3A_1164, %dma_wait3A_1165] : memref<1024x100000xf32, #tpu.memory_space<hbm>> -> memref<8x6400xf32, #tpu.memory_space<hbm>>
    %dma_wait3A_1167 = arith.constant 6400 : i32
    %dma_wait3A_1168 = tpu.memref_slice %arg2[%add3A_1164, %dma_wait3A_1167] : memref<1024x100000xf32, #tpu.memory_space<hbm>> -> memref<8x6400xf32, #tpu.memory_space<hbm>>
    tpu.wait_dma2 semaphore(%arg7 : memref<!tpu.dma_semaphore, #tpu.memory_space<semaphore_mem>>) src(%dma_wait3A_1168 : memref<8x6400xf32, #tpu.memory_space<hbm>>) dst(%arg5 : memref<8x6400xf32, #tpu.memory_space<vmem>>)
    %dma_start3A_1169 = arith.constant 6400 : i32
    %dma_start3A_1170 = tpu.memref_slice %arg3[%add3A_1164, %dma_start3A_1169] : memref<1024x100000xf32, #tpu.memory_space<hbm>> -> memref<8x6400xf32, #tpu.memory_space<hbm>>
    %dma_start3A_1171 = arith.constant 6400 : i32
    %dma_start3A_1172 = tpu.memref_slice %arg3[%add3A_1164, %dma_start3A_1171] : memref<1024x100000xf32, #tpu.memory_space<hbm>> -> memref<8x6400xf32, #tpu.memory_space<hbm>>
    tpu.enqueue_dma source(%arg5 : memref<8x6400xf32, #tpu.memory_space<vmem>>) target(%dma_start3A_1172 : memref<8x6400xf32, #tpu.memory_space<hbm>>) target_semaphore(%arg9 : memref<!tpu.dma_semaphore, #tpu.memory_space<semaphore_mem>>)
    %add3A_1173 = arith.constant 24 : i32
    %add3A_1174 = arith.addi %mul3A_2, %add3A_1173 : i32
    %dma_wait3A_1175 = arith.constant 6400 : i32
    %dma_wait3A_1176 = tpu.memref_slice %arg3[%add3A_1174, %dma_wait3A_1175] : memref<1024x100000xf32, #tpu.memory_space<hbm>> -> memref<8x6400xf32, #tpu.memory_space<hbm>>
    %dma_wait3A_1177 = arith.constant 6400 : i32
    %dma_wait3A_1178 = tpu.memref_slice %arg3[%add3A_1174, %dma_wait3A_1177] : memref<1024x100000xf32, #tpu.memory_space<hbm>> -> memref<8x6400xf32, #tpu.memory_space<hbm>>
    tpu.wait_dma2 semaphore(%arg9 : memref<!tpu.dma_semaphore, #tpu.memory_space<semaphore_mem>>) src(%arg5 : memref<8x6400xf32, #tpu.memory_space<vmem>>) dst(%dma_wait3A_1178 : memref<8x6400xf32, #tpu.memory_space<hbm>>)
    %add3A_1179 = arith.constant 24 : i32
    %add3A_1180 = arith.addi %mul3A_2, %add3A_1179 : i32
    %dma_start3A_1181 = arith.constant 19200 : i32
    %dma_start3A_1182 = tpu.memref_slice %arg2[%add3A_1180, %dma_start3A_1181] : memref<1024x100000xf32, #tpu.memory_space<hbm>> -> memref<8x6400xf32, #tpu.memory_space<hbm>>
    %dma_start3A_1183 = arith.constant 19200 : i32
    %dma_start3A_1184 = tpu.memref_slice %arg2[%add3A_1180, %dma_start3A_1183] : memref<1024x100000xf32, #tpu.memory_space<hbm>> -> memref<8x6400xf32, #tpu.memory_space<hbm>>
    tpu.enqueue_dma source(%dma_start3A_1184 : memref<8x6400xf32, #tpu.memory_space<hbm>>) target(%arg5 : memref<8x6400xf32, #tpu.memory_space<vmem>>) target_semaphore(%arg7 : memref<!tpu.dma_semaphore, #tpu.memory_space<semaphore_mem>>)
    %add3A_1185 = arith.constant 24 : i32
    %add3A_1186 = arith.addi %mul3A_2, %add3A_1185 : i32
    %dma_wait3A_1187 = arith.constant 12800 : i32
    %dma_wait3A_1188 = tpu.memref_slice %arg2[%add3A_1186, %dma_wait3A_1187] : memref<1024x100000xf32, #tpu.memory_space<hbm>> -> memref<8x6400xf32, #tpu.memory_space<hbm>>
    %dma_wait3A_1189 = arith.constant 12800 : i32
    %dma_wait3A_1190 = tpu.memref_slice %arg2[%add3A_1186, %dma_wait3A_1189] : memref<1024x100000xf32, #tpu.memory_space<hbm>> -> memref<8x6400xf32, #tpu.memory_space<hbm>>
    tpu.wait_dma2 semaphore(%arg6 : memref<!tpu.dma_semaphore, #tpu.memory_space<semaphore_mem>>) src(%dma_wait3A_1190 : memref<8x6400xf32, #tpu.memory_space<hbm>>) dst(%arg4 : memref<8x6400xf32, #tpu.memory_space<vmem>>)
    %dma_start3A_1191 = arith.constant 12800 : i32
    %dma_start3A_1192 = tpu.memref_slice %arg3[%add3A_1186, %dma_start3A_1191] : memref<1024x100000xf32, #tpu.memory_space<hbm>> -> memref<8x6400xf32, #tpu.memory_space<hbm>>
    %dma_start3A_1193 = arith.constant 12800 : i32
    %dma_start3A_1194 = tpu.memref_slice %arg3[%add3A_1186, %dma_start3A_1193] : memref<1024x100000xf32, #tpu.memory_space<hbm>> -> memref<8x6400xf32, #tpu.memory_space<hbm>>
    tpu.enqueue_dma source(%arg4 : memref<8x6400xf32, #tpu.memory_space<vmem>>) target(%dma_start3A_1194 : memref<8x6400xf32, #tpu.memory_space<hbm>>) target_semaphore(%arg8 : memref<!tpu.dma_semaphore, #tpu.memory_space<semaphore_mem>>)
    %add3A_1195 = arith.constant 24 : i32
    %add3A_1196 = arith.addi %mul3A_2, %add3A_1195 : i32
    %dma_wait3A_1197 = arith.constant 12800 : i32
    %dma_wait3A_1198 = tpu.memref_slice %arg3[%add3A_1196, %dma_wait3A_1197] : memref<1024x100000xf32, #tpu.memory_space<hbm>> -> memref<8x6400xf32, #tpu.memory_space<hbm>>
    %dma_wait3A_1199 = arith.constant 12800 : i32
    %dma_wait3A_1200 = tpu.memref_slice %arg3[%add3A_1196, %dma_wait3A_1199] : memref<1024x100000xf32, #tpu.memory_space<hbm>> -> memref<8x6400xf32, #tpu.memory_space<hbm>>
    tpu.wait_dma2 semaphore(%arg8 : memref<!tpu.dma_semaphore, #tpu.memory_space<semaphore_mem>>) src(%arg4 : memref<8x6400xf32, #tpu.memory_space<vmem>>) dst(%dma_wait3A_1200 : memref<8x6400xf32, #tpu.memory_space<hbm>>)
    %add3A_1201 = arith.constant 24 : i32
    %add3A_1202 = arith.addi %mul3A_2, %add3A_1201 : i32
    %dma_start3A_1203 = arith.constant 25600 : i32
    %dma_start3A_1204 = tpu.memref_slice %arg2[%add3A_1202, %dma_start3A_1203] : memref<1024x100000xf32, #tpu.memory_space<hbm>> -> memref<8x6400xf32, #tpu.memory_space<hbm>>
    %dma_start3A_1205 = arith.constant 25600 : i32
    %dma_start3A_1206 = tpu.memref_slice %arg2[%add3A_1202, %dma_start3A_1205] : memref<1024x100000xf32, #tpu.memory_space<hbm>> -> memref<8x6400xf32, #tpu.memory_space<hbm>>
    tpu.enqueue_dma source(%dma_start3A_1206 : memref<8x6400xf32, #tpu.memory_space<hbm>>) target(%arg4 : memref<8x6400xf32, #tpu.memory_space<vmem>>) target_semaphore(%arg6 : memref<!tpu.dma_semaphore, #tpu.memory_space<semaphore_mem>>)
    %add3A_1207 = arith.constant 24 : i32
    %add3A_1208 = arith.addi %mul3A_2, %add3A_1207 : i32
    %dma_wait3A_1209 = arith.constant 19200 : i32
    %dma_wait3A_1210 = tpu.memref_slice %arg2[%add3A_1208, %dma_wait3A_1209] : memref<1024x100000xf32, #tpu.memory_space<hbm>> -> memref<8x6400xf32, #tpu.memory_space<hbm>>
    %dma_wait3A_1211 = arith.constant 19200 : i32
    %dma_wait3A_1212 = tpu.memref_slice %arg2[%add3A_1208, %dma_wait3A_1211] : memref<1024x100000xf32, #tpu.memory_space<hbm>> -> memref<8x6400xf32, #tpu.memory_space<hbm>>
    tpu.wait_dma2 semaphore(%arg7 : memref<!tpu.dma_semaphore, #tpu.memory_space<semaphore_mem>>) src(%dma_wait3A_1212 : memref<8x6400xf32, #tpu.memory_space<hbm>>) dst(%arg5 : memref<8x6400xf32, #tpu.memory_space<vmem>>)
    %dma_start3A_1213 = arith.constant 19200 : i32
    %dma_start3A_1214 = tpu.memref_slice %arg3[%add3A_1208, %dma_start3A_1213] : memref<1024x100000xf32, #tpu.memory_space<hbm>> -> memref<8x6400xf32, #tpu.memory_space<hbm>>
    %dma_start3A_1215 = arith.constant 19200 : i32
    %dma_start3A_1216 = tpu.memref_slice %arg3[%add3A_1208, %dma_start3A_1215] : memref<1024x100000xf32, #tpu.memory_space<hbm>> -> memref<8x6400xf32, #tpu.memory_space<hbm>>
    tpu.enqueue_dma source(%arg5 : memref<8x6400xf32, #tpu.memory_space<vmem>>) target(%dma_start3A_1216 : memref<8x6400xf32, #tpu.memory_space<hbm>>) target_semaphore(%arg9 : memref<!tpu.dma_semaphore, #tpu.memory_space<semaphore_mem>>)
    %add3A_1217 = arith.constant 24 : i32
    %add3A_1218 = arith.addi %mul3A_2, %add3A_1217 : i32
    %dma_wait3A_1219 = arith.constant 19200 : i32
    %dma_wait3A_1220 = tpu.memref_slice %arg3[%add3A_1218, %dma_wait3A_1219] : memref<1024x100000xf32, #tpu.memory_space<hbm>> -> memref<8x6400xf32, #tpu.memory_space<hbm>>
    %dma_wait3A_1221 = arith.constant 19200 : i32
    %dma_wait3A_1222 = tpu.memref_slice %arg3[%add3A_1218, %dma_wait3A_1221] : memref<1024x100000xf32, #tpu.memory_space<hbm>> -> memref<8x6400xf32, #tpu.memory_space<hbm>>
    tpu.wait_dma2 semaphore(%arg9 : memref<!tpu.dma_semaphore, #tpu.memory_space<semaphore_mem>>) src(%arg5 : memref<8x6400xf32, #tpu.memory_space<vmem>>) dst(%dma_wait3A_1222 : memref<8x6400xf32, #tpu.memory_space<hbm>>)
    %add3A_1223 = arith.constant 24 : i32
    %add3A_1224 = arith.addi %mul3A_2, %add3A_1223 : i32
    %dma_start3A_1225 = arith.constant 32000 : i32
    %dma_start3A_1226 = tpu.memref_slice %arg2[%add3A_1224, %dma_start3A_1225] : memref<1024x100000xf32, #tpu.memory_space<hbm>> -> memref<8x6400xf32, #tpu.memory_space<hbm>>
    %dma_start3A_1227 = arith.constant 32000 : i32
    %dma_start3A_1228 = tpu.memref_slice %arg2[%add3A_1224, %dma_start3A_1227] : memref<1024x100000xf32, #tpu.memory_space<hbm>> -> memref<8x6400xf32, #tpu.memory_space<hbm>>
    tpu.enqueue_dma source(%dma_start3A_1228 : memref<8x6400xf32, #tpu.memory_space<hbm>>) target(%arg5 : memref<8x6400xf32, #tpu.memory_space<vmem>>) target_semaphore(%arg7 : memref<!tpu.dma_semaphore, #tpu.memory_space<semaphore_mem>>)
    %add3A_1229 = arith.constant 24 : i32
    %add3A_1230 = arith.addi %mul3A_2, %add3A_1229 : i32
    %dma_wait3A_1231 = arith.constant 25600 : i32
    %dma_wait3A_1232 = tpu.memref_slice %arg2[%add3A_1230, %dma_wait3A_1231] : memref<1024x100000xf32, #tpu.memory_space<hbm>> -> memref<8x6400xf32, #tpu.memory_space<hbm>>
    %dma_wait3A_1233 = arith.constant 25600 : i32
    %dma_wait3A_1234 = tpu.memref_slice %arg2[%add3A_1230, %dma_wait3A_1233] : memref<1024x100000xf32, #tpu.memory_space<hbm>> -> memref<8x6400xf32, #tpu.memory_space<hbm>>
    tpu.wait_dma2 semaphore(%arg6 : memref<!tpu.dma_semaphore, #tpu.memory_space<semaphore_mem>>) src(%dma_wait3A_1234 : memref<8x6400xf32, #tpu.memory_space<hbm>>) dst(%arg4 : memref<8x6400xf32, #tpu.memory_space<vmem>>)
    %dma_start3A_1235 = arith.constant 25600 : i32
    %dma_start3A_1236 = tpu.memref_slice %arg3[%add3A_1230, %dma_start3A_1235] : memref<1024x100000xf32, #tpu.memory_space<hbm>> -> memref<8x6400xf32, #tpu.memory_space<hbm>>
    %dma_start3A_1237 = arith.constant 25600 : i32
    %dma_start3A_1238 = tpu.memref_slice %arg3[%add3A_1230, %dma_start3A_1237] : memref<1024x100000xf32, #tpu.memory_space<hbm>> -> memref<8x6400xf32, #tpu.memory_space<hbm>>
    tpu.enqueue_dma source(%arg4 : memref<8x6400xf32, #tpu.memory_space<vmem>>) target(%dma_start3A_1238 : memref<8x6400xf32, #tpu.memory_space<hbm>>) target_semaphore(%arg8 : memref<!tpu.dma_semaphore, #tpu.memory_space<semaphore_mem>>)
    %add3A_1239 = arith.constant 24 : i32
    %add3A_1240 = arith.addi %mul3A_2, %add3A_1239 : i32
    %dma_wait3A_1241 = arith.constant 25600 : i32
    %dma_wait3A_1242 = tpu.memref_slice %arg3[%add3A_1240, %dma_wait3A_1241] : memref<1024x100000xf32, #tpu.memory_space<hbm>> -> memref<8x6400xf32, #tpu.memory_space<hbm>>
    %dma_wait3A_1243 = arith.constant 25600 : i32
    %dma_wait3A_1244 = tpu.memref_slice %arg3[%add3A_1240, %dma_wait3A_1243] : memref<1024x100000xf32, #tpu.memory_space<hbm>> -> memref<8x6400xf32, #tpu.memory_space<hbm>>
    tpu.wait_dma2 semaphore(%arg8 : memref<!tpu.dma_semaphore, #tpu.memory_space<semaphore_mem>>) src(%arg4 : memref<8x6400xf32, #tpu.memory_space<vmem>>) dst(%dma_wait3A_1244 : memref<8x6400xf32, #tpu.memory_space<hbm>>)
    %add3A_1245 = arith.constant 24 : i32
    %add3A_1246 = arith.addi %mul3A_2, %add3A_1245 : i32
    %dma_start3A_1247 = arith.constant 38400 : i32
    %dma_start3A_1248 = tpu.memref_slice %arg2[%add3A_1246, %dma_start3A_1247] : memref<1024x100000xf32, #tpu.memory_space<hbm>> -> memref<8x6400xf32, #tpu.memory_space<hbm>>
    %dma_start3A_1249 = arith.constant 38400 : i32
    %dma_start3A_1250 = tpu.memref_slice %arg2[%add3A_1246, %dma_start3A_1249] : memref<1024x100000xf32, #tpu.memory_space<hbm>> -> memref<8x6400xf32, #tpu.memory_space<hbm>>
    tpu.enqueue_dma source(%dma_start3A_1250 : memref<8x6400xf32, #tpu.memory_space<hbm>>) target(%arg4 : memref<8x6400xf32, #tpu.memory_space<vmem>>) target_semaphore(%arg6 : memref<!tpu.dma_semaphore, #tpu.memory_space<semaphore_mem>>)
    %add3A_1251 = arith.constant 24 : i32
    %add3A_1252 = arith.addi %mul3A_2, %add3A_1251 : i32
    %dma_wait3A_1253 = arith.constant 32000 : i32
    %dma_wait3A_1254 = tpu.memref_slice %arg2[%add3A_1252, %dma_wait3A_1253] : memref<1024x100000xf32, #tpu.memory_space<hbm>> -> memref<8x6400xf32, #tpu.memory_space<hbm>>
    %dma_wait3A_1255 = arith.constant 32000 : i32
    %dma_wait3A_1256 = tpu.memref_slice %arg2[%add3A_1252, %dma_wait3A_1255] : memref<1024x100000xf32, #tpu.memory_space<hbm>> -> memref<8x6400xf32, #tpu.memory_space<hbm>>
    tpu.wait_dma2 semaphore(%arg7 : memref<!tpu.dma_semaphore, #tpu.memory_space<semaphore_mem>>) src(%dma_wait3A_1256 : memref<8x6400xf32, #tpu.memory_space<hbm>>) dst(%arg5 : memref<8x6400xf32, #tpu.memory_space<vmem>>)
    %dma_start3A_1257 = arith.constant 32000 : i32
    %dma_start3A_1258 = tpu.memref_slice %arg3[%add3A_1252, %dma_start3A_1257] : memref<1024x100000xf32, #tpu.memory_space<hbm>> -> memref<8x6400xf32, #tpu.memory_space<hbm>>
    %dma_start3A_1259 = arith.constant 32000 : i32
    %dma_start3A_1260 = tpu.memref_slice %arg3[%add3A_1252, %dma_start3A_1259] : memref<1024x100000xf32, #tpu.memory_space<hbm>> -> memref<8x6400xf32, #tpu.memory_space<hbm>>
    tpu.enqueue_dma source(%arg5 : memref<8x6400xf32, #tpu.memory_space<vmem>>) target(%dma_start3A_1260 : memref<8x6400xf32, #tpu.memory_space<hbm>>) target_semaphore(%arg9 : memref<!tpu.dma_semaphore, #tpu.memory_space<semaphore_mem>>)
    %add3A_1261 = arith.constant 24 : i32
    %add3A_1262 = arith.addi %mul3A_2, %add3A_1261 : i32
    %dma_wait3A_1263 = arith.constant 32000 : i32
    %dma_wait3A_1264 = tpu.memref_slice %arg3[%add3A_1262, %dma_wait3A_1263] : memref<1024x100000xf32, #tpu.memory_space<hbm>> -> memref<8x6400xf32, #tpu.memory_space<hbm>>
    %dma_wait3A_1265 = arith.constant 32000 : i32
    %dma_wait3A_1266 = tpu.memref_slice %arg3[%add3A_1262, %dma_wait3A_1265] : memref<1024x100000xf32, #tpu.memory_space<hbm>> -> memref<8x6400xf32, #tpu.memory_space<hbm>>
    tpu.wait_dma2 semaphore(%arg9 : memref<!tpu.dma_semaphore, #tpu.memory_space<semaphore_mem>>) src(%arg5 : memref<8x6400xf32, #tpu.memory_space<vmem>>) dst(%dma_wait3A_1266 : memref<8x6400xf32, #tpu.memory_space<hbm>>)
    %add3A_1267 = arith.constant 24 : i32
    %add3A_1268 = arith.addi %mul3A_2, %add3A_1267 : i32
    %dma_start3A_1269 = arith.constant 44800 : i32
    %dma_start3A_1270 = tpu.memref_slice %arg2[%add3A_1268, %dma_start3A_1269] : memref<1024x100000xf32, #tpu.memory_space<hbm>> -> memref<8x6400xf32, #tpu.memory_space<hbm>>
    %dma_start3A_1271 = arith.constant 44800 : i32
    %dma_start3A_1272 = tpu.memref_slice %arg2[%add3A_1268, %dma_start3A_1271] : memref<1024x100000xf32, #tpu.memory_space<hbm>> -> memref<8x6400xf32, #tpu.memory_space<hbm>>
    tpu.enqueue_dma source(%dma_start3A_1272 : memref<8x6400xf32, #tpu.memory_space<hbm>>) target(%arg5 : memref<8x6400xf32, #tpu.memory_space<vmem>>) target_semaphore(%arg7 : memref<!tpu.dma_semaphore, #tpu.memory_space<semaphore_mem>>)
    %add3A_1273 = arith.constant 24 : i32
    %add3A_1274 = arith.addi %mul3A_2, %add3A_1273 : i32
    %dma_wait3A_1275 = arith.constant 38400 : i32
    %dma_wait3A_1276 = tpu.memref_slice %arg2[%add3A_1274, %dma_wait3A_1275] : memref<1024x100000xf32, #tpu.memory_space<hbm>> -> memref<8x6400xf32, #tpu.memory_space<hbm>>
    %dma_wait3A_1277 = arith.constant 38400 : i32
    %dma_wait3A_1278 = tpu.memref_slice %arg2[%add3A_1274, %dma_wait3A_1277] : memref<1024x100000xf32, #tpu.memory_space<hbm>> -> memref<8x6400xf32, #tpu.memory_space<hbm>>
    tpu.wait_dma2 semaphore(%arg6 : memref<!tpu.dma_semaphore, #tpu.memory_space<semaphore_mem>>) src(%dma_wait3A_1278 : memref<8x6400xf32, #tpu.memory_space<hbm>>) dst(%arg4 : memref<8x6400xf32, #tpu.memory_space<vmem>>)
    %dma_start3A_1279 = arith.constant 38400 : i32
    %dma_start3A_1280 = tpu.memref_slice %arg3[%add3A_1274, %dma_start3A_1279] : memref<1024x100000xf32, #tpu.memory_space<hbm>> -> memref<8x6400xf32, #tpu.memory_space<hbm>>
    %dma_start3A_1281 = arith.constant 38400 : i32
    %dma_start3A_1282 = tpu.memref_slice %arg3[%add3A_1274, %dma_start3A_1281] : memref<1024x100000xf32, #tpu.memory_space<hbm>> -> memref<8x6400xf32, #tpu.memory_space<hbm>>
    tpu.enqueue_dma source(%arg4 : memref<8x6400xf32, #tpu.memory_space<vmem>>) target(%dma_start3A_1282 : memref<8x6400xf32, #tpu.memory_space<hbm>>) target_semaphore(%arg8 : memref<!tpu.dma_semaphore, #tpu.memory_space<semaphore_mem>>)
    %add3A_1283 = arith.constant 24 : i32
    %add3A_1284 = arith.addi %mul3A_2, %add3A_1283 : i32
    %dma_wait3A_1285 = arith.constant 38400 : i32
    %dma_wait3A_1286 = tpu.memref_slice %arg3[%add3A_1284, %dma_wait3A_1285] : memref<1024x100000xf32, #tpu.memory_space<hbm>> -> memref<8x6400xf32, #tpu.memory_space<hbm>>
    %dma_wait3A_1287 = arith.constant 38400 : i32
    %dma_wait3A_1288 = tpu.memref_slice %arg3[%add3A_1284, %dma_wait3A_1287] : memref<1024x100000xf32, #tpu.memory_space<hbm>> -> memref<8x6400xf32, #tpu.memory_space<hbm>>
    tpu.wait_dma2 semaphore(%arg8 : memref<!tpu.dma_semaphore, #tpu.memory_space<semaphore_mem>>) src(%arg4 : memref<8x6400xf32, #tpu.memory_space<vmem>>) dst(%dma_wait3A_1288 : memref<8x6400xf32, #tpu.memory_space<hbm>>)
    %add3A_1289 = arith.constant 24 : i32
    %add3A_1290 = arith.addi %mul3A_2, %add3A_1289 : i32
    %dma_start3A_1291 = arith.constant 51200 : i32
    %dma_start3A_1292 = tpu.memref_slice %arg2[%add3A_1290, %dma_start3A_1291] : memref<1024x100000xf32, #tpu.memory_space<hbm>> -> memref<8x6400xf32, #tpu.memory_space<hbm>>
    %dma_start3A_1293 = arith.constant 51200 : i32
    %dma_start3A_1294 = tpu.memref_slice %arg2[%add3A_1290, %dma_start3A_1293] : memref<1024x100000xf32, #tpu.memory_space<hbm>> -> memref<8x6400xf32, #tpu.memory_space<hbm>>
    tpu.enqueue_dma source(%dma_start3A_1294 : memref<8x6400xf32, #tpu.memory_space<hbm>>) target(%arg4 : memref<8x6400xf32, #tpu.memory_space<vmem>>) target_semaphore(%arg6 : memref<!tpu.dma_semaphore, #tpu.memory_space<semaphore_mem>>)
    %add3A_1295 = arith.constant 24 : i32
    %add3A_1296 = arith.addi %mul3A_2, %add3A_1295 : i32
    %dma_wait3A_1297 = arith.constant 44800 : i32
    %dma_wait3A_1298 = tpu.memref_slice %arg2[%add3A_1296, %dma_wait3A_1297] : memref<1024x100000xf32, #tpu.memory_space<hbm>> -> memref<8x6400xf32, #tpu.memory_space<hbm>>
    %dma_wait3A_1299 = arith.constant 44800 : i32
    %dma_wait3A_1300 = tpu.memref_slice %arg2[%add3A_1296, %dma_wait3A_1299] : memref<1024x100000xf32, #tpu.memory_space<hbm>> -> memref<8x6400xf32, #tpu.memory_space<hbm>>
    tpu.wait_dma2 semaphore(%arg7 : memref<!tpu.dma_semaphore, #tpu.memory_space<semaphore_mem>>) src(%dma_wait3A_1300 : memref<8x6400xf32, #tpu.memory_space<hbm>>) dst(%arg5 : memref<8x6400xf32, #tpu.memory_space<vmem>>)
    %dma_start3A_1301 = arith.constant 44800 : i32
    %dma_start3A_1302 = tpu.memref_slice %arg3[%add3A_1296, %dma_start3A_1301] : memref<1024x100000xf32, #tpu.memory_space<hbm>> -> memref<8x6400xf32, #tpu.memory_space<hbm>>
    %dma_start3A_1303 = arith.constant 44800 : i32
    %dma_start3A_1304 = tpu.memref_slice %arg3[%add3A_1296, %dma_start3A_1303] : memref<1024x100000xf32, #tpu.memory_space<hbm>> -> memref<8x6400xf32, #tpu.memory_space<hbm>>
    tpu.enqueue_dma source(%arg5 : memref<8x6400xf32, #tpu.memory_space<vmem>>) target(%dma_start3A_1304 : memref<8x6400xf32, #tpu.memory_space<hbm>>) target_semaphore(%arg9 : memref<!tpu.dma_semaphore, #tpu.memory_space<semaphore_mem>>)
    %add3A_1305 = arith.constant 24 : i32
    %add3A_1306 = arith.addi %mul3A_2, %add3A_1305 : i32
    %dma_wait3A_1307 = arith.constant 44800 : i32
    %dma_wait3A_1308 = tpu.memref_slice %arg3[%add3A_1306, %dma_wait3A_1307] : memref<1024x100000xf32, #tpu.memory_space<hbm>> -> memref<8x6400xf32, #tpu.memory_space<hbm>>
    %dma_wait3A_1309 = arith.constant 44800 : i32
    %dma_wait3A_1310 = tpu.memref_slice %arg3[%add3A_1306, %dma_wait3A_1309] : memref<1024x100000xf32, #tpu.memory_space<hbm>> -> memref<8x6400xf32, #tpu.memory_space<hbm>>
    tpu.wait_dma2 semaphore(%arg9 : memref<!tpu.dma_semaphore, #tpu.memory_space<semaphore_mem>>) src(%arg5 : memref<8x6400xf32, #tpu.memory_space<vmem>>) dst(%dma_wait3A_1310 : memref<8x6400xf32, #tpu.memory_space<hbm>>)
    %add3A_1311 = arith.constant 24 : i32
    %add3A_1312 = arith.addi %mul3A_2, %add3A_1311 : i32
    %dma_start3A_1313 = arith.constant 57600 : i32
    %dma_start3A_1314 = tpu.memref_slice %arg2[%add3A_1312, %dma_start3A_1313] : memref<1024x100000xf32, #tpu.memory_space<hbm>> -> memref<8x6400xf32, #tpu.memory_space<hbm>>
    %dma_start3A_1315 = arith.constant 57600 : i32
    %dma_start3A_1316 = tpu.memref_slice %arg2[%add3A_1312, %dma_start3A_1315] : memref<1024x100000xf32, #tpu.memory_space<hbm>> -> memref<8x6400xf32, #tpu.memory_space<hbm>>
    tpu.enqueue_dma source(%dma_start3A_1316 : memref<8x6400xf32, #tpu.memory_space<hbm>>) target(%arg5 : memref<8x6400xf32, #tpu.memory_space<vmem>>) target_semaphore(%arg7 : memref<!tpu.dma_semaphore, #tpu.memory_space<semaphore_mem>>)
    %add3A_1317 = arith.constant 24 : i32
    %add3A_1318 = arith.addi %mul3A_2, %add3A_1317 : i32
    %dma_wait3A_1319 = arith.constant 51200 : i32
    %dma_wait3A_1320 = tpu.memref_slice %arg2[%add3A_1318, %dma_wait3A_1319] : memref<1024x100000xf32, #tpu.memory_space<hbm>> -> memref<8x6400xf32, #tpu.memory_space<hbm>>
    %dma_wait3A_1321 = arith.constant 51200 : i32
    %dma_wait3A_1322 = tpu.memref_slice %arg2[%add3A_1318, %dma_wait3A_1321] : memref<1024x100000xf32, #tpu.memory_space<hbm>> -> memref<8x6400xf32, #tpu.memory_space<hbm>>
    tpu.wait_dma2 semaphore(%arg6 : memref<!tpu.dma_semaphore, #tpu.memory_space<semaphore_mem>>) src(%dma_wait3A_1322 : memref<8x6400xf32, #tpu.memory_space<hbm>>) dst(%arg4 : memref<8x6400xf32, #tpu.memory_space<vmem>>)
    %dma_start3A_1323 = arith.constant 51200 : i32
    %dma_start3A_1324 = tpu.memref_slice %arg3[%add3A_1318, %dma_start3A_1323] : memref<1024x100000xf32, #tpu.memory_space<hbm>> -> memref<8x6400xf32, #tpu.memory_space<hbm>>
    %dma_start3A_1325 = arith.constant 51200 : i32
    %dma_start3A_1326 = tpu.memref_slice %arg3[%add3A_1318, %dma_start3A_1325] : memref<1024x100000xf32, #tpu.memory_space<hbm>> -> memref<8x6400xf32, #tpu.memory_space<hbm>>
    tpu.enqueue_dma source(%arg4 : memref<8x6400xf32, #tpu.memory_space<vmem>>) target(%dma_start3A_1326 : memref<8x6400xf32, #tpu.memory_space<hbm>>) target_semaphore(%arg8 : memref<!tpu.dma_semaphore, #tpu.memory_space<semaphore_mem>>)
    %add3A_1327 = arith.constant 24 : i32
    %add3A_1328 = arith.addi %mul3A_2, %add3A_1327 : i32
    %dma_wait3A_1329 = arith.constant 51200 : i32
    %dma_wait3A_1330 = tpu.memref_slice %arg3[%add3A_1328, %dma_wait3A_1329] : memref<1024x100000xf32, #tpu.memory_space<hbm>> -> memref<8x6400xf32, #tpu.memory_space<hbm>>
    %dma_wait3A_1331 = arith.constant 51200 : i32
    %dma_wait3A_1332 = tpu.memref_slice %arg3[%add3A_1328, %dma_wait3A_1331] : memref<1024x100000xf32, #tpu.memory_space<hbm>> -> memref<8x6400xf32, #tpu.memory_space<hbm>>
    tpu.wait_dma2 semaphore(%arg8 : memref<!tpu.dma_semaphore, #tpu.memory_space<semaphore_mem>>) src(%arg4 : memref<8x6400xf32, #tpu.memory_space<vmem>>) dst(%dma_wait3A_1332 : memref<8x6400xf32, #tpu.memory_space<hbm>>)
    %add3A_1333 = arith.constant 24 : i32
    %add3A_1334 = arith.addi %mul3A_2, %add3A_1333 : i32
    %dma_start3A_1335 = arith.constant 64000 : i32
    %dma_start3A_1336 = tpu.memref_slice %arg2[%add3A_1334, %dma_start3A_1335] : memref<1024x100000xf32, #tpu.memory_space<hbm>> -> memref<8x6400xf32, #tpu.memory_space<hbm>>
    %dma_start3A_1337 = arith.constant 64000 : i32
    %dma_start3A_1338 = tpu.memref_slice %arg2[%add3A_1334, %dma_start3A_1337] : memref<1024x100000xf32, #tpu.memory_space<hbm>> -> memref<8x6400xf32, #tpu.memory_space<hbm>>
    tpu.enqueue_dma source(%dma_start3A_1338 : memref<8x6400xf32, #tpu.memory_space<hbm>>) target(%arg4 : memref<8x6400xf32, #tpu.memory_space<vmem>>) target_semaphore(%arg6 : memref<!tpu.dma_semaphore, #tpu.memory_space<semaphore_mem>>)
    %add3A_1339 = arith.constant 24 : i32
    %add3A_1340 = arith.addi %mul3A_2, %add3A_1339 : i32
    %dma_wait3A_1341 = arith.constant 57600 : i32
    %dma_wait3A_1342 = tpu.memref_slice %arg2[%add3A_1340, %dma_wait3A_1341] : memref<1024x100000xf32, #tpu.memory_space<hbm>> -> memref<8x6400xf32, #tpu.memory_space<hbm>>
    %dma_wait3A_1343 = arith.constant 57600 : i32
    %dma_wait3A_1344 = tpu.memref_slice %arg2[%add3A_1340, %dma_wait3A_1343] : memref<1024x100000xf32, #tpu.memory_space<hbm>> -> memref<8x6400xf32, #tpu.memory_space<hbm>>
    tpu.wait_dma2 semaphore(%arg7 : memref<!tpu.dma_semaphore, #tpu.memory_space<semaphore_mem>>) src(%dma_wait3A_1344 : memref<8x6400xf32, #tpu.memory_space<hbm>>) dst(%arg5 : memref<8x6400xf32, #tpu.memory_space<vmem>>)
    %dma_start3A_1345 = arith.constant 57600 : i32
    %dma_start3A_1346 = tpu.memref_slice %arg3[%add3A_1340, %dma_start3A_1345] : memref<1024x100000xf32, #tpu.memory_space<hbm>> -> memref<8x6400xf32, #tpu.memory_space<hbm>>
    %dma_start3A_1347 = arith.constant 57600 : i32
    %dma_start3A_1348 = tpu.memref_slice %arg3[%add3A_1340, %dma_start3A_1347] : memref<1024x100000xf32, #tpu.memory_space<hbm>> -> memref<8x6400xf32, #tpu.memory_space<hbm>>
    tpu.enqueue_dma source(%arg5 : memref<8x6400xf32, #tpu.memory_space<vmem>>) target(%dma_start3A_1348 : memref<8x6400xf32, #tpu.memory_space<hbm>>) target_semaphore(%arg9 : memref<!tpu.dma_semaphore, #tpu.memory_space<semaphore_mem>>)
    %add3A_1349 = arith.constant 24 : i32
    %add3A_1350 = arith.addi %mul3A_2, %add3A_1349 : i32
    %dma_wait3A_1351 = arith.constant 57600 : i32
    %dma_wait3A_1352 = tpu.memref_slice %arg3[%add3A_1350, %dma_wait3A_1351] : memref<1024x100000xf32, #tpu.memory_space<hbm>> -> memref<8x6400xf32, #tpu.memory_space<hbm>>
    %dma_wait3A_1353 = arith.constant 57600 : i32
    %dma_wait3A_1354 = tpu.memref_slice %arg3[%add3A_1350, %dma_wait3A_1353] : memref<1024x100000xf32, #tpu.memory_space<hbm>> -> memref<8x6400xf32, #tpu.memory_space<hbm>>
    tpu.wait_dma2 semaphore(%arg9 : memref<!tpu.dma_semaphore, #tpu.memory_space<semaphore_mem>>) src(%arg5 : memref<8x6400xf32, #tpu.memory_space<vmem>>) dst(%dma_wait3A_1354 : memref<8x6400xf32, #tpu.memory_space<hbm>>)
    %add3A_1355 = arith.constant 24 : i32
    %add3A_1356 = arith.addi %mul3A_2, %add3A_1355 : i32
    %dma_start3A_1357 = arith.constant 70400 : i32
    %dma_start3A_1358 = tpu.memref_slice %arg2[%add3A_1356, %dma_start3A_1357] : memref<1024x100000xf32, #tpu.memory_space<hbm>> -> memref<8x6400xf32, #tpu.memory_space<hbm>>
    %dma_start3A_1359 = arith.constant 70400 : i32
    %dma_start3A_1360 = tpu.memref_slice %arg2[%add3A_1356, %dma_start3A_1359] : memref<1024x100000xf32, #tpu.memory_space<hbm>> -> memref<8x6400xf32, #tpu.memory_space<hbm>>
    tpu.enqueue_dma source(%dma_start3A_1360 : memref<8x6400xf32, #tpu.memory_space<hbm>>) target(%arg5 : memref<8x6400xf32, #tpu.memory_space<vmem>>) target_semaphore(%arg7 : memref<!tpu.dma_semaphore, #tpu.memory_space<semaphore_mem>>)
    %add3A_1361 = arith.constant 24 : i32
    %add3A_1362 = arith.addi %mul3A_2, %add3A_1361 : i32
    %dma_wait3A_1363 = arith.constant 64000 : i32
    %dma_wait3A_1364 = tpu.memref_slice %arg2[%add3A_1362, %dma_wait3A_1363] : memref<1024x100000xf32, #tpu.memory_space<hbm>> -> memref<8x6400xf32, #tpu.memory_space<hbm>>
    %dma_wait3A_1365 = arith.constant 64000 : i32
    %dma_wait3A_1366 = tpu.memref_slice %arg2[%add3A_1362, %dma_wait3A_1365] : memref<1024x100000xf32, #tpu.memory_space<hbm>> -> memref<8x6400xf32, #tpu.memory_space<hbm>>
    tpu.wait_dma2 semaphore(%arg6 : memref<!tpu.dma_semaphore, #tpu.memory_space<semaphore_mem>>) src(%dma_wait3A_1366 : memref<8x6400xf32, #tpu.memory_space<hbm>>) dst(%arg4 : memref<8x6400xf32, #tpu.memory_space<vmem>>)
    %dma_start3A_1367 = arith.constant 64000 : i32
    %dma_start3A_1368 = tpu.memref_slice %arg3[%add3A_1362, %dma_start3A_1367] : memref<1024x100000xf32, #tpu.memory_space<hbm>> -> memref<8x6400xf32, #tpu.memory_space<hbm>>
    %dma_start3A_1369 = arith.constant 64000 : i32
    %dma_start3A_1370 = tpu.memref_slice %arg3[%add3A_1362, %dma_start3A_1369] : memref<1024x100000xf32, #tpu.memory_space<hbm>> -> memref<8x6400xf32, #tpu.memory_space<hbm>>
    tpu.enqueue_dma source(%arg4 : memref<8x6400xf32, #tpu.memory_space<vmem>>) target(%dma_start3A_1370 : memref<8x6400xf32, #tpu.memory_space<hbm>>) target_semaphore(%arg8 : memref<!tpu.dma_semaphore, #tpu.memory_space<semaphore_mem>>)
    %add3A_1371 = arith.constant 24 : i32
    %add3A_1372 = arith.addi %mul3A_2, %add3A_1371 : i32
    %dma_wait3A_1373 = arith.constant 64000 : i32
    %dma_wait3A_1374 = tpu.memref_slice %arg3[%add3A_1372, %dma_wait3A_1373] : memref<1024x100000xf32, #tpu.memory_space<hbm>> -> memref<8x6400xf32, #tpu.memory_space<hbm>>
    %dma_wait3A_1375 = arith.constant 64000 : i32
    %dma_wait3A_1376 = tpu.memref_slice %arg3[%add3A_1372, %dma_wait3A_1375] : memref<1024x100000xf32, #tpu.memory_space<hbm>> -> memref<8x6400xf32, #tpu.memory_space<hbm>>
    tpu.wait_dma2 semaphore(%arg8 : memref<!tpu.dma_semaphore, #tpu.memory_space<semaphore_mem>>) src(%arg4 : memref<8x6400xf32, #tpu.memory_space<vmem>>) dst(%dma_wait3A_1376 : memref<8x6400xf32, #tpu.memory_space<hbm>>)
    %add3A_1377 = arith.constant 24 : i32
    %add3A_1378 = arith.addi %mul3A_2, %add3A_1377 : i32
    %dma_start3A_1379 = arith.constant 76800 : i32
    %dma_start3A_1380 = tpu.memref_slice %arg2[%add3A_1378, %dma_start3A_1379] : memref<1024x100000xf32, #tpu.memory_space<hbm>> -> memref<8x6400xf32, #tpu.memory_space<hbm>>
    %dma_start3A_1381 = arith.constant 76800 : i32
    %dma_start3A_1382 = tpu.memref_slice %arg2[%add3A_1378, %dma_start3A_1381] : memref<1024x100000xf32, #tpu.memory_space<hbm>> -> memref<8x6400xf32, #tpu.memory_space<hbm>>
    tpu.enqueue_dma source(%dma_start3A_1382 : memref<8x6400xf32, #tpu.memory_space<hbm>>) target(%arg4 : memref<8x6400xf32, #tpu.memory_space<vmem>>) target_semaphore(%arg6 : memref<!tpu.dma_semaphore, #tpu.memory_space<semaphore_mem>>)
    %add3A_1383 = arith.constant 24 : i32
    %add3A_1384 = arith.addi %mul3A_2, %add3A_1383 : i32
    %dma_wait3A_1385 = arith.constant 70400 : i32
    %dma_wait3A_1386 = tpu.memref_slice %arg2[%add3A_1384, %dma_wait3A_1385] : memref<1024x100000xf32, #tpu.memory_space<hbm>> -> memref<8x6400xf32, #tpu.memory_space<hbm>>
    %dma_wait3A_1387 = arith.constant 70400 : i32
    %dma_wait3A_1388 = tpu.memref_slice %arg2[%add3A_1384, %dma_wait3A_1387] : memref<1024x100000xf32, #tpu.memory_space<hbm>> -> memref<8x6400xf32, #tpu.memory_space<hbm>>
    tpu.wait_dma2 semaphore(%arg7 : memref<!tpu.dma_semaphore, #tpu.memory_space<semaphore_mem>>) src(%dma_wait3A_1388 : memref<8x6400xf32, #tpu.memory_space<hbm>>) dst(%arg5 : memref<8x6400xf32, #tpu.memory_space<vmem>>)
    %dma_start3A_1389 = arith.constant 70400 : i32
    %dma_start3A_1390 = tpu.memref_slice %arg3[%add3A_1384, %dma_start3A_1389] : memref<1024x100000xf32, #tpu.memory_space<hbm>> -> memref<8x6400xf32, #tpu.memory_space<hbm>>
    %dma_start3A_1391 = arith.constant 70400 : i32
    %dma_start3A_1392 = tpu.memref_slice %arg3[%add3A_1384, %dma_start3A_1391] : memref<1024x100000xf32, #tpu.memory_space<hbm>> -> memref<8x6400xf32, #tpu.memory_space<hbm>>
    tpu.enqueue_dma source(%arg5 : memref<8x6400xf32, #tpu.memory_space<vmem>>) target(%dma_start3A_1392 : memref<8x6400xf32, #tpu.memory_space<hbm>>) target_semaphore(%arg9 : memref<!tpu.dma_semaphore, #tpu.memory_space<semaphore_mem>>)
    %add3A_1393 = arith.constant 24 : i32
    %add3A_1394 = arith.addi %mul3A_2, %add3A_1393 : i32
    %dma_wait3A_1395 = arith.constant 70400 : i32
    %dma_wait3A_1396 = tpu.memref_slice %arg3[%add3A_1394, %dma_wait3A_1395] : memref<1024x100000xf32, #tpu.memory_space<hbm>> -> memref<8x6400xf32, #tpu.memory_space<hbm>>
    %dma_wait3A_1397 = arith.constant 70400 : i32
    %dma_wait3A_1398 = tpu.memref_slice %arg3[%add3A_1394, %dma_wait3A_1397] : memref<1024x100000xf32, #tpu.memory_space<hbm>> -> memref<8x6400xf32, #tpu.memory_space<hbm>>
    tpu.wait_dma2 semaphore(%arg9 : memref<!tpu.dma_semaphore, #tpu.memory_space<semaphore_mem>>) src(%arg5 : memref<8x6400xf32, #tpu.memory_space<vmem>>) dst(%dma_wait3A_1398 : memref<8x6400xf32, #tpu.memory_space<hbm>>)
    %add3A_1399 = arith.constant 24 : i32
    %add3A_1400 = arith.addi %mul3A_2, %add3A_1399 : i32
    %dma_start3A_1401 = arith.constant 83200 : i32
    %dma_start3A_1402 = tpu.memref_slice %arg2[%add3A_1400, %dma_start3A_1401] : memref<1024x100000xf32, #tpu.memory_space<hbm>> -> memref<8x6400xf32, #tpu.memory_space<hbm>>
    %dma_start3A_1403 = arith.constant 83200 : i32
    %dma_start3A_1404 = tpu.memref_slice %arg2[%add3A_1400, %dma_start3A_1403] : memref<1024x100000xf32, #tpu.memory_space<hbm>> -> memref<8x6400xf32, #tpu.memory_space<hbm>>
    tpu.enqueue_dma source(%dma_start3A_1404 : memref<8x6400xf32, #tpu.memory_space<hbm>>) target(%arg5 : memref<8x6400xf32, #tpu.memory_space<vmem>>) target_semaphore(%arg7 : memref<!tpu.dma_semaphore, #tpu.memory_space<semaphore_mem>>)
    %add3A_1405 = arith.constant 24 : i32
    %add3A_1406 = arith.addi %mul3A_2, %add3A_1405 : i32
    %dma_wait3A_1407 = arith.constant 76800 : i32
    %dma_wait3A_1408 = tpu.memref_slice %arg2[%add3A_1406, %dma_wait3A_1407] : memref<1024x100000xf32, #tpu.memory_space<hbm>> -> memref<8x6400xf32, #tpu.memory_space<hbm>>
    %dma_wait3A_1409 = arith.constant 76800 : i32
    %dma_wait3A_1410 = tpu.memref_slice %arg2[%add3A_1406, %dma_wait3A_1409] : memref<1024x100000xf32, #tpu.memory_space<hbm>> -> memref<8x6400xf32, #tpu.memory_space<hbm>>
    tpu.wait_dma2 semaphore(%arg6 : memref<!tpu.dma_semaphore, #tpu.memory_space<semaphore_mem>>) src(%dma_wait3A_1410 : memref<8x6400xf32, #tpu.memory_space<hbm>>) dst(%arg4 : memref<8x6400xf32, #tpu.memory_space<vmem>>)
    %dma_start3A_1411 = arith.constant 76800 : i32
    %dma_start3A_1412 = tpu.memref_slice %arg3[%add3A_1406, %dma_start3A_1411] : memref<1024x100000xf32, #tpu.memory_space<hbm>> -> memref<8x6400xf32, #tpu.memory_space<hbm>>
    %dma_start3A_1413 = arith.constant 76800 : i32
    %dma_start3A_1414 = tpu.memref_slice %arg3[%add3A_1406, %dma_start3A_1413] : memref<1024x100000xf32, #tpu.memory_space<hbm>> -> memref<8x6400xf32, #tpu.memory_space<hbm>>
    tpu.enqueue_dma source(%arg4 : memref<8x6400xf32, #tpu.memory_space<vmem>>) target(%dma_start3A_1414 : memref<8x6400xf32, #tpu.memory_space<hbm>>) target_semaphore(%arg8 : memref<!tpu.dma_semaphore, #tpu.memory_space<semaphore_mem>>)
    %add3A_1415 = arith.constant 24 : i32
    %add3A_1416 = arith.addi %mul3A_2, %add3A_1415 : i32
    %dma_wait3A_1417 = arith.constant 76800 : i32
    %dma_wait3A_1418 = tpu.memref_slice %arg3[%add3A_1416, %dma_wait3A_1417] : memref<1024x100000xf32, #tpu.memory_space<hbm>> -> memref<8x6400xf32, #tpu.memory_space<hbm>>
    %dma_wait3A_1419 = arith.constant 76800 : i32
    %dma_wait3A_1420 = tpu.memref_slice %arg3[%add3A_1416, %dma_wait3A_1419] : memref<1024x100000xf32, #tpu.memory_space<hbm>> -> memref<8x6400xf32, #tpu.memory_space<hbm>>
    tpu.wait_dma2 semaphore(%arg8 : memref<!tpu.dma_semaphore, #tpu.memory_space<semaphore_mem>>) src(%arg4 : memref<8x6400xf32, #tpu.memory_space<vmem>>) dst(%dma_wait3A_1420 : memref<8x6400xf32, #tpu.memory_space<hbm>>)
    %add3A_1421 = arith.constant 24 : i32
    %add3A_1422 = arith.addi %mul3A_2, %add3A_1421 : i32
    %dma_start3A_1423 = arith.constant 89600 : i32
    %dma_start3A_1424 = tpu.memref_slice %arg2[%add3A_1422, %dma_start3A_1423] : memref<1024x100000xf32, #tpu.memory_space<hbm>> -> memref<8x6400xf32, #tpu.memory_space<hbm>>
    %dma_start3A_1425 = arith.constant 89600 : i32
    %dma_start3A_1426 = tpu.memref_slice %arg2[%add3A_1422, %dma_start3A_1425] : memref<1024x100000xf32, #tpu.memory_space<hbm>> -> memref<8x6400xf32, #tpu.memory_space<hbm>>
    tpu.enqueue_dma source(%dma_start3A_1426 : memref<8x6400xf32, #tpu.memory_space<hbm>>) target(%arg4 : memref<8x6400xf32, #tpu.memory_space<vmem>>) target_semaphore(%arg6 : memref<!tpu.dma_semaphore, #tpu.memory_space<semaphore_mem>>)
    %add3A_1427 = arith.constant 24 : i32
    %add3A_1428 = arith.addi %mul3A_2, %add3A_1427 : i32
    %dma_wait3A_1429 = arith.constant 83200 : i32
    %dma_wait3A_1430 = tpu.memref_slice %arg2[%add3A_1428, %dma_wait3A_1429] : memref<1024x100000xf32, #tpu.memory_space<hbm>> -> memref<8x6400xf32, #tpu.memory_space<hbm>>
    %dma_wait3A_1431 = arith.constant 83200 : i32
    %dma_wait3A_1432 = tpu.memref_slice %arg2[%add3A_1428, %dma_wait3A_1431] : memref<1024x100000xf32, #tpu.memory_space<hbm>> -> memref<8x6400xf32, #tpu.memory_space<hbm>>
    tpu.wait_dma2 semaphore(%arg7 : memref<!tpu.dma_semaphore, #tpu.memory_space<semaphore_mem>>) src(%dma_wait3A_1432 : memref<8x6400xf32, #tpu.memory_space<hbm>>) dst(%arg5 : memref<8x6400xf32, #tpu.memory_space<vmem>>)
    %dma_start3A_1433 = arith.constant 83200 : i32
    %dma_start3A_1434 = tpu.memref_slice %arg3[%add3A_1428, %dma_start3A_1433] : memref<1024x100000xf32, #tpu.memory_space<hbm>> -> memref<8x6400xf32, #tpu.memory_space<hbm>>
    %dma_start3A_1435 = arith.constant 83200 : i32
    %dma_start3A_1436 = tpu.memref_slice %arg3[%add3A_1428, %dma_start3A_1435] : memref<1024x100000xf32, #tpu.memory_space<hbm>> -> memref<8x6400xf32, #tpu.memory_space<hbm>>
    tpu.enqueue_dma source(%arg5 : memref<8x6400xf32, #tpu.memory_space<vmem>>) target(%dma_start3A_1436 : memref<8x6400xf32, #tpu.memory_space<hbm>>) target_semaphore(%arg9 : memref<!tpu.dma_semaphore, #tpu.memory_space<semaphore_mem>>)
    %add3A_1437 = arith.constant 24 : i32
    %add3A_1438 = arith.addi %mul3A_2, %add3A_1437 : i32
    %dma_wait3A_1439 = arith.constant 83200 : i32
    %dma_wait3A_1440 = tpu.memref_slice %arg3[%add3A_1438, %dma_wait3A_1439] : memref<1024x100000xf32, #tpu.memory_space<hbm>> -> memref<8x6400xf32, #tpu.memory_space<hbm>>
    %dma_wait3A_1441 = arith.constant 83200 : i32
    %dma_wait3A_1442 = tpu.memref_slice %arg3[%add3A_1438, %dma_wait3A_1441] : memref<1024x100000xf32, #tpu.memory_space<hbm>> -> memref<8x6400xf32, #tpu.memory_space<hbm>>
    tpu.wait_dma2 semaphore(%arg9 : memref<!tpu.dma_semaphore, #tpu.memory_space<semaphore_mem>>) src(%arg5 : memref<8x6400xf32, #tpu.memory_space<vmem>>) dst(%dma_wait3A_1442 : memref<8x6400xf32, #tpu.memory_space<hbm>>)
    %add3A_1443 = arith.constant 24 : i32
    %add3A_1444 = arith.addi %mul3A_2, %add3A_1443 : i32
    %dma_start3A_1445 = arith.constant 0 : i32
    %dma_start3A_1446 = arith.constant 0 : i32
    %dma_start3A_1447 = tpu.memref_slice %arg5[%dma_start3A_1445, %dma_start3A_1446] : memref<8x6400xf32, #tpu.memory_space<vmem>> -> memref<8x3968xf32, #tpu.memory_space<vmem>>
    %dma_start3A_1448 = arith.constant 96000 : i32
    %dma_start3A_1449 = tpu.memref_slice %arg2[%add3A_1444, %dma_start3A_1448] : memref<1024x100000xf32, #tpu.memory_space<hbm>> -> memref<8x3968xf32, #tpu.memory_space<hbm>>
    %dma_start3A_1450 = arith.constant 0 : i32
    %dma_start3A_1451 = arith.constant 0 : i32
    %dma_start3A_1452 = tpu.memref_slice %arg5[%dma_start3A_1450, %dma_start3A_1451] : memref<8x6400xf32, #tpu.memory_space<vmem>> -> memref<8x3968xf32, #tpu.memory_space<vmem>>
    %dma_start3A_1453 = arith.constant 96000 : i32
    %dma_start3A_1454 = tpu.memref_slice %arg2[%add3A_1444, %dma_start3A_1453] : memref<1024x100000xf32, #tpu.memory_space<hbm>> -> memref<8x3968xf32, #tpu.memory_space<hbm>>
    tpu.enqueue_dma source(%dma_start3A_1454 : memref<8x3968xf32, #tpu.memory_space<hbm>>) target(%dma_start3A_1452 : memref<8x3968xf32, #tpu.memory_space<vmem>>) target_semaphore(%arg7 : memref<!tpu.dma_semaphore, #tpu.memory_space<semaphore_mem>>)
    %add3A_1455 = arith.constant 24 : i32
    %add3A_1456 = arith.addi %mul3A_2, %add3A_1455 : i32
    %dma_wait3A_1457 = arith.constant 89600 : i32
    %dma_wait3A_1458 = tpu.memref_slice %arg2[%add3A_1456, %dma_wait3A_1457] : memref<1024x100000xf32, #tpu.memory_space<hbm>> -> memref<8x6400xf32, #tpu.memory_space<hbm>>
    %dma_wait3A_1459 = arith.constant 89600 : i32
    %dma_wait3A_1460 = tpu.memref_slice %arg2[%add3A_1456, %dma_wait3A_1459] : memref<1024x100000xf32, #tpu.memory_space<hbm>> -> memref<8x6400xf32, #tpu.memory_space<hbm>>
    tpu.wait_dma2 semaphore(%arg6 : memref<!tpu.dma_semaphore, #tpu.memory_space<semaphore_mem>>) src(%dma_wait3A_1460 : memref<8x6400xf32, #tpu.memory_space<hbm>>) dst(%arg4 : memref<8x6400xf32, #tpu.memory_space<vmem>>)
    %dma_start3A_1461 = arith.constant 89600 : i32
    %dma_start3A_1462 = tpu.memref_slice %arg3[%add3A_1456, %dma_start3A_1461] : memref<1024x100000xf32, #tpu.memory_space<hbm>> -> memref<8x6400xf32, #tpu.memory_space<hbm>>
    %dma_start3A_1463 = arith.constant 89600 : i32
    %dma_start3A_1464 = tpu.memref_slice %arg3[%add3A_1456, %dma_start3A_1463] : memref<1024x100000xf32, #tpu.memory_space<hbm>> -> memref<8x6400xf32, #tpu.memory_space<hbm>>
    tpu.enqueue_dma source(%arg4 : memref<8x6400xf32, #tpu.memory_space<vmem>>) target(%dma_start3A_1464 : memref<8x6400xf32, #tpu.memory_space<hbm>>) target_semaphore(%arg8 : memref<!tpu.dma_semaphore, #tpu.memory_space<semaphore_mem>>)
    %add3A_1465 = arith.constant 24 : i32
    %add3A_1466 = arith.addi %mul3A_2, %add3A_1465 : i32
    %dma_wait3A_1467 = arith.constant 0 : i32
    %dma_wait3A_1468 = arith.constant 0 : i32
    %dma_wait3A_1469 = tpu.memref_slice %arg5[%dma_wait3A_1467, %dma_wait3A_1468] : memref<8x6400xf32, #tpu.memory_space<vmem>> -> memref<8x3968xf32, #tpu.memory_space<vmem>>
    %dma_wait3A_1470 = arith.constant 96000 : i32
    %dma_wait3A_1471 = tpu.memref_slice %arg2[%add3A_1466, %dma_wait3A_1470] : memref<1024x100000xf32, #tpu.memory_space<hbm>> -> memref<8x3968xf32, #tpu.memory_space<hbm>>
    %dma_wait3A_1472 = arith.constant 0 : i32
    %dma_wait3A_1473 = arith.constant 0 : i32
    %dma_wait3A_1474 = tpu.memref_slice %arg5[%dma_wait3A_1472, %dma_wait3A_1473] : memref<8x6400xf32, #tpu.memory_space<vmem>> -> memref<8x3968xf32, #tpu.memory_space<vmem>>
    %dma_wait3A_1475 = arith.constant 96000 : i32
    %dma_wait3A_1476 = tpu.memref_slice %arg2[%add3A_1466, %dma_wait3A_1475] : memref<1024x100000xf32, #tpu.memory_space<hbm>> -> memref<8x3968xf32, #tpu.memory_space<hbm>>
    tpu.wait_dma2 semaphore(%arg7 : memref<!tpu.dma_semaphore, #tpu.memory_space<semaphore_mem>>) src(%dma_wait3A_1476 : memref<8x3968xf32, #tpu.memory_space<hbm>>) dst(%dma_wait3A_1474 : memref<8x3968xf32, #tpu.memory_space<vmem>>)
    %dma_start3A_1477 = arith.constant 0 : i32
    %dma_start3A_1478 = arith.constant 0 : i32
    %dma_start3A_1479 = tpu.memref_slice %arg5[%dma_start3A_1477, %dma_start3A_1478] : memref<8x6400xf32, #tpu.memory_space<vmem>> -> memref<8x3968xf32, #tpu.memory_space<vmem>>
    %dma_start3A_1480 = arith.constant 96000 : i32
    %dma_start3A_1481 = tpu.memref_slice %arg3[%add3A_1466, %dma_start3A_1480] : memref<1024x100000xf32, #tpu.memory_space<hbm>> -> memref<8x3968xf32, #tpu.memory_space<hbm>>
    %dma_start3A_1482 = arith.constant 96000 : i32
    %dma_start3A_1483 = tpu.memref_slice %arg3[%add3A_1466, %dma_start3A_1482] : memref<1024x100000xf32, #tpu.memory_space<hbm>> -> memref<8x3968xf32, #tpu.memory_space<hbm>>
    %dma_start3A_1484 = arith.constant 0 : i32
    %dma_start3A_1485 = arith.constant 0 : i32
    %dma_start3A_1486 = tpu.memref_slice %arg5[%dma_start3A_1484, %dma_start3A_1485] : memref<8x6400xf32, #tpu.memory_space<vmem>> -> memref<8x3968xf32, #tpu.memory_space<vmem>>
    tpu.enqueue_dma source(%dma_start3A_1486 : memref<8x3968xf32, #tpu.memory_space<vmem>>) target(%dma_start3A_1483 : memref<8x3968xf32, #tpu.memory_space<hbm>>) target_semaphore(%arg9 : memref<!tpu.dma_semaphore, #tpu.memory_space<semaphore_mem>>)
    %add3A_1487 = arith.constant 24 : i32
    %add3A_1488 = arith.addi %mul3A_2, %add3A_1487 : i32
    %dma_wait3A_1489 = arith.constant 89600 : i32
    %dma_wait3A_1490 = tpu.memref_slice %arg3[%add3A_1488, %dma_wait3A_1489] : memref<1024x100000xf32, #tpu.memory_space<hbm>> -> memref<8x6400xf32, #tpu.memory_space<hbm>>
    %dma_wait3A_1491 = arith.constant 89600 : i32
    %dma_wait3A_1492 = tpu.memref_slice %arg3[%add3A_1488, %dma_wait3A_1491] : memref<1024x100000xf32, #tpu.memory_space<hbm>> -> memref<8x6400xf32, #tpu.memory_space<hbm>>
    tpu.wait_dma2 semaphore(%arg8 : memref<!tpu.dma_semaphore, #tpu.memory_space<semaphore_mem>>) src(%arg4 : memref<8x6400xf32, #tpu.memory_space<vmem>>) dst(%dma_wait3A_1492 : memref<8x6400xf32, #tpu.memory_space<hbm>>)
    %add3A_1493 = arith.constant 24 : i32
    %add3A_1494 = arith.addi %mul3A_2, %add3A_1493 : i32
    %dma_wait3A_1495 = arith.constant 0 : i32
    %dma_wait3A_1496 = arith.constant 0 : i32
    %dma_wait3A_1497 = tpu.memref_slice %arg5[%dma_wait3A_1495, %dma_wait3A_1496] : memref<8x6400xf32, #tpu.memory_space<vmem>> -> memref<8x3968xf32, #tpu.memory_space<vmem>>
    %dma_wait3A_1498 = arith.constant 96000 : i32
    %dma_wait3A_1499 = tpu.memref_slice %arg3[%add3A_1494, %dma_wait3A_1498] : memref<1024x100000xf32, #tpu.memory_space<hbm>> -> memref<8x3968xf32, #tpu.memory_space<hbm>>
    %dma_wait3A_1500 = arith.constant 96000 : i32
    %dma_wait3A_1501 = tpu.memref_slice %arg3[%add3A_1494, %dma_wait3A_1500] : memref<1024x100000xf32, #tpu.memory_space<hbm>> -> memref<8x3968xf32, #tpu.memory_space<hbm>>
    %dma_wait3A_1502 = arith.constant 0 : i32
    %dma_wait3A_1503 = arith.constant 0 : i32
    %dma_wait3A_1504 = tpu.memref_slice %arg5[%dma_wait3A_1502, %dma_wait3A_1503] : memref<8x6400xf32, #tpu.memory_space<vmem>> -> memref<8x3968xf32, #tpu.memory_space<vmem>>
    tpu.wait_dma2 semaphore(%arg9 : memref<!tpu.dma_semaphore, #tpu.memory_space<semaphore_mem>>) src(%dma_wait3A_1504 : memref<8x3968xf32, #tpu.memory_space<vmem>>) dst(%dma_wait3A_1501 : memref<8x3968xf32, #tpu.memory_space<hbm>>)
    return
  }
}

</mosaic_0001>

<sc_bundles>
// kernel: kernel.3.cloned.1.call-start
scs
__scs_entry_jumppad:
0x0: {  	(pc) =	sbr.rel $0x88, $3  }
0x1: {  	(tag) =	ssettag $0x0;
	lr =	simm.s32 $0x1  }
0x2: {  	[smem:$0x3FA0] =	sst lr;
	_ =	strace $0xD0000000  }
0x3: {  	_ = 	snop  }
0x4: {  	_ = 	snop  }
0x5: {  	_ = 	snop  }
0x6: {  	_ = 	snop  }
0x7: {  	_ = 	snop  }
__scs_overlays_trampoline_lowered:
0x8: {  	[smem:$0x3FAF] =	sst s0  }
0x9: {  	[smem:$0x3FB0] =	sst s1  }
0xa: {  	[smem:$0x3FB1] =	sst s2  }
0xb: {  	[smem:$0x3FB2] =	sst s3  }
0xc: {  	[smem:$0x3FB3] =	sst s4  }
0xd: {  	[smem:$0x3FB4] =	sst s5  }
0xe: {  	[smem:$0x3FB5] =	sst s6  }
0xf: {  	[smem:$0x3FB6] =	sst s7  }
0x10: {  	[smem:$0x3FB7] =	sst s8  }
0x11: {  	[smem:$0x3FB8] =	sst s9;
	s0 =	simm.s32 @!p0 $0x0  }
0x12: {  	s1 =	sld [smem:$0x3F9E];
	s0 =	simm.s32 @p0 $0x1  }
0x13: {  	[smem:$0x3FB9] =	sst s0;
	s0 =	simm.s32 @!p1 $0x0  }
0x14: {  	s2 =	sld [smem:$0x3F9D];
	s0 =	simm.s32 @p1 $0x1  }
0x15: {  	[smem:$0x3FBA] =	sst s0;
	s0 =	simm.s32 @!p2 $0x0  }
0x16: {  	s3 =	sld [smem:$0x3FDB];
	s0 =	simm.s32 @p2 $0x1  }
0x17: {  	s4 =	simm.s32 $0x1BF5;
	[smem:$0x3FBC] =	sst s0  }
0x18: {  	s0 =	sld [smem:$0x3F9F];
	_ =	swait.ge [sflag:s4], $0x0  }
0x19: {  	s7 =	sld [smem:$0x3FA0]  }
0x1a: {  	s8 =	sadd.s32 $0xFFFFE003, lr  }
0x1b: {  	s9 =	sadd.s32 $0xFFFFFEF7, lr;
	s5 =	simm.s32 $0xFFFFFFFF;
	p2 =	slt.u32 s8, $0xFFFFF086  }
0x1c: {  	p1 =	slt.u32 s9, $0xF7A;
	s5 =	simm.s32 @!p2 $0x0  }
0x1d: {  	s5 =	simm.s32 @p1 $0x1;
	p0 =	seq.s32 s7, s2  }
0x1e: {  	s7 =	smul.u32 @!p0 $0xF7A, s2;
	p2 =	seq.s32 @!p0 s5, $0x0  }
0x1f: {  	s9 =	smul.u32 $0xF7A, s1;
	s8 =	simm.s32 @!p0 $0x1BF5;
	p2 =	por !p2, p0  }
0x20: {  	[sflag:s8] =	ssyncset.s32 @!p0 $0xFFFFF086;
	s6 =	sadd.s32 @!p0 s3, s7;
	s7 =	simm.s32 @!p0 $0x108  }
0x21: {  	s3 =	sadd.s32 s3, s9;
	s6 =	sadd.s32 @!p0 $0x88, s6;
	s7 =	simm.s32 @p2 $0x1082  }
0x22: {  	[simem:s7], [sflag:s8] =	dma.local @!p0 [hbm:s6], $0xF7A  }
0x23: {  	s9 =	sor.u32 $0xD0000000, s2;
	s6 =	simm.s32 $0x108;
	_ =	swait.ge @!p0 [sflag:s8], $0x0  }
0x24: {  	s3 =	sadd.s32 $0x88, s3;
	s6 =	simm.s32 @!p1 $0x1082;
	[sflag:s4] =	ssyncset.s32 $0xFFFFF086  }
0x25: {  	[simem:s6], [sflag:s4] =	dma.local [hbm:s3], $0xF7A  }
0x26: {  	[smem:$0x3FA0] =	sst s1;
	(tag) =	ssettag s2;
	_ =	strace s9  }
0x27: {  	s1 =	sld [smem:$0x3FB0]  }
0x28: {  	s2 =	sld [smem:$0x3FB1]  }
0x29: {  	s4 =	sld [smem:$0x3FB3]  }
0x2a: {  	p0 =	seq.s32 s5, $0x0;
	s5 =	sld [smem:$0x3FB4]  }
0x2b: {  	s6 =	sld [smem:$0x3FB5]  }
0x2c: {  	s7 =	sld [smem:$0x3FB6]  }
0x2d: {  	s3 =	simm.s32 $0x108;
	s8 =	sld [smem:$0x3FB7]  }
0x2e: {  	s3 =	simm.s32 @!p0 $0x1082;
	s9 =	sld [smem:$0x3FB8]  }
0x2f: {  	lr =	sadd.s32 s0, s3;
	s0 =	sld [smem:$0x3FAF]  }
0x30: {  	s3 =	sld [smem:$0x3FB2]  }
0x31: {  	[smem:$0x3FBB] =	sst s10  }
0x32: {  	s10 =	sld [smem:$0x3FB9];
	_ =	sdelay $0x3  }
0x33: {  	p0 =	seq.s32 s10, $0x1;
	s10 =	sld [smem:$0x3FBB];
	_ =	sdelay $0x3  }
0x34: {  	[smem:$0x3FBB] =	sst s10  }
0x35: {  	s10 =	sld [smem:$0x3FBA];
	_ =	sdelay $0x3  }
0x36: {  	p1 =	seq.s32 s10, $0x1;
	s10 =	sld [smem:$0x3FBB];
	_ =	sdelay $0x3  }
0x37: {  	[smem:$0x3FBB] =	sst s10  }
0x38: {  	s10 =	sld [smem:$0x3FBC]  }
0x39: {  	_ = 	snop;
	(pc) =	sbr.ind lr, $3  }
0x3a: {  	_ = 	snop  }
0x3b: {  	_ = 	snop  }
0x3c: {  	p2 =	seq.s32 s10, $0x1;
	s10 =	sld [smem:$0x3FBB]  }
0x3d: {  	_ =	shalt  }
0x3e: {  	_ =	shalt  }
0x3f: {  	_ =	shalt  }
0x40: {  	_ =	shalt  }
0x41: {  	_ =	shalt  }
0x42: {  	_ =	shalt  }
0x43: {  	_ =	shalt  }
0x44: {  	_ =	shalt  }
0x45: {  	_ =	shalt  }
0x46: {  	_ =	shalt  }
0x47: {  	_ =	shalt  }
0x48: {  	_ =	shalt  }
0x49: {  	_ =	shalt  }
0x4a: {  	_ =	shalt  }
0x4b: {  	_ =	shalt  }
0x4c: {  	_ =	shalt  }
0x4d: {  	_ =	shalt  }
0x4e: {  	_ =	shalt  }
0x4f: {  	_ =	shalt  }
0x50: {  	_ =	shalt  }
0x51: {  	_ =	shalt  }
0x52: {  	_ =	shalt  }
0x53: {  	_ =	shalt  }
0x54: {  	_ =	shalt  }
0x55: {  	_ =	shalt  }
0x56: {  	_ =	shalt  }
0x57: {  	_ =	shalt  }
0x58: {  	_ =	shalt  }
0x59: {  	_ =	shalt  }
0x5a: {  	_ =	shalt  }
0x5b: {  	_ =	shalt  }
0x5c: {  	_ =	shalt  }
0x5d: {  	_ =	shalt  }
0x5e: {  	_ =	shalt  }
0x5f: {  	_ =	shalt  }
0x60: {  	_ =	shalt  }
0x61: {  	_ =	shalt  }
0x62: {  	_ =	shalt  }
0x63: {  	_ =	shalt  }
0x64: {  	_ =	shalt  }
0x65: {  	_ =	shalt  }
0x66: {  	_ =	shalt  }
0x67: {  	_ =	shalt  }
0x68: {  	_ =	shalt  }
0x69: {  	_ =	shalt  }
0x6a: {  	_ =	shalt  }
0x6b: {  	_ =	shalt  }
0x6c: {  	_ =	shalt  }
0x6d: {  	_ =	shalt  }
0x6e: {  	_ =	shalt  }
0x6f: {  	_ =	shalt  }
0x70: {  	_ =	shalt  }
0x71: {  	_ =	shalt  }
0x72: {  	_ =	shalt  }
0x73: {  	_ =	shalt  }
0x74: {  	_ =	shalt  }
0x75: {  	_ =	shalt  }
0x76: {  	_ =	shalt  }
0x77: {  	_ =	shalt  }
0x78: {  	_ =	shalt  }
0x79: {  	_ =	shalt  }
0x7a: {  	_ =	shalt  }
0x7b: {  	_ =	shalt  }
0x7c: {  	_ =	shalt  }
0x7d: {  	_ =	shalt  }
0x7e: {  	_ =	shalt  }
0x7f: {  	_ =	shalt  }
0x80: {  	_ =	shalt  }
0x81: {  	_ =	shalt  }
0x82: {  	_ =	shalt  }
0x83: {  	_ =	shalt  }
0x84: {  	_ =	shalt  }
0x85: {  	_ =	shalt  }
0x86: {  	_ =	shalt  }
0x87: {  	_ =	shalt  }
.Lfunc_end0:
.L_simem_size_0:
called_computation.1_lowered:
.L_overlay_start_0:
0x88: {  	s2 =	sld [smem:$0x3FD9]  }
0x89: {  	s3 =	sld [smem:$0x3FFE];
	_ =	sdelay $0x1  }
0x8a: {  	s1 =	srdreg.scid  }
0x8b: {  	s0 =	sand.u32 $0x1, s1  }
0x8c: {  	s16 =	sshll.u32 s0, $0xA;
	s2 =	sadd.s32 s3, s2  }
0x8d: {  	s2 =	sadd.s32 s2, s16  }
0x8e: {  	[smem:$0x3FC7] =	sst s2  }
0x8f: {  	_ = 	snop  }
0x90: {  	(tm) =	ssettm $0x1  }
0x91: {  	s17 =	sld [smem:$0x3FFB];
	_ =	sdelay $0x3  }
0x92: {  	_ =	strace s17  }
0x93: {  	s2 =	sld [smem:$0x3FFC];
	_ =	sdelay $0x3  }
0x94: {  	_ =	strace s2  }
0x95: {  	s2 =	sld [smem:$0x3FFD];
	_ =	sdelay $0x3  }
0x96: {  	_ =	strace s2  }
0x97: {  	_ =	strace $0x8FFFFFFF  }
0x98: {  	s18 =	sld [smem:$0x3FDB];
	_ =	sdelay $0x1  }
0x99: {  	s19 =	simm.s32 $_scs_section_size  }
0x9a: {  	s4 =	simm.s32 $_size__tile_overlayer_lowered;
	s5 =	simm.s32 $_tile_overlayer_lowered  }
0x9b: {  	s22 =	simm.s32 $0x1BFF;
	s21 =	sshll.u32 s5, $0x1;
	s2 =	sadd.s32 s19, s18  }
0x9c: {  	s6 =	simm.s32 $0x0;
	s20 =	sshll.u32 s4, $0x1;
	s4 =	sadd.s32 s21, s2  }
0x9d: {  	[timem:s6], [sflag:s22] =	dma.local [hbm:s4], s20  }
0x9e: {  	_ =	swait.ge [sflag:s22], s20  }
0x9f: {  	s3 =	ssub.s32 $0x0, s20;
	[sflag:s22] =	ssyncset.done $0x0  }
0xa0: {  	[sflag:s22] =	ssyncadd.s32 s3;
	_ =	sdelay $0x1  }
0xa1: {  	s23 =	simm.s32 $0x1B8B  }
0xa2: {  	_ =	swait.ge [sflag:s23], $0x1  }
0xa3: {  	[sflag:s23] =	ssyncset.done $0x0  }
0xa4: {  	s25 =	simm.s32 $0x1B8E;
	s24 =	sld [smem:$0x3FFE];
	[sflag:s23] =	ssyncadd.s32 $0xFFFFFFFF  }
0xa5: {  	s26 =	simm.s32 $execute0_lowered;
	[smem:$0x3FD2] =	sst s25  }
0xa6: {  	s4 =	sshll.u32 s26, $0x1;
	_ =	strace $0x80000046;
	[dreg:$0x1] =	wrdreg $0xFFFFFFFF  }
0xa7: {  	s28 =	simm.s32 $_size_execute0_lowered;
	s2 =	sadd.s32 s2, s4;
	[dreg:$0x0] =	wrdreg $0x0  }
0xa8: {  	s4 =	sshll.u32 s28, $0x1;
	[dreg:$0x2] =	wrdreg s2  }
0xa9: {  	[dreg:$0x3] =	wrdreg s4  }
0xaa: {  	[dreg:$0x4] =	wrdreg $0xC0  }
0xab: {  	_ =	task [dreg:s6], $0x5FFFF  }
0xac: {  	[dreg:$0x1] =	wrdreg $0xFFFFFFFF  }
0xad: {  	[dreg:$0x0] =	wrdreg $0x60  }
0xae: {  	[dreg:$0x2] =	wrdreg s24  }
0xaf: {  	[dreg:$0x3] =	wrdreg $0x9  }
0xb0: {  	_ =	task.clear_ibuf [dreg:s6], $0x4FFFF;
	_ =	strace $0x90000046  }
0xb1: {  	s29 =	simm.s32 $0x9;
	_ =	strace $0x80000048  }
0xb2: {  	_ =	swait.ge [sflag:s29], $0x1  }
0xb3: {  	[sflag:s29] =	ssyncadd.s32 $0xFFFFFFFF  }
0xb4: {  	_ =	strace $0x90000048  }
0xb5: {  	_ =	sfence  }
0xb6: {  	s30 =	sld [smem:$0x0];
	_ =	sdelay $0x2  }
0xb7: {  	s31 =	sshll.u32 s1, $0xD;
	s1 =	sshrl.u32 s1, $0x2  }
0xb8: {  	s3 =	sand.u32 $0x4000, s31;
	s1 =	sadd.s32 s1, s30  }
0xb9: {  	s0 =	sor.u32 s3, s0;
	s1 =	sshll.u32 s1, $0x11  }
0xba: {  	s0 =	sor.u32 s1, s0  }
0xbb: {  	s0 =	sadd.s32 $0x8F2B, s0  }
0xbc: {  	[sflag:s0] =	ssyncadd.remote.s32 $0x1  }
0xbd: {  	_ =	sfence.sel $0xFFFF  }
0xbe: {  	[dreg:$0x0] =	wrdreg $0xFFFFFFFF;
	(pc) =	sbr.abs _section_cstart, $3  }
0xbf: {  	[dreg:$0x1] =	wrdreg $0xFFFFFFFF  }
0xc0: {  	_ =	task.clear_ibuf [dreg:s6], $0x2FFFF;
	_ =	strace $0x9FFFFFFF  }
0xc1: {  	(tm) =	ssettm $0x7FFFFFFF  }
tec
execute0_lowered:
.L_overlay_start_1:
0x0: {  	(tag) =	ssettag $0x1  }
0x1: {  	s0 =	srdreg.scid  }
0x2: {  	s1 =	stileid.u32;
	s5 =	sand.u32 $0x1, s0  }
0x3: {  	s8 =	sshll.u32 s1, $0x3;
	s9 =	sshll.u32 s5, $0x2  }
0x4: {  	s0 =	sor.u32 s9, s8  }
0x5: {  	s0 =	smul.u32 $0xC3800, s0  }
0x6: {  	s3 =	rddreg [dreg:$0x0];
	s2 =	simm.s32 $0x0  }
0x7: {  	[smem:$0x7FF] =	sst s2;
	s1 =	sadd.s32 $0x800, s3;
	s4 =	sshrl.u32 s0, $0x3  }
0x8: {  	s3 =	sadd.s32 $0xC38800, s3;
	_ =	strace $0x80000047;
	s0 =	sadd.s32 s1, s4  }
0x9: {  	s6 =	sadd.s32 $0x1900, s4;
	s11 =	sadd.s32 s3, s4;
	[dreg:$0x2] =	wrdreg s0  }
0xa: {  	s7 =	sadd.s32 $0x3200, s4;
	s10 =	sadd.s32 s1, s6;
	[dreg:$0x4] =	wrdreg s11  }
0xb: {  	s12 =	sadd.s32 s1, s7;
	[dreg:$0x3] =	wrdreg s10  }
0xc: {  	s14 =	sadd.s32 $0x4B00, s4;
	s13 =	sadd.s32 s3, s6;
	[dreg:$0x5] =	wrdreg s12  }
0xd: {  	s15 =	sadd.s32 s1, s14;
	[dreg:$0x6] =	wrdreg s13  }
0xe: {  	s17 =	sadd.s32 $0x6400, s4;
	s16 =	sadd.s32 s3, s7;
	[dreg:$0x7] =	wrdreg s15  }
0xf: {  	s18 =	sadd.s32 s1, s17;
	[dreg:$0x8] =	wrdreg s16  }
0x10: {  	s20 =	sadd.s32 $0x7D00, s4;
	s19 =	sadd.s32 s3, s14;
	[dreg:$0x9] =	wrdreg s18  }
0x11: {  	s21 =	sadd.s32 s1, s20;
	[dreg:$0xa] =	wrdreg s19  }
0x12: {  	s23 =	sadd.s32 $0x9600, s4;
	s22 =	sadd.s32 s3, s17;
	[dreg:$0xb] =	wrdreg s21  }
0x13: {  	s24 =	sadd.s32 s1, s23;
	[dreg:$0xc] =	wrdreg s22  }
0x14: {  	s26 =	sadd.s32 $0xAF00, s4;
	s25 =	sadd.s32 s3, s20;
	[dreg:$0xd] =	wrdreg s24  }
0x15: {  	s8 =	sadd.s32 s1, s26;
	[dreg:$0xe] =	wrdreg s25  }
0x16: {  	s9 =	sadd.s32 s3, s23;
	[dreg:$0xf] =	wrdreg s8  }
0x17: {  	[dreg:$0x10] =	wrdreg s9  }
0x18: {  	s10 =	sadd.s32 $0xC800, s4;
	s12 =	sadd.s32 s3, s26;
	s0 =	rddreg [dreg:$0x2]  }
0x19: {  	s13 =	sadd.s32 $0xE100, s4;
	s11 =	sadd.s32 s1, s10;
	[dreg:$0x12] =	wrdreg s12  }
0x1a: {  	s14 =	sadd.s32 s1, s13;
	[dreg:$0x11] =	wrdreg s11  }
0x1b: {  	s16 =	sadd.s32 $0xFA00, s4;
	s15 =	sadd.s32 s3, s10;
	[dreg:$0x13] =	wrdreg s14  }
0x1c: {  	s17 =	sadd.s32 s1, s16;
	[dreg:$0x14] =	wrdreg s15  }
0x1d: {  	s19 =	sadd.s32 $0x11300, s4;
	s18 =	sadd.s32 s3, s13;
	[dreg:$0x15] =	wrdreg s17  }
0x1e: {  	s20 =	sadd.s32 s1, s19;
	[dreg:$0x16] =	wrdreg s18  }
0x1f: {  	s22 =	sadd.s32 $0x12C00, s4;
	s21 =	sadd.s32 s3, s16;
	[dreg:$0x17] =	wrdreg s20  }
0x20: {  	s23 =	sadd.s32 s1, s22;
	[dreg:$0x18] =	wrdreg s21  }
0x21: {  	s25 =	sadd.s32 $0x14500, s4;
	s24 =	sadd.s32 s3, s19;
	[dreg:$0x19] =	wrdreg s23  }
0x22: {  	s26 =	sadd.s32 s1, s25;
	[dreg:$0x1a] =	wrdreg s24  }
0x23: {  	s8 =	sadd.s32 $0x15E00, s4;
	s7 =	sadd.s32 s3, s22;
	[dreg:$0x1b] =	wrdreg s26  }
0x24: {  	s9 =	sadd.s32 s1, s8;
	[dreg:$0x1c] =	wrdreg s7  }
0x25: {  	s10 =	sadd.s32 s3, s25;
	[dreg:$0x1d] =	wrdreg s9  }
0x26: {  	s13 =	sadd.s32 s3, s8;
	s11 =	sadd.s32 $0x17700, s4;
	[dreg:$0x1e] =	wrdreg s10  }
0x27: {  	s14 =	sadd.s32 $0x18700, s4;
	[smem:$0x7B3] =	sst s13;
	s12 =	sadd.s32 s1, s11  }
0x28: {  	s15 =	sadd.s32 s1, s14;
	[dreg:$0x1f] =	wrdreg s12  }
0x29: {  	s17 =	sadd.s32 $0x1A000, s4;
	s16 =	sadd.s32 s3, s11;
	[smem:$0x7B4] =	sst s15  }
0x2a: {  	s18 =	sadd.s32 s1, s17;
	[smem:$0x7B5] =	sst s16  }
0x2b: {  	s20 =	sadd.s32 $0x1B900, s4;
	s19 =	sadd.s32 s3, s14;
	[smem:$0x7B6] =	sst s18  }
0x2c: {  	s21 =	sadd.s32 s1, s20;
	[smem:$0x7B7] =	sst s19  }
0x2d: {  	s23 =	sadd.s32 $0x1D200, s4;
	s22 =	sadd.s32 s3, s17;
	[smem:$0x7B8] =	sst s21  }
0x2e: {  	s24 =	sadd.s32 s1, s23;
	[smem:$0x7B9] =	sst s22  }
0x2f: {  	s26 =	sadd.s32 $0x1EB00, s4;
	s25 =	sadd.s32 s3, s20;
	[smem:$0x7BA] =	sst s24  }
0x30: {  	s8 =	sadd.s32 s1, s26;
	[smem:$0x7BB] =	sst s25  }
0x31: {  	s10 =	sadd.s32 $0x20400, s4;
	s9 =	sadd.s32 s3, s23;
	[smem:$0x7BC] =	sst s8  }
0x32: {  	s13 =	sadd.s32 $0x21D00, s4;
	s11 =	sadd.s32 s1, s10;
	[smem:$0x7BD] =	sst s9  }
0x33: {  	s14 =	sadd.s32 s1, s13;
	[smem:$0x7BE] =	sst s11  }
0x34: {  	s12 =	sadd.s32 s3, s26;
	[smem:$0x7C0] =	sst s14  }
0x35: {  	s15 =	sadd.s32 s3, s10;
	[smem:$0x7BF] =	sst s12  }
0x36: {  	s16 =	sadd.s32 $0x23600, s4;
	s18 =	sadd.s32 s3, s13;
	[smem:$0x7C1] =	sst s15  }
0x37: {  	s19 =	sadd.s32 $0x24F00, s4;
	s17 =	sadd.s32 s1, s16;
	[smem:$0x7C3] =	sst s18  }
0x38: {  	s20 =	sadd.s32 s1, s19;
	[smem:$0x7C2] =	sst s17  }
0x39: {  	s22 =	sadd.s32 $0x26800, s4;
	s21 =	sadd.s32 s3, s16;
	[smem:$0x7C4] =	sst s20  }
0x3a: {  	s23 =	sadd.s32 s1, s22;
	[smem:$0x7C5] =	sst s21  }
0x3b: {  	s25 =	sadd.s32 $0x28100, s4;
	s24 =	sadd.s32 s3, s19;
	[smem:$0x7C6] =	sst s23  }
0x3c: {  	s26 =	sadd.s32 s1, s25;
	[smem:$0x7C7] =	sst s24  }
0x3d: {  	s8 =	sadd.s32 $0x29A00, s4;
	s6 =	sadd.s32 s3, s22;
	[smem:$0x7C8] =	sst s26  }
0x3e: {  	s9 =	sadd.s32 s1, s8;
	[smem:$0x7C9] =	sst s6  }
0x3f: {  	s11 =	sadd.s32 $0x2B300, s4;
	s10 =	sadd.s32 s3, s25;
	[smem:$0x7CA] =	sst s9  }
0x40: {  	s12 =	sadd.s32 s1, s11;
	[smem:$0x7CB] =	sst s10  }
0x41: {  	s14 =	sadd.s32 $0x2CC00, s4;
	s13 =	sadd.s32 s3, s8;
	[smem:$0x7CC] =	sst s12  }
0x42: {  	s15 =	sadd.s32 s1, s14;
	[smem:$0x7CD] =	sst s13  }
0x43: {  	s16 =	sadd.s32 s3, s11;
	[smem:$0x7CE] =	sst s15  }
0x44: {  	s19 =	sadd.s32 s3, s14;
	s17 =	sadd.s32 $0x2E500, s4;
	[smem:$0x7CF] =	sst s16  }
0x45: {  	s20 =	sadd.s32 $0x2FE00, s4;
	[smem:$0x7D1] =	sst s19;
	s18 =	sadd.s32 s1, s17  }
0x46: {  	s21 =	sadd.s32 s1, s20;
	[smem:$0x7D0] =	sst s18  }
0x47: {  	s23 =	sadd.s32 $0x30E00, s4;
	s22 =	sadd.s32 s3, s17;
	[smem:$0x7D2] =	sst s21  }
0x48: {  	s24 =	sadd.s32 s1, s23;
	[smem:$0x7D3] =	sst s22  }
0x49: {  	s26 =	sadd.s32 $0x32700, s4;
	s25 =	sadd.s32 s3, s20;
	[smem:$0x7D4] =	sst s24  }
0x4a: {  	s8 =	sadd.s32 s1, s26;
	[smem:$0x7D5] =	sst s25  }
0x4b: {  	s10 =	sadd.s32 $0x34000, s4;
	s9 =	sadd.s32 s3, s23;
	[smem:$0x7D6] =	sst s8  }
0x4c: {  	s11 =	sadd.s32 s1, s10;
	[smem:$0x7D7] =	sst s9  }
0x4d: {  	s13 =	sadd.s32 $0x35900, s4;
	s12 =	sadd.s32 s3, s26;
	[smem:$0x7D8] =	sst s11  }
0x4e: {  	s14 =	sadd.s32 s1, s13;
	[smem:$0x7D9] =	sst s12  }
0x4f: {  	s16 =	sadd.s32 $0x37200, s4;
	s15 =	sadd.s32 s3, s10;
	[smem:$0x7DA] =	sst s14  }
0x50: {  	s19 =	sadd.s32 $0x38B00, s4;
	s17 =	sadd.s32 s1, s16;
	[smem:$0x7DB] =	sst s15  }
0x51: {  	s20 =	sadd.s32 s1, s19;
	[smem:$0x7DC] =	sst s17  }
0x52: {  	s18 =	sadd.s32 s3, s13;
	[smem:$0x7DE] =	sst s20  }
0x53: {  	s21 =	sadd.s32 s3, s16;
	[smem:$0x7DD] =	sst s18  }
0x54: {  	s22 =	sadd.s32 $0x3A400, s4;
	s24 =	sadd.s32 s3, s19;
	[smem:$0x7DF] =	sst s21  }
0x55: {  	s25 =	sadd.s32 $0x3BD00, s4;
	s23 =	sadd.s32 s1, s22;
	[smem:$0x7E1] =	sst s24  }
0x56: {  	s26 =	sadd.s32 s1, s25;
	[smem:$0x7E0] =	sst s23  }
0x57: {  	s8 =	sadd.s32 $0x3D600, s4;
	s7 =	sadd.s32 s3, s22;
	[smem:$0x7E2] =	sst s26  }
0x58: {  	s9 =	sadd.s32 s1, s8;
	[smem:$0x7E3] =	sst s7  }
0x59: {  	s11 =	sadd.s32 $0x3EF00, s4;
	s10 =	sadd.s32 s3, s25;
	[smem:$0x7E4] =	sst s9  }
0x5a: {  	s12 =	sadd.s32 s1, s11;
	[smem:$0x7E5] =	sst s10  }
0x5b: {  	s14 =	sadd.s32 $0x40800, s4;
	s13 =	sadd.s32 s3, s8;
	[smem:$0x7E6] =	sst s12  }
0x5c: {  	s15 =	sadd.s32 s1, s14;
	[smem:$0x7E7] =	sst s13  }
0x5d: {  	s17 =	sadd.s32 $0x42100, s4;
	s16 =	sadd.s32 s3, s11;
	[smem:$0x7E8] =	sst s15  }
0x5e: {  	s18 =	sadd.s32 s1, s17;
	[smem:$0x7E9] =	sst s16  }
0x5f: {  	s20 =	sadd.s32 $0x43A00, s4;
	s19 =	sadd.s32 s3, s14;
	[smem:$0x7EA] =	sst s18  }
0x60: {  	s21 =	sadd.s32 s1, s20;
	[smem:$0x7EB] =	sst s19  }
0x61: {  	p0 =	por $0x0, $0x0;
	s22 =	sadd.s32 s3, s17;
	[smem:$0x7EC] =	sst s21  }
0x62: {  	s25 =	sadd.s32 s3, s20;
	s23 =	sadd.s32 $0x45300, s4;
	[smem:$0x7ED] =	sst s22  }
0x63: {  	s26 =	sadd.s32 $0x46C00, s4;
	[smem:$0x7EF] =	sst s25;
	s24 =	sadd.s32 s1, s23  }
0x64: {  	s5 =	ssub.s32 $0x2, s5;
	s8 =	sadd.s32 s1, s26;
	[smem:$0x7EE] =	sst s24  }
0x65: {  	s10 =	sadd.s32 $0x48500, s4;
	s9 =	sadd.s32 s3, s23;
	[smem:$0x7F0] =	sst s8  }
0x66: {  	s13 =	sadd.s32 $0x49500, s4;
	s11 =	sadd.s32 s1, s10;
	[smem:$0x7F1] =	sst s9  }
0x67: {  	s16 =	sadd.s32 $0x4AE00, s4;
	s12 =	sadd.s32 s3, s26;
	[smem:$0x7F2] =	sst s11  }
0x68: {  	s19 =	sadd.s32 $0x4C700, s4;
	s14 =	sadd.s32 s1, s13;
	[smem:$0x7F3] =	sst s12  }
0x69: {  	s22 =	sadd.s32 $0x4E000, s4;
	s15 =	sadd.s32 s3, s10;
	[smem:$0x7F4] =	sst s14  }
0x6a: {  	s25 =	sadd.s32 $0x4F900, s4;
	s17 =	sadd.s32 s1, s16;
	[smem:$0x7F5] =	sst s15  }
0x6b: {  	s7 =	sadd.s32 $0x5F300, s4;
	s18 =	sadd.s32 s3, s13;
	[smem:$0x7F6] =	sst s17  }
0x6c: {  	s20 =	sadd.s32 s1, s19;
	s21 =	sadd.s32 s3, s16;
	[smem:$0x7F7] =	sst s18  }
0x6d: {  	s23 =	sadd.s32 s1, s22;
	s26 =	sadd.s32 s1, s25;
	[smem:$0x7F8] =	sst s20  }
0x6e: {  	s6 =	sadd.s32 s3, s22;
	s30 =	sadd.s32 s3, s25;
	[smem:$0x7F9] =	sst s21  }
0x6f: {  	s10 =	sadd.s32 $0x54400, s4;
	s13 =	sadd.s32 $0x58F00, s4;
	[smem:$0x7FA] =	sst s23  }
0x70: {  	s24 =	sadd.s32 s3, s19;
	s8 =	sshrl.u32 s5, $0x1;
	[smem:$0x7FC] =	sst s26  }
0x71: {  	[smem:$0x7FD] =	sst s6;
	s9 =	sadd.s32 $0x52B00, s4;
	s11 =	sadd.s32 $0x55D00, s4  }
0x72: {  	s26 =	sadd.s32 s1, s10;
	s23 =	sadd.s32 s3, s10;
	s12 =	sadd.s32 $0x57600, s4  }
0x73: {  	s20 =	sadd.s32 s1, s13;
	s14 =	sadd.s32 $0x5A800, s4;
	s15 =	sadd.s32 $0x5C100, s4  }
0x74: {  	s17 =	sadd.s32 s3, s13;
	s6 =	sadd.s32 $0x5DA00, s4;
	s10 =	sadd.s32 $0x60C00, s4  }
0x75: {  	s13 =	sadd.s32 s1, s7;
	[smem:$0x7FB] =	sst s24;
	s5 =	ssub.s32 s5, s8  }
0x76: {  	s8 =	sadd.s32 $0x51200, s4;
	s29 =	sadd.s32 s1, s9;
	s25 =	sadd.s32 s3, s9  }
0x77: {  	s24 =	sadd.s32 s1, s11;
	s22 =	sadd.s32 s1, s12;
	s21 =	sadd.s32 s3, s11  }
0x78: {  	s19 =	sadd.s32 s3, s12;
	s18 =	sadd.s32 s1, s14;
	s11 =	smax.u32 s5, $0x1  }
0x79: {  	s16 =	sadd.s32 s1, s15;
	s14 =	sadd.s32 s3, s14;
	p1 =	sne.s32 s11, $0x1  }
.Ltmp0:
0x7a: {  	s12 =	sadd.s32 s3, s15;
	s15 =	sadd.s32 s1, s6;
	(pc) =	sbr.rel @!p1 .LBB2_3-.Ltmp0, $4  }
0x7b: {  	s9 =	sadd.s32 s3, s6;
	s4 =	sadd.s32 s3, s7;
	s7 =	simm.s32 $0xC800  }
0x7c: {  	s6 =	simm.s32 $0x3;
	s31 =	sadd.s32 s1, s8;
	s28 =	sadd.s32 s3, s8  }
0x7d: {  	s8 =	sadd.s32 s1, s10;
	s3 =	sadd.s32 s3, s10;
	s10 =	simm.s32 $0x2  }
0x7e: {  	s5 =	simm.s32 $0x4;
	s1 =	sadd.s32 $0xFFFFFFFF, s11;
	s11 =	simm.s32 $0x1  }
0x7f: {  	[smem:$0x7B2] =	sst s1  }
0x80: {  	[tilespmem:s2], [sflag:$0x1] =	stream.linear.gather [hbm4b:s0+s2], $0xC800, $0x38;
	[tilespmem:$0x19000] =	vst v63  }
0x81: {  	s1 =	rddreg [dreg:$0x3]  }
0x82: {  	[tilespmem:s7], [sflag:$0x2] =	stream.linear.gather [hbm4b:s1+s2], $0xC800, $0x38;
	[tilespmem:$0x19000] =	vst v63  }
0x83: {  	_ =	swait.ge [sflag:s11], $0xC800  }
0x84: {  	[sflag:s11] =	ssyncset.done $0x0  }
0x85: {  	s1 =	rddreg [dreg:$0x4];
	[sflag:s11] =	ssyncadd.s32 $0xFFFF3800  }
0x86: {  	[hbm4b:s1+s2] =	stream.linear.scatter [tilespmem:s2], [sflag:$0x3], $0xC800, $0x38;
	[tilespmem:$0x19000] =	vst v63  }
0x87: {  	_ =	swait.ge [sflag:s6], $0xC800  }
0x88: {  	[sflag:s6] =	ssyncset.done $0x0  }
0x89: {  	s1 =	rddreg [dreg:$0x5];
	[sflag:s6] =	ssyncadd.s32 $0xFFFF3800  }
0x8a: {  	[tilespmem:s2], [sflag:$0x1] =	stream.linear.gather [hbm4b:s1+s2], $0xC800, $0x38;
	[tilespmem:$0x19000] =	vst v63  }
0x8b: {  	_ =	swait.ge [sflag:s10], $0xC800  }
0x8c: {  	[sflag:s10] =	ssyncset.done $0x0  }
0x8d: {  	s1 =	rddreg [dreg:$0x6];
	[sflag:s10] =	ssyncadd.s32 $0xFFFF3800  }
0x8e: {  	[hbm4b:s1+s2] =	stream.linear.scatter [tilespmem:s7], [sflag:$0x4], $0xC800, $0x38;
	[tilespmem:$0x19000] =	vst v63  }
0x8f: {  	_ =	swait.ge [sflag:s5], $0xC800  }
0x90: {  	[sflag:s5] =	ssyncset.done $0x0  }
0x91: {  	s1 =	rddreg [dreg:$0x7];
	[sflag:s5] =	ssyncadd.s32 $0xFFFF3800  }
0x92: {  	[tilespmem:s7], [sflag:$0x2] =	stream.linear.gather [hbm4b:s1+s2], $0xC800, $0x38;
	[tilespmem:$0x19000] =	vst v63  }
0x93: {  	_ =	swait.ge [sflag:s11], $0xC800  }
0x94: {  	[sflag:s11] =	ssyncset.done $0x0  }
0x95: {  	s1 =	rddreg [dreg:$0x8];
	[sflag:s11] =	ssyncadd.s32 $0xFFFF3800  }
0x96: {  	[hbm4b:s1+s2] =	stream.linear.scatter [tilespmem:s2], [sflag:$0x3], $0xC800, $0x38;
	[tilespmem:$0x19000] =	vst v63  }
0x97: {  	_ =	swait.ge [sflag:s6], $0xC800  }
0x98: {  	[sflag:s6] =	ssyncset.done $0x0  }
0x99: {  	s1 =	rddreg [dreg:$0x9];
	[sflag:s6] =	ssyncadd.s32 $0xFFFF3800  }
0x9a: {  	[tilespmem:s2], [sflag:$0x1] =	stream.linear.gather [hbm4b:s1+s2], $0xC800, $0x38;
	[tilespmem:$0x19000] =	vst v63  }
0x9b: {  	_ =	swait.ge [sflag:s10], $0xC800  }
0x9c: {  	[sflag:s10] =	ssyncset.done $0x0  }
0x9d: {  	s1 =	rddreg [dreg:$0xa];
	[sflag:s10] =	ssyncadd.s32 $0xFFFF3800  }
0x9e: {  	[hbm4b:s1+s2] =	stream.linear.scatter [tilespmem:s7], [sflag:$0x4], $0xC800, $0x38;
	[tilespmem:$0x19000] =	vst v63  }
0x9f: {  	_ =	swait.ge [sflag:s5], $0xC800  }
0xa0: {  	[sflag:s5] =	ssyncset.done $0x0  }
0xa1: {  	s1 =	rddreg [dreg:$0xb];
	[sflag:s5] =	ssyncadd.s32 $0xFFFF3800  }
0xa2: {  	[tilespmem:s7], [sflag:$0x2] =	stream.linear.gather [hbm4b:s1+s2], $0xC800, $0x38;
	[tilespmem:$0x19000] =	vst v63  }
0xa3: {  	_ =	swait.ge [sflag:s11], $0xC800  }
0xa4: {  	[sflag:s11] =	ssyncset.done $0x0  }
0xa5: {  	s1 =	rddreg [dreg:$0xc];
	[sflag:s11] =	ssyncadd.s32 $0xFFFF3800  }
0xa6: {  	[hbm4b:s1+s2] =	stream.linear.scatter [tilespmem:s2], [sflag:$0x3], $0xC800, $0x38;
	[tilespmem:$0x19000] =	vst v63  }
0xa7: {  	_ =	swait.ge [sflag:s6], $0xC800  }
0xa8: {  	[sflag:s6] =	ssyncset.done $0x0  }
0xa9: {  	s1 =	rddreg [dreg:$0xd];
	[sflag:s6] =	ssyncadd.s32 $0xFFFF3800  }
0xaa: {  	[tilespmem:s2], [sflag:$0x1] =	stream.linear.gather [hbm4b:s1+s2], $0xC800, $0x38;
	[tilespmem:$0x19000] =	vst v63  }
0xab: {  	_ =	swait.ge [sflag:s10], $0xC800  }
0xac: {  	[sflag:s10] =	ssyncset.done $0x0  }
0xad: {  	s1 =	rddreg [dreg:$0xe];
	[sflag:s10] =	ssyncadd.s32 $0xFFFF3800  }
0xae: {  	[hbm4b:s1+s2] =	stream.linear.scatter [tilespmem:s7], [sflag:$0x4], $0xC800, $0x38;
	[tilespmem:$0x19000] =	vst v63  }
0xaf: {  	_ =	swait.ge [sflag:s5], $0xC800  }
0xb0: {  	[sflag:s5] =	ssyncset.done $0x0  }
0xb1: {  	s1 =	rddreg [dreg:$0xf];
	[sflag:s5] =	ssyncadd.s32 $0xFFFF3800  }
0xb2: {  	[tilespmem:s7], [sflag:$0x2] =	stream.linear.gather [hbm4b:s1+s2], $0xC800, $0x38;
	[tilespmem:$0x19000] =	vst v63  }
0xb3: {  	_ =	swait.ge [sflag:s11], $0xC800  }
0xb4: {  	[sflag:s11] =	ssyncset.done $0x0  }
0xb5: {  	s1 =	rddreg [dreg:$0x10];
	[sflag:s11] =	ssyncadd.s32 $0xFFFF3800  }
0xb6: {  	[hbm4b:s1+s2] =	stream.linear.scatter [tilespmem:s2], [sflag:$0x3], $0xC800, $0x38;
	[tilespmem:$0x19000] =	vst v63  }
0xb7: {  	_ =	swait.ge [sflag:s6], $0xC800  }
0xb8: {  	[sflag:s6] =	ssyncset.done $0x0  }
0xb9: {  	s1 =	rddreg [dreg:$0x11];
	[sflag:s6] =	ssyncadd.s32 $0xFFFF3800  }
0xba: {  	[tilespmem:s2], [sflag:$0x1] =	stream.linear.gather [hbm4b:s1+s2], $0xC800, $0x38;
	[tilespmem:$0x19000] =	vst v63  }
0xbb: {  	_ =	swait.ge [sflag:s10], $0xC800  }
0xbc: {  	[sflag:s10] =	ssyncset.done $0x0  }
0xbd: {  	s1 =	rddreg [dreg:$0x12];
	[sflag:s10] =	ssyncadd.s32 $0xFFFF3800  }
0xbe: {  	[hbm4b:s1+s2] =	stream.linear.scatter [tilespmem:s7], [sflag:$0x4], $0xC800, $0x38;
	[tilespmem:$0x19000] =	vst v63  }
0xbf: {  	_ =	swait.ge [sflag:s5], $0xC800  }
0xc0: {  	[sflag:s5] =	ssyncset.done $0x0  }
0xc1: {  	s1 =	rddreg [dreg:$0x13];
	[sflag:s5] =	ssyncadd.s32 $0xFFFF3800  }
0xc2: {  	[tilespmem:s7], [sflag:$0x2] =	stream.linear.gather [hbm4b:s1+s2], $0xC800, $0x38;
	[tilespmem:$0x19000] =	vst v63  }
0xc3: {  	_ =	swait.ge [sflag:s11], $0xC800  }
0xc4: {  	[sflag:s11] =	ssyncset.done $0x0  }
0xc5: {  	s1 =	rddreg [dreg:$0x14];
	[sflag:s11] =	ssyncadd.s32 $0xFFFF3800  }
0xc6: {  	[hbm4b:s1+s2] =	stream.linear.scatter [tilespmem:s2], [sflag:$0x3], $0xC800, $0x38;
	[tilespmem:$0x19000] =	vst v63  }
0xc7: {  	_ =	swait.ge [sflag:s6], $0xC800  }
0xc8: {  	[sflag:s6] =	ssyncset.done $0x0  }
0xc9: {  	s1 =	rddreg [dreg:$0x15];
	[sflag:s6] =	ssyncadd.s32 $0xFFFF3800  }
0xca: {  	[tilespmem:s2], [sflag:$0x1] =	stream.linear.gather [hbm4b:s1+s2], $0xC800, $0x38;
	[tilespmem:$0x19000] =	vst v63  }
0xcb: {  	_ =	swait.ge [sflag:s10], $0xC800  }
0xcc: {  	[sflag:s10] =	ssyncset.done $0x0  }
0xcd: {  	s1 =	rddreg [dreg:$0x16];
	[sflag:s10] =	ssyncadd.s32 $0xFFFF3800  }
0xce: {  	[hbm4b:s1+s2] =	stream.linear.scatter [tilespmem:s7], [sflag:$0x4], $0xC800, $0x38;
	[tilespmem:$0x19000] =	vst v63  }
0xcf: {  	_ =	swait.ge [sflag:s5], $0xC800  }
0xd0: {  	[sflag:s5] =	ssyncset.done $0x0  }
0xd1: {  	s1 =	rddreg [dreg:$0x17];
	[sflag:s5] =	ssyncadd.s32 $0xFFFF3800  }
0xd2: {  	[tilespmem:s7], [sflag:$0x2] =	stream.linear.gather [hbm4b:s1+s2], $0xC800, $0x38;
	[tilespmem:$0x19000] =	vst v63  }
0xd3: {  	_ =	swait.ge [sflag:s11], $0xC800  }
0xd4: {  	[sflag:s11] =	ssyncset.done $0x0  }
0xd5: {  	s1 =	rddreg [dreg:$0x18];
	[sflag:s11] =	ssyncadd.s32 $0xFFFF3800  }
0xd6: {  	[hbm4b:s1+s2] =	stream.linear.scatter [tilespmem:s2], [sflag:$0x3], $0xC800, $0x38;
	[tilespmem:$0x19000] =	vst v63  }
0xd7: {  	_ =	swait.ge [sflag:s6], $0xC800  }
0xd8: {  	[sflag:s6] =	ssyncset.done $0x0  }
0xd9: {  	s1 =	rddreg [dreg:$0x19];
	[sflag:s6] =	ssyncadd.s32 $0xFFFF3800  }
0xda: {  	[tilespmem:s2], [sflag:$0x1] =	stream.linear.gather [hbm4b:s1+s2], $0xC800, $0x38;
	[tilespmem:$0x19000] =	vst v63  }
0xdb: {  	_ =	swait.ge [sflag:s10], $0xC800  }
0xdc: {  	[sflag:s10] =	ssyncset.done $0x0  }
0xdd: {  	s1 =	rddreg [dreg:$0x1a];
	[sflag:s10] =	ssyncadd.s32 $0xFFFF3800  }
0xde: {  	[hbm4b:s1+s2] =	stream.linear.scatter [tilespmem:s7], [sflag:$0x4], $0xC800, $0x38;
	[tilespmem:$0x19000] =	vst v63  }
0xdf: {  	_ =	swait.ge [sflag:s5], $0xC800  }
0xe0: {  	[sflag:s5] =	ssyncset.done $0x0  }
0xe1: {  	s1 =	rddreg [dreg:$0x1b];
	[sflag:s5] =	ssyncadd.s32 $0xFFFF3800  }
0xe2: {  	[tilespmem:s7], [sflag:$0x2] =	stream.linear.gather [hbm4b:s1+s2], $0xC800, $0x38;
	[tilespmem:$0x19000] =	vst v63  }
0xe3: {  	_ =	swait.ge [sflag:s11], $0xC800  }
0xe4: {  	[sflag:s11] =	ssyncset.done $0x0  }
0xe5: {  	s1 =	rddreg [dreg:$0x1c];
	[sflag:s11] =	ssyncadd.s32 $0xFFFF3800  }
0xe6: {  	[hbm4b:s1+s2] =	stream.linear.scatter [tilespmem:s2], [sflag:$0x3], $0xC800, $0x38;
	[tilespmem:$0x19000] =	vst v63  }
0xe7: {  	_ =	swait.ge [sflag:s6], $0xC800  }
0xe8: {  	[sflag:s6] =	ssyncset.done $0x0  }
0xe9: {  	s1 =	rddreg [dreg:$0x1d];
	[sflag:s6] =	ssyncadd.s32 $0xFFFF3800  }
0xea: {  	[tilespmem:s2], [sflag:$0x1] =	stream.linear.gather [hbm4b:s1+s2], $0xC800, $0x38;
	[tilespmem:$0x19000] =	vst v63  }
0xeb: {  	_ =	swait.ge [sflag:s10], $0xC800  }
0xec: {  	[sflag:s10] =	ssyncset.done $0x0  }
0xed: {  	s1 =	rddreg [dreg:$0x1e];
	[sflag:s10] =	ssyncadd.s32 $0xFFFF3800  }
0xee: {  	[hbm4b:s1+s2] =	stream.linear.scatter [tilespmem:s7], [sflag:$0x4], $0xC800, $0x38;
	[tilespmem:$0x19000] =	vst v63  }
0xef: {  	_ =	swait.ge [sflag:s5], $0xC800  }
0xf0: {  	[sflag:s5] =	ssyncset.done $0x0  }
0xf1: {  	s1 =	rddreg [dreg:$0x1f];
	[sflag:s5] =	ssyncadd.s32 $0xFFFF3800  }
0xf2: {  	[tilespmem:s7], [sflag:$0x2] =	stream.linear.gather [hbm4b:s1+s2], $0x7C00, $0x38;
	[tilespmem:$0x19000] =	vst v63  }
0xf3: {  	_ =	swait.ge [sflag:s11], $0xC800  }
0xf4: {  	s1 =	sld [smem:$0x7B3]  }
0xf5: {  	[sflag:s11] =	ssyncset.done $0x0  }
0xf6: {  	[sflag:s11] =	ssyncadd.s32 $0xFFFF3800  }
0xf7: {  	[hbm4b:s1+s2] =	stream.linear.scatter [tilespmem:s2], [sflag:$0x3], $0xC800, $0x38;
	[tilespmem:$0x19000] =	vst v63  }
0xf8: {  	_ =	swait.ge [sflag:s6], $0xC800  }
0xf9: {  	s1 =	sld [smem:$0x7B4]  }
0xfa: {  	[sflag:s6] =	ssyncset.done $0x0  }
0xfb: {  	[sflag:s6] =	ssyncadd.s32 $0xFFFF3800  }
0xfc: {  	[tilespmem:s2], [sflag:$0x1] =	stream.linear.gather [hbm4b:s1+s2], $0xC800, $0x38;
	[tilespmem:$0x19000] =	vst v63  }
0xfd: {  	_ =	swait.ge [sflag:s10], $0x7C00  }
0xfe: {  	s1 =	sld [smem:$0x7B5]  }
0xff: {  	[sflag:s10] =	ssyncset.done $0x0  }
0x100: {  	[sflag:s10] =	ssyncadd.s32 $0xFFFF8400  }
0x101: {  	[hbm4b:s1+s2] =	stream.linear.scatter [tilespmem:s7], [sflag:$0x4], $0x7C00, $0x38;
	[tilespmem:$0x19000] =	vst v63  }
0x102: {  	_ =	swait.ge [sflag:s5], $0x7C00  }
0x103: {  	s1 =	sld [smem:$0x7B6]  }
0x104: {  	[sflag:s5] =	ssyncset.done $0x0  }
0x105: {  	[sflag:s5] =	ssyncadd.s32 $0xFFFF8400  }
0x106: {  	[tilespmem:s7], [sflag:$0x2] =	stream.linear.gather [hbm4b:s1+s2], $0xC800, $0x38;
	[tilespmem:$0x19000] =	vst v63  }
0x107: {  	_ =	swait.ge [sflag:s11], $0xC800  }
0x108: {  	s1 =	sld [smem:$0x7B7]  }
0x109: {  	[sflag:s11] =	ssyncset.done $0x0  }
0x10a: {  	[sflag:s11] =	ssyncadd.s32 $0xFFFF3800  }
0x10b: {  	[hbm4b:s1+s2] =	stream.linear.scatter [tilespmem:s2], [sflag:$0x3], $0xC800, $0x38;
	[tilespmem:$0x19000] =	vst v63  }
0x10c: {  	_ =	swait.ge [sflag:s6], $0xC800  }
0x10d: {  	s1 =	sld [smem:$0x7B8]  }
0x10e: {  	[sflag:s6] =	ssyncset.done $0x0  }
0x10f: {  	[sflag:s6] =	ssyncadd.s32 $0xFFFF3800  }
0x110: {  	[tilespmem:s2], [sflag:$0x1] =	stream.linear.gather [hbm4b:s1+s2], $0xC800, $0x38;
	[tilespmem:$0x19000] =	vst v63  }
0x111: {  	_ =	swait.ge [sflag:s10], $0xC800  }
0x112: {  	s1 =	sld [smem:$0x7B9]  }
0x113: {  	[sflag:s10] =	ssyncset.done $0x0  }
0x114: {  	[sflag:s10] =	ssyncadd.s32 $0xFFFF3800  }
0x115: {  	[hbm4b:s1+s2] =	stream.linear.scatter [tilespmem:s7], [sflag:$0x4], $0xC800, $0x38;
	[tilespmem:$0x19000] =	vst v63  }
0x116: {  	_ =	swait.ge [sflag:s5], $0xC800  }
0x117: {  	s1 =	sld [smem:$0x7BA]  }
0x118: {  	[sflag:s5] =	ssyncset.done $0x0  }
0x119: {  	[sflag:s5] =	ssyncadd.s32 $0xFFFF3800  }
0x11a: {  	[tilespmem:s7], [sflag:$0x2] =	stream.linear.gather [hbm4b:s1+s2], $0xC800, $0x38;
	[tilespmem:$0x19000] =	vst v63  }
0x11b: {  	_ =	swait.ge [sflag:s11], $0xC800  }
0x11c: {  	s1 =	sld [smem:$0x7BB]  }
0x11d: {  	[sflag:s11] =	ssyncset.done $0x0  }
0x11e: {  	[sflag:s11] =	ssyncadd.s32 $0xFFFF3800  }
0x11f: {  	[hbm4b:s1+s2] =	stream.linear.scatter [tilespmem:s2], [sflag:$0x3], $0xC800, $0x38;
	[tilespmem:$0x19000] =	vst v63  }
0x120: {  	_ =	swait.ge [sflag:s6], $0xC800  }
0x121: {  	s1 =	sld [smem:$0x7BC]  }
0x122: {  	[sflag:s6] =	ssyncset.done $0x0  }
0x123: {  	[sflag:s6] =	ssyncadd.s32 $0xFFFF3800  }
0x124: {  	[tilespmem:s2], [sflag:$0x1] =	stream.linear.gather [hbm4b:s1+s2], $0xC800, $0x38;
	[tilespmem:$0x19000] =	vst v63  }
0x125: {  	_ =	swait.ge [sflag:s10], $0xC800  }
0x126: {  	s1 =	sld [smem:$0x7BD]  }
0x127: {  	[sflag:s10] =	ssyncset.done $0x0  }
0x128: {  	[sflag:s10] =	ssyncadd.s32 $0xFFFF3800  }
0x129: {  	[hbm4b:s1+s2] =	stream.linear.scatter [tilespmem:s7], [sflag:$0x4], $0xC800, $0x38;
	[tilespmem:$0x19000] =	vst v63  }
0x12a: {  	_ =	swait.ge [sflag:s5], $0xC800  }
0x12b: {  	s1 =	sld [smem:$0x7BE]  }
0x12c: {  	[sflag:s5] =	ssyncset.done $0x0  }
0x12d: {  	[sflag:s5] =	ssyncadd.s32 $0xFFFF3800  }
0x12e: {  	[tilespmem:s7], [sflag:$0x2] =	stream.linear.gather [hbm4b:s1+s2], $0xC800, $0x38;
	[tilespmem:$0x19000] =	vst v63  }
0x12f: {  	_ =	swait.ge [sflag:s11], $0xC800  }
0x130: {  	s1 =	sld [smem:$0x7BF]  }
0x131: {  	[sflag:s11] =	ssyncset.done $0x0  }
0x132: {  	[sflag:s11] =	ssyncadd.s32 $0xFFFF3800  }
0x133: {  	[hbm4b:s1+s2] =	stream.linear.scatter [tilespmem:s2], [sflag:$0x3], $0xC800, $0x38;
	[tilespmem:$0x19000] =	vst v63  }
0x134: {  	_ =	swait.ge [sflag:s6], $0xC800  }
0x135: {  	s1 =	sld [smem:$0x7C0]  }
0x136: {  	[sflag:s6] =	ssyncset.done $0x0  }
0x137: {  	[sflag:s6] =	ssyncadd.s32 $0xFFFF3800  }
0x138: {  	[tilespmem:s2], [sflag:$0x1] =	stream.linear.gather [hbm4b:s1+s2], $0xC800, $0x38;
	[tilespmem:$0x19000] =	vst v63  }
0x139: {  	_ =	swait.ge [sflag:s10], $0xC800  }
0x13a: {  	s1 =	sld [smem:$0x7C1]  }
0x13b: {  	[sflag:s10] =	ssyncset.done $0x0  }
0x13c: {  	[sflag:s10] =	ssyncadd.s32 $0xFFFF3800  }
0x13d: {  	[hbm4b:s1+s2] =	stream.linear.scatter [tilespmem:s7], [sflag:$0x4], $0xC800, $0x38;
	[tilespmem:$0x19000] =	vst v63  }
0x13e: {  	_ =	swait.ge [sflag:s5], $0xC800  }
0x13f: {  	s1 =	sld [smem:$0x7C2]  }
0x140: {  	[sflag:s5] =	ssyncset.done $0x0  }
0x141: {  	[sflag:s5] =	ssyncadd.s32 $0xFFFF3800  }
0x142: {  	[tilespmem:s7], [sflag:$0x2] =	stream.linear.gather [hbm4b:s1+s2], $0xC800, $0x38;
	[tilespmem:$0x19000] =	vst v63  }
0x143: {  	_ =	swait.ge [sflag:s11], $0xC800  }
0x144: {  	s1 =	sld [smem:$0x7C3]  }
0x145: {  	[sflag:s11] =	ssyncset.done $0x0  }
0x146: {  	[sflag:s11] =	ssyncadd.s32 $0xFFFF3800  }
0x147: {  	[hbm4b:s1+s2] =	stream.linear.scatter [tilespmem:s2], [sflag:$0x3], $0xC800, $0x38;
	[tilespmem:$0x19000] =	vst v63  }
0x148: {  	_ =	swait.ge [sflag:s6], $0xC800  }
0x149: {  	s1 =	sld [smem:$0x7C4]  }
0x14a: {  	[sflag:s6] =	ssyncset.done $0x0  }
0x14b: {  	[sflag:s6] =	ssyncadd.s32 $0xFFFF3800  }
0x14c: {  	[tilespmem:s2], [sflag:$0x1] =	stream.linear.gather [hbm4b:s1+s2], $0xC800, $0x38;
	[tilespmem:$0x19000] =	vst v63  }
0x14d: {  	_ =	swait.ge [sflag:s10], $0xC800  }
0x14e: {  	s1 =	sld [smem:$0x7C5]  }
0x14f: {  	[sflag:s10] =	ssyncset.done $0x0  }
0x150: {  	[sflag:s10] =	ssyncadd.s32 $0xFFFF3800  }
0x151: {  	[hbm4b:s1+s2] =	stream.linear.scatter [tilespmem:s7], [sflag:$0x4], $0xC800, $0x38;
	[tilespmem:$0x19000] =	vst v63  }
0x152: {  	_ =	swait.ge [sflag:s5], $0xC800  }
0x153: {  	s1 =	sld [smem:$0x7C6]  }
0x154: {  	[sflag:s5] =	ssyncset.done $0x0  }
0x155: {  	[sflag:s5] =	ssyncadd.s32 $0xFFFF3800  }
0x156: {  	[tilespmem:s7], [sflag:$0x2] =	stream.linear.gather [hbm4b:s1+s2], $0xC800, $0x38;
	[tilespmem:$0x19000] =	vst v63  }
0x157: {  	_ =	swait.ge [sflag:s11], $0xC800  }
0x158: {  	s1 =	sld [smem:$0x7C7]  }
0x159: {  	[sflag:s11] =	ssyncset.done $0x0  }
0x15a: {  	[sflag:s11] =	ssyncadd.s32 $0xFFFF3800  }
0x15b: {  	[hbm4b:s1+s2] =	stream.linear.scatter [tilespmem:s2], [sflag:$0x3], $0xC800, $0x38;
	[tilespmem:$0x19000] =	vst v63  }
0x15c: {  	_ =	swait.ge [sflag:s6], $0xC800  }
0x15d: {  	s1 =	sld [smem:$0x7C8]  }
0x15e: {  	[sflag:s6] =	ssyncset.done $0x0  }
0x15f: {  	[sflag:s6] =	ssyncadd.s32 $0xFFFF3800  }
0x160: {  	[tilespmem:s2], [sflag:$0x1] =	stream.linear.gather [hbm4b:s1+s2], $0xC800, $0x38;
	[tilespmem:$0x19000] =	vst v63  }
0x161: {  	_ =	swait.ge [sflag:s10], $0xC800  }
0x162: {  	s1 =	sld [smem:$0x7C9]  }
0x163: {  	[sflag:s10] =	ssyncset.done $0x0  }
0x164: {  	[sflag:s10] =	ssyncadd.s32 $0xFFFF3800  }
0x165: {  	[hbm4b:s1+s2] =	stream.linear.scatter [tilespmem:s7], [sflag:$0x4], $0xC800, $0x38;
	[tilespmem:$0x19000] =	vst v63  }
0x166: {  	_ =	swait.ge [sflag:s5], $0xC800  }
0x167: {  	s1 =	sld [smem:$0x7CA]  }
0x168: {  	[sflag:s5] =	ssyncset.done $0x0  }
0x169: {  	[sflag:s5] =	ssyncadd.s32 $0xFFFF3800  }
0x16a: {  	[tilespmem:s7], [sflag:$0x2] =	stream.linear.gather [hbm4b:s1+s2], $0xC800, $0x38;
	[tilespmem:$0x19000] =	vst v63  }
0x16b: {  	_ =	swait.ge [sflag:s11], $0xC800  }
0x16c: {  	s1 =	sld [smem:$0x7CB]  }
0x16d: {  	[sflag:s11] =	ssyncset.done $0x0  }
0x16e: {  	[sflag:s11] =	ssyncadd.s32 $0xFFFF3800  }
0x16f: {  	[hbm4b:s1+s2] =	stream.linear.scatter [tilespmem:s2], [sflag:$0x3], $0xC800, $0x38;
	[tilespmem:$0x19000] =	vst v63  }
0x170: {  	_ =	swait.ge [sflag:s6], $0xC800  }
0x171: {  	s1 =	sld [smem:$0x7CC]  }
0x172: {  	[sflag:s6] =	ssyncset.done $0x0  }
0x173: {  	[sflag:s6] =	ssyncadd.s32 $0xFFFF3800  }
0x174: {  	[tilespmem:s2], [sflag:$0x1] =	stream.linear.gather [hbm4b:s1+s2], $0xC800, $0x38;
	[tilespmem:$0x19000] =	vst v63  }
0x175: {  	_ =	swait.ge [sflag:s10], $0xC800  }
0x176: {  	s1 =	sld [smem:$0x7CD]  }
0x177: {  	[sflag:s10] =	ssyncset.done $0x0  }
0x178: {  	[sflag:s10] =	ssyncadd.s32 $0xFFFF3800  }
0x179: {  	[hbm4b:s1+s2] =	stream.linear.scatter [tilespmem:s7], [sflag:$0x4], $0xC800, $0x38;
	[tilespmem:$0x19000] =	vst v63  }
0x17a: {  	_ =	swait.ge [sflag:s5], $0xC800  }
0x17b: {  	s1 =	sld [smem:$0x7CE]  }
0x17c: {  	[sflag:s5] =	ssyncset.done $0x0  }
0x17d: {  	[sflag:s5] =	ssyncadd.s32 $0xFFFF3800  }
0x17e: {  	[tilespmem:s7], [sflag:$0x2] =	stream.linear.gather [hbm4b:s1+s2], $0xC800, $0x38;
	[tilespmem:$0x19000] =	vst v63  }
0x17f: {  	_ =	swait.ge [sflag:s11], $0xC800  }
0x180: {  	s1 =	sld [smem:$0x7CF]  }
0x181: {  	[sflag:s11] =	ssyncset.done $0x0  }
0x182: {  	[sflag:s11] =	ssyncadd.s32 $0xFFFF3800  }
0x183: {  	[hbm4b:s1+s2] =	stream.linear.scatter [tilespmem:s2], [sflag:$0x3], $0xC800, $0x38;
	[tilespmem:$0x19000] =	vst v63  }
0x184: {  	_ =	swait.ge [sflag:s6], $0xC800  }
0x185: {  	s1 =	sld [smem:$0x7D0]  }
0x186: {  	[sflag:s6] =	ssyncset.done $0x0  }
0x187: {  	[sflag:s6] =	ssyncadd.s32 $0xFFFF3800  }
0x188: {  	[tilespmem:s2], [sflag:$0x1] =	stream.linear.gather [hbm4b:s1+s2], $0xC800, $0x38;
	[tilespmem:$0x19000] =	vst v63  }
0x189: {  	_ =	swait.ge [sflag:s10], $0xC800  }
0x18a: {  	s1 =	sld [smem:$0x7D1]  }
0x18b: {  	[sflag:s10] =	ssyncset.done $0x0  }
0x18c: {  	[sflag:s10] =	ssyncadd.s32 $0xFFFF3800  }
0x18d: {  	[hbm4b:s1+s2] =	stream.linear.scatter [tilespmem:s7], [sflag:$0x4], $0xC800, $0x38;
	[tilespmem:$0x19000] =	vst v63  }
0x18e: {  	_ =	swait.ge [sflag:s5], $0xC800  }
0x18f: {  	s1 =	sld [smem:$0x7D2]  }
0x190: {  	[sflag:s5] =	ssyncset.done $0x0  }
0x191: {  	[sflag:s5] =	ssyncadd.s32 $0xFFFF3800  }
0x192: {  	[tilespmem:s7], [sflag:$0x2] =	stream.linear.gather [hbm4b:s1+s2], $0x7C00, $0x38;
	[tilespmem:$0x19000] =	vst v63  }
0x193: {  	_ =	swait.ge [sflag:s11], $0xC800  }
0x194: {  	s1 =	sld [smem:$0x7D3]  }
0x195: {  	[sflag:s11] =	ssyncset.done $0x0  }
0x196: {  	[sflag:s11] =	ssyncadd.s32 $0xFFFF3800  }
0x197: {  	[hbm4b:s1+s2] =	stream.linear.scatter [tilespmem:s2], [sflag:$0x3], $0xC800, $0x38;
	[tilespmem:$0x19000] =	vst v63  }
0x198: {  	_ =	swait.ge [sflag:s6], $0xC800  }
0x199: {  	s1 =	sld [smem:$0x7D4]  }
0x19a: {  	[sflag:s6] =	ssyncset.done $0x0  }
0x19b: {  	[sflag:s6] =	ssyncadd.s32 $0xFFFF3800  }
0x19c: {  	[tilespmem:s2], [sflag:$0x1] =	stream.linear.gather [hbm4b:s1+s2], $0xC800, $0x38;
	[tilespmem:$0x19000] =	vst v63  }
0x19d: {  	_ =	swait.ge [sflag:s10], $0x7C00  }
0x19e: {  	s1 =	sld [smem:$0x7D5]  }
0x19f: {  	[sflag:s10] =	ssyncset.done $0x0  }
0x1a0: {  	[sflag:s10] =	ssyncadd.s32 $0xFFFF8400  }
0x1a1: {  	[hbm4b:s1+s2] =	stream.linear.scatter [tilespmem:s7], [sflag:$0x4], $0x7C00, $0x38;
	[tilespmem:$0x19000] =	vst v63  }
0x1a2: {  	_ =	swait.ge [sflag:s5], $0x7C00  }
0x1a3: {  	s1 =	sld [smem:$0x7D6]  }
0x1a4: {  	[sflag:s5] =	ssyncset.done $0x0  }
0x1a5: {  	[sflag:s5] =	ssyncadd.s32 $0xFFFF8400  }
0x1a6: {  	[tilespmem:s7], [sflag:$0x2] =	stream.linear.gather [hbm4b:s1+s2], $0xC800, $0x38;
	[tilespmem:$0x19000] =	vst v63  }
0x1a7: {  	_ =	swait.ge [sflag:s11], $0xC800  }
0x1a8: {  	s1 =	sld [smem:$0x7D7]  }
0x1a9: {  	[sflag:s11] =	ssyncset.done $0x0  }
0x1aa: {  	[sflag:s11] =	ssyncadd.s32 $0xFFFF3800  }
0x1ab: {  	[hbm4b:s1+s2] =	stream.linear.scatter [tilespmem:s2], [sflag:$0x3], $0xC800, $0x38;
	[tilespmem:$0x19000] =	vst v63  }
0x1ac: {  	_ =	swait.ge [sflag:s6], $0xC800  }
0x1ad: {  	s1 =	sld [smem:$0x7D8]  }
0x1ae: {  	[sflag:s6] =	ssyncset.done $0x0  }
0x1af: {  	[sflag:s6] =	ssyncadd.s32 $0xFFFF3800  }
0x1b0: {  	[tilespmem:s2], [sflag:$0x1] =	stream.linear.gather [hbm4b:s1+s2], $0xC800, $0x38;
	[tilespmem:$0x19000] =	vst v63  }
0x1b1: {  	_ =	swait.ge [sflag:s10], $0xC800  }
0x1b2: {  	s1 =	sld [smem:$0x7D9]  }
0x1b3: {  	[sflag:s10] =	ssyncset.done $0x0  }
0x1b4: {  	[sflag:s10] =	ssyncadd.s32 $0xFFFF3800  }
0x1b5: {  	[hbm4b:s1+s2] =	stream.linear.scatter [tilespmem:s7], [sflag:$0x4], $0xC800, $0x38;
	[tilespmem:$0x19000] =	vst v63  }
0x1b6: {  	_ =	swait.ge [sflag:s5], $0xC800  }
0x1b7: {  	s1 =	sld [smem:$0x7DA]  }
0x1b8: {  	[sflag:s5] =	ssyncset.done $0x0  }
0x1b9: {  	[sflag:s5] =	ssyncadd.s32 $0xFFFF3800  }
0x1ba: {  	[tilespmem:s7], [sflag:$0x2] =	stream.linear.gather [hbm4b:s1+s2], $0xC800, $0x38;
	[tilespmem:$0x19000] =	vst v63  }
0x1bb: {  	_ =	swait.ge [sflag:s11], $0xC800  }
0x1bc: {  	s1 =	sld [smem:$0x7DB]  }
0x1bd: {  	[sflag:s11] =	ssyncset.done $0x0  }
0x1be: {  	[sflag:s11] =	ssyncadd.s32 $0xFFFF3800  }
0x1bf: {  	[hbm4b:s1+s2] =	stream.linear.scatter [tilespmem:s2], [sflag:$0x3], $0xC800, $0x38;
	[tilespmem:$0x19000] =	vst v63  }
0x1c0: {  	_ =	swait.ge [sflag:s6], $0xC800  }
0x1c1: {  	s1 =	sld [smem:$0x7DC]  }
0x1c2: {  	[sflag:s6] =	ssyncset.done $0x0  }
0x1c3: {  	[sflag:s6] =	ssyncadd.s32 $0xFFFF3800  }
0x1c4: {  	[tilespmem:s2], [sflag:$0x1] =	stream.linear.gather [hbm4b:s1+s2], $0xC800, $0x38;
	[tilespmem:$0x19000] =	vst v63  }
0x1c5: {  	_ =	swait.ge [sflag:s10], $0xC800  }
0x1c6: {  	s1 =	sld [smem:$0x7DD]  }
0x1c7: {  	[sflag:s10] =	ssyncset.done $0x0  }
0x1c8: {  	[sflag:s10] =	ssyncadd.s32 $0xFFFF3800  }
0x1c9: {  	[hbm4b:s1+s2] =	stream.linear.scatter [tilespmem:s7], [sflag:$0x4], $0xC800, $0x38;
	[tilespmem:$0x19000] =	vst v63  }
0x1ca: {  	_ =	swait.ge [sflag:s5], $0xC800  }
0x1cb: {  	s1 =	sld [smem:$0x7DE]  }
0x1cc: {  	[sflag:s5] =	ssyncset.done $0x0  }
0x1cd: {  	[sflag:s5] =	ssyncadd.s32 $0xFFFF3800  }
0x1ce: {  	[tilespmem:s7], [sflag:$0x2] =	stream.linear.gather [hbm4b:s1+s2], $0xC800, $0x38;
	[tilespmem:$0x19000] =	vst v63  }
0x1cf: {  	_ =	swait.ge [sflag:s11], $0xC800  }
0x1d0: {  	s1 =	sld [smem:$0x7DF]  }
0x1d1: {  	[sflag:s11] =	ssyncset.done $0x0  }
0x1d2: {  	[sflag:s11] =	ssyncadd.s32 $0xFFFF3800  }
0x1d3: {  	[hbm4b:s1+s2] =	stream.linear.scatter [tilespmem:s2], [sflag:$0x3], $0xC800, $0x38;
	[tilespmem:$0x19000] =	vst v63  }
0x1d4: {  	_ =	swait.ge [sflag:s6], $0xC800  }
0x1d5: {  	s1 =	sld [smem:$0x7E0]  }
0x1d6: {  	[sflag:s6] =	ssyncset.done $0x0  }
0x1d7: {  	[sflag:s6] =	ssyncadd.s32 $0xFFFF3800  }
0x1d8: {  	[tilespmem:s2], [sflag:$0x1] =	stream.linear.gather [hbm4b:s1+s2], $0xC800, $0x38;
	[tilespmem:$0x19000] =	vst v63  }
0x1d9: {  	_ =	swait.ge [sflag:s10], $0xC800  }
0x1da: {  	s1 =	sld [smem:$0x7E1]  }
0x1db: {  	[sflag:s10] =	ssyncset.done $0x0  }
0x1dc: {  	[sflag:s10] =	ssyncadd.s32 $0xFFFF3800  }
0x1dd: {  	[hbm4b:s1+s2] =	stream.linear.scatter [tilespmem:s7], [sflag:$0x4], $0xC800, $0x38;
	[tilespmem:$0x19000] =	vst v63  }
0x1de: {  	_ =	swait.ge [sflag:s5], $0xC800  }
0x1df: {  	s1 =	sld [smem:$0x7E2]  }
0x1e0: {  	[sflag:s5] =	ssyncset.done $0x0  }
0x1e1: {  	[sflag:s5] =	ssyncadd.s32 $0xFFFF3800  }
0x1e2: {  	[tilespmem:s7], [sflag:$0x2] =	stream.linear.gather [hbm4b:s1+s2], $0xC800, $0x38;
	[tilespmem:$0x19000] =	vst v63  }
0x1e3: {  	_ =	swait.ge [sflag:s11], $0xC800  }
0x1e4: {  	s1 =	sld [smem:$0x7E3]  }
0x1e5: {  	[sflag:s11] =	ssyncset.done $0x0  }
0x1e6: {  	[sflag:s11] =	ssyncadd.s32 $0xFFFF3800  }
0x1e7: {  	[hbm4b:s1+s2] =	stream.linear.scatter [tilespmem:s2], [sflag:$0x3], $0xC800, $0x38;
	[tilespmem:$0x19000] =	vst v63  }
0x1e8: {  	_ =	swait.ge [sflag:s6], $0xC800  }
0x1e9: {  	s1 =	sld [smem:$0x7E4]  }
0x1ea: {  	[sflag:s6] =	ssyncset.done $0x0  }
0x1eb: {  	[sflag:s6] =	ssyncadd.s32 $0xFFFF3800  }
0x1ec: {  	[tilespmem:s2], [sflag:$0x1] =	stream.linear.gather [hbm4b:s1+s2], $0xC800, $0x38;
	[tilespmem:$0x19000] =	vst v63  }
0x1ed: {  	_ =	swait.ge [sflag:s10], $0xC800  }
0x1ee: {  	s1 =	sld [smem:$0x7E5]  }
0x1ef: {  	[sflag:s10] =	ssyncset.done $0x0  }
0x1f0: {  	[sflag:s10] =	ssyncadd.s32 $0xFFFF3800  }
0x1f1: {  	[hbm4b:s1+s2] =	stream.linear.scatter [tilespmem:s7], [sflag:$0x4], $0xC800, $0x38;
	[tilespmem:$0x19000] =	vst v63  }
0x1f2: {  	_ =	swait.ge [sflag:s5], $0xC800  }
0x1f3: {  	s1 =	sld [smem:$0x7E6]  }
0x1f4: {  	[sflag:s5] =	ssyncset.done $0x0  }
0x1f5: {  	[sflag:s5] =	ssyncadd.s32 $0xFFFF3800  }
0x1f6: {  	[tilespmem:s7], [sflag:$0x2] =	stream.linear.gather [hbm4b:s1+s2], $0xC800, $0x38;
	[tilespmem:$0x19000] =	vst v63  }
0x1f7: {  	_ =	swait.ge [sflag:s11], $0xC800  }
0x1f8: {  	s1 =	sld [smem:$0x7E7]  }
0x1f9: {  	[sflag:s11] =	ssyncset.done $0x0  }
0x1fa: {  	[sflag:s11] =	ssyncadd.s32 $0xFFFF3800  }
0x1fb: {  	[hbm4b:s1+s2] =	stream.linear.scatter [tilespmem:s2], [sflag:$0x3], $0xC800, $0x38;
	[tilespmem:$0x19000] =	vst v63  }
0x1fc: {  	_ =	swait.ge [sflag:s6], $0xC800  }
0x1fd: {  	s1 =	sld [smem:$0x7E8]  }
0x1fe: {  	[sflag:s6] =	ssyncset.done $0x0  }
0x1ff: {  	[sflag:s6] =	ssyncadd.s32 $0xFFFF3800  }
0x200: {  	[tilespmem:s2], [sflag:$0x1] =	stream.linear.gather [hbm4b:s1+s2], $0xC800, $0x38;
	[tilespmem:$0x19000] =	vst v63  }
0x201: {  	_ =	swait.ge [sflag:s10], $0xC800  }
0x202: {  	s1 =	sld [smem:$0x7E9]  }
0x203: {  	[sflag:s10] =	ssyncset.done $0x0  }
0x204: {  	[sflag:s10] =	ssyncadd.s32 $0xFFFF3800  }
0x205: {  	[hbm4b:s1+s2] =	stream.linear.scatter [tilespmem:s7], [sflag:$0x4], $0xC800, $0x38;
	[tilespmem:$0x19000] =	vst v63  }
0x206: {  	_ =	swait.ge [sflag:s5], $0xC800  }
0x207: {  	s1 =	sld [smem:$0x7EA]  }
0x208: {  	[sflag:s5] =	ssyncset.done $0x0  }
0x209: {  	[sflag:s5] =	ssyncadd.s32 $0xFFFF3800  }
0x20a: {  	[tilespmem:s7], [sflag:$0x2] =	stream.linear.gather [hbm4b:s1+s2], $0xC800, $0x38;
	[tilespmem:$0x19000] =	vst v63  }
0x20b: {  	_ =	swait.ge [sflag:s11], $0xC800  }
0x20c: {  	s1 =	sld [smem:$0x7EB]  }
0x20d: {  	[sflag:s11] =	ssyncset.done $0x0  }
0x20e: {  	[sflag:s11] =	ssyncadd.s32 $0xFFFF3800  }
0x20f: {  	[hbm4b:s1+s2] =	stream.linear.scatter [tilespmem:s2], [sflag:$0x3], $0xC800, $0x38;
	[tilespmem:$0x19000] =	vst v63  }
0x210: {  	_ =	swait.ge [sflag:s6], $0xC800  }
0x211: {  	s1 =	sld [smem:$0x7EC]  }
0x212: {  	[sflag:s6] =	ssyncset.done $0x0  }
0x213: {  	[sflag:s6] =	ssyncadd.s32 $0xFFFF3800  }
0x214: {  	[tilespmem:s2], [sflag:$0x1] =	stream.linear.gather [hbm4b:s1+s2], $0xC800, $0x38;
	[tilespmem:$0x19000] =	vst v63  }
0x215: {  	_ =	swait.ge [sflag:s10], $0xC800  }
0x216: {  	s1 =	sld [smem:$0x7ED]  }
0x217: {  	[sflag:s10] =	ssyncset.done $0x0  }
0x218: {  	[sflag:s10] =	ssyncadd.s32 $0xFFFF3800  }
0x219: {  	[hbm4b:s1+s2] =	stream.linear.scatter [tilespmem:s7], [sflag:$0x4], $0xC800, $0x38;
	[tilespmem:$0x19000] =	vst v63  }
0x21a: {  	_ =	swait.ge [sflag:s5], $0xC800  }
0x21b: {  	s1 =	sld [smem:$0x7EE]  }
0x21c: {  	[sflag:s5] =	ssyncset.done $0x0  }
0x21d: {  	[sflag:s5] =	ssyncadd.s32 $0xFFFF3800  }
0x21e: {  	[tilespmem:s7], [sflag:$0x2] =	stream.linear.gather [hbm4b:s1+s2], $0xC800, $0x38;
	[tilespmem:$0x19000] =	vst v63  }
0x21f: {  	_ =	swait.ge [sflag:s11], $0xC800  }
0x220: {  	s1 =	sld [smem:$0x7EF]  }
0x221: {  	[sflag:s11] =	ssyncset.done $0x0  }
0x222: {  	[sflag:s11] =	ssyncadd.s32 $0xFFFF3800  }
0x223: {  	[hbm4b:s1+s2] =	stream.linear.scatter [tilespmem:s2], [sflag:$0x3], $0xC800, $0x38;
	[tilespmem:$0x19000] =	vst v63  }
0x224: {  	_ =	swait.ge [sflag:s6], $0xC800  }
0x225: {  	s1 =	sld [smem:$0x7F0]  }
0x226: {  	[sflag:s6] =	ssyncset.done $0x0  }
0x227: {  	[sflag:s6] =	ssyncadd.s32 $0xFFFF3800  }
0x228: {  	[tilespmem:s2], [sflag:$0x1] =	stream.linear.gather [hbm4b:s1+s2], $0xC800, $0x38;
	[tilespmem:$0x19000] =	vst v63  }
0x229: {  	_ =	swait.ge [sflag:s10], $0xC800  }
0x22a: {  	s1 =	sld [smem:$0x7F1]  }
0x22b: {  	[sflag:s10] =	ssyncset.done $0x0  }
0x22c: {  	[sflag:s10] =	ssyncadd.s32 $0xFFFF3800  }
0x22d: {  	[hbm4b:s1+s2] =	stream.linear.scatter [tilespmem:s7], [sflag:$0x4], $0xC800, $0x38;
	[tilespmem:$0x19000] =	vst v63  }
0x22e: {  	_ =	swait.ge [sflag:s5], $0xC800  }
0x22f: {  	s1 =	sld [smem:$0x7F2]  }
0x230: {  	[sflag:s5] =	ssyncset.done $0x0  }
0x231: {  	[sflag:s5] =	ssyncadd.s32 $0xFFFF3800  }
0x232: {  	[tilespmem:s7], [sflag:$0x2] =	stream.linear.gather [hbm4b:s1+s2], $0x7C00, $0x38;
	[tilespmem:$0x19000] =	vst v63  }
0x233: {  	_ =	swait.ge [sflag:s11], $0xC800  }
0x234: {  	s1 =	sld [smem:$0x7F3]  }
0x235: {  	[sflag:s11] =	ssyncset.done $0x0  }
0x236: {  	[sflag:s11] =	ssyncadd.s32 $0xFFFF3800  }
0x237: {  	[hbm4b:s1+s2] =	stream.linear.scatter [tilespmem:s2], [sflag:$0x3], $0xC800, $0x38;
	[tilespmem:$0x19000] =	vst v63  }
0x238: {  	_ =	swait.ge [sflag:s6], $0xC800  }
0x239: {  	s1 =	sld [smem:$0x7F4]  }
0x23a: {  	[sflag:s6] =	ssyncset.done $0x0  }
0x23b: {  	[sflag:s6] =	ssyncadd.s32 $0xFFFF3800  }
0x23c: {  	[tilespmem:s2], [sflag:$0x1] =	stream.linear.gather [hbm4b:s1+s2], $0xC800, $0x38;
	[tilespmem:$0x19000] =	vst v63  }
0x23d: {  	_ =	swait.ge [sflag:s10], $0x7C00  }
0x23e: {  	s1 =	sld [smem:$0x7F5]  }
0x23f: {  	[sflag:s10] =	ssyncset.done $0x0  }
0x240: {  	[sflag:s10] =	ssyncadd.s32 $0xFFFF8400  }
0x241: {  	[hbm4b:s1+s2] =	stream.linear.scatter [tilespmem:s7], [sflag:$0x4], $0x7C00, $0x38;
	[tilespmem:$0x19000] =	vst v63  }
0x242: {  	_ =	swait.ge [sflag:s5], $0x7C00  }
0x243: {  	s1 =	sld [smem:$0x7F6]  }
0x244: {  	[sflag:s5] =	ssyncset.done $0x0  }
0x245: {  	[sflag:s5] =	ssyncadd.s32 $0xFFFF8400  }
0x246: {  	[tilespmem:s7], [sflag:$0x2] =	stream.linear.gather [hbm4b:s1+s2], $0xC800, $0x38;
	[tilespmem:$0x19000] =	vst v63  }
0x247: {  	_ =	swait.ge [sflag:s11], $0xC800  }
0x248: {  	s1 =	sld [smem:$0x7F7]  }
0x249: {  	[sflag:s11] =	ssyncset.done $0x0  }
0x24a: {  	[sflag:s11] =	ssyncadd.s32 $0xFFFF3800  }
0x24b: {  	[hbm4b:s1+s2] =	stream.linear.scatter [tilespmem:s2], [sflag:$0x3], $0xC800, $0x38;
	[tilespmem:$0x19000] =	vst v63  }
0x24c: {  	_ =	swait.ge [sflag:s6], $0xC800  }
0x24d: {  	s1 =	sld [smem:$0x7F8]  }
0x24e: {  	[sflag:s6] =	ssyncset.done $0x0  }
0x24f: {  	[sflag:s6] =	ssyncadd.s32 $0xFFFF3800  }
0x250: {  	[tilespmem:s2], [sflag:$0x1] =	stream.linear.gather [hbm4b:s1+s2], $0xC800, $0x38;
	[tilespmem:$0x19000] =	vst v63  }
0x251: {  	_ =	swait.ge [sflag:s10], $0xC800  }
0x252: {  	s1 =	sld [smem:$0x7F9]  }
0x253: {  	[sflag:s10] =	ssyncset.done $0x0  }
0x254: {  	[sflag:s10] =	ssyncadd.s32 $0xFFFF3800  }
0x255: {  	[hbm4b:s1+s2] =	stream.linear.scatter [tilespmem:s7], [sflag:$0x4], $0xC800, $0x38;
	[tilespmem:$0x19000] =	vst v63  }
0x256: {  	_ =	swait.ge [sflag:s5], $0xC800  }
0x257: {  	s1 =	sld [smem:$0x7FA]  }
0x258: {  	[sflag:s5] =	ssyncset.done $0x0  }
0x259: {  	[sflag:s5] =	ssyncadd.s32 $0xFFFF3800  }
0x25a: {  	[tilespmem:s7], [sflag:$0x2] =	stream.linear.gather [hbm4b:s1+s2], $0xC800, $0x38;
	[tilespmem:$0x19000] =	vst v63  }
0x25b: {  	_ =	swait.ge [sflag:s11], $0xC800  }
0x25c: {  	s1 =	sld [smem:$0x7FB]  }
0x25d: {  	[sflag:s11] =	ssyncset.done $0x0  }
0x25e: {  	[sflag:s11] =	ssyncadd.s32 $0xFFFF3800  }
0x25f: {  	[hbm4b:s1+s2] =	stream.linear.scatter [tilespmem:s2], [sflag:$0x3], $0xC800, $0x38;
	[tilespmem:$0x19000] =	vst v63  }
0x260: {  	_ =	swait.ge [sflag:s6], $0xC800  }
0x261: {  	s1 =	sld [smem:$0x7FC]  }
0x262: {  	[sflag:s6] =	ssyncset.done $0x0  }
0x263: {  	[sflag:s6] =	ssyncadd.s32 $0xFFFF3800  }
0x264: {  	[tilespmem:s2], [sflag:$0x1] =	stream.linear.gather [hbm4b:s1+s2], $0xC800, $0x38;
	[tilespmem:$0x19000] =	vst v63  }
0x265: {  	_ =	swait.ge [sflag:s10], $0xC800  }
0x266: {  	s1 =	sld [smem:$0x7FD]  }
0x267: {  	[sflag:s10] =	ssyncset.done $0x0  }
0x268: {  	[sflag:s10] =	ssyncadd.s32 $0xFFFF3800  }
0x269: {  	[hbm4b:s1+s2] =	stream.linear.scatter [tilespmem:s7], [sflag:$0x4], $0xC800, $0x38;
	[tilespmem:$0x19000] =	vst v63  }
0x26a: {  	_ =	swait.ge [sflag:s5], $0xC800  }
0x26b: {  	[sflag:s5] =	ssyncset.done $0x0  }
0x26c: {  	[sflag:s5] =	ssyncadd.s32 $0xFFFF3800  }
0x26d: {  	[tilespmem:s7], [sflag:$0x2] =	stream.linear.gather [hbm4b:s31+s2], $0xC800, $0x38;
	[tilespmem:$0x19000] =	vst v63  }
0x26e: {  	_ =	swait.ge [sflag:s11], $0xC800  }
0x26f: {  	[sflag:s11] =	ssyncset.done $0x0  }
0x270: {  	[sflag:s11] =	ssyncadd.s32 $0xFFFF3800  }
0x271: {  	[hbm4b:s30+s2] =	stream.linear.scatter [tilespmem:s2], [sflag:$0x3], $0xC800, $0x38;
	[tilespmem:$0x19000] =	vst v63  }
0x272: {  	_ =	swait.ge [sflag:s6], $0xC800  }
0x273: {  	[sflag:s6] =	ssyncset.done $0x0  }
0x274: {  	[sflag:s6] =	ssyncadd.s32 $0xFFFF3800  }
0x275: {  	[tilespmem:s2], [sflag:$0x1] =	stream.linear.gather [hbm4b:s29+s2], $0xC800, $0x38;
	[tilespmem:$0x19000] =	vst v63  }
0x276: {  	_ =	swait.ge [sflag:s10], $0xC800  }
0x277: {  	[sflag:s10] =	ssyncset.done $0x0  }
0x278: {  	[sflag:s10] =	ssyncadd.s32 $0xFFFF3800  }
0x279: {  	[hbm4b:s28+s2] =	stream.linear.scatter [tilespmem:s7], [sflag:$0x4], $0xC800, $0x38;
	[tilespmem:$0x19000] =	vst v63  }
0x27a: {  	_ =	swait.ge [sflag:s5], $0xC800  }
0x27b: {  	[sflag:s5] =	ssyncset.done $0x0  }
0x27c: {  	[sflag:s5] =	ssyncadd.s32 $0xFFFF3800  }
0x27d: {  	[tilespmem:s7], [sflag:$0x2] =	stream.linear.gather [hbm4b:s26+s2], $0xC800, $0x38;
	[tilespmem:$0x19000] =	vst v63  }
0x27e: {  	_ =	swait.ge [sflag:s11], $0xC800  }
0x27f: {  	[sflag:s11] =	ssyncset.done $0x0  }
0x280: {  	[sflag:s11] =	ssyncadd.s32 $0xFFFF3800  }
0x281: {  	[hbm4b:s25+s2] =	stream.linear.scatter [tilespmem:s2], [sflag:$0x3], $0xC800, $0x38;
	[tilespmem:$0x19000] =	vst v63  }
0x282: {  	_ =	swait.ge [sflag:s6], $0xC800  }
0x283: {  	[sflag:s6] =	ssyncset.done $0x0  }
0x284: {  	[sflag:s6] =	ssyncadd.s32 $0xFFFF3800  }
0x285: {  	[tilespmem:s2], [sflag:$0x1] =	stream.linear.gather [hbm4b:s24+s2], $0xC800, $0x38;
	[tilespmem:$0x19000] =	vst v63  }
0x286: {  	_ =	swait.ge [sflag:s10], $0xC800  }
0x287: {  	[sflag:s10] =	ssyncset.done $0x0  }
0x288: {  	[sflag:s10] =	ssyncadd.s32 $0xFFFF3800  }
0x289: {  	[hbm4b:s23+s2] =	stream.linear.scatter [tilespmem:s7], [sflag:$0x4], $0xC800, $0x38;
	[tilespmem:$0x19000] =	vst v63  }
0x28a: {  	_ =	swait.ge [sflag:s5], $0xC800  }
0x28b: {  	[sflag:s5] =	ssyncset.done $0x0  }
0x28c: {  	[sflag:s5] =	ssyncadd.s32 $0xFFFF3800  }
0x28d: {  	[tilespmem:s7], [sflag:$0x2] =	stream.linear.gather [hbm4b:s22+s2], $0xC800, $0x38;
	[tilespmem:$0x19000] =	vst v63  }
0x28e: {  	_ =	swait.ge [sflag:s11], $0xC800  }
0x28f: {  	[sflag:s11] =	ssyncset.done $0x0  }
0x290: {  	[sflag:s11] =	ssyncadd.s32 $0xFFFF3800  }
0x291: {  	[hbm4b:s21+s2] =	stream.linear.scatter [tilespmem:s2], [sflag:$0x3], $0xC800, $0x38;
	[tilespmem:$0x19000] =	vst v63  }
0x292: {  	_ =	swait.ge [sflag:s6], $0xC800  }
0x293: {  	[sflag:s6] =	ssyncset.done $0x0  }
0x294: {  	[sflag:s6] =	ssyncadd.s32 $0xFFFF3800  }
0x295: {  	[tilespmem:s2], [sflag:$0x1] =	stream.linear.gather [hbm4b:s20+s2], $0xC800, $0x38;
	[tilespmem:$0x19000] =	vst v63  }
0x296: {  	_ =	swait.ge [sflag:s10], $0xC800  }
0x297: {  	[sflag:s10] =	ssyncset.done $0x0  }
0x298: {  	[sflag:s10] =	ssyncadd.s32 $0xFFFF3800  }
0x299: {  	[hbm4b:s19+s2] =	stream.linear.scatter [tilespmem:s7], [sflag:$0x4], $0xC800, $0x38;
	[tilespmem:$0x19000] =	vst v63  }
0x29a: {  	_ =	swait.ge [sflag:s5], $0xC800  }
0x29b: {  	[sflag:s5] =	ssyncset.done $0x0  }
0x29c: {  	[sflag:s5] =	ssyncadd.s32 $0xFFFF3800  }
0x29d: {  	[tilespmem:s7], [sflag:$0x2] =	stream.linear.gather [hbm4b:s18+s2], $0xC800, $0x38;
	[tilespmem:$0x19000] =	vst v63  }
0x29e: {  	_ =	swait.ge [sflag:s11], $0xC800  }
0x29f: {  	[sflag:s11] =	ssyncset.done $0x0  }
0x2a0: {  	[sflag:s11] =	ssyncadd.s32 $0xFFFF3800  }
0x2a1: {  	[hbm4b:s17+s2] =	stream.linear.scatter [tilespmem:s2], [sflag:$0x3], $0xC800, $0x38;
	[tilespmem:$0x19000] =	vst v63  }
0x2a2: {  	_ =	swait.ge [sflag:s6], $0xC800  }
0x2a3: {  	[sflag:s6] =	ssyncset.done $0x0  }
0x2a4: {  	[sflag:s6] =	ssyncadd.s32 $0xFFFF3800  }
0x2a5: {  	[tilespmem:s2], [sflag:$0x1] =	stream.linear.gather [hbm4b:s16+s2], $0xC800, $0x38;
	[tilespmem:$0x19000] =	vst v63  }
0x2a6: {  	_ =	swait.ge [sflag:s10], $0xC800  }
0x2a7: {  	[sflag:s10] =	ssyncset.done $0x0  }
0x2a8: {  	[sflag:s10] =	ssyncadd.s32 $0xFFFF3800  }
0x2a9: {  	[hbm4b:s14+s2] =	stream.linear.scatter [tilespmem:s7], [sflag:$0x4], $0xC800, $0x38;
	[tilespmem:$0x19000] =	vst v63  }
0x2aa: {  	_ =	swait.ge [sflag:s5], $0xC800  }
0x2ab: {  	[sflag:s5] =	ssyncset.done $0x0  }
0x2ac: {  	[sflag:s5] =	ssyncadd.s32 $0xFFFF3800  }
0x2ad: {  	[tilespmem:s7], [sflag:$0x2] =	stream.linear.gather [hbm4b:s15+s2], $0xC800, $0x38;
	[tilespmem:$0x19000] =	vst v63  }
0x2ae: {  	_ =	swait.ge [sflag:s11], $0xC800  }
0x2af: {  	[sflag:s11] =	ssyncset.done $0x0  }
0x2b0: {  	[sflag:s11] =	ssyncadd.s32 $0xFFFF3800  }
0x2b1: {  	[hbm4b:s12+s2] =	stream.linear.scatter [tilespmem:s2], [sflag:$0x3], $0xC800, $0x38;
	[tilespmem:$0x19000] =	vst v63  }
0x2b2: {  	_ =	swait.ge [sflag:s6], $0xC800  }
0x2b3: {  	[sflag:s6] =	ssyncset.done $0x0  }
0x2b4: {  	[sflag:s6] =	ssyncadd.s32 $0xFFFF3800  }
0x2b5: {  	[tilespmem:s2], [sflag:$0x1] =	stream.linear.gather [hbm4b:s13+s2], $0xC800, $0x38;
	[tilespmem:$0x19000] =	vst v63  }
0x2b6: {  	_ =	swait.ge [sflag:s10], $0xC800  }
0x2b7: {  	[sflag:s10] =	ssyncset.done $0x0  }
0x2b8: {  	[sflag:s10] =	ssyncadd.s32 $0xFFFF3800  }
0x2b9: {  	[hbm4b:s9+s2] =	stream.linear.scatter [tilespmem:s7], [sflag:$0x4], $0xC800, $0x38;
	[tilespmem:$0x19000] =	vst v63  }
0x2ba: {  	_ =	swait.ge [sflag:s5], $0xC800  }
0x2bb: {  	[sflag:s5] =	ssyncset.done $0x0  }
0x2bc: {  	[sflag:s5] =	ssyncadd.s32 $0xFFFF3800  }
0x2bd: {  	[tilespmem:s7], [sflag:$0x2] =	stream.linear.gather [hbm4b:s8+s2], $0x7C00, $0x38;
	[tilespmem:$0x19000] =	vst v63  }
0x2be: {  	_ =	swait.ge [sflag:s11], $0xC800  }
0x2bf: {  	[sflag:s11] =	ssyncset.done $0x0  }
0x2c0: {  	[sflag:s11] =	ssyncadd.s32 $0xFFFF3800  }
0x2c1: {  	[hbm4b:s4+s2] =	stream.linear.scatter [tilespmem:s2], [sflag:$0x3], $0xC800, $0x38;
	[tilespmem:$0x19000] =	vst v63  }
0x2c2: {  	_ =	swait.ge [sflag:s10], $0x7C00  }
0x2c3: {  	[sflag:s10] =	ssyncset.done $0x0  }
0x2c4: {  	[sflag:s10] =	ssyncadd.s32 $0xFFFF8400  }
0x2c5: {  	[hbm4b:s3+s2] =	stream.linear.scatter [tilespmem:s7], [sflag:$0x4], $0x7C00, $0x38;
	[tilespmem:$0x19000] =	vst v63  }
0x2c6: {  	_ =	swait.ge [sflag:s6], $0xC800  }
0x2c7: {  	s1 =	sld [smem:$0x7B2];
	_ =	sdelay $0x2  }
0x2c8: {  	p1 =	sne.s32 s1, $0x1  }
.Ltmp1:
0x2c9: {  	_ = 	snop;
	(pc) =	sbr.rel @!p1 .LBB2_3-.Ltmp1, $4  }
0x2ca: {  	[sflag:s6] =	ssyncset.done $0x0  }
0x2cb: {  	[sflag:s6] =	ssyncadd.s32 $0xFFFF3800  }
0x2cc: {  	p0 =	por $0x1, $0x1;
	_ =	swait.ge [sflag:s5], $0x7C00  }
0x2cd: {  	s1 =	sadd.s32 $0xFFFFFFFF, s1;
	s0 =	rddreg [dreg:$0x2];
	[sflag:s5] =	ssyncset.done $0x0  }
.LBB2_2:
0x2ce: {  	p1 =	sne.s32 s1, $0x1  }
0x2cf: {  	s7 =	sadd.s32 $0xFFFFFFFF, s1;
	[sflag:s5] =	ssyncadd.s32 $0xFFFF8400;
	s5 =	simm.s32 $0xC800  }
0x2d0: {  	s1 =	smov.u32 s31;
	s31 =	smov.u32 s30;
	s30 =	smov.u32 s29  }
0x2d1: {  	s29 =	smov.u32 s28;
	s28 =	smov.u32 s26;
	s26 =	smov.u32 s25  }
0x2d2: {  	s25 =	smov.u32 s24;
	s24 =	smov.u32 s23;
	s23 =	smov.u32 s22  }
0x2d3: {  	s22 =	smov.u32 s21;
	s21 =	smov.u32 s20;
	s20 =	smov.u32 s19  }
0x2d4: {  	s19 =	smov.u32 s18;
	s18 =	smov.u32 s17;
	s17 =	smov.u32 s16  }
0x2d5: {  	s16 =	smov.u32 s15;
	s15 =	smov.u32 s14;
	s14 =	smov.u32 s13  }
0x2d6: {  	s13 =	smov.u32 s12;
	s12 =	smov.u32 s9;
	s9 =	smov.u32 s8  }
0x2d7: {  	[tilespmem:s2], [sflag:$0x1] =	stream.linear.gather [hbm4b:s0+s2], $0xC800, $0x38;
	[tilespmem:$0x19000] =	vst v63  }
0x2d8: {  	s8 =	smov.u32 s4;
	s4 =	smov.u32 s3;
	s3 =	rddreg [dreg:$0x3]  }
0x2d9: {  	[tilespmem:s5], [sflag:$0x2] =	stream.linear.gather [hbm4b:s3+s2], $0xC800, $0x38;
	[tilespmem:$0x19000] =	vst v63  }
0x2da: {  	s5 =	simm.s32 $0x4;
	s3 =	smov.u32 s4  }
0x2db: {  	s4 =	smov.u32 s8;
	s8 =	smov.u32 s9;
	s9 =	smov.u32 s12  }
0x2dc: {  	s12 =	smov.u32 s13;
	s13 =	smov.u32 s14;
	s14 =	smov.u32 s15  }
0x2dd: {  	s15 =	smov.u32 s16;
	s16 =	smov.u32 s17;
	s17 =	smov.u32 s18  }
0x2de: {  	s18 =	smov.u32 s19;
	s19 =	smov.u32 s20;
	_ =	swait.ge [sflag:s11], $0xC800  }
0x2df: {  	s20 =	smov.u32 s21;
	s21 =	smov.u32 s22;
	[sflag:s11] =	ssyncset.done $0x0  }
0x2e0: {  	s22 =	smov.u32 s23;
	s0 =	rddreg [dreg:$0x4];
	[sflag:s11] =	ssyncadd.s32 $0xFFFF3800  }
0x2e1: {  	[hbm4b:s0+s2] =	stream.linear.scatter [tilespmem:s2], [sflag:$0x3], $0xC800, $0x38;
	[tilespmem:$0x19000] =	vst v63  }
0x2e2: {  	s23 =	smov.u32 s24;
	s24 =	smov.u32 s25;
	_ =	swait.ge [sflag:s6], $0xC800  }
0x2e3: {  	s25 =	smov.u32 s26;
	s26 =	smov.u32 s28;
	[sflag:s6] =	ssyncset.done $0x0  }
0x2e4: {  	s28 =	smov.u32 s29;
	s0 =	rddreg [dreg:$0x5];
	[sflag:s6] =	ssyncadd.s32 $0xFFFF3800  }
0x2e5: {  	[tilespmem:s2], [sflag:$0x1] =	stream.linear.gather [hbm4b:s0+s2], $0xC800, $0x38;
	[tilespmem:$0x19000] =	vst v63  }
0x2e6: {  	s29 =	smov.u32 s30;
	s30 =	smov.u32 s31;
	_ =	swait.ge [sflag:s10], $0xC800  }
0x2e7: {  	s31 =	smov.u32 s1;
	s1 =	smov.u32 s7;
	[sflag:s10] =	ssyncset.done $0x0  }
0x2e8: {  	s7 =	simm.s32 $0xC800;
	s0 =	rddreg [dreg:$0x6];
	[sflag:s10] =	ssyncadd.s32 $0xFFFF3800  }
0x2e9: {  	[hbm4b:s0+s2] =	stream.linear.scatter [tilespmem:s7], [sflag:$0x4], $0xC800, $0x38;
	[tilespmem:$0x19000] =	vst v63  }
0x2ea: {  	_ =	swait.ge [sflag:s5], $0xC800  }
0x2eb: {  	[sflag:s5] =	ssyncset.done $0x0  }
0x2ec: {  	s0 =	rddreg [dreg:$0x7];
	[sflag:s5] =	ssyncadd.s32 $0xFFFF3800  }
0x2ed: {  	[tilespmem:s7], [sflag:$0x2] =	stream.linear.gather [hbm4b:s0+s2], $0xC800, $0x38;
	[tilespmem:$0x19000] =	vst v63  }
0x2ee: {  	_ =	swait.ge [sflag:s11], $0xC800  }
0x2ef: {  	[sflag:s11] =	ssyncset.done $0x0  }
0x2f0: {  	s0 =	rddreg [dreg:$0x8];
	[sflag:s11] =	ssyncadd.s32 $0xFFFF3800  }
0x2f1: {  	[hbm4b:s0+s2] =	stream.linear.scatter [tilespmem:s2], [sflag:$0x3], $0xC800, $0x38;
	[tilespmem:$0x19000] =	vst v63  }
0x2f2: {  	_ =	swait.ge [sflag:s6], $0xC800  }
0x2f3: {  	[sflag:s6] =	ssyncset.done $0x0  }
0x2f4: {  	s0 =	rddreg [dreg:$0x9];
	[sflag:s6] =	ssyncadd.s32 $0xFFFF3800  }
0x2f5: {  	[tilespmem:s2], [sflag:$0x1] =	stream.linear.gather [hbm4b:s0+s2], $0xC800, $0x38;
	[tilespmem:$0x19000] =	vst v63  }
0x2f6: {  	_ =	swait.ge [sflag:s10], $0xC800  }
0x2f7: {  	[sflag:s10] =	ssyncset.done $0x0  }
0x2f8: {  	s0 =	rddreg [dreg:$0xa];
	[sflag:s10] =	ssyncadd.s32 $0xFFFF3800  }
0x2f9: {  	[hbm4b:s0+s2] =	stream.linear.scatter [tilespmem:s7], [sflag:$0x4], $0xC800, $0x38;
	[tilespmem:$0x19000] =	vst v63  }
0x2fa: {  	_ =	swait.ge [sflag:s5], $0xC800  }
0x2fb: {  	[sflag:s5] =	ssyncset.done $0x0  }
0x2fc: {  	s0 =	rddreg [dreg:$0xb];
	[sflag:s5] =	ssyncadd.s32 $0xFFFF3800  }
0x2fd: {  	[tilespmem:s7], [sflag:$0x2] =	stream.linear.gather [hbm4b:s0+s2], $0xC800, $0x38;
	[tilespmem:$0x19000] =	vst v63  }
0x2fe: {  	_ =	swait.ge [sflag:s11], $0xC800  }
0x2ff: {  	[sflag:s11] =	ssyncset.done $0x0  }
0x300: {  	s0 =	rddreg [dreg:$0xc];
	[sflag:s11] =	ssyncadd.s32 $0xFFFF3800  }
0x301: {  	[hbm4b:s0+s2] =	stream.linear.scatter [tilespmem:s2], [sflag:$0x3], $0xC800, $0x38;
	[tilespmem:$0x19000] =	vst v63  }
0x302: {  	_ =	swait.ge [sflag:s6], $0xC800  }
0x303: {  	[sflag:s6] =	ssyncset.done $0x0  }
0x304: {  	s0 =	rddreg [dreg:$0xd];
	[sflag:s6] =	ssyncadd.s32 $0xFFFF3800  }
0x305: {  	[tilespmem:s2], [sflag:$0x1] =	stream.linear.gather [hbm4b:s0+s2], $0xC800, $0x38;
	[tilespmem:$0x19000] =	vst v63  }
0x306: {  	_ =	swait.ge [sflag:s10], $0xC800  }
0x307: {  	[sflag:s10] =	ssyncset.done $0x0  }
0x308: {  	s0 =	rddreg [dreg:$0xe];
	[sflag:s10] =	ssyncadd.s32 $0xFFFF3800  }
0x309: {  	[hbm4b:s0+s2] =	stream.linear.scatter [tilespmem:s7], [sflag:$0x4], $0xC800, $0x38;
	[tilespmem:$0x19000] =	vst v63  }
0x30a: {  	_ =	swait.ge [sflag:s5], $0xC800  }
0x30b: {  	[sflag:s5] =	ssyncset.done $0x0  }
0x30c: {  	s0 =	rddreg [dreg:$0xf];
	[sflag:s5] =	ssyncadd.s32 $0xFFFF3800  }
0x30d: {  	[tilespmem:s7], [sflag:$0x2] =	stream.linear.gather [hbm4b:s0+s2], $0xC800, $0x38;
	[tilespmem:$0x19000] =	vst v63  }
0x30e: {  	_ =	swait.ge [sflag:s11], $0xC800  }
0x30f: {  	[sflag:s11] =	ssyncset.done $0x0  }
0x310: {  	s0 =	rddreg [dreg:$0x10];
	[sflag:s11] =	ssyncadd.s32 $0xFFFF3800  }
0x311: {  	[hbm4b:s0+s2] =	stream.linear.scatter [tilespmem:s2], [sflag:$0x3], $0xC800, $0x38;
	[tilespmem:$0x19000] =	vst v63  }
0x312: {  	_ =	swait.ge [sflag:s6], $0xC800  }
0x313: {  	[sflag:s6] =	ssyncset.done $0x0  }
0x314: {  	s0 =	rddreg [dreg:$0x11];
	[sflag:s6] =	ssyncadd.s32 $0xFFFF3800  }
0x315: {  	[tilespmem:s2], [sflag:$0x1] =	stream.linear.gather [hbm4b:s0+s2], $0xC800, $0x38;
	[tilespmem:$0x19000] =	vst v63  }
0x316: {  	_ =	swait.ge [sflag:s10], $0xC800  }
0x317: {  	[sflag:s10] =	ssyncset.done $0x0  }
0x318: {  	s0 =	rddreg [dreg:$0x12];
	[sflag:s10] =	ssyncadd.s32 $0xFFFF3800  }
0x319: {  	[hbm4b:s0+s2] =	stream.linear.scatter [tilespmem:s7], [sflag:$0x4], $0xC800, $0x38;
	[tilespmem:$0x19000] =	vst v63  }
0x31a: {  	_ =	swait.ge [sflag:s5], $0xC800  }
0x31b: {  	[sflag:s5] =	ssyncset.done $0x0  }
0x31c: {  	s0 =	rddreg [dreg:$0x13];
	[sflag:s5] =	ssyncadd.s32 $0xFFFF3800  }
0x31d: {  	[tilespmem:s7], [sflag:$0x2] =	stream.linear.gather [hbm4b:s0+s2], $0xC800, $0x38;
	[tilespmem:$0x19000] =	vst v63  }
0x31e: {  	_ =	swait.ge [sflag:s11], $0xC800  }
0x31f: {  	[sflag:s11] =	ssyncset.done $0x0  }
0x320: {  	s0 =	rddreg [dreg:$0x14];
	[sflag:s11] =	ssyncadd.s32 $0xFFFF3800  }
0x321: {  	[hbm4b:s0+s2] =	stream.linear.scatter [tilespmem:s2], [sflag:$0x3], $0xC800, $0x38;
	[tilespmem:$0x19000] =	vst v63  }
0x322: {  	_ =	swait.ge [sflag:s6], $0xC800  }
0x323: {  	[sflag:s6] =	ssyncset.done $0x0  }
0x324: {  	s0 =	rddreg [dreg:$0x15];
	[sflag:s6] =	ssyncadd.s32 $0xFFFF3800  }
0x325: {  	[tilespmem:s2], [sflag:$0x1] =	stream.linear.gather [hbm4b:s0+s2], $0xC800, $0x38;
	[tilespmem:$0x19000] =	vst v63  }
0x326: {  	_ =	swait.ge [sflag:s10], $0xC800  }
0x327: {  	[sflag:s10] =	ssyncset.done $0x0  }
0x328: {  	s0 =	rddreg [dreg:$0x16];
	[sflag:s10] =	ssyncadd.s32 $0xFFFF3800  }
0x329: {  	[hbm4b:s0+s2] =	stream.linear.scatter [tilespmem:s7], [sflag:$0x4], $0xC800, $0x38;
	[tilespmem:$0x19000] =	vst v63  }
0x32a: {  	_ =	swait.ge [sflag:s5], $0xC800  }
0x32b: {  	[sflag:s5] =	ssyncset.done $0x0  }
0x32c: {  	s0 =	rddreg [dreg:$0x17];
	[sflag:s5] =	ssyncadd.s32 $0xFFFF3800  }
0x32d: {  	[tilespmem:s7], [sflag:$0x2] =	stream.linear.gather [hbm4b:s0+s2], $0xC800, $0x38;
	[tilespmem:$0x19000] =	vst v63  }
0x32e: {  	_ =	swait.ge [sflag:s11], $0xC800  }
0x32f: {  	[sflag:s11] =	ssyncset.done $0x0  }
0x330: {  	s0 =	rddreg [dreg:$0x18];
	[sflag:s11] =	ssyncadd.s32 $0xFFFF3800  }
0x331: {  	[hbm4b:s0+s2] =	stream.linear.scatter [tilespmem:s2], [sflag:$0x3], $0xC800, $0x38;
	[tilespmem:$0x19000] =	vst v63  }
0x332: {  	_ =	swait.ge [sflag:s6], $0xC800  }
0x333: {  	[sflag:s6] =	ssyncset.done $0x0  }
0x334: {  	s0 =	rddreg [dreg:$0x19];
	[sflag:s6] =	ssyncadd.s32 $0xFFFF3800  }
0x335: {  	[tilespmem:s2], [sflag:$0x1] =	stream.linear.gather [hbm4b:s0+s2], $0xC800, $0x38;
	[tilespmem:$0x19000] =	vst v63  }
0x336: {  	_ =	swait.ge [sflag:s10], $0xC800  }
0x337: {  	[sflag:s10] =	ssyncset.done $0x0  }
0x338: {  	s0 =	rddreg [dreg:$0x1a];
	[sflag:s10] =	ssyncadd.s32 $0xFFFF3800  }
0x339: {  	[hbm4b:s0+s2] =	stream.linear.scatter [tilespmem:s7], [sflag:$0x4], $0xC800, $0x38;
	[tilespmem:$0x19000] =	vst v63  }
0x33a: {  	_ =	swait.ge [sflag:s5], $0xC800  }
0x33b: {  	[sflag:s5] =	ssyncset.done $0x0  }
0x33c: {  	s0 =	rddreg [dreg:$0x1b];
	[sflag:s5] =	ssyncadd.s32 $0xFFFF3800  }
0x33d: {  	[tilespmem:s7], [sflag:$0x2] =	stream.linear.gather [hbm4b:s0+s2], $0xC800, $0x38;
	[tilespmem:$0x19000] =	vst v63  }
0x33e: {  	_ =	swait.ge [sflag:s11], $0xC800  }
0x33f: {  	[sflag:s11] =	ssyncset.done $0x0  }
0x340: {  	s0 =	rddreg [dreg:$0x1c];
	[sflag:s11] =	ssyncadd.s32 $0xFFFF3800  }
0x341: {  	[hbm4b:s0+s2] =	stream.linear.scatter [tilespmem:s2], [sflag:$0x3], $0xC800, $0x38;
	[tilespmem:$0x19000] =	vst v63  }
0x342: {  	_ =	swait.ge [sflag:s6], $0xC800  }
0x343: {  	[sflag:s6] =	ssyncset.done $0x0  }
0x344: {  	s0 =	rddreg [dreg:$0x1d];
	[sflag:s6] =	ssyncadd.s32 $0xFFFF3800  }
0x345: {  	[tilespmem:s2], [sflag:$0x1] =	stream.linear.gather [hbm4b:s0+s2], $0xC800, $0x38;
	[tilespmem:$0x19000] =	vst v63  }
0x346: {  	_ =	swait.ge [sflag:s10], $0xC800  }
0x347: {  	[sflag:s10] =	ssyncset.done $0x0  }
0x348: {  	s0 =	rddreg [dreg:$0x1e];
	[sflag:s10] =	ssyncadd.s32 $0xFFFF3800  }
0x349: {  	[hbm4b:s0+s2] =	stream.linear.scatter [tilespmem:s7], [sflag:$0x4], $0xC800, $0x38;
	[tilespmem:$0x19000] =	vst v63  }
0x34a: {  	_ =	swait.ge [sflag:s5], $0xC800  }
0x34b: {  	[sflag:s5] =	ssyncset.done $0x0  }
0x34c: {  	s0 =	rddreg [dreg:$0x1f];
	[sflag:s5] =	ssyncadd.s32 $0xFFFF3800  }
0x34d: {  	[tilespmem:s7], [sflag:$0x2] =	stream.linear.gather [hbm4b:s0+s2], $0x7C00, $0x38;
	[tilespmem:$0x19000] =	vst v63  }
0x34e: {  	_ =	swait.ge [sflag:s11], $0xC800  }
0x34f: {  	s0 =	sld [smem:$0x7B3]  }
0x350: {  	[sflag:s11] =	ssyncset.done $0x0  }
0x351: {  	[sflag:s11] =	ssyncadd.s32 $0xFFFF3800  }
0x352: {  	[hbm4b:s0+s2] =	stream.linear.scatter [tilespmem:s2], [sflag:$0x3], $0xC800, $0x38;
	[tilespmem:$0x19000] =	vst v63  }
0x353: {  	_ =	swait.ge [sflag:s6], $0xC800  }
0x354: {  	s0 =	sld [smem:$0x7B4]  }
0x355: {  	[sflag:s6] =	ssyncset.done $0x0  }
0x356: {  	[sflag:s6] =	ssyncadd.s32 $0xFFFF3800  }
0x357: {  	[tilespmem:s2], [sflag:$0x1] =	stream.linear.gather [hbm4b:s0+s2], $0xC800, $0x38;
	[tilespmem:$0x19000] =	vst v63  }
0x358: {  	_ =	swait.ge [sflag:s10], $0x7C00  }
0x359: {  	s0 =	sld [smem:$0x7B5]  }
0x35a: {  	[sflag:s10] =	ssyncset.done $0x0  }
0x35b: {  	[sflag:s10] =	ssyncadd.s32 $0xFFFF8400  }
0x35c: {  	[hbm4b:s0+s2] =	stream.linear.scatter [tilespmem:s7], [sflag:$0x4], $0x7C00, $0x38;
	[tilespmem:$0x19000] =	vst v63  }
0x35d: {  	_ =	swait.ge [sflag:s5], $0x7C00  }
0x35e: {  	s0 =	sld [smem:$0x7B6]  }
0x35f: {  	[sflag:s5] =	ssyncset.done $0x0  }
0x360: {  	[sflag:s5] =	ssyncadd.s32 $0xFFFF8400  }
0x361: {  	[tilespmem:s7], [sflag:$0x2] =	stream.linear.gather [hbm4b:s0+s2], $0xC800, $0x38;
	[tilespmem:$0x19000] =	vst v63  }
0x362: {  	_ =	swait.ge [sflag:s11], $0xC800  }
0x363: {  	s0 =	sld [smem:$0x7B7]  }
0x364: {  	[sflag:s11] =	ssyncset.done $0x0  }
0x365: {  	[sflag:s11] =	ssyncadd.s32 $0xFFFF3800  }
0x366: {  	[hbm4b:s0+s2] =	stream.linear.scatter [tilespmem:s2], [sflag:$0x3], $0xC800, $0x38;
	[tilespmem:$0x19000] =	vst v63  }
0x367: {  	_ =	swait.ge [sflag:s6], $0xC800  }
0x368: {  	s0 =	sld [smem:$0x7B8]  }
0x369: {  	[sflag:s6] =	ssyncset.done $0x0  }
0x36a: {  	[sflag:s6] =	ssyncadd.s32 $0xFFFF3800  }
0x36b: {  	[tilespmem:s2], [sflag:$0x1] =	stream.linear.gather [hbm4b:s0+s2], $0xC800, $0x38;
	[tilespmem:$0x19000] =	vst v63  }
0x36c: {  	_ =	swait.ge [sflag:s10], $0xC800  }
0x36d: {  	s0 =	sld [smem:$0x7B9]  }
0x36e: {  	[sflag:s10] =	ssyncset.done $0x0  }
0x36f: {  	[sflag:s10] =	ssyncadd.s32 $0xFFFF3800  }
0x370: {  	[hbm4b:s0+s2] =	stream.linear.scatter [tilespmem:s7], [sflag:$0x4], $0xC800, $0x38;
	[tilespmem:$0x19000] =	vst v63  }
0x371: {  	_ =	swait.ge [sflag:s5], $0xC800  }
0x372: {  	s0 =	sld [smem:$0x7BA]  }
0x373: {  	[sflag:s5] =	ssyncset.done $0x0  }
0x374: {  	[sflag:s5] =	ssyncadd.s32 $0xFFFF3800  }
0x375: {  	[tilespmem:s7], [sflag:$0x2] =	stream.linear.gather [hbm4b:s0+s2], $0xC800, $0x38;
	[tilespmem:$0x19000] =	vst v63  }
0x376: {  	_ =	swait.ge [sflag:s11], $0xC800  }
0x377: {  	s0 =	sld [smem:$0x7BB]  }
0x378: {  	[sflag:s11] =	ssyncset.done $0x0  }
0x379: {  	[sflag:s11] =	ssyncadd.s32 $0xFFFF3800  }
0x37a: {  	[hbm4b:s0+s2] =	stream.linear.scatter [tilespmem:s2], [sflag:$0x3], $0xC800, $0x38;
	[tilespmem:$0x19000] =	vst v63  }
0x37b: {  	_ =	swait.ge [sflag:s6], $0xC800  }
0x37c: {  	s0 =	sld [smem:$0x7BC]  }
0x37d: {  	[sflag:s6] =	ssyncset.done $0x0  }
0x37e: {  	[sflag:s6] =	ssyncadd.s32 $0xFFFF3800  }
0x37f: {  	[tilespmem:s2], [sflag:$0x1] =	stream.linear.gather [hbm4b:s0+s2], $0xC800, $0x38;
	[tilespmem:$0x19000] =	vst v63  }
0x380: {  	_ =	swait.ge [sflag:s10], $0xC800  }
0x381: {  	s0 =	sld [smem:$0x7BD]  }
0x382: {  	[sflag:s10] =	ssyncset.done $0x0  }
0x383: {  	[sflag:s10] =	ssyncadd.s32 $0xFFFF3800  }
0x384: {  	[hbm4b:s0+s2] =	stream.linear.scatter [tilespmem:s7], [sflag:$0x4], $0xC800, $0x38;
	[tilespmem:$0x19000] =	vst v63  }
0x385: {  	_ =	swait.ge [sflag:s5], $0xC800  }
0x386: {  	s0 =	sld [smem:$0x7BE]  }
0x387: {  	[sflag:s5] =	ssyncset.done $0x0  }
0x388: {  	[sflag:s5] =	ssyncadd.s32 $0xFFFF3800  }
0x389: {  	[tilespmem:s7], [sflag:$0x2] =	stream.linear.gather [hbm4b:s0+s2], $0xC800, $0x38;
	[tilespmem:$0x19000] =	vst v63  }
0x38a: {  	_ =	swait.ge [sflag:s11], $0xC800  }
0x38b: {  	s0 =	sld [smem:$0x7BF]  }
0x38c: {  	[sflag:s11] =	ssyncset.done $0x0  }
0x38d: {  	[sflag:s11] =	ssyncadd.s32 $0xFFFF3800  }
0x38e: {  	[hbm4b:s0+s2] =	stream.linear.scatter [tilespmem:s2], [sflag:$0x3], $0xC800, $0x38;
	[tilespmem:$0x19000] =	vst v63  }
0x38f: {  	_ =	swait.ge [sflag:s6], $0xC800  }
0x390: {  	s0 =	sld [smem:$0x7C0]  }
0x391: {  	[sflag:s6] =	ssyncset.done $0x0  }
0x392: {  	[sflag:s6] =	ssyncadd.s32 $0xFFFF3800  }
0x393: {  	[tilespmem:s2], [sflag:$0x1] =	stream.linear.gather [hbm4b:s0+s2], $0xC800, $0x38;
	[tilespmem:$0x19000] =	vst v63  }
0x394: {  	_ =	swait.ge [sflag:s10], $0xC800  }
0x395: {  	s0 =	sld [smem:$0x7C1]  }
0x396: {  	[sflag:s10] =	ssyncset.done $0x0  }
0x397: {  	[sflag:s10] =	ssyncadd.s32 $0xFFFF3800  }
0x398: {  	[hbm4b:s0+s2] =	stream.linear.scatter [tilespmem:s7], [sflag:$0x4], $0xC800, $0x38;
	[tilespmem:$0x19000] =	vst v63  }
0x399: {  	_ =	swait.ge [sflag:s5], $0xC800  }
0x39a: {  	s0 =	sld [smem:$0x7C2]  }
0x39b: {  	[sflag:s5] =	ssyncset.done $0x0  }
0x39c: {  	[sflag:s5] =	ssyncadd.s32 $0xFFFF3800  }
0x39d: {  	[tilespmem:s7], [sflag:$0x2] =	stream.linear.gather [hbm4b:s0+s2], $0xC800, $0x38;
	[tilespmem:$0x19000] =	vst v63  }
0x39e: {  	_ =	swait.ge [sflag:s11], $0xC800  }
0x39f: {  	s0 =	sld [smem:$0x7C3]  }
0x3a0: {  	[sflag:s11] =	ssyncset.done $0x0  }
0x3a1: {  	[sflag:s11] =	ssyncadd.s32 $0xFFFF3800  }
0x3a2: {  	[hbm4b:s0+s2] =	stream.linear.scatter [tilespmem:s2], [sflag:$0x3], $0xC800, $0x38;
	[tilespmem:$0x19000] =	vst v63  }
0x3a3: {  	_ =	swait.ge [sflag:s6], $0xC800  }
0x3a4: {  	s0 =	sld [smem:$0x7C4]  }
0x3a5: {  	[sflag:s6] =	ssyncset.done $0x0  }
0x3a6: {  	[sflag:s6] =	ssyncadd.s32 $0xFFFF3800  }
0x3a7: {  	[tilespmem:s2], [sflag:$0x1] =	stream.linear.gather [hbm4b:s0+s2], $0xC800, $0x38;
	[tilespmem:$0x19000] =	vst v63  }
0x3a8: {  	_ =	swait.ge [sflag:s10], $0xC800  }
0x3a9: {  	s0 =	sld [smem:$0x7C5]  }
0x3aa: {  	[sflag:s10] =	ssyncset.done $0x0  }
0x3ab: {  	[sflag:s10] =	ssyncadd.s32 $0xFFFF3800  }
0x3ac: {  	[hbm4b:s0+s2] =	stream.linear.scatter [tilespmem:s7], [sflag:$0x4], $0xC800, $0x38;
	[tilespmem:$0x19000] =	vst v63  }
0x3ad: {  	_ =	swait.ge [sflag:s5], $0xC800  }
0x3ae: {  	s0 =	sld [smem:$0x7C6]  }
0x3af: {  	[sflag:s5] =	ssyncset.done $0x0  }
0x3b0: {  	[sflag:s5] =	ssyncadd.s32 $0xFFFF3800  }
0x3b1: {  	[tilespmem:s7], [sflag:$0x2] =	stream.linear.gather [hbm4b:s0+s2], $0xC800, $0x38;
	[tilespmem:$0x19000] =	vst v63  }
0x3b2: {  	_ =	swait.ge [sflag:s11], $0xC800  }
0x3b3: {  	s0 =	sld [smem:$0x7C7]  }
0x3b4: {  	[sflag:s11] =	ssyncset.done $0x0  }
0x3b5: {  	[sflag:s11] =	ssyncadd.s32 $0xFFFF3800  }
0x3b6: {  	[hbm4b:s0+s2] =	stream.linear.scatter [tilespmem:s2], [sflag:$0x3], $0xC800, $0x38;
	[tilespmem:$0x19000] =	vst v63  }
0x3b7: {  	_ =	swait.ge [sflag:s6], $0xC800  }
0x3b8: {  	s0 =	sld [smem:$0x7C8]  }
0x3b9: {  	[sflag:s6] =	ssyncset.done $0x0  }
0x3ba: {  	[sflag:s6] =	ssyncadd.s32 $0xFFFF3800  }
0x3bb: {  	[tilespmem:s2], [sflag:$0x1] =	stream.linear.gather [hbm4b:s0+s2], $0xC800, $0x38;
	[tilespmem:$0x19000] =	vst v63  }
0x3bc: {  	_ =	swait.ge [sflag:s10], $0xC800  }
0x3bd: {  	s0 =	sld [smem:$0x7C9]  }
0x3be: {  	[sflag:s10] =	ssyncset.done $0x0  }
0x3bf: {  	[sflag:s10] =	ssyncadd.s32 $0xFFFF3800  }
0x3c0: {  	[hbm4b:s0+s2] =	stream.linear.scatter [tilespmem:s7], [sflag:$0x4], $0xC800, $0x38;
	[tilespmem:$0x19000] =	vst v63  }
0x3c1: {  	_ =	swait.ge [sflag:s5], $0xC800  }
0x3c2: {  	s0 =	sld [smem:$0x7CA]  }
0x3c3: {  	[sflag:s5] =	ssyncset.done $0x0  }
0x3c4: {  	[sflag:s5] =	ssyncadd.s32 $0xFFFF3800  }
0x3c5: {  	[tilespmem:s7], [sflag:$0x2] =	stream.linear.gather [hbm4b:s0+s2], $0xC800, $0x38;
	[tilespmem:$0x19000] =	vst v63  }
0x3c6: {  	_ =	swait.ge [sflag:s11], $0xC800  }
0x3c7: {  	s0 =	sld [smem:$0x7CB]  }
0x3c8: {  	[sflag:s11] =	ssyncset.done $0x0  }
0x3c9: {  	[sflag:s11] =	ssyncadd.s32 $0xFFFF3800  }
0x3ca: {  	[hbm4b:s0+s2] =	stream.linear.scatter [tilespmem:s2], [sflag:$0x3], $0xC800, $0x38;
	[tilespmem:$0x19000] =	vst v63  }
0x3cb: {  	_ =	swait.ge [sflag:s6], $0xC800  }
0x3cc: {  	s0 =	sld [smem:$0x7CC]  }
0x3cd: {  	[sflag:s6] =	ssyncset.done $0x0  }
0x3ce: {  	[sflag:s6] =	ssyncadd.s32 $0xFFFF3800  }
0x3cf: {  	[tilespmem:s2], [sflag:$0x1] =	stream.linear.gather [hbm4b:s0+s2], $0xC800, $0x38;
	[tilespmem:$0x19000] =	vst v63  }
0x3d0: {  	_ =	swait.ge [sflag:s10], $0xC800  }
0x3d1: {  	s0 =	sld [smem:$0x7CD]  }
0x3d2: {  	[sflag:s10] =	ssyncset.done $0x0  }
0x3d3: {  	[sflag:s10] =	ssyncadd.s32 $0xFFFF3800  }
0x3d4: {  	[hbm4b:s0+s2] =	stream.linear.scatter [tilespmem:s7], [sflag:$0x4], $0xC800, $0x38;
	[tilespmem:$0x19000] =	vst v63  }
0x3d5: {  	_ =	swait.ge [sflag:s5], $0xC800  }
0x3d6: {  	s0 =	sld [smem:$0x7CE]  }
0x3d7: {  	[sflag:s5] =	ssyncset.done $0x0  }
0x3d8: {  	[sflag:s5] =	ssyncadd.s32 $0xFFFF3800  }
0x3d9: {  	[tilespmem:s7], [sflag:$0x2] =	stream.linear.gather [hbm4b:s0+s2], $0xC800, $0x38;
	[tilespmem:$0x19000] =	vst v63  }
0x3da: {  	_ =	swait.ge [sflag:s11], $0xC800  }
0x3db: {  	s0 =	sld [smem:$0x7CF]  }
0x3dc: {  	[sflag:s11] =	ssyncset.done $0x0  }
0x3dd: {  	[sflag:s11] =	ssyncadd.s32 $0xFFFF3800  }
0x3de: {  	[hbm4b:s0+s2] =	stream.linear.scatter [tilespmem:s2], [sflag:$0x3], $0xC800, $0x38;
	[tilespmem:$0x19000] =	vst v63  }
0x3df: {  	_ =	swait.ge [sflag:s6], $0xC800  }
0x3e0: {  	s0 =	sld [smem:$0x7D0]  }
0x3e1: {  	[sflag:s6] =	ssyncset.done $0x0  }
0x3e2: {  	[sflag:s6] =	ssyncadd.s32 $0xFFFF3800  }
0x3e3: {  	[tilespmem:s2], [sflag:$0x1] =	stream.linear.gather [hbm4b:s0+s2], $0xC800, $0x38;
	[tilespmem:$0x19000] =	vst v63  }
0x3e4: {  	_ =	swait.ge [sflag:s10], $0xC800  }
0x3e5: {  	s0 =	sld [smem:$0x7D1]  }
0x3e6: {  	[sflag:s10] =	ssyncset.done $0x0  }
0x3e7: {  	[sflag:s10] =	ssyncadd.s32 $0xFFFF3800  }
0x3e8: {  	[hbm4b:s0+s2] =	stream.linear.scatter [tilespmem:s7], [sflag:$0x4], $0xC800, $0x38;
	[tilespmem:$0x19000] =	vst v63  }
0x3e9: {  	_ =	swait.ge [sflag:s5], $0xC800  }
0x3ea: {  	s0 =	sld [smem:$0x7D2]  }
0x3eb: {  	[sflag:s5] =	ssyncset.done $0x0  }
0x3ec: {  	[sflag:s5] =	ssyncadd.s32 $0xFFFF3800  }
0x3ed: {  	[tilespmem:s7], [sflag:$0x2] =	stream.linear.gather [hbm4b:s0+s2], $0x7C00, $0x38;
	[tilespmem:$0x19000] =	vst v63  }
0x3ee: {  	_ =	swait.ge [sflag:s11], $0xC800  }
0x3ef: {  	s0 =	sld [smem:$0x7D3]  }
0x3f0: {  	[sflag:s11] =	ssyncset.done $0x0  }
0x3f1: {  	[sflag:s11] =	ssyncadd.s32 $0xFFFF3800  }
0x3f2: {  	[hbm4b:s0+s2] =	stream.linear.scatter [tilespmem:s2], [sflag:$0x3], $0xC800, $0x38;
	[tilespmem:$0x19000] =	vst v63  }
0x3f3: {  	_ =	swait.ge [sflag:s6], $0xC800  }
0x3f4: {  	s0 =	sld [smem:$0x7D4]  }
0x3f5: {  	[sflag:s6] =	ssyncset.done $0x0  }
0x3f6: {  	[sflag:s6] =	ssyncadd.s32 $0xFFFF3800  }
0x3f7: {  	[tilespmem:s2], [sflag:$0x1] =	stream.linear.gather [hbm4b:s0+s2], $0xC800, $0x38;
	[tilespmem:$0x19000] =	vst v63  }
0x3f8: {  	_ =	swait.ge [sflag:s10], $0x7C00  }
0x3f9: {  	s0 =	sld [smem:$0x7D5]  }
0x3fa: {  	[sflag:s10] =	ssyncset.done $0x0  }
0x3fb: {  	[sflag:s10] =	ssyncadd.s32 $0xFFFF8400  }
0x3fc: {  	[hbm4b:s0+s2] =	stream.linear.scatter [tilespmem:s7], [sflag:$0x4], $0x7C00, $0x38;
	[tilespmem:$0x19000] =	vst v63  }
0x3fd: {  	_ =	swait.ge [sflag:s5], $0x7C00  }
0x3fe: {  	s0 =	sld [smem:$0x7D6]  }
0x3ff: {  	[sflag:s5] =	ssyncset.done $0x0  }
0x400: {  	[sflag:s5] =	ssyncadd.s32 $0xFFFF8400  }
0x401: {  	[tilespmem:s7], [sflag:$0x2] =	stream.linear.gather [hbm4b:s0+s2], $0xC800, $0x38;
	[tilespmem:$0x19000] =	vst v63  }
0x402: {  	_ =	swait.ge [sflag:s11], $0xC800  }
0x403: {  	s0 =	sld [smem:$0x7D7]  }
0x404: {  	[sflag:s11] =	ssyncset.done $0x0  }
0x405: {  	[sflag:s11] =	ssyncadd.s32 $0xFFFF3800  }
0x406: {  	[hbm4b:s0+s2] =	stream.linear.scatter [tilespmem:s2], [sflag:$0x3], $0xC800, $0x38;
	[tilespmem:$0x19000] =	vst v63  }
0x407: {  	_ =	swait.ge [sflag:s6], $0xC800  }
0x408: {  	s0 =	sld [smem:$0x7D8]  }
0x409: {  	[sflag:s6] =	ssyncset.done $0x0  }
0x40a: {  	[sflag:s6] =	ssyncadd.s32 $0xFFFF3800  }
0x40b: {  	[tilespmem:s2], [sflag:$0x1] =	stream.linear.gather [hbm4b:s0+s2], $0xC800, $0x38;
	[tilespmem:$0x19000] =	vst v63  }
0x40c: {  	_ =	swait.ge [sflag:s10], $0xC800  }
0x40d: {  	s0 =	sld [smem:$0x7D9]  }
0x40e: {  	[sflag:s10] =	ssyncset.done $0x0  }
0x40f: {  	[sflag:s10] =	ssyncadd.s32 $0xFFFF3800  }
0x410: {  	[hbm4b:s0+s2] =	stream.linear.scatter [tilespmem:s7], [sflag:$0x4], $0xC800, $0x38;
	[tilespmem:$0x19000] =	vst v63  }
0x411: {  	_ =	swait.ge [sflag:s5], $0xC800  }
0x412: {  	s0 =	sld [smem:$0x7DA]  }
0x413: {  	[sflag:s5] =	ssyncset.done $0x0  }
0x414: {  	[sflag:s5] =	ssyncadd.s32 $0xFFFF3800  }
0x415: {  	[tilespmem:s7], [sflag:$0x2] =	stream.linear.gather [hbm4b:s0+s2], $0xC800, $0x38;
	[tilespmem:$0x19000] =	vst v63  }
0x416: {  	_ =	swait.ge [sflag:s11], $0xC800  }
0x417: {  	s0 =	sld [smem:$0x7DB]  }
0x418: {  	[sflag:s11] =	ssyncset.done $0x0  }
0x419: {  	[sflag:s11] =	ssyncadd.s32 $0xFFFF3800  }
0x41a: {  	[hbm4b:s0+s2] =	stream.linear.scatter [tilespmem:s2], [sflag:$0x3], $0xC800, $0x38;
	[tilespmem:$0x19000] =	vst v63  }
0x41b: {  	_ =	swait.ge [sflag:s6], $0xC800  }
0x41c: {  	s0 =	sld [smem:$0x7DC]  }
0x41d: {  	[sflag:s6] =	ssyncset.done $0x0  }
0x41e: {  	[sflag:s6] =	ssyncadd.s32 $0xFFFF3800  }
0x41f: {  	[tilespmem:s2], [sflag:$0x1] =	stream.linear.gather [hbm4b:s0+s2], $0xC800, $0x38;
	[tilespmem:$0x19000] =	vst v63  }
0x420: {  	_ =	swait.ge [sflag:s10], $0xC800  }
0x421: {  	s0 =	sld [smem:$0x7DD]  }
0x422: {  	[sflag:s10] =	ssyncset.done $0x0  }
0x423: {  	[sflag:s10] =	ssyncadd.s32 $0xFFFF3800  }
0x424: {  	[hbm4b:s0+s2] =	stream.linear.scatter [tilespmem:s7], [sflag:$0x4], $0xC800, $0x38;
	[tilespmem:$0x19000] =	vst v63  }
0x425: {  	_ =	swait.ge [sflag:s5], $0xC800  }
0x426: {  	s0 =	sld [smem:$0x7DE]  }
0x427: {  	[sflag:s5] =	ssyncset.done $0x0  }
0x428: {  	[sflag:s5] =	ssyncadd.s32 $0xFFFF3800  }
0x429: {  	[tilespmem:s7], [sflag:$0x2] =	stream.linear.gather [hbm4b:s0+s2], $0xC800, $0x38;
	[tilespmem:$0x19000] =	vst v63  }
0x42a: {  	_ =	swait.ge [sflag:s11], $0xC800  }
0x42b: {  	s0 =	sld [smem:$0x7DF]  }
0x42c: {  	[sflag:s11] =	ssyncset.done $0x0  }
0x42d: {  	[sflag:s11] =	ssyncadd.s32 $0xFFFF3800  }
0x42e: {  	[hbm4b:s0+s2] =	stream.linear.scatter [tilespmem:s2], [sflag:$0x3], $0xC800, $0x38;
	[tilespmem:$0x19000] =	vst v63  }
0x42f: {  	_ =	swait.ge [sflag:s6], $0xC800  }
0x430: {  	s0 =	sld [smem:$0x7E0]  }
0x431: {  	[sflag:s6] =	ssyncset.done $0x0  }
0x432: {  	[sflag:s6] =	ssyncadd.s32 $0xFFFF3800  }
0x433: {  	[tilespmem:s2], [sflag:$0x1] =	stream.linear.gather [hbm4b:s0+s2], $0xC800, $0x38;
	[tilespmem:$0x19000] =	vst v63  }
0x434: {  	_ =	swait.ge [sflag:s10], $0xC800  }
0x435: {  	s0 =	sld [smem:$0x7E1]  }
0x436: {  	[sflag:s10] =	ssyncset.done $0x0  }
0x437: {  	[sflag:s10] =	ssyncadd.s32 $0xFFFF3800  }
0x438: {  	[hbm4b:s0+s2] =	stream.linear.scatter [tilespmem:s7], [sflag:$0x4], $0xC800, $0x38;
	[tilespmem:$0x19000] =	vst v63  }
0x439: {  	_ =	swait.ge [sflag:s5], $0xC800  }
0x43a: {  	s0 =	sld [smem:$0x7E2]  }
0x43b: {  	[sflag:s5] =	ssyncset.done $0x0  }
0x43c: {  	[sflag:s5] =	ssyncadd.s32 $0xFFFF3800  }
0x43d: {  	[tilespmem:s7], [sflag:$0x2] =	stream.linear.gather [hbm4b:s0+s2], $0xC800, $0x38;
	[tilespmem:$0x19000] =	vst v63  }
0x43e: {  	_ =	swait.ge [sflag:s11], $0xC800  }
0x43f: {  	s0 =	sld [smem:$0x7E3]  }
0x440: {  	[sflag:s11] =	ssyncset.done $0x0  }
0x441: {  	[sflag:s11] =	ssyncadd.s32 $0xFFFF3800  }
0x442: {  	[hbm4b:s0+s2] =	stream.linear.scatter [tilespmem:s2], [sflag:$0x3], $0xC800, $0x38;
	[tilespmem:$0x19000] =	vst v63  }
0x443: {  	_ =	swait.ge [sflag:s6], $0xC800  }
0x444: {  	s0 =	sld [smem:$0x7E4]  }
0x445: {  	[sflag:s6] =	ssyncset.done $0x0  }
0x446: {  	[sflag:s6] =	ssyncadd.s32 $0xFFFF3800  }
0x447: {  	[tilespmem:s2], [sflag:$0x1] =	stream.linear.gather [hbm4b:s0+s2], $0xC800, $0x38;
	[tilespmem:$0x19000] =	vst v63  }
0x448: {  	_ =	swait.ge [sflag:s10], $0xC800  }
0x449: {  	s0 =	sld [smem:$0x7E5]  }
0x44a: {  	[sflag:s10] =	ssyncset.done $0x0  }
0x44b: {  	[sflag:s10] =	ssyncadd.s32 $0xFFFF3800  }
0x44c: {  	[hbm4b:s0+s2] =	stream.linear.scatter [tilespmem:s7], [sflag:$0x4], $0xC800, $0x38;
	[tilespmem:$0x19000] =	vst v63  }
0x44d: {  	_ =	swait.ge [sflag:s5], $0xC800  }
0x44e: {  	s0 =	sld [smem:$0x7E6]  }
0x44f: {  	[sflag:s5] =	ssyncset.done $0x0  }
0x450: {  	[sflag:s5] =	ssyncadd.s32 $0xFFFF3800  }
0x451: {  	[tilespmem:s7], [sflag:$0x2] =	stream.linear.gather [hbm4b:s0+s2], $0xC800, $0x38;
	[tilespmem:$0x19000] =	vst v63  }
0x452: {  	_ =	swait.ge [sflag:s11], $0xC800  }
0x453: {  	s0 =	sld [smem:$0x7E7]  }
0x454: {  	[sflag:s11] =	ssyncset.done $0x0  }
0x455: {  	[sflag:s11] =	ssyncadd.s32 $0xFFFF3800  }
0x456: {  	[hbm4b:s0+s2] =	stream.linear.scatter [tilespmem:s2], [sflag:$0x3], $0xC800, $0x38;
	[tilespmem:$0x19000] =	vst v63  }
0x457: {  	_ =	swait.ge [sflag:s6], $0xC800  }
0x458: {  	s0 =	sld [smem:$0x7E8]  }
0x459: {  	[sflag:s6] =	ssyncset.done $0x0  }
0x45a: {  	[sflag:s6] =	ssyncadd.s32 $0xFFFF3800  }
0x45b: {  	[tilespmem:s2], [sflag:$0x1] =	stream.linear.gather [hbm4b:s0+s2], $0xC800, $0x38;
	[tilespmem:$0x19000] =	vst v63  }
0x45c: {  	_ =	swait.ge [sflag:s10], $0xC800  }
0x45d: {  	s0 =	sld [smem:$0x7E9]  }
0x45e: {  	[sflag:s10] =	ssyncset.done $0x0  }
0x45f: {  	[sflag:s10] =	ssyncadd.s32 $0xFFFF3800  }
0x460: {  	[hbm4b:s0+s2] =	stream.linear.scatter [tilespmem:s7], [sflag:$0x4], $0xC800, $0x38;
	[tilespmem:$0x19000] =	vst v63  }
0x461: {  	_ =	swait.ge [sflag:s5], $0xC800  }
0x462: {  	s0 =	sld [smem:$0x7EA]  }
0x463: {  	[sflag:s5] =	ssyncset.done $0x0  }
0x464: {  	[sflag:s5] =	ssyncadd.s32 $0xFFFF3800  }
0x465: {  	[tilespmem:s7], [sflag:$0x2] =	stream.linear.gather [hbm4b:s0+s2], $0xC800, $0x38;
	[tilespmem:$0x19000] =	vst v63  }
0x466: {  	_ =	swait.ge [sflag:s11], $0xC800  }
0x467: {  	s0 =	sld [smem:$0x7EB]  }
0x468: {  	[sflag:s11] =	ssyncset.done $0x0  }
0x469: {  	[sflag:s11] =	ssyncadd.s32 $0xFFFF3800  }
0x46a: {  	[hbm4b:s0+s2] =	stream.linear.scatter [tilespmem:s2], [sflag:$0x3], $0xC800, $0x38;
	[tilespmem:$0x19000] =	vst v63  }
0x46b: {  	_ =	swait.ge [sflag:s6], $0xC800  }
0x46c: {  	s0 =	sld [smem:$0x7EC]  }
0x46d: {  	[sflag:s6] =	ssyncset.done $0x0  }
0x46e: {  	[sflag:s6] =	ssyncadd.s32 $0xFFFF3800  }
0x46f: {  	[tilespmem:s2], [sflag:$0x1] =	stream.linear.gather [hbm4b:s0+s2], $0xC800, $0x38;
	[tilespmem:$0x19000] =	vst v63  }
0x470: {  	_ =	swait.ge [sflag:s10], $0xC800  }
0x471: {  	s0 =	sld [smem:$0x7ED]  }
0x472: {  	[sflag:s10] =	ssyncset.done $0x0  }
0x473: {  	[sflag:s10] =	ssyncadd.s32 $0xFFFF3800  }
0x474: {  	[hbm4b:s0+s2] =	stream.linear.scatter [tilespmem:s7], [sflag:$0x4], $0xC800, $0x38;
	[tilespmem:$0x19000] =	vst v63  }
0x475: {  	_ =	swait.ge [sflag:s5], $0xC800  }
0x476: {  	s0 =	sld [smem:$0x7EE]  }
0x477: {  	[sflag:s5] =	ssyncset.done $0x0  }
0x478: {  	[sflag:s5] =	ssyncadd.s32 $0xFFFF3800  }
0x479: {  	[tilespmem:s7], [sflag:$0x2] =	stream.linear.gather [hbm4b:s0+s2], $0xC800, $0x38;
	[tilespmem:$0x19000] =	vst v63  }
0x47a: {  	_ =	swait.ge [sflag:s11], $0xC800  }
0x47b: {  	s0 =	sld [smem:$0x7EF]  }
0x47c: {  	[sflag:s11] =	ssyncset.done $0x0  }
0x47d: {  	[sflag:s11] =	ssyncadd.s32 $0xFFFF3800  }
0x47e: {  	[hbm4b:s0+s2] =	stream.linear.scatter [tilespmem:s2], [sflag:$0x3], $0xC800, $0x38;
	[tilespmem:$0x19000] =	vst v63  }
0x47f: {  	_ =	swait.ge [sflag:s6], $0xC800  }
0x480: {  	s0 =	sld [smem:$0x7F0]  }
0x481: {  	[sflag:s6] =	ssyncset.done $0x0  }
0x482: {  	[sflag:s6] =	ssyncadd.s32 $0xFFFF3800  }
0x483: {  	[tilespmem:s2], [sflag:$0x1] =	stream.linear.gather [hbm4b:s0+s2], $0xC800, $0x38;
	[tilespmem:$0x19000] =	vst v63  }
0x484: {  	_ =	swait.ge [sflag:s10], $0xC800  }
0x485: {  	s0 =	sld [smem:$0x7F1]  }
0x486: {  	[sflag:s10] =	ssyncset.done $0x0  }
0x487: {  	[sflag:s10] =	ssyncadd.s32 $0xFFFF3800  }
0x488: {  	[hbm4b:s0+s2] =	stream.linear.scatter [tilespmem:s7], [sflag:$0x4], $0xC800, $0x38;
	[tilespmem:$0x19000] =	vst v63  }
0x489: {  	_ =	swait.ge [sflag:s5], $0xC800  }
0x48a: {  	s0 =	sld [smem:$0x7F2]  }
0x48b: {  	[sflag:s5] =	ssyncset.done $0x0  }
0x48c: {  	[sflag:s5] =	ssyncadd.s32 $0xFFFF3800  }
0x48d: {  	[tilespmem:s7], [sflag:$0x2] =	stream.linear.gather [hbm4b:s0+s2], $0x7C00, $0x38;
	[tilespmem:$0x19000] =	vst v63  }
0x48e: {  	_ =	swait.ge [sflag:s11], $0xC800  }
0x48f: {  	s0 =	sld [smem:$0x7F3]  }
0x490: {  	[sflag:s11] =	ssyncset.done $0x0  }
0x491: {  	[sflag:s11] =	ssyncadd.s32 $0xFFFF3800  }
0x492: {  	[hbm4b:s0+s2] =	stream.linear.scatter [tilespmem:s2], [sflag:$0x3], $0xC800, $0x38;
	[tilespmem:$0x19000] =	vst v63  }
0x493: {  	_ =	swait.ge [sflag:s6], $0xC800  }
0x494: {  	s0 =	sld [smem:$0x7F4]  }
0x495: {  	[sflag:s6] =	ssyncset.done $0x0  }
0x496: {  	[sflag:s6] =	ssyncadd.s32 $0xFFFF3800  }
0x497: {  	[tilespmem:s2], [sflag:$0x1] =	stream.linear.gather [hbm4b:s0+s2], $0xC800, $0x38;
	[tilespmem:$0x19000] =	vst v63  }
0x498: {  	_ =	swait.ge [sflag:s10], $0x7C00  }
0x499: {  	s0 =	sld [smem:$0x7F5]  }
0x49a: {  	[sflag:s10] =	ssyncset.done $0x0  }
0x49b: {  	[sflag:s10] =	ssyncadd.s32 $0xFFFF8400  }
0x49c: {  	[hbm4b:s0+s2] =	stream.linear.scatter [tilespmem:s7], [sflag:$0x4], $0x7C00, $0x38;
	[tilespmem:$0x19000] =	vst v63  }
0x49d: {  	_ =	swait.ge [sflag:s5], $0x7C00  }
0x49e: {  	s0 =	sld [smem:$0x7F6]  }
0x49f: {  	[sflag:s5] =	ssyncset.done $0x0  }
0x4a0: {  	[sflag:s5] =	ssyncadd.s32 $0xFFFF8400  }
0x4a1: {  	[tilespmem:s7], [sflag:$0x2] =	stream.linear.gather [hbm4b:s0+s2], $0xC800, $0x38;
	[tilespmem:$0x19000] =	vst v63  }
0x4a2: {  	_ =	swait.ge [sflag:s11], $0xC800  }
0x4a3: {  	s0 =	sld [smem:$0x7F7]  }
0x4a4: {  	[sflag:s11] =	ssyncset.done $0x0  }
0x4a5: {  	[sflag:s11] =	ssyncadd.s32 $0xFFFF3800  }
0x4a6: {  	[hbm4b:s0+s2] =	stream.linear.scatter [tilespmem:s2], [sflag:$0x3], $0xC800, $0x38;
	[tilespmem:$0x19000] =	vst v63  }
0x4a7: {  	_ =	swait.ge [sflag:s6], $0xC800  }
0x4a8: {  	s0 =	sld [smem:$0x7F8]  }
0x4a9: {  	[sflag:s6] =	ssyncset.done $0x0  }
0x4aa: {  	[sflag:s6] =	ssyncadd.s32 $0xFFFF3800  }
0x4ab: {  	[tilespmem:s2], [sflag:$0x1] =	stream.linear.gather [hbm4b:s0+s2], $0xC800, $0x38;
	[tilespmem:$0x19000] =	vst v63  }
0x4ac: {  	_ =	swait.ge [sflag:s10], $0xC800  }
0x4ad: {  	s0 =	sld [smem:$0x7F9]  }
0x4ae: {  	[sflag:s10] =	ssyncset.done $0x0  }
0x4af: {  	[sflag:s10] =	ssyncadd.s32 $0xFFFF3800  }
0x4b0: {  	[hbm4b:s0+s2] =	stream.linear.scatter [tilespmem:s7], [sflag:$0x4], $0xC800, $0x38;
	[tilespmem:$0x19000] =	vst v63  }
0x4b1: {  	_ =	swait.ge [sflag:s5], $0xC800  }
0x4b2: {  	s0 =	sld [smem:$0x7FA]  }
0x4b3: {  	[sflag:s5] =	ssyncset.done $0x0  }
0x4b4: {  	[sflag:s5] =	ssyncadd.s32 $0xFFFF3800  }
0x4b5: {  	[tilespmem:s7], [sflag:$0x2] =	stream.linear.gather [hbm4b:s0+s2], $0xC800, $0x38;
	[tilespmem:$0x19000] =	vst v63  }
0x4b6: {  	_ =	swait.ge [sflag:s11], $0xC800  }
0x4b7: {  	s0 =	sld [smem:$0x7FB]  }
0x4b8: {  	[sflag:s11] =	ssyncset.done $0x0  }
0x4b9: {  	[sflag:s11] =	ssyncadd.s32 $0xFFFF3800  }
0x4ba: {  	[hbm4b:s0+s2] =	stream.linear.scatter [tilespmem:s2], [sflag:$0x3], $0xC800, $0x38;
	[tilespmem:$0x19000] =	vst v63  }
0x4bb: {  	_ =	swait.ge [sflag:s6], $0xC800  }
0x4bc: {  	s0 =	sld [smem:$0x7FC]  }
0x4bd: {  	[sflag:s6] =	ssyncset.done $0x0  }
0x4be: {  	[sflag:s6] =	ssyncadd.s32 $0xFFFF3800  }
0x4bf: {  	[tilespmem:s2], [sflag:$0x1] =	stream.linear.gather [hbm4b:s0+s2], $0xC800, $0x38;
	[tilespmem:$0x19000] =	vst v63  }
0x4c0: {  	_ =	swait.ge [sflag:s10], $0xC800  }
0x4c1: {  	s0 =	sld [smem:$0x7FD]  }
0x4c2: {  	[sflag:s10] =	ssyncset.done $0x0  }
0x4c3: {  	[sflag:s10] =	ssyncadd.s32 $0xFFFF3800  }
0x4c4: {  	[hbm4b:s0+s2] =	stream.linear.scatter [tilespmem:s7], [sflag:$0x4], $0xC800, $0x38;
	[tilespmem:$0x19000] =	vst v63  }
0x4c5: {  	_ =	swait.ge [sflag:s5], $0xC800  }
0x4c6: {  	[sflag:s5] =	ssyncset.done $0x0  }
0x4c7: {  	[sflag:s5] =	ssyncadd.s32 $0xFFFF3800  }
0x4c8: {  	[tilespmem:s7], [sflag:$0x2] =	stream.linear.gather [hbm4b:s31+s2], $0xC800, $0x38;
	[tilespmem:$0x19000] =	vst v63  }
0x4c9: {  	_ =	swait.ge [sflag:s11], $0xC800  }
0x4ca: {  	[sflag:s11] =	ssyncset.done $0x0  }
0x4cb: {  	[sflag:s11] =	ssyncadd.s32 $0xFFFF3800  }
0x4cc: {  	[hbm4b:s30+s2] =	stream.linear.scatter [tilespmem:s2], [sflag:$0x3], $0xC800, $0x38;
	[tilespmem:$0x19000] =	vst v63  }
0x4cd: {  	_ =	swait.ge [sflag:s6], $0xC800  }
0x4ce: {  	[sflag:s6] =	ssyncset.done $0x0  }
0x4cf: {  	[sflag:s6] =	ssyncadd.s32 $0xFFFF3800  }
0x4d0: {  	[tilespmem:s2], [sflag:$0x1] =	stream.linear.gather [hbm4b:s29+s2], $0xC800, $0x38;
	[tilespmem:$0x19000] =	vst v63  }
0x4d1: {  	_ =	swait.ge [sflag:s10], $0xC800  }
0x4d2: {  	[sflag:s10] =	ssyncset.done $0x0  }
0x4d3: {  	[sflag:s10] =	ssyncadd.s32 $0xFFFF3800  }
0x4d4: {  	[hbm4b:s28+s2] =	stream.linear.scatter [tilespmem:s7], [sflag:$0x4], $0xC800, $0x38;
	[tilespmem:$0x19000] =	vst v63  }
0x4d5: {  	_ =	swait.ge [sflag:s5], $0xC800  }
0x4d6: {  	[sflag:s5] =	ssyncset.done $0x0  }
0x4d7: {  	[sflag:s5] =	ssyncadd.s32 $0xFFFF3800  }
0x4d8: {  	[tilespmem:s7], [sflag:$0x2] =	stream.linear.gather [hbm4b:s26+s2], $0xC800, $0x38;
	[tilespmem:$0x19000] =	vst v63  }
0x4d9: {  	_ =	swait.ge [sflag:s11], $0xC800  }
0x4da: {  	[sflag:s11] =	ssyncset.done $0x0  }
0x4db: {  	[sflag:s11] =	ssyncadd.s32 $0xFFFF3800  }
0x4dc: {  	[hbm4b:s25+s2] =	stream.linear.scatter [tilespmem:s2], [sflag:$0x3], $0xC800, $0x38;
	[tilespmem:$0x19000] =	vst v63  }
0x4dd: {  	_ =	swait.ge [sflag:s6], $0xC800  }
0x4de: {  	[sflag:s6] =	ssyncset.done $0x0  }
0x4df: {  	[sflag:s6] =	ssyncadd.s32 $0xFFFF3800  }
0x4e0: {  	[tilespmem:s2], [sflag:$0x1] =	stream.linear.gather [hbm4b:s24+s2], $0xC800, $0x38;
	[tilespmem:$0x19000] =	vst v63  }
0x4e1: {  	_ =	swait.ge [sflag:s10], $0xC800  }
0x4e2: {  	[sflag:s10] =	ssyncset.done $0x0  }
0x4e3: {  	[sflag:s10] =	ssyncadd.s32 $0xFFFF3800  }
0x4e4: {  	[hbm4b:s23+s2] =	stream.linear.scatter [tilespmem:s7], [sflag:$0x4], $0xC800, $0x38;
	[tilespmem:$0x19000] =	vst v63  }
0x4e5: {  	_ =	swait.ge [sflag:s5], $0xC800  }
0x4e6: {  	[sflag:s5] =	ssyncset.done $0x0  }
0x4e7: {  	[sflag:s5] =	ssyncadd.s32 $0xFFFF3800  }
0x4e8: {  	[tilespmem:s7], [sflag:$0x2] =	stream.linear.gather [hbm4b:s22+s2], $0xC800, $0x38;
	[tilespmem:$0x19000] =	vst v63  }
0x4e9: {  	_ =	swait.ge [sflag:s11], $0xC800  }
0x4ea: {  	[sflag:s11] =	ssyncset.done $0x0  }
0x4eb: {  	[sflag:s11] =	ssyncadd.s32 $0xFFFF3800  }
0x4ec: {  	[hbm4b:s21+s2] =	stream.linear.scatter [tilespmem:s2], [sflag:$0x3], $0xC800, $0x38;
	[tilespmem:$0x19000] =	vst v63  }
0x4ed: {  	_ =	swait.ge [sflag:s6], $0xC800  }
0x4ee: {  	[sflag:s6] =	ssyncset.done $0x0  }
0x4ef: {  	[sflag:s6] =	ssyncadd.s32 $0xFFFF3800  }
0x4f0: {  	[tilespmem:s2], [sflag:$0x1] =	stream.linear.gather [hbm4b:s20+s2], $0xC800, $0x38;
	[tilespmem:$0x19000] =	vst v63  }
0x4f1: {  	_ =	swait.ge [sflag:s10], $0xC800  }
0x4f2: {  	[sflag:s10] =	ssyncset.done $0x0  }
0x4f3: {  	[sflag:s10] =	ssyncadd.s32 $0xFFFF3800  }
0x4f4: {  	[hbm4b:s19+s2] =	stream.linear.scatter [tilespmem:s7], [sflag:$0x4], $0xC800, $0x38;
	[tilespmem:$0x19000] =	vst v63  }
0x4f5: {  	_ =	swait.ge [sflag:s5], $0xC800  }
0x4f6: {  	[sflag:s5] =	ssyncset.done $0x0  }
0x4f7: {  	[sflag:s5] =	ssyncadd.s32 $0xFFFF3800  }
0x4f8: {  	[tilespmem:s7], [sflag:$0x2] =	stream.linear.gather [hbm4b:s18+s2], $0xC800, $0x38;
	[tilespmem:$0x19000] =	vst v63  }
0x4f9: {  	_ =	swait.ge [sflag:s11], $0xC800  }
0x4fa: {  	[sflag:s11] =	ssyncset.done $0x0  }
0x4fb: {  	[sflag:s11] =	ssyncadd.s32 $0xFFFF3800  }
0x4fc: {  	[hbm4b:s17+s2] =	stream.linear.scatter [tilespmem:s2], [sflag:$0x3], $0xC800, $0x38;
	[tilespmem:$0x19000] =	vst v63  }
0x4fd: {  	_ =	swait.ge [sflag:s6], $0xC800  }
0x4fe: {  	[sflag:s6] =	ssyncset.done $0x0  }
0x4ff: {  	[sflag:s6] =	ssyncadd.s32 $0xFFFF3800  }
0x500: {  	[tilespmem:s2], [sflag:$0x1] =	stream.linear.gather [hbm4b:s16+s2], $0xC800, $0x38;
	[tilespmem:$0x19000] =	vst v63  }
0x501: {  	_ =	swait.ge [sflag:s10], $0xC800  }
0x502: {  	[sflag:s10] =	ssyncset.done $0x0  }
0x503: {  	[sflag:s10] =	ssyncadd.s32 $0xFFFF3800  }
0x504: {  	[hbm4b:s14+s2] =	stream.linear.scatter [tilespmem:s7], [sflag:$0x4], $0xC800, $0x38;
	[tilespmem:$0x19000] =	vst v63  }
0x505: {  	_ =	swait.ge [sflag:s5], $0xC800  }
0x506: {  	[sflag:s5] =	ssyncset.done $0x0  }
0x507: {  	[sflag:s5] =	ssyncadd.s32 $0xFFFF3800  }
0x508: {  	[tilespmem:s7], [sflag:$0x2] =	stream.linear.gather [hbm4b:s15+s2], $0xC800, $0x38;
	[tilespmem:$0x19000] =	vst v63  }
0x509: {  	_ =	swait.ge [sflag:s11], $0xC800  }
0x50a: {  	[sflag:s11] =	ssyncset.done $0x0  }
0x50b: {  	[sflag:s11] =	ssyncadd.s32 $0xFFFF3800  }
0x50c: {  	[hbm4b:s12+s2] =	stream.linear.scatter [tilespmem:s2], [sflag:$0x3], $0xC800, $0x38;
	[tilespmem:$0x19000] =	vst v63  }
0x50d: {  	_ =	swait.ge [sflag:s6], $0xC800  }
0x50e: {  	[sflag:s6] =	ssyncset.done $0x0  }
0x50f: {  	[sflag:s6] =	ssyncadd.s32 $0xFFFF3800  }
0x510: {  	[tilespmem:s2], [sflag:$0x1] =	stream.linear.gather [hbm4b:s13+s2], $0xC800, $0x38;
	[tilespmem:$0x19000] =	vst v63  }
0x511: {  	_ =	swait.ge [sflag:s10], $0xC800  }
0x512: {  	[sflag:s10] =	ssyncset.done $0x0  }
0x513: {  	[sflag:s10] =	ssyncadd.s32 $0xFFFF3800  }
0x514: {  	[hbm4b:s9+s2] =	stream.linear.scatter [tilespmem:s7], [sflag:$0x4], $0xC800, $0x38;
	[tilespmem:$0x19000] =	vst v63  }
0x515: {  	_ =	swait.ge [sflag:s5], $0xC800  }
0x516: {  	[sflag:s5] =	ssyncset.done $0x0  }
0x517: {  	[sflag:s5] =	ssyncadd.s32 $0xFFFF3800  }
0x518: {  	[tilespmem:s7], [sflag:$0x2] =	stream.linear.gather [hbm4b:s8+s2], $0x7C00, $0x38;
	[tilespmem:$0x19000] =	vst v63  }
0x519: {  	_ =	swait.ge [sflag:s11], $0xC800  }
0x51a: {  	[sflag:s11] =	ssyncset.done $0x0  }
0x51b: {  	[sflag:s11] =	ssyncadd.s32 $0xFFFF3800  }
0x51c: {  	[hbm4b:s4+s2] =	stream.linear.scatter [tilespmem:s2], [sflag:$0x3], $0xC800, $0x38;
	[tilespmem:$0x19000] =	vst v63  }
0x51d: {  	_ =	swait.ge [sflag:s10], $0x7C00  }
0x51e: {  	[sflag:s10] =	ssyncset.done $0x0  }
0x51f: {  	[sflag:s10] =	ssyncadd.s32 $0xFFFF8400  }
0x520: {  	[hbm4b:s3+s2] =	stream.linear.scatter [tilespmem:s7], [sflag:$0x4], $0x7C00, $0x38;
	[tilespmem:$0x19000] =	vst v63  }
.Ltmp2:
0x521: {  	_ =	swait.ge [sflag:s6], $0xC800;
	(pc) =	sbr.rel @p1 .LBB2_2-.Ltmp2, $4  }
0x522: {  	[sflag:s6] =	ssyncset.done $0x0  }
0x523: {  	[sflag:s6] =	ssyncadd.s32 $0xFFFF3800  }
0x524: {  	_ =	swait.ge [sflag:s5], $0x7C00  }
0x525: {  	s0 =	rddreg [dreg:$0x2];
	[sflag:s5] =	ssyncset.done $0x0  }
.LBB2_3:
0x526: {  	[sflag:s5] =	ssyncadd.s32 @p0 $0xFFFF8400  }
0x527: {  	[tilespmem:s2], [sflag:$0x1] =	stream.linear.gather [hbm4b:s0+s2], $0xC800, $0x38;
	[tilespmem:$0x19000] =	vst v63  }
0x528: {  	s1 =	rddreg [dreg:$0x3]  }
0x529: {  	[tilespmem:s7], [sflag:$0x2] =	stream.linear.gather [hbm4b:s1+s2], $0xC800, $0x38;
	[tilespmem:$0x19000] =	vst v63  }
0x52a: {  	_ =	swait.ge [sflag:s11], $0xC800  }
0x52b: {  	[sflag:s11] =	ssyncset.done $0x0  }
0x52c: {  	s1 =	rddreg [dreg:$0x4];
	[sflag:s11] =	ssyncadd.s32 $0xFFFF3800  }
0x52d: {  	[hbm4b:s1+s2] =	stream.linear.scatter [tilespmem:s2], [sflag:$0x3], $0xC800, $0x38;
	[tilespmem:$0x19000] =	vst v63  }
0x52e: {  	_ =	swait.ge [sflag:s6], $0xC800  }
0x52f: {  	[sflag:s6] =	ssyncset.done $0x0  }
0x530: {  	s1 =	rddreg [dreg:$0x5];
	[sflag:s6] =	ssyncadd.s32 $0xFFFF3800  }
0x531: {  	[tilespmem:s2], [sflag:$0x1] =	stream.linear.gather [hbm4b:s1+s2], $0xC800, $0x38;
	[tilespmem:$0x19000] =	vst v63  }
0x532: {  	_ =	swait.ge [sflag:s10], $0xC800  }
0x533: {  	[sflag:s10] =	ssyncset.done $0x0  }
0x534: {  	s1 =	rddreg [dreg:$0x6];
	[sflag:s10] =	ssyncadd.s32 $0xFFFF3800  }
0x535: {  	[hbm4b:s1+s2] =	stream.linear.scatter [tilespmem:s7], [sflag:$0x4], $0xC800, $0x38;
	[tilespmem:$0x19000] =	vst v63  }
0x536: {  	_ =	swait.ge [sflag:s5], $0xC800  }
0x537: {  	[sflag:s5] =	ssyncset.done $0x0  }
0x538: {  	s1 =	rddreg [dreg:$0x7];
	[sflag:s5] =	ssyncadd.s32 $0xFFFF3800  }
0x539: {  	[tilespmem:s7], [sflag:$0x2] =	stream.linear.gather [hbm4b:s1+s2], $0xC800, $0x38;
	[tilespmem:$0x19000] =	vst v63  }
0x53a: {  	_ =	swait.ge [sflag:s11], $0xC800  }
0x53b: {  	[sflag:s11] =	ssyncset.done $0x0  }
0x53c: {  	s1 =	rddreg [dreg:$0x8];
	[sflag:s11] =	ssyncadd.s32 $0xFFFF3800  }
0x53d: {  	[hbm4b:s1+s2] =	stream.linear.scatter [tilespmem:s2], [sflag:$0x3], $0xC800, $0x38;
	[tilespmem:$0x19000] =	vst v63  }
0x53e: {  	_ =	swait.ge [sflag:s6], $0xC800  }
0x53f: {  	[sflag:s6] =	ssyncset.done $0x0  }
0x540: {  	s1 =	rddreg [dreg:$0x9];
	[sflag:s6] =	ssyncadd.s32 $0xFFFF3800  }
0x541: {  	[tilespmem:s2], [sflag:$0x1] =	stream.linear.gather [hbm4b:s1+s2], $0xC800, $0x38;
	[tilespmem:$0x19000] =	vst v63  }
0x542: {  	_ =	swait.ge [sflag:s10], $0xC800  }
0x543: {  	[sflag:s10] =	ssyncset.done $0x0  }
0x544: {  	s1 =	rddreg [dreg:$0xa];
	[sflag:s10] =	ssyncadd.s32 $0xFFFF3800  }
0x545: {  	[hbm4b:s1+s2] =	stream.linear.scatter [tilespmem:s7], [sflag:$0x4], $0xC800, $0x38;
	[tilespmem:$0x19000] =	vst v63  }
0x546: {  	_ =	swait.ge [sflag:s5], $0xC800  }
0x547: {  	[sflag:s5] =	ssyncset.done $0x0  }
0x548: {  	s1 =	rddreg [dreg:$0xb];
	[sflag:s5] =	ssyncadd.s32 $0xFFFF3800  }
0x549: {  	[tilespmem:s7], [sflag:$0x2] =	stream.linear.gather [hbm4b:s1+s2], $0xC800, $0x38;
	[tilespmem:$0x19000] =	vst v63  }
0x54a: {  	_ =	swait.ge [sflag:s11], $0xC800  }
0x54b: {  	[sflag:s11] =	ssyncset.done $0x0  }
0x54c: {  	s1 =	rddreg [dreg:$0xc];
	[sflag:s11] =	ssyncadd.s32 $0xFFFF3800  }
0x54d: {  	[hbm4b:s1+s2] =	stream.linear.scatter [tilespmem:s2], [sflag:$0x3], $0xC800, $0x38;
	[tilespmem:$0x19000] =	vst v63  }
0x54e: {  	_ =	swait.ge [sflag:s6], $0xC800  }
0x54f: {  	[sflag:s6] =	ssyncset.done $0x0  }
0x550: {  	s1 =	rddreg [dreg:$0xd];
	[sflag:s6] =	ssyncadd.s32 $0xFFFF3800  }
0x551: {  	[tilespmem:s2], [sflag:$0x1] =	stream.linear.gather [hbm4b:s1+s2], $0xC800, $0x38;
	[tilespmem:$0x19000] =	vst v63  }
0x552: {  	_ =	swait.ge [sflag:s10], $0xC800  }
0x553: {  	[sflag:s10] =	ssyncset.done $0x0  }
0x554: {  	s1 =	rddreg [dreg:$0xe];
	[sflag:s10] =	ssyncadd.s32 $0xFFFF3800  }
0x555: {  	[hbm4b:s1+s2] =	stream.linear.scatter [tilespmem:s7], [sflag:$0x4], $0xC800, $0x38;
	[tilespmem:$0x19000] =	vst v63  }
0x556: {  	_ =	swait.ge [sflag:s5], $0xC800  }
0x557: {  	[sflag:s5] =	ssyncset.done $0x0  }
0x558: {  	s1 =	rddreg [dreg:$0xf];
	[sflag:s5] =	ssyncadd.s32 $0xFFFF3800  }
0x559: {  	[tilespmem:s7], [sflag:$0x2] =	stream.linear.gather [hbm4b:s1+s2], $0xC800, $0x38;
	[tilespmem:$0x19000] =	vst v63  }
0x55a: {  	_ =	swait.ge [sflag:s11], $0xC800  }
0x55b: {  	[sflag:s11] =	ssyncset.done $0x0  }
0x55c: {  	s1 =	rddreg [dreg:$0x10];
	[sflag:s11] =	ssyncadd.s32 $0xFFFF3800  }
0x55d: {  	[hbm4b:s1+s2] =	stream.linear.scatter [tilespmem:s2], [sflag:$0x3], $0xC800, $0x38;
	[tilespmem:$0x19000] =	vst v63  }
0x55e: {  	_ =	swait.ge [sflag:s6], $0xC800  }
0x55f: {  	[sflag:s6] =	ssyncset.done $0x0  }
0x560: {  	s1 =	rddreg [dreg:$0x11];
	[sflag:s6] =	ssyncadd.s32 $0xFFFF3800  }
0x561: {  	[tilespmem:s2], [sflag:$0x1] =	stream.linear.gather [hbm4b:s1+s2], $0xC800, $0x38;
	[tilespmem:$0x19000] =	vst v63  }
0x562: {  	_ =	swait.ge [sflag:s10], $0xC800  }
0x563: {  	[sflag:s10] =	ssyncset.done $0x0  }
0x564: {  	s1 =	rddreg [dreg:$0x12];
	[sflag:s10] =	ssyncadd.s32 $0xFFFF3800  }
0x565: {  	[hbm4b:s1+s2] =	stream.linear.scatter [tilespmem:s7], [sflag:$0x4], $0xC800, $0x38;
	[tilespmem:$0x19000] =	vst v63  }
0x566: {  	_ =	swait.ge [sflag:s5], $0xC800  }
0x567: {  	[sflag:s5] =	ssyncset.done $0x0  }
0x568: {  	s1 =	rddreg [dreg:$0x13];
	[sflag:s5] =	ssyncadd.s32 $0xFFFF3800  }
0x569: {  	[tilespmem:s7], [sflag:$0x2] =	stream.linear.gather [hbm4b:s1+s2], $0xC800, $0x38;
	[tilespmem:$0x19000] =	vst v63  }
0x56a: {  	_ =	swait.ge [sflag:s11], $0xC800  }
0x56b: {  	[sflag:s11] =	ssyncset.done $0x0  }
0x56c: {  	s1 =	rddreg [dreg:$0x14];
	[sflag:s11] =	ssyncadd.s32 $0xFFFF3800  }
0x56d: {  	[hbm4b:s1+s2] =	stream.linear.scatter [tilespmem:s2], [sflag:$0x3], $0xC800, $0x38;
	[tilespmem:$0x19000] =	vst v63  }
0x56e: {  	_ =	swait.ge [sflag:s6], $0xC800  }
0x56f: {  	[sflag:s6] =	ssyncset.done $0x0  }
0x570: {  	s1 =	rddreg [dreg:$0x15];
	[sflag:s6] =	ssyncadd.s32 $0xFFFF3800  }
0x571: {  	[tilespmem:s2], [sflag:$0x1] =	stream.linear.gather [hbm4b:s1+s2], $0xC800, $0x38;
	[tilespmem:$0x19000] =	vst v63  }
0x572: {  	_ =	swait.ge [sflag:s10], $0xC800  }
0x573: {  	[sflag:s10] =	ssyncset.done $0x0  }
0x574: {  	s1 =	rddreg [dreg:$0x16];
	[sflag:s10] =	ssyncadd.s32 $0xFFFF3800  }
0x575: {  	[hbm4b:s1+s2] =	stream.linear.scatter [tilespmem:s7], [sflag:$0x4], $0xC800, $0x38;
	[tilespmem:$0x19000] =	vst v63  }
0x576: {  	_ =	swait.ge [sflag:s5], $0xC800  }
0x577: {  	[sflag:s5] =	ssyncset.done $0x0  }
0x578: {  	s1 =	rddreg [dreg:$0x17];
	[sflag:s5] =	ssyncadd.s32 $0xFFFF3800  }
0x579: {  	[tilespmem:s7], [sflag:$0x2] =	stream.linear.gather [hbm4b:s1+s2], $0xC800, $0x38;
	[tilespmem:$0x19000] =	vst v63  }
0x57a: {  	_ =	swait.ge [sflag:s11], $0xC800  }
0x57b: {  	[sflag:s11] =	ssyncset.done $0x0  }
0x57c: {  	s1 =	rddreg [dreg:$0x18];
	[sflag:s11] =	ssyncadd.s32 $0xFFFF3800  }
0x57d: {  	[hbm4b:s1+s2] =	stream.linear.scatter [tilespmem:s2], [sflag:$0x3], $0xC800, $0x38;
	[tilespmem:$0x19000] =	vst v63  }
0x57e: {  	_ =	swait.ge [sflag:s6], $0xC800  }
0x57f: {  	[sflag:s6] =	ssyncset.done $0x0  }
0x580: {  	s1 =	rddreg [dreg:$0x19];
	[sflag:s6] =	ssyncadd.s32 $0xFFFF3800  }
0x581: {  	[tilespmem:s2], [sflag:$0x1] =	stream.linear.gather [hbm4b:s1+s2], $0xC800, $0x38;
	[tilespmem:$0x19000] =	vst v63  }
0x582: {  	_ =	swait.ge [sflag:s10], $0xC800  }
0x583: {  	[sflag:s10] =	ssyncset.done $0x0  }
0x584: {  	s1 =	rddreg [dreg:$0x1a];
	[sflag:s10] =	ssyncadd.s32 $0xFFFF3800  }
0x585: {  	[hbm4b:s1+s2] =	stream.linear.scatter [tilespmem:s7], [sflag:$0x4], $0xC800, $0x38;
	[tilespmem:$0x19000] =	vst v63  }
0x586: {  	_ =	swait.ge [sflag:s5], $0xC800  }
0x587: {  	[sflag:s5] =	ssyncset.done $0x0  }
0x588: {  	s1 =	rddreg [dreg:$0x1b];
	[sflag:s5] =	ssyncadd.s32 $0xFFFF3800  }
0x589: {  	[tilespmem:s7], [sflag:$0x2] =	stream.linear.gather [hbm4b:s1+s2], $0xC800, $0x38;
	[tilespmem:$0x19000] =	vst v63  }
0x58a: {  	_ =	swait.ge [sflag:s11], $0xC800  }
0x58b: {  	[sflag:s11] =	ssyncset.done $0x0  }
0x58c: {  	s1 =	rddreg [dreg:$0x1c];
	[sflag:s11] =	ssyncadd.s32 $0xFFFF3800  }
0x58d: {  	[hbm4b:s1+s2] =	stream.linear.scatter [tilespmem:s2], [sflag:$0x3], $0xC800, $0x38;
	[tilespmem:$0x19000] =	vst v63  }
0x58e: {  	_ =	swait.ge [sflag:s6], $0xC800  }
0x58f: {  	[sflag:s6] =	ssyncset.done $0x0  }
0x590: {  	s1 =	rddreg [dreg:$0x1d];
	[sflag:s6] =	ssyncadd.s32 $0xFFFF3800  }
0x591: {  	[tilespmem:s2], [sflag:$0x1] =	stream.linear.gather [hbm4b:s1+s2], $0xC800, $0x38;
	[tilespmem:$0x19000] =	vst v63  }
0x592: {  	_ =	swait.ge [sflag:s10], $0xC800  }
0x593: {  	[sflag:s10] =	ssyncset.done $0x0  }
0x594: {  	s1 =	rddreg [dreg:$0x1e];
	[sflag:s10] =	ssyncadd.s32 $0xFFFF3800  }
0x595: {  	[hbm4b:s1+s2] =	stream.linear.scatter [tilespmem:s7], [sflag:$0x4], $0xC800, $0x38;
	[tilespmem:$0x19000] =	vst v63  }
0x596: {  	_ =	swait.ge [sflag:s5], $0xC800  }
0x597: {  	[sflag:s5] =	ssyncset.done $0x0  }
0x598: {  	s1 =	rddreg [dreg:$0x1f];
	[sflag:s5] =	ssyncadd.s32 $0xFFFF3800  }
0x599: {  	[tilespmem:s7], [sflag:$0x2] =	stream.linear.gather [hbm4b:s1+s2], $0x7C00, $0x38;
	[tilespmem:$0x19000] =	vst v63  }
0x59a: {  	_ =	swait.ge [sflag:s11], $0xC800  }
0x59b: {  	s1 =	sld [smem:$0x7B3]  }
0x59c: {  	[sflag:s11] =	ssyncset.done $0x0  }
0x59d: {  	[sflag:s11] =	ssyncadd.s32 $0xFFFF3800  }
0x59e: {  	[hbm4b:s1+s2] =	stream.linear.scatter [tilespmem:s2], [sflag:$0x3], $0xC800, $0x38;
	[tilespmem:$0x19000] =	vst v63  }
0x59f: {  	_ =	swait.ge [sflag:s6], $0xC800  }
0x5a0: {  	s1 =	sld [smem:$0x7B4]  }
0x5a1: {  	[sflag:s6] =	ssyncset.done $0x0  }
0x5a2: {  	[sflag:s6] =	ssyncadd.s32 $0xFFFF3800  }
0x5a3: {  	[tilespmem:s2], [sflag:$0x1] =	stream.linear.gather [hbm4b:s1+s2], $0xC800, $0x38;
	[tilespmem:$0x19000] =	vst v63  }
0x5a4: {  	_ =	swait.ge [sflag:s10], $0x7C00  }
0x5a5: {  	s1 =	sld [smem:$0x7B5]  }
0x5a6: {  	[sflag:s10] =	ssyncset.done $0x0  }
0x5a7: {  	[sflag:s10] =	ssyncadd.s32 $0xFFFF8400  }
0x5a8: {  	[hbm4b:s1+s2] =	stream.linear.scatter [tilespmem:s7], [sflag:$0x4], $0x7C00, $0x38;
	[tilespmem:$0x19000] =	vst v63  }
0x5a9: {  	_ =	swait.ge [sflag:s5], $0x7C00  }
0x5aa: {  	s1 =	sld [smem:$0x7B6]  }
0x5ab: {  	[sflag:s5] =	ssyncset.done $0x0  }
0x5ac: {  	[sflag:s5] =	ssyncadd.s32 $0xFFFF8400  }
0x5ad: {  	[tilespmem:s7], [sflag:$0x2] =	stream.linear.gather [hbm4b:s1+s2], $0xC800, $0x38;
	[tilespmem:$0x19000] =	vst v63  }
0x5ae: {  	_ =	swait.ge [sflag:s11], $0xC800  }
0x5af: {  	s1 =	sld [smem:$0x7B7]  }
0x5b0: {  	[sflag:s11] =	ssyncset.done $0x0  }
0x5b1: {  	[sflag:s11] =	ssyncadd.s32 $0xFFFF3800  }
0x5b2: {  	[hbm4b:s1+s2] =	stream.linear.scatter [tilespmem:s2], [sflag:$0x3], $0xC800, $0x38;
	[tilespmem:$0x19000] =	vst v63  }
0x5b3: {  	_ =	swait.ge [sflag:s6], $0xC800  }
0x5b4: {  	s1 =	sld [smem:$0x7B8]  }
0x5b5: {  	[sflag:s6] =	ssyncset.done $0x0  }
0x5b6: {  	[sflag:s6] =	ssyncadd.s32 $0xFFFF3800  }
0x5b7: {  	[tilespmem:s2], [sflag:$0x1] =	stream.linear.gather [hbm4b:s1+s2], $0xC800, $0x38;
	[tilespmem:$0x19000] =	vst v63  }
0x5b8: {  	_ =	swait.ge [sflag:s10], $0xC800  }
0x5b9: {  	s1 =	sld [smem:$0x7B9]  }
0x5ba: {  	[sflag:s10] =	ssyncset.done $0x0  }
0x5bb: {  	[sflag:s10] =	ssyncadd.s32 $0xFFFF3800  }
0x5bc: {  	[hbm4b:s1+s2] =	stream.linear.scatter [tilespmem:s7], [sflag:$0x4], $0xC800, $0x38;
	[tilespmem:$0x19000] =	vst v63  }
0x5bd: {  	_ =	swait.ge [sflag:s5], $0xC800  }
0x5be: {  	s1 =	sld [smem:$0x7BA]  }
0x5bf: {  	[sflag:s5] =	ssyncset.done $0x0  }
0x5c0: {  	[sflag:s5] =	ssyncadd.s32 $0xFFFF3800  }
0x5c1: {  	[tilespmem:s7], [sflag:$0x2] =	stream.linear.gather [hbm4b:s1+s2], $0xC800, $0x38;
	[tilespmem:$0x19000] =	vst v63  }
0x5c2: {  	_ =	swait.ge [sflag:s11], $0xC800  }
0x5c3: {  	s1 =	sld [smem:$0x7BB]  }
0x5c4: {  	[sflag:s11] =	ssyncset.done $0x0  }
0x5c5: {  	[sflag:s11] =	ssyncadd.s32 $0xFFFF3800  }
0x5c6: {  	[hbm4b:s1+s2] =	stream.linear.scatter [tilespmem:s2], [sflag:$0x3], $0xC800, $0x38;
	[tilespmem:$0x19000] =	vst v63  }
0x5c7: {  	_ =	swait.ge [sflag:s6], $0xC800  }
0x5c8: {  	s1 =	sld [smem:$0x7BC]  }
0x5c9: {  	[sflag:s6] =	ssyncset.done $0x0  }
0x5ca: {  	[sflag:s6] =	ssyncadd.s32 $0xFFFF3800  }
0x5cb: {  	[tilespmem:s2], [sflag:$0x1] =	stream.linear.gather [hbm4b:s1+s2], $0xC800, $0x38;
	[tilespmem:$0x19000] =	vst v63  }
0x5cc: {  	_ =	swait.ge [sflag:s10], $0xC800  }
0x5cd: {  	s1 =	sld [smem:$0x7BD]  }
0x5ce: {  	[sflag:s10] =	ssyncset.done $0x0  }
0x5cf: {  	[sflag:s10] =	ssyncadd.s32 $0xFFFF3800  }
0x5d0: {  	[hbm4b:s1+s2] =	stream.linear.scatter [tilespmem:s7], [sflag:$0x4], $0xC800, $0x38;
	[tilespmem:$0x19000] =	vst v63  }
0x5d1: {  	_ =	swait.ge [sflag:s5], $0xC800  }
0x5d2: {  	s1 =	sld [smem:$0x7BE]  }
0x5d3: {  	[sflag:s5] =	ssyncset.done $0x0  }
0x5d4: {  	[sflag:s5] =	ssyncadd.s32 $0xFFFF3800  }
0x5d5: {  	[tilespmem:s7], [sflag:$0x2] =	stream.linear.gather [hbm4b:s1+s2], $0xC800, $0x38;
	[tilespmem:$0x19000] =	vst v63  }
0x5d6: {  	_ =	swait.ge [sflag:s11], $0xC800  }
0x5d7: {  	s1 =	sld [smem:$0x7BF]  }
0x5d8: {  	[sflag:s11] =	ssyncset.done $0x0  }
0x5d9: {  	[sflag:s11] =	ssyncadd.s32 $0xFFFF3800  }
0x5da: {  	[hbm4b:s1+s2] =	stream.linear.scatter [tilespmem:s2], [sflag:$0x3], $0xC800, $0x38;
	[tilespmem:$0x19000] =	vst v63  }
0x5db: {  	_ =	swait.ge [sflag:s6], $0xC800  }
0x5dc: {  	s1 =	sld [smem:$0x7C0]  }
0x5dd: {  	[sflag:s6] =	ssyncset.done $0x0  }
0x5de: {  	[sflag:s6] =	ssyncadd.s32 $0xFFFF3800  }
0x5df: {  	[tilespmem:s2], [sflag:$0x1] =	stream.linear.gather [hbm4b:s1+s2], $0xC800, $0x38;
	[tilespmem:$0x19000] =	vst v63  }
0x5e0: {  	_ =	swait.ge [sflag:s10], $0xC800  }
0x5e1: {  	s1 =	sld [smem:$0x7C1]  }
0x5e2: {  	[sflag:s10] =	ssyncset.done $0x0  }
0x5e3: {  	[sflag:s10] =	ssyncadd.s32 $0xFFFF3800  }
0x5e4: {  	[hbm4b:s1+s2] =	stream.linear.scatter [tilespmem:s7], [sflag:$0x4], $0xC800, $0x38;
	[tilespmem:$0x19000] =	vst v63  }
0x5e5: {  	_ =	swait.ge [sflag:s5], $0xC800  }
0x5e6: {  	s1 =	sld [smem:$0x7C2]  }
0x5e7: {  	[sflag:s5] =	ssyncset.done $0x0  }
0x5e8: {  	[sflag:s5] =	ssyncadd.s32 $0xFFFF3800  }
0x5e9: {  	[tilespmem:s7], [sflag:$0x2] =	stream.linear.gather [hbm4b:s1+s2], $0xC800, $0x38;
	[tilespmem:$0x19000] =	vst v63  }
0x5ea: {  	_ =	swait.ge [sflag:s11], $0xC800  }
0x5eb: {  	s1 =	sld [smem:$0x7C3]  }
0x5ec: {  	[sflag:s11] =	ssyncset.done $0x0  }
0x5ed: {  	[sflag:s11] =	ssyncadd.s32 $0xFFFF3800  }
0x5ee: {  	[hbm4b:s1+s2] =	stream.linear.scatter [tilespmem:s2], [sflag:$0x3], $0xC800, $0x38;
	[tilespmem:$0x19000] =	vst v63  }
0x5ef: {  	_ =	swait.ge [sflag:s6], $0xC800  }
0x5f0: {  	s1 =	sld [smem:$0x7C4]  }
0x5f1: {  	[sflag:s6] =	ssyncset.done $0x0  }
0x5f2: {  	[sflag:s6] =	ssyncadd.s32 $0xFFFF3800  }
0x5f3: {  	[tilespmem:s2], [sflag:$0x1] =	stream.linear.gather [hbm4b:s1+s2], $0xC800, $0x38;
	[tilespmem:$0x19000] =	vst v63  }
0x5f4: {  	_ =	swait.ge [sflag:s10], $0xC800  }
0x5f5: {  	s1 =	sld [smem:$0x7C5]  }
0x5f6: {  	[sflag:s10] =	ssyncset.done $0x0  }
0x5f7: {  	[sflag:s10] =	ssyncadd.s32 $0xFFFF3800  }
0x5f8: {  	[hbm4b:s1+s2] =	stream.linear.scatter [tilespmem:s7], [sflag:$0x4], $0xC800, $0x38;
	[tilespmem:$0x19000] =	vst v63  }
0x5f9: {  	_ =	swait.ge [sflag:s5], $0xC800  }
0x5fa: {  	s1 =	sld [smem:$0x7C6]  }
0x5fb: {  	[sflag:s5] =	ssyncset.done $0x0  }
0x5fc: {  	[sflag:s5] =	ssyncadd.s32 $0xFFFF3800  }
0x5fd: {  	[tilespmem:s7], [sflag:$0x2] =	stream.linear.gather [hbm4b:s1+s2], $0xC800, $0x38;
	[tilespmem:$0x19000] =	vst v63  }
0x5fe: {  	_ =	swait.ge [sflag:s11], $0xC800  }
0x5ff: {  	s1 =	sld [smem:$0x7C7]  }
0x600: {  	[sflag:s11] =	ssyncset.done $0x0  }
0x601: {  	[sflag:s11] =	ssyncadd.s32 $0xFFFF3800  }
0x602: {  	[hbm4b:s1+s2] =	stream.linear.scatter [tilespmem:s2], [sflag:$0x3], $0xC800, $0x38;
	[tilespmem:$0x19000] =	vst v63  }
0x603: {  	_ =	swait.ge [sflag:s6], $0xC800  }
0x604: {  	s1 =	sld [smem:$0x7C8]  }
0x605: {  	[sflag:s6] =	ssyncset.done $0x0  }
0x606: {  	[sflag:s6] =	ssyncadd.s32 $0xFFFF3800  }
0x607: {  	[tilespmem:s2], [sflag:$0x1] =	stream.linear.gather [hbm4b:s1+s2], $0xC800, $0x38;
	[tilespmem:$0x19000] =	vst v63  }
0x608: {  	_ =	swait.ge [sflag:s10], $0xC800  }
0x609: {  	s1 =	sld [smem:$0x7C9]  }
0x60a: {  	[sflag:s10] =	ssyncset.done $0x0  }
0x60b: {  	[sflag:s10] =	ssyncadd.s32 $0xFFFF3800  }
0x60c: {  	[hbm4b:s1+s2] =	stream.linear.scatter [tilespmem:s7], [sflag:$0x4], $0xC800, $0x38;
	[tilespmem:$0x19000] =	vst v63  }
0x60d: {  	_ =	swait.ge [sflag:s5], $0xC800  }
0x60e: {  	s1 =	sld [smem:$0x7CA]  }
0x60f: {  	[sflag:s5] =	ssyncset.done $0x0  }
0x610: {  	[sflag:s5] =	ssyncadd.s32 $0xFFFF3800  }
0x611: {  	[tilespmem:s7], [sflag:$0x2] =	stream.linear.gather [hbm4b:s1+s2], $0xC800, $0x38;
	[tilespmem:$0x19000] =	vst v63  }
0x612: {  	_ =	swait.ge [sflag:s11], $0xC800  }
0x613: {  	s1 =	sld [smem:$0x7CB]  }
0x614: {  	[sflag:s11] =	ssyncset.done $0x0  }
0x615: {  	[sflag:s11] =	ssyncadd.s32 $0xFFFF3800  }
0x616: {  	[hbm4b:s1+s2] =	stream.linear.scatter [tilespmem:s2], [sflag:$0x3], $0xC800, $0x38;
	[tilespmem:$0x19000] =	vst v63  }
0x617: {  	_ =	swait.ge [sflag:s6], $0xC800  }
0x618: {  	s1 =	sld [smem:$0x7CC]  }
0x619: {  	[sflag:s6] =	ssyncset.done $0x0  }
0x61a: {  	[sflag:s6] =	ssyncadd.s32 $0xFFFF3800  }
0x61b: {  	[tilespmem:s2], [sflag:$0x1] =	stream.linear.gather [hbm4b:s1+s2], $0xC800, $0x38;
	[tilespmem:$0x19000] =	vst v63  }
0x61c: {  	_ =	swait.ge [sflag:s10], $0xC800  }
0x61d: {  	s1 =	sld [smem:$0x7CD]  }
0x61e: {  	[sflag:s10] =	ssyncset.done $0x0  }
0x61f: {  	[sflag:s10] =	ssyncadd.s32 $0xFFFF3800  }
0x620: {  	[hbm4b:s1+s2] =	stream.linear.scatter [tilespmem:s7], [sflag:$0x4], $0xC800, $0x38;
	[tilespmem:$0x19000] =	vst v63  }
0x621: {  	_ =	swait.ge [sflag:s5], $0xC800  }
0x622: {  	s1 =	sld [smem:$0x7CE]  }
0x623: {  	[sflag:s5] =	ssyncset.done $0x0  }
0x624: {  	[sflag:s5] =	ssyncadd.s32 $0xFFFF3800  }
0x625: {  	[tilespmem:s7], [sflag:$0x2] =	stream.linear.gather [hbm4b:s1+s2], $0xC800, $0x38;
	[tilespmem:$0x19000] =	vst v63  }
0x626: {  	_ =	swait.ge [sflag:s11], $0xC800  }
0x627: {  	s1 =	sld [smem:$0x7CF]  }
0x628: {  	[sflag:s11] =	ssyncset.done $0x0  }
0x629: {  	[sflag:s11] =	ssyncadd.s32 $0xFFFF3800  }
0x62a: {  	[hbm4b:s1+s2] =	stream.linear.scatter [tilespmem:s2], [sflag:$0x3], $0xC800, $0x38;
	[tilespmem:$0x19000] =	vst v63  }
0x62b: {  	_ =	swait.ge [sflag:s6], $0xC800  }
0x62c: {  	s1 =	sld [smem:$0x7D0]  }
0x62d: {  	[sflag:s6] =	ssyncset.done $0x0  }
0x62e: {  	[sflag:s6] =	ssyncadd.s32 $0xFFFF3800  }
0x62f: {  	[tilespmem:s2], [sflag:$0x1] =	stream.linear.gather [hbm4b:s1+s2], $0xC800, $0x38;
	[tilespmem:$0x19000] =	vst v63  }
0x630: {  	_ =	swait.ge [sflag:s10], $0xC800  }
0x631: {  	s1 =	sld [smem:$0x7D1]  }
0x632: {  	[sflag:s10] =	ssyncset.done $0x0  }
0x633: {  	[sflag:s10] =	ssyncadd.s32 $0xFFFF3800  }
0x634: {  	[hbm4b:s1+s2] =	stream.linear.scatter [tilespmem:s7], [sflag:$0x4], $0xC800, $0x38;
	[tilespmem:$0x19000] =	vst v63  }
0x635: {  	_ =	swait.ge [sflag:s5], $0xC800  }
0x636: {  	s1 =	sld [smem:$0x7D2]  }
0x637: {  	[sflag:s5] =	ssyncset.done $0x0  }
0x638: {  	[sflag:s5] =	ssyncadd.s32 $0xFFFF3800  }
0x639: {  	[tilespmem:s7], [sflag:$0x2] =	stream.linear.gather [hbm4b:s1+s2], $0x7C00, $0x38;
	[tilespmem:$0x19000] =	vst v63  }
0x63a: {  	_ =	swait.ge [sflag:s11], $0xC800  }
0x63b: {  	s1 =	sld [smem:$0x7D3]  }
0x63c: {  	[sflag:s11] =	ssyncset.done $0x0  }
0x63d: {  	[sflag:s11] =	ssyncadd.s32 $0xFFFF3800  }
0x63e: {  	[hbm4b:s1+s2] =	stream.linear.scatter [tilespmem:s2], [sflag:$0x3], $0xC800, $0x38;
	[tilespmem:$0x19000] =	vst v63  }
0x63f: {  	_ =	swait.ge [sflag:s6], $0xC800  }
0x640: {  	s1 =	sld [smem:$0x7D4]  }
0x641: {  	[sflag:s6] =	ssyncset.done $0x0  }
0x642: {  	[sflag:s6] =	ssyncadd.s32 $0xFFFF3800  }
0x643: {  	[tilespmem:s2], [sflag:$0x1] =	stream.linear.gather [hbm4b:s1+s2], $0xC800, $0x38;
	[tilespmem:$0x19000] =	vst v63  }
0x644: {  	_ =	swait.ge [sflag:s10], $0x7C00  }
0x645: {  	s1 =	sld [smem:$0x7D5]  }
0x646: {  	[sflag:s10] =	ssyncset.done $0x0  }
0x647: {  	[sflag:s10] =	ssyncadd.s32 $0xFFFF8400  }
0x648: {  	[hbm4b:s1+s2] =	stream.linear.scatter [tilespmem:s7], [sflag:$0x4], $0x7C00, $0x38;
	[tilespmem:$0x19000] =	vst v63  }
0x649: {  	_ =	swait.ge [sflag:s5], $0x7C00  }
0x64a: {  	s1 =	sld [smem:$0x7D6]  }
0x64b: {  	[sflag:s5] =	ssyncset.done $0x0  }
0x64c: {  	[sflag:s5] =	ssyncadd.s32 $0xFFFF8400  }
0x64d: {  	[tilespmem:s7], [sflag:$0x2] =	stream.linear.gather [hbm4b:s1+s2], $0xC800, $0x38;
	[tilespmem:$0x19000] =	vst v63  }
0x64e: {  	_ =	swait.ge [sflag:s11], $0xC800  }
0x64f: {  	s1 =	sld [smem:$0x7D7]  }
0x650: {  	[sflag:s11] =	ssyncset.done $0x0  }
0x651: {  	[sflag:s11] =	ssyncadd.s32 $0xFFFF3800  }
0x652: {  	[hbm4b:s1+s2] =	stream.linear.scatter [tilespmem:s2], [sflag:$0x3], $0xC800, $0x38;
	[tilespmem:$0x19000] =	vst v63  }
0x653: {  	_ =	swait.ge [sflag:s6], $0xC800  }
0x654: {  	s1 =	sld [smem:$0x7D8]  }
0x655: {  	[sflag:s6] =	ssyncset.done $0x0  }
0x656: {  	[sflag:s6] =	ssyncadd.s32 $0xFFFF3800  }
0x657: {  	[tilespmem:s2], [sflag:$0x1] =	stream.linear.gather [hbm4b:s1+s2], $0xC800, $0x38;
	[tilespmem:$0x19000] =	vst v63  }
0x658: {  	_ =	swait.ge [sflag:s10], $0xC800  }
0x659: {  	s1 =	sld [smem:$0x7D9]  }
0x65a: {  	[sflag:s10] =	ssyncset.done $0x0  }
0x65b: {  	[sflag:s10] =	ssyncadd.s32 $0xFFFF3800  }
0x65c: {  	[hbm4b:s1+s2] =	stream.linear.scatter [tilespmem:s7], [sflag:$0x4], $0xC800, $0x38;
	[tilespmem:$0x19000] =	vst v63  }
0x65d: {  	_ =	swait.ge [sflag:s5], $0xC800  }
0x65e: {  	s1 =	sld [smem:$0x7DA]  }
0x65f: {  	[sflag:s5] =	ssyncset.done $0x0  }
0x660: {  	[sflag:s5] =	ssyncadd.s32 $0xFFFF3800  }
0x661: {  	[tilespmem:s7], [sflag:$0x2] =	stream.linear.gather [hbm4b:s1+s2], $0xC800, $0x38;
	[tilespmem:$0x19000] =	vst v63  }
0x662: {  	_ =	swait.ge [sflag:s11], $0xC800  }
0x663: {  	s1 =	sld [smem:$0x7DB]  }
0x664: {  	[sflag:s11] =	ssyncset.done $0x0  }
0x665: {  	[sflag:s11] =	ssyncadd.s32 $0xFFFF3800  }
0x666: {  	[hbm4b:s1+s2] =	stream.linear.scatter [tilespmem:s2], [sflag:$0x3], $0xC800, $0x38;
	[tilespmem:$0x19000] =	vst v63  }
0x667: {  	_ =	swait.ge [sflag:s6], $0xC800  }
0x668: {  	s1 =	sld [smem:$0x7DC]  }
0x669: {  	[sflag:s6] =	ssyncset.done $0x0  }
0x66a: {  	[sflag:s6] =	ssyncadd.s32 $0xFFFF3800  }
0x66b: {  	[tilespmem:s2], [sflag:$0x1] =	stream.linear.gather [hbm4b:s1+s2], $0xC800, $0x38;
	[tilespmem:$0x19000] =	vst v63  }
0x66c: {  	_ =	swait.ge [sflag:s10], $0xC800  }
0x66d: {  	s1 =	sld [smem:$0x7DD]  }
0x66e: {  	[sflag:s10] =	ssyncset.done $0x0  }
0x66f: {  	[sflag:s10] =	ssyncadd.s32 $0xFFFF3800  }
0x670: {  	[hbm4b:s1+s2] =	stream.linear.scatter [tilespmem:s7], [sflag:$0x4], $0xC800, $0x38;
	[tilespmem:$0x19000] =	vst v63  }
0x671: {  	_ =	swait.ge [sflag:s5], $0xC800  }
0x672: {  	s1 =	sld [smem:$0x7DE]  }
0x673: {  	[sflag:s5] =	ssyncset.done $0x0  }
0x674: {  	[sflag:s5] =	ssyncadd.s32 $0xFFFF3800  }
0x675: {  	[tilespmem:s7], [sflag:$0x2] =	stream.linear.gather [hbm4b:s1+s2], $0xC800, $0x38;
	[tilespmem:$0x19000] =	vst v63  }
0x676: {  	_ =	swait.ge [sflag:s11], $0xC800  }
0x677: {  	s1 =	sld [smem:$0x7DF]  }
0x678: {  	[sflag:s11] =	ssyncset.done $0x0  }
0x679: {  	[sflag:s11] =	ssyncadd.s32 $0xFFFF3800  }
0x67a: {  	[hbm4b:s1+s2] =	stream.linear.scatter [tilespmem:s2], [sflag:$0x3], $0xC800, $0x38;
	[tilespmem:$0x19000] =	vst v63  }
0x67b: {  	_ =	swait.ge [sflag:s6], $0xC800  }
0x67c: {  	s1 =	sld [smem:$0x7E0]  }
0x67d: {  	[sflag:s6] =	ssyncset.done $0x0  }
0x67e: {  	[sflag:s6] =	ssyncadd.s32 $0xFFFF3800  }
0x67f: {  	[tilespmem:s2], [sflag:$0x1] =	stream.linear.gather [hbm4b:s1+s2], $0xC800, $0x38;
	[tilespmem:$0x19000] =	vst v63  }
0x680: {  	_ =	swait.ge [sflag:s10], $0xC800  }
0x681: {  	s1 =	sld [smem:$0x7E1]  }
0x682: {  	[sflag:s10] =	ssyncset.done $0x0  }
0x683: {  	[sflag:s10] =	ssyncadd.s32 $0xFFFF3800  }
0x684: {  	[hbm4b:s1+s2] =	stream.linear.scatter [tilespmem:s7], [sflag:$0x4], $0xC800, $0x38;
	[tilespmem:$0x19000] =	vst v63  }
0x685: {  	_ =	swait.ge [sflag:s5], $0xC800  }
0x686: {  	s1 =	sld [smem:$0x7E2]  }
0x687: {  	[sflag:s5] =	ssyncset.done $0x0  }
0x688: {  	[sflag:s5] =	ssyncadd.s32 $0xFFFF3800  }
0x689: {  	[tilespmem:s7], [sflag:$0x2] =	stream.linear.gather [hbm4b:s1+s2], $0xC800, $0x38;
	[tilespmem:$0x19000] =	vst v63  }
0x68a: {  	_ =	swait.ge [sflag:s11], $0xC800  }
0x68b: {  	s1 =	sld [smem:$0x7E3]  }
0x68c: {  	[sflag:s11] =	ssyncset.done $0x0  }
0x68d: {  	[sflag:s11] =	ssyncadd.s32 $0xFFFF3800  }
0x68e: {  	[hbm4b:s1+s2] =	stream.linear.scatter [tilespmem:s2], [sflag:$0x3], $0xC800, $0x38;
	[tilespmem:$0x19000] =	vst v63  }
0x68f: {  	_ =	swait.ge [sflag:s6], $0xC800  }
0x690: {  	s1 =	sld [smem:$0x7E4]  }
0x691: {  	[sflag:s6] =	ssyncset.done $0x0  }
0x692: {  	[sflag:s6] =	ssyncadd.s32 $0xFFFF3800  }
0x693: {  	[tilespmem:s2], [sflag:$0x1] =	stream.linear.gather [hbm4b:s1+s2], $0xC800, $0x38;
	[tilespmem:$0x19000] =	vst v63  }
0x694: {  	_ =	swait.ge [sflag:s10], $0xC800  }
0x695: {  	s1 =	sld [smem:$0x7E5]  }
0x696: {  	[sflag:s10] =	ssyncset.done $0x0  }
0x697: {  	[sflag:s10] =	ssyncadd.s32 $0xFFFF3800  }
0x698: {  	[hbm4b:s1+s2] =	stream.linear.scatter [tilespmem:s7], [sflag:$0x4], $0xC800, $0x38;
	[tilespmem:$0x19000] =	vst v63  }
0x699: {  	_ =	swait.ge [sflag:s5], $0xC800  }
0x69a: {  	s1 =	sld [smem:$0x7E6]  }
0x69b: {  	[sflag:s5] =	ssyncset.done $0x0  }
0x69c: {  	[sflag:s5] =	ssyncadd.s32 $0xFFFF3800  }
0x69d: {  	[tilespmem:s7], [sflag:$0x2] =	stream.linear.gather [hbm4b:s1+s2], $0xC800, $0x38;
	[tilespmem:$0x19000] =	vst v63  }
0x69e: {  	_ =	swait.ge [sflag:s11], $0xC800  }
0x69f: {  	s1 =	sld [smem:$0x7E7]  }
0x6a0: {  	[sflag:s11] =	ssyncset.done $0x0  }
0x6a1: {  	[sflag:s11] =	ssyncadd.s32 $0xFFFF3800  }
0x6a2: {  	[hbm4b:s1+s2] =	stream.linear.scatter [tilespmem:s2], [sflag:$0x3], $0xC800, $0x38;
	[tilespmem:$0x19000] =	vst v63  }
0x6a3: {  	_ =	swait.ge [sflag:s6], $0xC800  }
0x6a4: {  	s1 =	sld [smem:$0x7E8]  }
0x6a5: {  	[sflag:s6] =	ssyncset.done $0x0  }
0x6a6: {  	[sflag:s6] =	ssyncadd.s32 $0xFFFF3800  }
0x6a7: {  	[tilespmem:s2], [sflag:$0x1] =	stream.linear.gather [hbm4b:s1+s2], $0xC800, $0x38;
	[tilespmem:$0x19000] =	vst v63  }
0x6a8: {  	_ =	swait.ge [sflag:s10], $0xC800  }
0x6a9: {  	s1 =	sld [smem:$0x7E9]  }
0x6aa: {  	[sflag:s10] =	ssyncset.done $0x0  }
0x6ab: {  	[sflag:s10] =	ssyncadd.s32 $0xFFFF3800  }
0x6ac: {  	[hbm4b:s1+s2] =	stream.linear.scatter [tilespmem:s7], [sflag:$0x4], $0xC800, $0x38;
	[tilespmem:$0x19000] =	vst v63  }
0x6ad: {  	_ =	swait.ge [sflag:s5], $0xC800  }
0x6ae: {  	s1 =	sld [smem:$0x7EA]  }
0x6af: {  	[sflag:s5] =	ssyncset.done $0x0  }
0x6b0: {  	[sflag:s5] =	ssyncadd.s32 $0xFFFF3800  }
0x6b1: {  	[tilespmem:s7], [sflag:$0x2] =	stream.linear.gather [hbm4b:s1+s2], $0xC800, $0x38;
	[tilespmem:$0x19000] =	vst v63  }
0x6b2: {  	_ =	swait.ge [sflag:s11], $0xC800  }
0x6b3: {  	s1 =	sld [smem:$0x7EB]  }
0x6b4: {  	[sflag:s11] =	ssyncset.done $0x0  }
0x6b5: {  	[sflag:s11] =	ssyncadd.s32 $0xFFFF3800  }
0x6b6: {  	[hbm4b:s1+s2] =	stream.linear.scatter [tilespmem:s2], [sflag:$0x3], $0xC800, $0x38;
	[tilespmem:$0x19000] =	vst v63  }
0x6b7: {  	_ =	swait.ge [sflag:s6], $0xC800  }
0x6b8: {  	s1 =	sld [smem:$0x7EC]  }
0x6b9: {  	[sflag:s6] =	ssyncset.done $0x0  }
0x6ba: {  	[sflag:s6] =	ssyncadd.s32 $0xFFFF3800  }
0x6bb: {  	[tilespmem:s2], [sflag:$0x1] =	stream.linear.gather [hbm4b:s1+s2], $0xC800, $0x38;
	[tilespmem:$0x19000] =	vst v63  }
0x6bc: {  	_ =	swait.ge [sflag:s10], $0xC800  }
0x6bd: {  	s1 =	sld [smem:$0x7ED]  }
0x6be: {  	[sflag:s10] =	ssyncset.done $0x0  }
0x6bf: {  	[sflag:s10] =	ssyncadd.s32 $0xFFFF3800  }
0x6c0: {  	[hbm4b:s1+s2] =	stream.linear.scatter [tilespmem:s7], [sflag:$0x4], $0xC800, $0x38;
	[tilespmem:$0x19000] =	vst v63  }
0x6c1: {  	_ =	swait.ge [sflag:s5], $0xC800  }
0x6c2: {  	s1 =	sld [smem:$0x7EE]  }
0x6c3: {  	[sflag:s5] =	ssyncset.done $0x0  }
0x6c4: {  	[sflag:s5] =	ssyncadd.s32 $0xFFFF3800  }
0x6c5: {  	[tilespmem:s7], [sflag:$0x2] =	stream.linear.gather [hbm4b:s1+s2], $0xC800, $0x38;
	[tilespmem:$0x19000] =	vst v63  }
0x6c6: {  	_ =	swait.ge [sflag:s11], $0xC800  }
0x6c7: {  	s1 =	sld [smem:$0x7EF]  }
0x6c8: {  	[sflag:s11] =	ssyncset.done $0x0  }
0x6c9: {  	[sflag:s11] =	ssyncadd.s32 $0xFFFF3800  }
0x6ca: {  	[hbm4b:s1+s2] =	stream.linear.scatter [tilespmem:s2], [sflag:$0x3], $0xC800, $0x38;
	[tilespmem:$0x19000] =	vst v63  }
0x6cb: {  	_ =	swait.ge [sflag:s6], $0xC800  }
0x6cc: {  	s1 =	sld [smem:$0x7F0]  }
0x6cd: {  	[sflag:s6] =	ssyncset.done $0x0  }
0x6ce: {  	[sflag:s6] =	ssyncadd.s32 $0xFFFF3800  }
0x6cf: {  	[tilespmem:s2], [sflag:$0x1] =	stream.linear.gather [hbm4b:s1+s2], $0xC800, $0x38;
	[tilespmem:$0x19000] =	vst v63  }
0x6d0: {  	_ =	swait.ge [sflag:s10], $0xC800  }
0x6d1: {  	s1 =	sld [smem:$0x7F1]  }
0x6d2: {  	[sflag:s10] =	ssyncset.done $0x0  }
0x6d3: {  	[sflag:s10] =	ssyncadd.s32 $0xFFFF3800  }
0x6d4: {  	[hbm4b:s1+s2] =	stream.linear.scatter [tilespmem:s7], [sflag:$0x4], $0xC800, $0x38;
	[tilespmem:$0x19000] =	vst v63  }
0x6d5: {  	_ =	swait.ge [sflag:s5], $0xC800  }
0x6d6: {  	s1 =	sld [smem:$0x7F2]  }
0x6d7: {  	[sflag:s5] =	ssyncset.done $0x0  }
0x6d8: {  	[sflag:s5] =	ssyncadd.s32 $0xFFFF3800  }
0x6d9: {  	[tilespmem:s7], [sflag:$0x2] =	stream.linear.gather [hbm4b:s1+s2], $0x7C00, $0x38;
	[tilespmem:$0x19000] =	vst v63  }
0x6da: {  	_ =	swait.ge [sflag:s11], $0xC800  }
0x6db: {  	s1 =	sld [smem:$0x7F3]  }
0x6dc: {  	[sflag:s11] =	ssyncset.done $0x0  }
0x6dd: {  	[sflag:s11] =	ssyncadd.s32 $0xFFFF3800  }
0x6de: {  	[hbm4b:s1+s2] =	stream.linear.scatter [tilespmem:s2], [sflag:$0x3], $0xC800, $0x38;
	[tilespmem:$0x19000] =	vst v63  }
0x6df: {  	_ =	swait.ge [sflag:s6], $0xC800  }
0x6e0: {  	s1 =	sld [smem:$0x7F4]  }
0x6e1: {  	[sflag:s6] =	ssyncset.done $0x0  }
0x6e2: {  	[sflag:s6] =	ssyncadd.s32 $0xFFFF3800  }
0x6e3: {  	[tilespmem:s2], [sflag:$0x1] =	stream.linear.gather [hbm4b:s1+s2], $0xC800, $0x38;
	[tilespmem:$0x19000] =	vst v63  }
0x6e4: {  	_ =	swait.ge [sflag:s10], $0x7C00  }
0x6e5: {  	s1 =	sld [smem:$0x7F5]  }
0x6e6: {  	[sflag:s10] =	ssyncset.done $0x0  }
0x6e7: {  	[sflag:s10] =	ssyncadd.s32 $0xFFFF8400  }
0x6e8: {  	[hbm4b:s1+s2] =	stream.linear.scatter [tilespmem:s7], [sflag:$0x4], $0x7C00, $0x38;
	[tilespmem:$0x19000] =	vst v63  }
0x6e9: {  	_ =	swait.ge [sflag:s5], $0x7C00  }
0x6ea: {  	s1 =	sld [smem:$0x7F6]  }
0x6eb: {  	[sflag:s5] =	ssyncset.done $0x0  }
0x6ec: {  	[sflag:s5] =	ssyncadd.s32 $0xFFFF8400  }
0x6ed: {  	[tilespmem:s7], [sflag:$0x2] =	stream.linear.gather [hbm4b:s1+s2], $0xC800, $0x38;
	[tilespmem:$0x19000] =	vst v63  }
0x6ee: {  	_ =	swait.ge [sflag:s11], $0xC800  }
0x6ef: {  	s1 =	sld [smem:$0x7F7]  }
0x6f0: {  	[sflag:s11] =	ssyncset.done $0x0  }
0x6f1: {  	[sflag:s11] =	ssyncadd.s32 $0xFFFF3800  }
0x6f2: {  	[hbm4b:s1+s2] =	stream.linear.scatter [tilespmem:s2], [sflag:$0x3], $0xC800, $0x38;
	[tilespmem:$0x19000] =	vst v63  }
0x6f3: {  	_ =	swait.ge [sflag:s6], $0xC800  }
0x6f4: {  	s1 =	sld [smem:$0x7F8]  }
0x6f5: {  	[sflag:s6] =	ssyncset.done $0x0  }
0x6f6: {  	[sflag:s6] =	ssyncadd.s32 $0xFFFF3800  }
0x6f7: {  	[tilespmem:s2], [sflag:$0x1] =	stream.linear.gather [hbm4b:s1+s2], $0xC800, $0x38;
	[tilespmem:$0x19000] =	vst v63  }
0x6f8: {  	_ =	swait.ge [sflag:s10], $0xC800  }
0x6f9: {  	s1 =	sld [smem:$0x7F9]  }
0x6fa: {  	[sflag:s10] =	ssyncset.done $0x0  }
0x6fb: {  	[sflag:s10] =	ssyncadd.s32 $0xFFFF3800  }
0x6fc: {  	[hbm4b:s1+s2] =	stream.linear.scatter [tilespmem:s7], [sflag:$0x4], $0xC800, $0x38;
	[tilespmem:$0x19000] =	vst v63  }
0x6fd: {  	_ =	swait.ge [sflag:s5], $0xC800  }
0x6fe: {  	s1 =	sld [smem:$0x7FA]  }
0x6ff: {  	[sflag:s5] =	ssyncset.done $0x0  }
0x700: {  	[sflag:s5] =	ssyncadd.s32 $0xFFFF3800  }
0x701: {  	[tilespmem:s7], [sflag:$0x2] =	stream.linear.gather [hbm4b:s1+s2], $0xC800, $0x38;
	[tilespmem:$0x19000] =	vst v63  }
0x702: {  	_ =	swait.ge [sflag:s11], $0xC800  }
0x703: {  	s1 =	sld [smem:$0x7FB]  }
0x704: {  	[sflag:s11] =	ssyncset.done $0x0  }
0x705: {  	[sflag:s11] =	ssyncadd.s32 $0xFFFF3800  }
0x706: {  	[hbm4b:s1+s2] =	stream.linear.scatter [tilespmem:s2], [sflag:$0x3], $0xC800, $0x38;
	[tilespmem:$0x19000] =	vst v63  }
0x707: {  	_ =	swait.ge [sflag:s6], $0xC800  }
0x708: {  	s1 =	sld [smem:$0x7FC]  }
0x709: {  	[sflag:s6] =	ssyncset.done $0x0  }
0x70a: {  	[sflag:s6] =	ssyncadd.s32 $0xFFFF3800  }
0x70b: {  	[tilespmem:s2], [sflag:$0x1] =	stream.linear.gather [hbm4b:s1+s2], $0xC800, $0x38;
	[tilespmem:$0x19000] =	vst v63  }
0x70c: {  	_ =	swait.ge [sflag:s10], $0xC800  }
0x70d: {  	s1 =	sld [smem:$0x7FD]  }
0x70e: {  	[sflag:s10] =	ssyncset.done $0x0  }
0x70f: {  	[sflag:s10] =	ssyncadd.s32 $0xFFFF3800  }
0x710: {  	[hbm4b:s1+s2] =	stream.linear.scatter [tilespmem:s7], [sflag:$0x4], $0xC800, $0x38;
	[tilespmem:$0x19000] =	vst v63  }
0x711: {  	_ =	swait.ge [sflag:s5], $0xC800  }
0x712: {  	[sflag:s5] =	ssyncset.done $0x0  }
0x713: {  	[sflag:s5] =	ssyncadd.s32 $0xFFFF3800  }
0x714: {  	[tilespmem:s7], [sflag:$0x2] =	stream.linear.gather [hbm4b:s31+s2], $0xC800, $0x38;
	[tilespmem:$0x19000] =	vst v63  }
0x715: {  	_ =	swait.ge [sflag:s11], $0xC800  }
0x716: {  	[sflag:s11] =	ssyncset.done $0x0  }
0x717: {  	[sflag:s11] =	ssyncadd.s32 $0xFFFF3800  }
0x718: {  	[hbm4b:s30+s2] =	stream.linear.scatter [tilespmem:s2], [sflag:$0x3], $0xC800, $0x38;
	[tilespmem:$0x19000] =	vst v63  }
0x719: {  	_ =	swait.ge [sflag:s6], $0xC800  }
0x71a: {  	[sflag:s6] =	ssyncset.done $0x0  }
0x71b: {  	[sflag:s6] =	ssyncadd.s32 $0xFFFF3800  }
0x71c: {  	[tilespmem:s2], [sflag:$0x1] =	stream.linear.gather [hbm4b:s29+s2], $0xC800, $0x38;
	[tilespmem:$0x19000] =	vst v63  }
0x71d: {  	_ =	swait.ge [sflag:s10], $0xC800  }
0x71e: {  	[sflag:s10] =	ssyncset.done $0x0  }
0x71f: {  	[sflag:s10] =	ssyncadd.s32 $0xFFFF3800  }
0x720: {  	[hbm4b:s28+s2] =	stream.linear.scatter [tilespmem:s7], [sflag:$0x4], $0xC800, $0x38;
	[tilespmem:$0x19000] =	vst v63  }
0x721: {  	_ =	swait.ge [sflag:s5], $0xC800  }
0x722: {  	[sflag:s5] =	ssyncset.done $0x0  }
0x723: {  	[sflag:s5] =	ssyncadd.s32 $0xFFFF3800  }
0x724: {  	[tilespmem:s7], [sflag:$0x2] =	stream.linear.gather [hbm4b:s26+s2], $0xC800, $0x38;
	[tilespmem:$0x19000] =	vst v63  }
0x725: {  	_ =	swait.ge [sflag:s11], $0xC800  }
0x726: {  	[sflag:s11] =	ssyncset.done $0x0  }
0x727: {  	[sflag:s11] =	ssyncadd.s32 $0xFFFF3800  }
0x728: {  	[hbm4b:s25+s2] =	stream.linear.scatter [tilespmem:s2], [sflag:$0x3], $0xC800, $0x38;
	[tilespmem:$0x19000] =	vst v63  }
0x729: {  	_ =	swait.ge [sflag:s6], $0xC800  }
0x72a: {  	[sflag:s6] =	ssyncset.done $0x0  }
0x72b: {  	[sflag:s6] =	ssyncadd.s32 $0xFFFF3800  }
0x72c: {  	[tilespmem:s2], [sflag:$0x1] =	stream.linear.gather [hbm4b:s24+s2], $0xC800, $0x38;
	[tilespmem:$0x19000] =	vst v63  }
0x72d: {  	_ =	swait.ge [sflag:s10], $0xC800  }
0x72e: {  	[sflag:s10] =	ssyncset.done $0x0  }
0x72f: {  	[sflag:s10] =	ssyncadd.s32 $0xFFFF3800  }
0x730: {  	[hbm4b:s23+s2] =	stream.linear.scatter [tilespmem:s7], [sflag:$0x4], $0xC800, $0x38;
	[tilespmem:$0x19000] =	vst v63  }
0x731: {  	_ =	swait.ge [sflag:s5], $0xC800  }
0x732: {  	[sflag:s5] =	ssyncset.done $0x0  }
0x733: {  	[sflag:s5] =	ssyncadd.s32 $0xFFFF3800  }
0x734: {  	[tilespmem:s7], [sflag:$0x2] =	stream.linear.gather [hbm4b:s22+s2], $0xC800, $0x38;
	[tilespmem:$0x19000] =	vst v63  }
0x735: {  	_ =	swait.ge [sflag:s11], $0xC800  }
0x736: {  	[sflag:s11] =	ssyncset.done $0x0  }
0x737: {  	[sflag:s11] =	ssyncadd.s32 $0xFFFF3800  }
0x738: {  	[hbm4b:s21+s2] =	stream.linear.scatter [tilespmem:s2], [sflag:$0x3], $0xC800, $0x38;
	[tilespmem:$0x19000] =	vst v63  }
0x739: {  	_ =	swait.ge [sflag:s6], $0xC800  }
0x73a: {  	[sflag:s6] =	ssyncset.done $0x0  }
0x73b: {  	[sflag:s6] =	ssyncadd.s32 $0xFFFF3800  }
0x73c: {  	[tilespmem:s2], [sflag:$0x1] =	stream.linear.gather [hbm4b:s20+s2], $0xC800, $0x38;
	[tilespmem:$0x19000] =	vst v63  }
0x73d: {  	_ =	swait.ge [sflag:s10], $0xC800  }
0x73e: {  	[sflag:s10] =	ssyncset.done $0x0  }
0x73f: {  	[sflag:s10] =	ssyncadd.s32 $0xFFFF3800  }
0x740: {  	[hbm4b:s19+s2] =	stream.linear.scatter [tilespmem:s7], [sflag:$0x4], $0xC800, $0x38;
	[tilespmem:$0x19000] =	vst v63  }
0x741: {  	_ =	swait.ge [sflag:s5], $0xC800  }
0x742: {  	[sflag:s5] =	ssyncset.done $0x0  }
0x743: {  	[sflag:s5] =	ssyncadd.s32 $0xFFFF3800  }
0x744: {  	[tilespmem:s7], [sflag:$0x2] =	stream.linear.gather [hbm4b:s18+s2], $0xC800, $0x38;
	[tilespmem:$0x19000] =	vst v63  }
0x745: {  	_ =	swait.ge [sflag:s11], $0xC800  }
0x746: {  	[sflag:s11] =	ssyncset.done $0x0  }
0x747: {  	[sflag:s11] =	ssyncadd.s32 $0xFFFF3800  }
0x748: {  	[hbm4b:s17+s2] =	stream.linear.scatter [tilespmem:s2], [sflag:$0x3], $0xC800, $0x38;
	[tilespmem:$0x19000] =	vst v63  }
0x749: {  	_ =	swait.ge [sflag:s6], $0xC800  }
0x74a: {  	[sflag:s6] =	ssyncset.done $0x0  }
0x74b: {  	[sflag:s6] =	ssyncadd.s32 $0xFFFF3800  }
0x74c: {  	[tilespmem:s2], [sflag:$0x1] =	stream.linear.gather [hbm4b:s16+s2], $0xC800, $0x38;
	[tilespmem:$0x19000] =	vst v63  }
0x74d: {  	_ =	swait.ge [sflag:s10], $0xC800  }
0x74e: {  	[sflag:s10] =	ssyncset.done $0x0  }
0x74f: {  	[sflag:s10] =	ssyncadd.s32 $0xFFFF3800  }
0x750: {  	[hbm4b:s14+s2] =	stream.linear.scatter [tilespmem:s7], [sflag:$0x4], $0xC800, $0x38;
	[tilespmem:$0x19000] =	vst v63  }
0x751: {  	_ =	swait.ge [sflag:s5], $0xC800  }
0x752: {  	[sflag:s5] =	ssyncset.done $0x0  }
0x753: {  	[sflag:s5] =	ssyncadd.s32 $0xFFFF3800  }
0x754: {  	[tilespmem:s7], [sflag:$0x2] =	stream.linear.gather [hbm4b:s15+s2], $0xC800, $0x38;
	[tilespmem:$0x19000] =	vst v63  }
0x755: {  	_ =	swait.ge [sflag:s11], $0xC800  }
0x756: {  	[sflag:s11] =	ssyncset.done $0x0  }
0x757: {  	[sflag:s11] =	ssyncadd.s32 $0xFFFF3800  }
0x758: {  	[hbm4b:s12+s2] =	stream.linear.scatter [tilespmem:s2], [sflag:$0x3], $0xC800, $0x38;
	[tilespmem:$0x19000] =	vst v63  }
0x759: {  	_ =	swait.ge [sflag:s6], $0xC800  }
0x75a: {  	[sflag:s6] =	ssyncset.done $0x0  }
0x75b: {  	[sflag:s6] =	ssyncadd.s32 $0xFFFF3800  }
0x75c: {  	[tilespmem:s2], [sflag:$0x1] =	stream.linear.gather [hbm4b:s13+s2], $0xC800, $0x38;
	[tilespmem:$0x19000] =	vst v63  }
0x75d: {  	_ =	swait.ge [sflag:s10], $0xC800  }
0x75e: {  	[sflag:s10] =	ssyncset.done $0x0  }
0x75f: {  	[sflag:s10] =	ssyncadd.s32 $0xFFFF3800  }
0x760: {  	[hbm4b:s9+s2] =	stream.linear.scatter [tilespmem:s7], [sflag:$0x4], $0xC800, $0x38;
	[tilespmem:$0x19000] =	vst v63  }
0x761: {  	_ =	swait.ge [sflag:s5], $0xC800  }
0x762: {  	[sflag:s5] =	ssyncset.done $0x0  }
0x763: {  	[sflag:s5] =	ssyncadd.s32 $0xFFFF3800  }
0x764: {  	[tilespmem:s7], [sflag:$0x2] =	stream.linear.gather [hbm4b:s8+s2], $0x7C00, $0x38;
	[tilespmem:$0x19000] =	vst v63  }
0x765: {  	_ =	swait.ge [sflag:s11], $0xC800  }
0x766: {  	[sflag:s11] =	ssyncset.done $0x0  }
0x767: {  	[sflag:s11] =	ssyncadd.s32 $0xFFFF3800  }
0x768: {  	[hbm4b:s4+s2] =	stream.linear.scatter [tilespmem:s2], [sflag:$0x3], $0xC800, $0x38;
	[tilespmem:$0x19000] =	vst v63  }
0x769: {  	_ =	swait.ge [sflag:s10], $0x7C00  }
0x76a: {  	[sflag:s10] =	ssyncset.done $0x0  }
0x76b: {  	[sflag:s10] =	ssyncadd.s32 $0xFFFF8400  }
0x76c: {  	[hbm4b:s3+s2] =	stream.linear.scatter [tilespmem:s7], [sflag:$0x4], $0x7C00, $0x38;
	[tilespmem:$0x19000] =	vst v63  }
0x76d: {  	_ =	swait.ge [sflag:s6], $0xC800  }
0x76e: {  	[sflag:s6] =	ssyncset.done $0x0  }
0x76f: {  	[sflag:s6] =	ssyncadd.s32 $0xFFFF3800  }
0x770: {  	_ =	swait.ge [sflag:s5], $0x7C00  }
0x771: {  	[sflag:s5] =	ssyncset.done $0x0  }
0x772: {  	[sflag:s5] =	ssyncadd.s32 $0xFFFF8400  }
0x773: {  	_ =	sfence.sel $0x180000  }
0x774: {  	[bflag:$0x0] =	sbarrier.arrive $0xFFFF  }
0x775: {  	_ =	strace $0x90000047  }
0x776: {  	s31 =	stileid.u32;
	[bflag:$0x2] =	sbarrier.arrive $0xFFFF  }
0x777: {  	p0 =	sne.s32 s31, $0x0;
	s0 =	rddreg [dreg:$0x1]  }
0x778: {  	s0 =	sadd.s32 @!p0 $0x100000, s0  }
0x779: {  	[sflag:s0] =	ssyncadd.tile.s32 @!p0 $0x1;
	_ =	shalt  }
.Lfunc_end2:
_tile_overlayer_lowered:
.L_overlay_start_2:
0x77a: {  	(tag) =	ssettag $0x2  }
0x77b: {  	s0 =	rddreg [dreg:$0x0];
	s2 =	stileid.u32  }
0x77c: {  	s1 =	rddreg [dreg:$0x1];
	p0 =	sne.s32 s2, $0x0  }
0x77d: {  	s3 =	rddreg [dreg:$0x2];
	[bflag:$0x3] =	sbarrier.arrive $0xFFFF;
	s2 =	simm.s32 @!p0 $0x1C05  }
0x77e: {  	[timem:s3], [sflag:s2] =	dma.local @!p0 [hbm:s0], s1  }
0x77f: {  	s0 =	simm.s32 @!p0 $0x5  }
0x780: {  	_ =	swait.ge @!p0 [sflag:s0], s1  }
0x781: {  	s1 =	ssub.s32 @!p0 $0x0, s1;
	[sflag:s0] =	ssyncset.done @!p0 $0x0  }
0x782: {  	[sflag:s0] =	ssyncadd.s32 @!p0 s1  }
0x783: {  	[bflag:$0x3] =	sbarrier.arrive $0xFFFF  }
0x784: {  	_ =	shalt  }

// kernel: sparse-core-data-format-call.cloned.1.call-start
scs
called_computation_lowered:
.L_overlay_start_0:
0x0: {  	s2 =	sld [smem:$0x3FD9]  }
0x1: {  	s3 =	sld [smem:$0x3FFE];
	_ =	sdelay $0x1  }
0x2: {  	s1 =	srdreg.scid  }
0x3: {  	s0 =	sand.u32 $0x1, s1  }
0x4: {  	s18 =	sshll.u32 s0, $0xA;
	s2 =	sadd.s32 s3, s2  }
0x5: {  	s2 =	sadd.s32 s2, s18  }
0x6: {  	[smem:$0x3FC7] =	sst s2  }
0x7: {  	_ = 	snop  }
0x8: {  	s2 =	sld [smem:$0x3FD0];
	(tm) =	ssettm $0x1  }
0x9: {  	s19 =	sld [smem:$0x3FFB];
	_ =	sdelay $0x3  }
0xa: {  	_ =	strace s19  }
0xb: {  	s3 =	sld [smem:$0x3FFC];
	_ =	sdelay $0x3  }
0xc: {  	_ =	strace s3  }
0xd: {  	s3 =	sld [smem:$0x3FFD];
	_ =	sdelay $0x3  }
0xe: {  	_ =	strace s3  }
0xf: {  	_ =	strace $0x8FFFFFFF  }
0x10: {  	s20 =	sld [smem:$0x3FDB];
	_ =	sdelay $0x1  }
0x11: {  	s4 =	simm.s32 $_scs_section_size  }
0x12: {  	s5 =	simm.s32 $_size__tile_overlayer_lowered;
	s6 =	simm.s32 $_tile_overlayer_lowered  }
0x13: {  	s23 =	simm.s32 $0x1BFF;
	s22 =	sshll.u32 s6, $0x1;
	s3 =	sadd.s32 s4, s20  }
0x14: {  	s7 =	simm.s32 $0x0;
	s21 =	sshll.u32 s5, $0x1;
	s5 =	sadd.s32 s22, s3  }
0x15: {  	[timem:s7], [sflag:s23] =	dma.local [hbm:s5], s21  }
0x16: {  	_ =	swait.ge [sflag:s23], s21  }
0x17: {  	s4 =	ssub.s32 $0x0, s21;
	[sflag:s23] =	ssyncset.done $0x0  }
0x18: {  	[sflag:s23] =	ssyncadd.s32 s4;
	_ =	sdelay $0x1  }
0x19: {  	s24 =	simm.s32 $0x1B8B  }
0x1a: {  	_ =	swait.ge [sflag:s24], $0x1  }
0x1b: {  	[sflag:s24] =	ssyncset.done $0x0  }
0x1c: {  	s26 =	simm.s32 $0x1B8E;
	s25 =	sld [smem:$0x3FFE];
	[sflag:s24] =	ssyncadd.s32 $0xFFFFFFFF  }
0x1d: {  	s27 =	simm.s32 $execute0_lowered;
	[smem:$0x3FD2] =	sst s26  }
0x1e: {  	s5 =	sshll.u32 s27, $0x1;
	_ =	strace $0x80000049;
	[dreg:$0x1] =	wrdreg $0xFFFFFFFF  }
0x1f: {  	s28 =	simm.s32 $_size_execute0_lowered;
	s3 =	sadd.s32 s3, s5;
	[dreg:$0x0] =	wrdreg $0x0  }
0x20: {  	s5 =	sshll.u32 s28, $0x1;
	[dreg:$0x2] =	wrdreg s3  }
0x21: {  	[dreg:$0x3] =	wrdreg s5  }
0x22: {  	[dreg:$0x4] =	wrdreg $0xC0  }
0x23: {  	_ =	task [dreg:s7], $0x5FFFF  }
0x24: {  	[dreg:$0x1] =	wrdreg $0xFFFFFFFF  }
0x25: {  	[dreg:$0x0] =	wrdreg $0x60  }
0x26: {  	[dreg:$0x2] =	wrdreg s25  }
0x27: {  	[dreg:$0x3] =	wrdreg s2  }
0x28: {  	[dreg:$0x4] =	wrdreg $0x9  }
0x29: {  	_ =	task.clear_ibuf [dreg:s7], $0x5FFFF;
	_ =	strace $0x90000049  }
0x2a: {  	s29 =	simm.s32 $0x9;
	_ =	strace $0x8000004B  }
0x2b: {  	_ =	swait.ge [sflag:s29], $0x1  }
0x2c: {  	[sflag:s29] =	ssyncadd.s32 $0xFFFFFFFF  }
0x2d: {  	_ =	strace $0x9000004B  }
0x2e: {  	_ =	sfence  }
0x2f: {  	s30 =	sld [smem:$0x0];
	_ =	sdelay $0x2  }
0x30: {  	s31 =	sshll.u32 s1, $0xD;
	s1 =	sshrl.u32 s1, $0x2  }
0x31: {  	s3 =	sand.u32 $0x4000, s31;
	s1 =	sadd.s32 s1, s30  }
0x32: {  	s0 =	sor.u32 s3, s0;
	s1 =	sshll.u32 s1, $0x11  }
0x33: {  	s0 =	sor.u32 s1, s0  }
0x34: {  	s0 =	sadd.s32 $0x8F2B, s0  }
0x35: {  	[sflag:s0] =	ssyncadd.remote.s32 $0x1  }
0x36: {  	_ =	sfence.sel $0xFFFF  }
0x37: {  	[dreg:$0x0] =	wrdreg $0xFFFFFFFF;
	(pc) =	sbr.abs _section_cstart, $3  }
0x38: {  	[dreg:$0x1] =	wrdreg $0xFFFFFFFF  }
0x39: {  	_ =	task.clear_ibuf [dreg:s7], $0x2FFFF;
	_ =	strace $0x9FFFFFFF  }
0x3a: {  	(tm) =	ssettm $0x7FFFFFFF  }
0x3b: {  	_ =	shalt  }
tec
execute0_lowered:
.L_overlay_start_1:
0x0: {  	(tag) =	ssettag $0x1  }
0x1: {  	s0 =	stileid.u32  }
0x2: {  	s2 =	srdreg.scid;
	s7 =	rddreg [dreg:$0x0]  }
0x3: {  	s6 =	simm.s32 $0x1;
	s31 =	simm.s32 $0x2;
	s16 =	simm.s32 $0x0  }
0x4: {  	s9 =	simm.s32 $0x2000;
	s15 =	simm.s32 $0x0;
	s10 =	simm.s32 $0x0  }
0x5: {  	s11 =	simm.s32 $0x0;
	s14 =	simm.s32 $0x0;
	s1 =	sshll.u32 s0, $0x7  }
0x6: {  	s3 =	sshll.u32 s0, $0x4;
	s2 =	sshll.u32 s2, $0x8;
	s1 =	sand.u32 $0x380, s1  }
0x7: {  	s7 =	sadd.s32 $0xC38800, s7;
	s2 =	sor.u32 s3, s2;
	s5 =	ssub.s32 $0x400, s1  }
0x8: {  	s3 =	rddreg [dreg:$0x1];
	s4 =	sand.u32 $0x180, s2;
	s29 =	sand.u32 $0x380, s5  }
0x9: {  	s30 =	ssub.s32 $0x18680, s4;
	s5 =	sshrl.u32 s5, $0xA;
	p0 =	sne.s32 s29, $0x0  }
.Ltmp0:
0xa: {  	s8 =	sshrl.u32 s30, $0x9;
	s6 =	simm.s32 @!p0 $0x0;
	(pc) =	sbr.rel .LBB1_1-.Ltmp0, $4  }
0xb: {  	s2 =	rddreg [dreg:$0x2];
	s8 =	sadd.s32 $0x1, s8;
	s6 =	sadd.s32 s6, s5  }
0xc: {  	_ =	strace $0x8000004A;
	s5 =	simm.s32 $0x1;
	s6 =	smul.u32 s6, s8  }
0xd: {  	s13 =	smov.u32 s1;
	s12 =	smov.u32 s4;
	[sflag:s5] =	ssyncpa.u1 $0x0  }
0xe: {  	p0 =	por $0x0, $0x0;
	[sflag:s31] =	ssyncpa.u1 $0x0;
	s8 =	sadd.s32 $0x1, s6  }
.LBB1_4:
0xf: {  	s21 =	sshra.s32 s21, $0x2;
	s27 =	sshll.u32 s10, $0xA;
	s22 =	sshll.u32 s11, $0x3  }
0x10: {  	s23 =	sshll.u32 s10, $0x7;
	s24 =	sand.u32 $0x78, s11;
	p1 =	sgt.s32 s10, $0x18620  }
0x11: {  	s25 =	sshra.s32 s10, $0x1F;
	s26 =	sshra.s32 s11, $0x1F;
	s20 =	sadd.s32 s21, s20  }
0x12: {  	v5 =	vld [tilespmem:s18+$0xFFFFFFD0];
	[tilespmem:s19+$0x2040 ss:$0x81] =	vst.msk $0xffff, v4;
	s21 =	sand.u32 $0xFFFFE000, s27;
	s22 =	sand.u32 $0xFFFFFC00, s22;
	s28 =	sand.u32 $0x380, s23  }
0x13: {  	v58 =	vld [tilespmem:s18+$0xFFFFFFE0];
	[tilespmem:s19+$0x2850 ss:$0x81] =	vst.msk $0xffff, v3;
	s23 =	smov.u32 s10;
	s30 =	sand.u32 s25, s10;
	s25 =	smov.u32 s11  }
0x14: {  	v59 =	vld [tilespmem:s18+$0xFFFFFFF0];
	[tilespmem:s19+$0x3060 ss:$0x81] =	vst.msk $0xffff, v2;
	s31 =	sand.u32 s26, s11;
	s21 =	sadd.s32 s22, s21;
	s22 =	sor.u32 s24, s28  }
0x15: {  	v60 =	vld [tilespmem:s18+$0x0];
	[tilespmem:s19+$0x0 ss:$0x81] =	vst.msk $0xffff, v1;
	s23 =	simm.s32 @!p1 $0x18620;
	p1 =	sgt.s32 s11, $0x380;
	s21 =	sshrl.u32 s21, $0xA  }
0x16: {  	v61 =	vld [tilespmem:s18+$0x10];
	[tilespmem:s20+$0x3870 ss:$0x81] =	vst.msk $0xffff, v0;
	s19 =	ssub.s32 s23, s30;
	s25 =	simm.s32 @!p1 $0x380;
	s29 =	smulhi.u32 $0x53E2D7, s21  }
0x17: {  	v62 =	vld [tilespmem:s18+$0x20];
	s23 =	ssub.s32 s25, s31;
	s26 =	sadd.s32 $0xFFFE79E0, s19;
	s19 =	ssub.s32 $0x186A0, s19;
	[tilespmem:s20+$0x810 ss:$0x81] =	vst.msk $0xffff, v5  }
0x18: {  	v63 =	vld [tilespmem:s18+$0xFFFFFFC0];
	[tilespmem:s20+$0x1020 ss:$0x81] =	vst.msk $0xffff, v58;
	p1 =	sgt.s32 s26, $0x7F;
	s28 =	sadd.s32 $0xFFFFFC80, s23;
	s24 =	sshrl.u32 s29, $0x7  }
0x19: {  	[tilespmem:s20+$0x1830 ss:$0x81] =	vst.msk $0xffff, v59;
	s23 =	ssub.s32 $0x400, s23;
	p2 =	sgt.s32 s28, $0x7F;
	s27 =	smul.u32 $0x186A0, s24  }
0x1a: {  	s30 =	sand.u32 $0x7, s11;
	[tilespmem:s20+$0x2040 ss:$0x81] =	vst.msk $0xffff, v60;
	s19 =	simm.s32 @p1 $0x0;
	s23 =	simm.s32 @p2 $0x0  }
0x1b: {  	[tilespmem:s20+$0x2850 ss:$0x81] =	vst.msk $0xffff, v61;
	s29 =	sshrl.u32 s22, $0x3;
	s19 =	smul.u32 s23, s19;
	s18 =	ssub.s32 s21, s27  }
0x1c: {  	[tilespmem:s20+$0x3060 ss:$0x81] =	vst.msk $0xffff, v62;
	s22 =	sshll.u32 s30, $0x12;
	s21 =	sadd.s32 s3, s29;
	s18 =	sshll.u32 s18, $0x7  }
0x1d: {  	[tilespmem:s20+$0x0 ss:$0x81] =	vst.msk $0xffff, v63;
	s31 =	sor.u32 $0x400, s22;
	s19 =	sand.u32 $0x3FFFFFFF, s19;
	s18 =	sadd.s32 s18, s21  }
0x1e: {  	[hbm4b:s18+s31] =	stream.strided.scatter [tilespmem:s17], [sflag:$0x2], s19, s9, s31, $0x20;
	[tilespmem:$0x10100] =	vst v63  }
.LBB1_5:
0x1f: {  	p1 =	slt.u32 s14, $0x2  }
0x20: {  	s18 =	smov.u32 s16;
	p2 =	sgt.s32 @!p1 s16, $0x18620;
	s17 =	sshra.s32 @!p1 s16, $0x1F  }
0x21: {  	p3 =	sgt.s32 @!p1 s15, $0x380;
	s19 =	sshra.s32 @!p1 s15, $0x1F;
	p2 =	por !p2, p1  }
0x22: {  	s16 =	sand.u32 @!p1 s17, s16;
	p3 =	por !p3, p1;
	s17 =	smov.u32 s15  }
0x23: {  	s15 =	sand.u32 @!p1 s19, s15;
	s18 =	simm.s32 @p2 $0x18620;
	s17 =	simm.s32 @p3 $0x380  }
0x24: {  	s16 =	ssub.s32 @!p1 s18, s16;
	s15 =	ssub.s32 @!p1 s17, s15  }
0x25: {  	s19 =	smov.u32 s13;
	s17 =	sadd.s32 @!p1 $0xFFFE79E0, s16;
	s18 =	sadd.s32 @!p1 $0xFFFFFC80, s15  }
0x26: {  	s16 =	ssub.s32 @!p1 $0x186A0, s16;
	p2 =	sgt.s32 @!p1 s17, $0x7F;
	p3 =	sgt.s32 @!p1 s18, $0x7F  }
0x27: {  	s15 =	ssub.s32 @!p1 $0x400, s15;
	p2 =	por !p2, p1;
	p3 =	por !p3, p1  }
0x28: {  	s17 =	sadd.s32 $0x200, s12;
	s16 =	simm.s32 @!p2 $0x0;
	s15 =	simm.s32 @!p3 $0x0  }
0x29: {  	p2 =	sgt.s32 s17, $0x1869F;
	s15 =	smul.u32 @!p1 s15, s16;
	s16 =	sadd.s32 $0x400, s13  }
0x2a: {  	s19 =	smov.u32 @p2 s16  }
0x2b: {  	s17 =	smov.u32 @p2 s4;
	p2 =	sgt.s32 s19, $0x3FF  }
0x2c: {  	s19 =	smov.u32 @p2 s1;
	p2 =	sne.s32 s14, s8  }
.Ltmp1:
0x2d: {  	p0 =	por !p0, !p0;
	s18 =	simm.s32 @!p1 $0x2;
	(pc) =	sbr.rel @!p2 .LBB1_6-.Ltmp1, $4  }
0x2e: {  	s16 =	smov.u32 s10;
	s10 =	smov.u32 s12;
	s15 =	sand.u32 @!p1 $0x3FFFFFFF, s15  }
0x2f: {  	s12 =	smov.u32 s17;
	_ =	swait.ge @!p1 [sflag:s18], s15;
	s20 =	ssub.s32 @!p1 $0x0, s15  }
0x30: {  	s15 =	smov.u32 s11;
	s14 =	sadd.s32 $0x1, s14;
	[sflag:s18] =	ssyncset.done @!p1 $0x0  }
0x31: {  	s11 =	smov.u32 s13;
	s13 =	smov.u32 s19;
	[sflag:s18] =	ssyncadd.s32 @!p1 s20  }
.LBB1_1:
0x32: {  	p1 =	sge.u32 s14, s6  }
0x33: {  	s17 =	sshrl.u32 @!p1 s13, $0x3  }
0x34: {  	s18 =	sshll.u32 @!p1 s12, $0x3;
	s17 =	smul.u32 @!p1 $0xC3800, s17  }
0x35: {  	s19 =	sshll.u32 @!p1 s13, $0x7;
	s18 =	sand.u32 @!p1 $0xFFFFFC00, s18  }
0x36: {  	s17 =	sadd.s32 @!p1 s17, s18;
	s18 =	sand.u32 @!p1 $0x380, s19  }
0x37: {  	s19 =	sand.u32 @!p1 $0x7F, s12;
	s17 =	sor.u32 @!p1 s18, s17  }
0x38: {  	s18 =	sor.u32 @!p1 s19, s17  }
0x39: {  	s19 =	smulhi.u32 @!p1 $0xA79C7B17, s18;
	_ =	sdelay $0x1  }
0x3a: {  	s17 =	smulhi.u32 @!p1 $0xA79C7B17, s17;
	s19 =	sshrl.u32 @!p1 s19, $0x10  }
0x3b: {  	s19 =	smul.u32 @!p1 $0x18700, s19  }
0x3c: {  	s31 =	sadd.s32 $0xFFFFFFFF, s14;
	s20 =	sxor.u32 @!p1 $0xFFFFFFFF, s14;
	s17 =	sshrl.u32 @!p1 s17, $0x10  }
0x3d: {  	s20 =	sshll.u32 @!p1 s20, $0xE;
	s17 =	sand.u32 @!p1 $0x3FF, s17;
	s18 =	ssub.s32 @!p1 s18, s19  }
0x3e: {  	s17 =	smul.u32 @!p1 $0x30E0, s17;
	s19 =	sshrl.u32 @!p1 s18, $0x3;
	s18 =	sand.u32 @!p1 $0x7, s18  }
0x3f: {  	s20 =	sand.u32 @!p1 $0x4000, s20;
	s19 =	sadd.s32 @!p1 s7, s19;
	s18 =	sshll.u32 @!p1 s18, $0x12  }
0x40: {  	s17 =	sadd.s32 @!p1 s17, s19;
	s18 =	sor.u32 @!p1 $0x400, s18;
	s19 =	simm.s32 @!p1 $0xC3800  }
0x41: {  	[tilespmem:s20], [sflag:$0x1] =	stream.strided.gather @!p1 [hbm4b:s17+s18], $0x4000, s19, s18, $0x38;
	[tilespmem:$0x10100] =	vst v63  }
0x42: {  	p1 =	sge.u32 s31, s6  }
.Ltmp2:
0x43: {  	_ = 	snop;
	(pc) =	sbr.rel @p1 .LBB1_5-.Ltmp2, $1  }
0x44: {  	_ =	sdelay $0x3  }
0x45: {  	s17 =	simm.s32 $0x1  }
0x46: {  	_ =	swait.ge [sflag:s5], $0x4000;
	s17 =	simm.s32 @!p0 $0x0  }
0x47: {  	[sflag:s5] =	ssyncset.done $0x0;
	s18 =	sshll.u32 s17, $0xE  }
0x48: {  	[sflag:s5] =	ssyncadd.s32 $0xFFFFC000;
	s18 =	sor.u32 $0x40, s18  }
0x49: {  	s17 =	smul.u32 $0x10200, s17;
	v0 =	vld [tilespmem:s18+$0x30]  }
0x4a: {  	v1 =	vld [tilespmem:s18+$0xFFFFFFD0]  }
0x4b: {  	s17 =	sshrl.u32 s17, $0x2;
	v5 =	vld [tilespmem:s18+$0xFFFFFFE0]  }
0x4c: {  	v6 =	vld [tilespmem:s18+$0xFFFFFFF0];
	s20 =	sor.u32 $0x8000, s17  }
0x4d: {  	s31 =	sand.u32 $0x1, s14;
	v4 =	vld [tilespmem:s18+$0x0];
	s19 =	sadd.s32 $0x0, s20  }
0x4e: {  	v3 =	vld [tilespmem:s18+$0x10];
	s17 =	smul.u32 $0x10200, s31;
	[tilespmem:s19+$0x3870 ss:$0x81] =	vst.msk $0xffff, v0  }
0x4f: {  	v2 =	vld [tilespmem:s18+$0x20];
	[tilespmem:s19+$0x810 ss:$0x81] =	vst.msk $0xffff, v1  }
0x50: {  	s17 =	sshrl.u32 s17, $0x2;
	v1 =	vld [tilespmem:s18+$0xFFFFFFC0];
	[tilespmem:s19+$0x1020 ss:$0x81] =	vst.msk $0xffff, v5;
	s18 =	sadd.s32 $0x80, s18  }
0x51: {  	s21 =	simm.s32 $0x4;
	s22 =	simm.s32 $0x8;
	s17 =	sor.u32 $0x8000, s17;
	[tilespmem:s19+$0x1830 ss:$0x81] =	vst.msk $0xffff, v6;
	v0 =	vld [tilespmem:s18+$0x30]  }
.LBB1_3:
0x52: {  	p1 =	sne.s32 s22, $0x1FC;
	v5 =	vld [tilespmem:s18+$0xFFFFFFD0];
	[tilespmem:s19+$0x2040 ss:$0x81] =	vst.msk $0xffff, v4  }
0x53: {  	v6 =	vld [tilespmem:s18+$0xFFFFFFE0];
	[tilespmem:s19+$0x2850 ss:$0x81] =	vst.msk $0xffff, v3  }
0x54: {  	s23 =	sshra.s32 s21, $0x2;
	s21 =	smov.u32 s22;
	v7 =	vld [tilespmem:s18+$0xFFFFFFF0];
	[tilespmem:s19+$0x3060 ss:$0x81] =	vst.msk $0xffff, v2  }
.Ltmp3:
0x55: {  	v4 =	vld [tilespmem:s18+$0x0];
	[tilespmem:s19+$0x0 ss:$0x81] =	vst.msk $0xffff, v1;
	s19 =	sadd.s32 s23, s20;
	(pc) =	sbr.rel @p1 .LBB1_3-.Ltmp3, $4  }
0x56: {  	v3 =	vld [tilespmem:s18+$0x10];
	[tilespmem:s19+$0x3870 ss:$0x81] =	vst.msk $0xffff, v0  }
0x57: {  	[tilespmem:s19+$0x810 ss:$0x81] =	vst.msk $0xffff, v5;
	v2 =	vld [tilespmem:s18+$0x20]  }
0x58: {  	v1 =	vld [tilespmem:s18+$0xFFFFFFC0];
	[tilespmem:s19+$0x1020 ss:$0x81] =	vst.msk $0xffff, v6;
	s18 =	sadd.s32 $0x80, s18  }
0x59: {  	s22 =	sadd.s32 $0x4, s22;
	v0 =	vld [tilespmem:s18+$0x30];
	[tilespmem:s19+$0x1830 ss:$0x81] =	vst.msk $0xffff, v7  }
.Ltmp4:
0x5a: {  	_ = 	snop;
	(pc) =	sbr.rel .LBB1_4-.Ltmp4, $1  }
0x5b: {  	_ =	sdelay $0x3  }
.LBB1_6:
0x5c: {  	_ =	sfence.sel $0x180000  }
0x5d: {  	s1 =	simm.s32 $0x1;
	[bflag:$0x0] =	sbarrier.arrive $0xFFFF  }
0x5e: {  	s31 =	simm.s32 $0x2;
	[sflag:s1] =	ssyncpa.u1 $0x1  }
0x5f: {  	[sflag:s31] =	ssyncpa.u1 $0x1  }
0x60: {  	p0 =	sne.s32 s0, $0x0;
	_ =	strace $0x9000004A  }
0x61: {  	s0 =	sadd.s32 @!p0 $0x100000, s2;
	[bflag:$0x2] =	sbarrier.arrive $0xFFFF  }
0x62: {  	[sflag:s0] =	ssyncadd.tile.s32 @!p0 $0x1;
	_ =	shalt  }
.Lfunc_end1:
_tile_overlayer_lowered:
.L_overlay_start_2:
0x63: {  	(tag) =	ssettag $0x2  }
0x64: {  	s0 =	rddreg [dreg:$0x0];
	s2 =	stileid.u32  }
0x65: {  	s1 =	rddreg [dreg:$0x1];
	p0 =	sne.s32 s2, $0x0  }
0x66: {  	s3 =	rddreg [dreg:$0x2];
	[bflag:$0x3] =	sbarrier.arrive $0xFFFF;
	s2 =	simm.s32 @!p0 $0x1C01  }
0x67: {  	[timem:s3], [sflag:s2] =	dma.local @!p0 [hbm:s0], s1  }
0x68: {  	s0 =	simm.s32 @!p0 $0x1  }
0x69: {  	_ =	swait.ge @!p0 [sflag:s0], s1  }
0x6a: {  	s1 =	ssub.s32 @!p0 $0x0, s1;
	[sflag:s0] =	ssyncset.done @!p0 $0x0  }
0x6b: {  	[sflag:s0] =	ssyncadd.s32 @!p0 s1  }
0x6c: {  	[bflag:$0x3] =	sbarrier.arrive $0xFFFF  }
0x6d: {  	_ =	shalt  }

</sc_bundles>
